<compile_context>
chip_gen: v7x
topology: tpu7x:2x2x1
jax: 0.10.2.dev20260603
libtpu: 0.0.44.dev20260713+nightly
codegen_flags: <defaults>
</compile_context>

<pallas_src>
import functools

import jax
import jax.numpy as jnp
from jax import lax
from jax.experimental import pallas as pl
from jax.experimental.pallas import tpu as pltpu
from jax.experimental.pallas import tpu_sc as plsc

NSEG = 10000
D = 128
ROWS = 320000
NC = 2
NS = 16
NW = NC * NS
RPW = ROWS // NW
CH = 80
NCHUNK = RPW // CH
NBUF = 4
GCH = 32
NGRP = 4
NSEG_PAD = 10240
SEG_PER_TILE = NSEG_PAD // NS
ZROWS = 16


def _sc_partial_segsum(src, idx4d):
    mesh = plsc.VectorSubcoreMesh(core_axis_name="c", subcore_axis_name="s")

    @functools.partial(
        pl.kernel,
        out_type=jax.ShapeDtypeStruct((NC, NSEG_PAD, D), jnp.float32),
        mesh=mesh,
        scratch_types=[
            pltpu.VMEM((CH, D), jnp.float32),
            pltpu.VMEM((CH, D), jnp.float32),
            pltpu.VMEM((CH, D), jnp.float32),
            pltpu.VMEM((CH, D), jnp.float32),
            pltpu.VMEM((GCH, CH), jnp.int32),
            pltpu.VMEM((GCH, CH), jnp.int32),
            pltpu.VMEM_SHARED((NSEG_PAD, D), jnp.float32),
            pltpu.SemaphoreType.DMA,
            pltpu.SemaphoreType.DMA,
            pltpu.SemaphoreType.DMA,
            pltpu.SemaphoreType.DMA,
            pltpu.SemaphoreType.DMA,
            pltpu.SemaphoreType.DMA,
        ],
    )
    def k(src_hbm, idx_hbm, out_hbm, rows0, rows1, rows2, rows3,
          idxb0, idxb1, acc_sh, ls0, ls1, ls2, ls3, is0, is1):
        c = lax.axis_index("c")
        s = lax.axis_index("s")
        wid = c * NS + s
        row0 = wid * RPW

        rows = (rows0, rows1, rows2, rows3)
        lsem = (ls0, ls1, ls2, ls3)
        idxb = (idxb0, idxb1)
        isem = (is0, is1)

        zeros16 = jnp.zeros((16,), jnp.float32)
        for i in range(ZROWS):
            for j in range(D // 16):
                rows0[i, pl.ds(j * 16, 16)] = zeros16
        ztpl = rows0.at[pl.ds(0, ZROWS)]
        for i in range(SEG_PER_TILE // ZROWS):
            pltpu.async_copy(
                ztpl, acc_sh.at[pl.ds(s * SEG_PER_TILE + i * ZROWS, ZROWS)],
                ls0)

        def load(g, b):
            base = pl.multiple_of(row0 + g * CH, CH)
            return pltpu.make_async_copy(src_hbm.at[pl.ds(base, CH)], rows[b],
                                         lsem[b])

        def gload(t):
            return pltpu.make_async_copy(idx_hbm.at[wid, t], idxb[t % 2],
                                         isem[t % 2])

        def scatter(b, idx_row):
            pltpu.sync_copy(rows[b], acc_sh.at[idx_row], add=True)

        gload(0).start()
        gload(1).start()
        for b in range(1, NBUF):
            load(b, b).start()
        for i in range(SEG_PER_TILE // ZROWS):
            pltpu.make_async_copy(
                ztpl, acc_sh.at[pl.ds(s * SEG_PER_TILE + i * ZROWS, ZROWS)],
                ls0).wait()
        load(0, 0).start()
        plsc.subcore_barrier()

        for t in range(NGRP):
            gload(t).wait()
            ib = idxb[t % 2]
            g0 = t * GCH
            iters = GCH // NBUF if t < NGRP - 1 else (NCHUNK - g0 - 1) // NBUF

            def body(i, _, g0=g0, ib=ib):
                g = g0 + NBUF * i
                for b in range(NBUF):
                    load(g + b, b).wait()
                    scatter(b, ib.at[NBUF * i + b])

                    @pl.when(g + NBUF + b < NCHUNK)
                    def _():
                        load(g + NBUF + b, b).start()

                return 0

            lax.fori_loop(0, iters, body, 0)
            if t + 2 < NGRP:
                gload(t + 2).start()

        tb = (NCHUNK - 1) % NBUF
        load(NCHUNK - 1, tb).wait()
        scatter(tb, idxb[(NGRP - 1) % 2].at[(NCHUNK - 1) - (NGRP - 1) * GCH])

        plsc.subcore_barrier()
        pltpu.sync_copy(
            acc_sh.at[pl.ds(s * SEG_PER_TILE, SEG_PER_TILE)],
            out_hbm.at[c, pl.ds(s * SEG_PER_TILE, SEG_PER_TILE)],
        )

    return k(src, idx4d)


def _tc_add_partials(partials):
    def body(p_ref, o_ref):
        o_ref[...] = p_ref[0] + p_ref[1]

    blk = NSEG // 2
    return pl.pallas_call(
        body,
        out_shape=jax.ShapeDtypeStruct((NSEG, D), jnp.float32),
        grid=(NSEG // blk,),
        in_specs=[pl.BlockSpec((NC, blk, D), lambda i: (0, i, 0))],
        out_specs=pl.BlockSpec((blk, D), lambda i: (i, 0)),
    )(partials)


def kernel(src, index, dim_size):
    idx = index.astype(jnp.int32).reshape(NW, NCHUNK, CH)
    idx4d = jnp.pad(idx, ((0, 0), (0, NGRP * GCH - NCHUNK), (0, 0)))
    idx4d = idx4d.reshape(NW, NGRP, GCH, CH)
    partials = _sc_partial_segsum(src, idx4d)
    return _tc_add_partials(partials)

# --- scband reference (transcript-rebuilt; emitter-appended) ---
"""Pipeline reference for scband-scatter-sum-56805237457287 (READ-ONLY COPY).

The authoritative reference and input builder live on the scoring server;
editing this copy changes nothing except your own understanding.
"""

import jax, jax.numpy as jnp
import numpy as np


def setup_inputs(seed: int = 0) -> dict:
    key = jax.random.key(seed)
    k1, k2 = jax.random.split(key)
    src = jax.random.normal(k1, (320000, 128), dtype=jnp.float32)
    index = jnp.sort(jax.random.randint(k2, (320000,), 0, 10000, dtype=jnp.int64))
    return {"src": src, "index": index, "dim_size": 10000}


def reference(src, index, dim_size):
    # scatter_sum along dim=0: out[index[i]] += src[i]
    num_segments = 10000
    index = jnp.minimum(index, dim_size - 1)
    return jax.ops.segment_sum(src, index, num_segments=num_segments)

if __name__ == "__main__":
    import jax
    _d = setup_inputs()
    print(jax.jit(kernel)(*tuple(_d.values())))

</pallas_src>

<mosaic_0001>
#map = affine_map<(d0, d1) -> (0, 0)>
#map1 = affine_map<(d0, d1) -> (0, 0, 0, 0)>
#map2 = affine_map<(d0, d1) -> (0, 0, 0)>
module attributes {stable_mosaic.version = 14 : i64} {
  func.func @k(%arg0: i32, %arg1: i32, %arg2: memref<320000x128xf32, #tpu.memory_space<hbm>>, %arg3: memref<32x4x32x80xi32, #tpu.memory_space<hbm>>, %arg4: memref<2x10240x128xf32, #tpu.memory_space<hbm>>, %arg5: memref<80x128xf32, #tpu.memory_space<vmem>>, %arg6: memref<80x128xf32, #tpu.memory_space<vmem>>, %arg7: memref<80x128xf32, #tpu.memory_space<vmem>>, %arg8: memref<80x128xf32, #tpu.memory_space<vmem>>, %arg9: memref<32x80xi32, #tpu.memory_space<vmem>>, %arg10: memref<32x80xi32, #tpu.memory_space<vmem>>, %arg11: memref<10240x128xf32, #tpu.memory_space<vmem_shared>>, %arg12: memref<!tpu.dma_semaphore, #tpu.memory_space<semaphore_mem>>, %arg13: memref<!tpu.dma_semaphore, #tpu.memory_space<semaphore_mem>>, %arg14: memref<!tpu.dma_semaphore, #tpu.memory_space<semaphore_mem>>, %arg15: memref<!tpu.dma_semaphore, #tpu.memory_space<semaphore_mem>>, %arg16: memref<!tpu.dma_semaphore, #tpu.memory_space<semaphore_mem>>, %arg17: memref<!tpu.dma_semaphore, #tpu.memory_space<semaphore_mem>>) attributes {dimension_semantics = [#tpu.dimension_semantics<core_parallel>, #tpu.dimension_semantics<subcore_parallel>], iteration_bounds = array<i64: 2, 16>, scalar_prefetch = 0 : i64, scratch_operands = 13 : i64, tpu.core_type = #tpu.core_type<sc_vector_subcore>, window_params = [{transform_indices = #map}, {transform_indices = #map1}, {transform_indices = #map2}]} {
    %mul3A = arith.constant 16 : i32
    %mul3A_0 = arith.muli %arg0, %mul3A : i32
    %add3A = arith.addi %mul3A_0, %arg1 : i32
    %mul3A_1 = arith.constant 10000 : i32
    %mul3A_2 = arith.muli %add3A, %mul3A_1 : i32
    %broadcast_in_dim3A = arith.constant 0.000000e+00 : f32
    %broadcast_in_dim3A_3 = vector.broadcast %broadcast_in_dim3A : f32 to vector<16xf32>
    %swap3A = arith.constant 0 : i32
    %swap3A_4 = arith.index_cast %swap3A : i32 to index
    %swap3A_5 = arith.constant 0 : index
    %swap3A_6 = tpu.vector_load %arg5[%swap3A_4, %swap3A_5] {strides = array<i32>} : memref<80x128xf32, #tpu.memory_space<vmem>>, vector<1x16xf32>,
    %swap3A_7 = vector.shape_cast %swap3A_6 : vector<1x16xf32> to vector<16xf32>
    %swap3A_8 = vector.shape_cast %broadcast_in_dim3A_3 : vector<16xf32> to vector<1x16xf32>
    tpu.vector_store %arg5[%swap3A_4, %swap3A_5], %swap3A_8 {strides = array<i32>} : memref<80x128xf32, #tpu.memory_space<vmem>>, vector<1x16xf32>,
    %swap3A_9 = arith.constant 0 : i32
    %swap3A_10 = arith.index_cast %swap3A_9 : i32 to index
    %swap3A_11 = arith.constant 16 : index
    %swap3A_12 = tpu.vector_load %arg5[%swap3A_10, %swap3A_11] {strides = array<i32>} : memref<80x128xf32, #tpu.memory_space<vmem>>, vector<1x16xf32>,
    %swap3A_13 = vector.shape_cast %swap3A_12 : vector<1x16xf32> to vector<16xf32>
    %swap3A_14 = vector.shape_cast %broadcast_in_dim3A_3 : vector<16xf32> to vector<1x16xf32>
    tpu.vector_store %arg5[%swap3A_10, %swap3A_11], %swap3A_14 {strides = array<i32>} : memref<80x128xf32, #tpu.memory_space<vmem>>, vector<1x16xf32>,
    %swap3A_15 = arith.constant 0 : i32
    %swap3A_16 = arith.index_cast %swap3A_15 : i32 to index
    %swap3A_17 = arith.constant 32 : index
    %swap3A_18 = tpu.vector_load %arg5[%swap3A_16, %swap3A_17] {strides = array<i32>} : memref<80x128xf32, #tpu.memory_space<vmem>>, vector<1x16xf32>,
    %swap3A_19 = vector.shape_cast %swap3A_18 : vector<1x16xf32> to vector<16xf32>
    %swap3A_20 = vector.shape_cast %broadcast_in_dim3A_3 : vector<16xf32> to vector<1x16xf32>
    tpu.vector_store %arg5[%swap3A_16, %swap3A_17], %swap3A_20 {strides = array<i32>} : memref<80x128xf32, #tpu.memory_space<vmem>>, vector<1x16xf32>,
    %swap3A_21 = arith.constant 0 : i32
    %swap3A_22 = arith.index_cast %swap3A_21 : i32 to index
    %swap3A_23 = arith.constant 48 : index
    %swap3A_24 = tpu.vector_load %arg5[%swap3A_22, %swap3A_23] {strides = array<i32>} : memref<80x128xf32, #tpu.memory_space<vmem>>, vector<1x16xf32>,
    %swap3A_25 = vector.shape_cast %swap3A_24 : vector<1x16xf32> to vector<16xf32>
    %swap3A_26 = vector.shape_cast %broadcast_in_dim3A_3 : vector<16xf32> to vector<1x16xf32>
    tpu.vector_store %arg5[%swap3A_22, %swap3A_23], %swap3A_26 {strides = array<i32>} : memref<80x128xf32, #tpu.memory_space<vmem>>, vector<1x16xf32>,
    %swap3A_27 = arith.constant 0 : i32
    %swap3A_28 = arith.index_cast %swap3A_27 : i32 to index
    %swap3A_29 = arith.constant 64 : index
    %swap3A_30 = tpu.vector_load %arg5[%swap3A_28, %swap3A_29] {strides = array<i32>} : memref<80x128xf32, #tpu.memory_space<vmem>>, vector<1x16xf32>,
    %swap3A_31 = vector.shape_cast %swap3A_30 : vector<1x16xf32> to vector<16xf32>
    %swap3A_32 = vector.shape_cast %broadcast_in_dim3A_3 : vector<16xf32> to vector<1x16xf32>
    tpu.vector_store %arg5[%swap3A_28, %swap3A_29], %swap3A_32 {strides = array<i32>} : memref<80x128xf32, #tpu.memory_space<vmem>>, vector<1x16xf32>,
    %swap3A_33 = arith.constant 0 : i32
    %swap3A_34 = arith.index_cast %swap3A_33 : i32 to index
    %swap3A_35 = arith.constant 80 : index
    %swap3A_36 = tpu.vector_load %arg5[%swap3A_34, %swap3A_35] {strides = array<i32>} : memref<80x128xf32, #tpu.memory_space<vmem>>, vector<1x16xf32>,
    %swap3A_37 = vector.shape_cast %swap3A_36 : vector<1x16xf32> to vector<16xf32>
    %swap3A_38 = vector.shape_cast %broadcast_in_dim3A_3 : vector<16xf32> to vector<1x16xf32>
    tpu.vector_store %arg5[%swap3A_34, %swap3A_35], %swap3A_38 {strides = array<i32>} : memref<80x128xf32, #tpu.memory_space<vmem>>, vector<1x16xf32>,
    %swap3A_39 = arith.constant 0 : i32
    %swap3A_40 = arith.index_cast %swap3A_39 : i32 to index
    %swap3A_41 = arith.constant 96 : index
    %swap3A_42 = tpu.vector_load %arg5[%swap3A_40, %swap3A_41] {strides = array<i32>} : memref<80x128xf32, #tpu.memory_space<vmem>>, vector<1x16xf32>,
    %swap3A_43 = vector.shape_cast %swap3A_42 : vector<1x16xf32> to vector<16xf32>
    %swap3A_44 = vector.shape_cast %broadcast_in_dim3A_3 : vector<16xf32> to vector<1x16xf32>
    tpu.vector_store %arg5[%swap3A_40, %swap3A_41], %swap3A_44 {strides = array<i32>} : memref<80x128xf32, #tpu.memory_space<vmem>>, vector<1x16xf32>,
    %swap3A_45 = arith.constant 0 : i32
    %swap3A_46 = arith.index_cast %swap3A_45 : i32 to index
    %swap3A_47 = arith.constant 112 : index
    %swap3A_48 = tpu.vector_load %arg5[%swap3A_46, %swap3A_47] {strides = array<i32>} : memref<80x128xf32, #tpu.memory_space<vmem>>, vector<1x16xf32>,
    %swap3A_49 = vector.shape_cast %swap3A_48 : vector<1x16xf32> to vector<16xf32>
    %swap3A_50 = vector.shape_cast %broadcast_in_dim3A_3 : vector<16xf32> to vector<1x16xf32>
    tpu.vector_store %arg5[%swap3A_46, %swap3A_47], %swap3A_50 {strides = array<i32>} : memref<80x128xf32, #tpu.memory_space<vmem>>, vector<1x16xf32>,
    %swap3A_51 = arith.constant 1 : i32
    %swap3A_52 = arith.index_cast %swap3A_51 : i32 to index
    %swap3A_53 = arith.constant 0 : index
    %swap3A_54 = tpu.vector_load %arg5[%swap3A_52, %swap3A_53] {strides = array<i32>} : memref<80x128xf32, #tpu.memory_space<vmem>>, vector<1x16xf32>,
    %swap3A_55 = vector.shape_cast %swap3A_54 : vector<1x16xf32> to vector<16xf32>
    %swap3A_56 = vector.shape_cast %broadcast_in_dim3A_3 : vector<16xf32> to vector<1x16xf32>
    tpu.vector_store %arg5[%swap3A_52, %swap3A_53], %swap3A_56 {strides = array<i32>} : memref<80x128xf32, #tpu.memory_space<vmem>>, vector<1x16xf32>,
    %swap3A_57 = arith.constant 1 : i32
    %swap3A_58 = arith.index_cast %swap3A_57 : i32 to index
    %swap3A_59 = arith.constant 16 : index
    %swap3A_60 = tpu.vector_load %arg5[%swap3A_58, %swap3A_59] {strides = array<i32>} : memref<80x128xf32, #tpu.memory_space<vmem>>, vector<1x16xf32>,
    %swap3A_61 = vector.shape_cast %swap3A_60 : vector<1x16xf32> to vector<16xf32>
    %swap3A_62 = vector.shape_cast %broadcast_in_dim3A_3 : vector<16xf32> to vector<1x16xf32>
    tpu.vector_store %arg5[%swap3A_58, %swap3A_59], %swap3A_62 {strides = array<i32>} : memref<80x128xf32, #tpu.memory_space<vmem>>, vector<1x16xf32>,
    %swap3A_63 = arith.constant 1 : i32
    %swap3A_64 = arith.index_cast %swap3A_63 : i32 to index
    %swap3A_65 = arith.constant 32 : index
    %swap3A_66 = tpu.vector_load %arg5[%swap3A_64, %swap3A_65] {strides = array<i32>} : memref<80x128xf32, #tpu.memory_space<vmem>>, vector<1x16xf32>,
    %swap3A_67 = vector.shape_cast %swap3A_66 : vector<1x16xf32> to vector<16xf32>
    %swap3A_68 = vector.shape_cast %broadcast_in_dim3A_3 : vector<16xf32> to vector<1x16xf32>
    tpu.vector_store %arg5[%swap3A_64, %swap3A_65], %swap3A_68 {strides = array<i32>} : memref<80x128xf32, #tpu.memory_space<vmem>>, vector<1x16xf32>,
    %swap3A_69 = arith.constant 1 : i32
    %swap3A_70 = arith.index_cast %swap3A_69 : i32 to index
    %swap3A_71 = arith.constant 48 : index
    %swap3A_72 = tpu.vector_load %arg5[%swap3A_70, %swap3A_71] {strides = array<i32>} : memref<80x128xf32, #tpu.memory_space<vmem>>, vector<1x16xf32>,
    %swap3A_73 = vector.shape_cast %swap3A_72 : vector<1x16xf32> to vector<16xf32>
    %swap3A_74 = vector.shape_cast %broadcast_in_dim3A_3 : vector<16xf32> to vector<1x16xf32>
    tpu.vector_store %arg5[%swap3A_70, %swap3A_71], %swap3A_74 {strides = array<i32>} : memref<80x128xf32, #tpu.memory_space<vmem>>, vector<1x16xf32>,
    %swap3A_75 = arith.constant 1 : i32
    %swap3A_76 = arith.index_cast %swap3A_75 : i32 to index
    %swap3A_77 = arith.constant 64 : index
    %swap3A_78 = tpu.vector_load %arg5[%swap3A_76, %swap3A_77] {strides = array<i32>} : memref<80x128xf32, #tpu.memory_space<vmem>>, vector<1x16xf32>,
    %swap3A_79 = vector.shape_cast %swap3A_78 : vector<1x16xf32> to vector<16xf32>
    %swap3A_80 = vector.shape_cast %broadcast_in_dim3A_3 : vector<16xf32> to vector<1x16xf32>
    tpu.vector_store %arg5[%swap3A_76, %swap3A_77], %swap3A_80 {strides = array<i32>} : memref<80x128xf32, #tpu.memory_space<vmem>>, vector<1x16xf32>,
    %swap3A_81 = arith.constant 1 : i32
    %swap3A_82 = arith.index_cast %swap3A_81 : i32 to index
    %swap3A_83 = arith.constant 80 : index
    %swap3A_84 = tpu.vector_load %arg5[%swap3A_82, %swap3A_83] {strides = array<i32>} : memref<80x128xf32, #tpu.memory_space<vmem>>, vector<1x16xf32>,
    %swap3A_85 = vector.shape_cast %swap3A_84 : vector<1x16xf32> to vector<16xf32>
    %swap3A_86 = vector.shape_cast %broadcast_in_dim3A_3 : vector<16xf32> to vector<1x16xf32>
    tpu.vector_store %arg5[%swap3A_82, %swap3A_83], %swap3A_86 {strides = array<i32>} : memref<80x128xf32, #tpu.memory_space<vmem>>, vector<1x16xf32>,
    %swap3A_87 = arith.constant 1 : i32
    %swap3A_88 = arith.index_cast %swap3A_87 : i32 to index
    %swap3A_89 = arith.constant 96 : index
    %swap3A_90 = tpu.vector_load %arg5[%swap3A_88, %swap3A_89] {strides = array<i32>} : memref<80x128xf32, #tpu.memory_space<vmem>>, vector<1x16xf32>,
    %swap3A_91 = vector.shape_cast %swap3A_90 : vector<1x16xf32> to vector<16xf32>
    %swap3A_92 = vector.shape_cast %broadcast_in_dim3A_3 : vector<16xf32> to vector<1x16xf32>
    tpu.vector_store %arg5[%swap3A_88, %swap3A_89], %swap3A_92 {strides = array<i32>} : memref<80x128xf32, #tpu.memory_space<vmem>>, vector<1x16xf32>,
    %swap3A_93 = arith.constant 1 : i32
    %swap3A_94 = arith.index_cast %swap3A_93 : i32 to index
    %swap3A_95 = arith.constant 112 : index
    %swap3A_96 = tpu.vector_load %arg5[%swap3A_94, %swap3A_95] {strides = array<i32>} : memref<80x128xf32, #tpu.memory_space<vmem>>, vector<1x16xf32>,
    %swap3A_97 = vector.shape_cast %swap3A_96 : vector<1x16xf32> to vector<16xf32>
    %swap3A_98 = vector.shape_cast %broadcast_in_dim3A_3 : vector<16xf32> to vector<1x16xf32>
    tpu.vector_store %arg5[%swap3A_94, %swap3A_95], %swap3A_98 {strides = array<i32>} : memref<80x128xf32, #tpu.memory_space<vmem>>, vector<1x16xf32>,
    %swap3A_99 = arith.constant 2 : i32
    %swap3A_100 = arith.index_cast %swap3A_99 : i32 to index
    %swap3A_101 = arith.constant 0 : index
    %swap3A_102 = tpu.vector_load %arg5[%swap3A_100, %swap3A_101] {strides = array<i32>} : memref<80x128xf32, #tpu.memory_space<vmem>>, vector<1x16xf32>,
    %swap3A_103 = vector.shape_cast %swap3A_102 : vector<1x16xf32> to vector<16xf32>
    %swap3A_104 = vector.shape_cast %broadcast_in_dim3A_3 : vector<16xf32> to vector<1x16xf32>
    tpu.vector_store %arg5[%swap3A_100, %swap3A_101], %swap3A_104 {strides = array<i32>} : memref<80x128xf32, #tpu.memory_space<vmem>>, vector<1x16xf32>,
    %swap3A_105 = arith.constant 2 : i32
    %swap3A_106 = arith.index_cast %swap3A_105 : i32 to index
    %swap3A_107 = arith.constant 16 : index
    %swap3A_108 = tpu.vector_load %arg5[%swap3A_106, %swap3A_107] {strides = array<i32>} : memref<80x128xf32, #tpu.memory_space<vmem>>, vector<1x16xf32>,
    %swap3A_109 = vector.shape_cast %swap3A_108 : vector<1x16xf32> to vector<16xf32>
    %swap3A_110 = vector.shape_cast %broadcast_in_dim3A_3 : vector<16xf32> to vector<1x16xf32>
    tpu.vector_store %arg5[%swap3A_106, %swap3A_107], %swap3A_110 {strides = array<i32>} : memref<80x128xf32, #tpu.memory_space<vmem>>, vector<1x16xf32>,
    %swap3A_111 = arith.constant 2 : i32
    %swap3A_112 = arith.index_cast %swap3A_111 : i32 to index
    %swap3A_113 = arith.constant 32 : index
    %swap3A_114 = tpu.vector_load %arg5[%swap3A_112, %swap3A_113] {strides = array<i32>} : memref<80x128xf32, #tpu.memory_space<vmem>>, vector<1x16xf32>,
    %swap3A_115 = vector.shape_cast %swap3A_114 : vector<1x16xf32> to vector<16xf32>
    %swap3A_116 = vector.shape_cast %broadcast_in_dim3A_3 : vector<16xf32> to vector<1x16xf32>
    tpu.vector_store %arg5[%swap3A_112, %swap3A_113], %swap3A_116 {strides = array<i32>} : memref<80x128xf32, #tpu.memory_space<vmem>>, vector<1x16xf32>,
    %swap3A_117 = arith.constant 2 : i32
    %swap3A_118 = arith.index_cast %swap3A_117 : i32 to index
    %swap3A_119 = arith.constant 48 : index
    %swap3A_120 = tpu.vector_load %arg5[%swap3A_118, %swap3A_119] {strides = array<i32>} : memref<80x128xf32, #tpu.memory_space<vmem>>, vector<1x16xf32>,
    %swap3A_121 = vector.shape_cast %swap3A_120 : vector<1x16xf32> to vector<16xf32>
    %swap3A_122 = vector.shape_cast %broadcast_in_dim3A_3 : vector<16xf32> to vector<1x16xf32>
    tpu.vector_store %arg5[%swap3A_118, %swap3A_119], %swap3A_122 {strides = array<i32>} : memref<80x128xf32, #tpu.memory_space<vmem>>, vector<1x16xf32>,
    %swap3A_123 = arith.constant 2 : i32
    %swap3A_124 = arith.index_cast %swap3A_123 : i32 to index
    %swap3A_125 = arith.constant 64 : index
    %swap3A_126 = tpu.vector_load %arg5[%swap3A_124, %swap3A_125] {strides = array<i32>} : memref<80x128xf32, #tpu.memory_space<vmem>>, vector<1x16xf32>,
    %swap3A_127 = vector.shape_cast %swap3A_126 : vector<1x16xf32> to vector<16xf32>
    %swap3A_128 = vector.shape_cast %broadcast_in_dim3A_3 : vector<16xf32> to vector<1x16xf32>
    tpu.vector_store %arg5[%swap3A_124, %swap3A_125], %swap3A_128 {strides = array<i32>} : memref<80x128xf32, #tpu.memory_space<vmem>>, vector<1x16xf32>,
    %swap3A_129 = arith.constant 2 : i32
    %swap3A_130 = arith.index_cast %swap3A_129 : i32 to index
    %swap3A_131 = arith.constant 80 : index
    %swap3A_132 = tpu.vector_load %arg5[%swap3A_130, %swap3A_131] {strides = array<i32>} : memref<80x128xf32, #tpu.memory_space<vmem>>, vector<1x16xf32>,
    %swap3A_133 = vector.shape_cast %swap3A_132 : vector<1x16xf32> to vector<16xf32>
    %swap3A_134 = vector.shape_cast %broadcast_in_dim3A_3 : vector<16xf32> to vector<1x16xf32>
    tpu.vector_store %arg5[%swap3A_130, %swap3A_131], %swap3A_134 {strides = array<i32>} : memref<80x128xf32, #tpu.memory_space<vmem>>, vector<1x16xf32>,
    %swap3A_135 = arith.constant 2 : i32
    %swap3A_136 = arith.index_cast %swap3A_135 : i32 to index
    %swap3A_137 = arith.constant 96 : index
    %swap3A_138 = tpu.vector_load %arg5[%swap3A_136, %swap3A_137] {strides = array<i32>} : memref<80x128xf32, #tpu.memory_space<vmem>>, vector<1x16xf32>,
    %swap3A_139 = vector.shape_cast %swap3A_138 : vector<1x16xf32> to vector<16xf32>
    %swap3A_140 = vector.shape_cast %broadcast_in_dim3A_3 : vector<16xf32> to vector<1x16xf32>
    tpu.vector_store %arg5[%swap3A_136, %swap3A_137], %swap3A_140 {strides = array<i32>} : memref<80x128xf32, #tpu.memory_space<vmem>>, vector<1x16xf32>,
    %swap3A_141 = arith.constant 2 : i32
    %swap3A_142 = arith.index_cast %swap3A_141 : i32 to index
    %swap3A_143 = arith.constant 112 : index
    %swap3A_144 = tpu.vector_load %arg5[%swap3A_142, %swap3A_143] {strides = array<i32>} : memref<80x128xf32, #tpu.memory_space<vmem>>, vector<1x16xf32>,
    %swap3A_145 = vector.shape_cast %swap3A_144 : vector<1x16xf32> to vector<16xf32>
    %swap3A_146 = vector.shape_cast %broadcast_in_dim3A_3 : vector<16xf32> to vector<1x16xf32>
    tpu.vector_store %arg5[%swap3A_142, %swap3A_143], %swap3A_146 {strides = array<i32>} : memref<80x128xf32, #tpu.memory_space<vmem>>, vector<1x16xf32>,
    %swap3A_147 = arith.constant 3 : i32
    %swap3A_148 = arith.index_cast %swap3A_147 : i32 to index
    %swap3A_149 = arith.constant 0 : index
    %swap3A_150 = tpu.vector_load %arg5[%swap3A_148, %swap3A_149] {strides = array<i32>} : memref<80x128xf32, #tpu.memory_space<vmem>>, vector<1x16xf32>,
    %swap3A_151 = vector.shape_cast %swap3A_150 : vector<1x16xf32> to vector<16xf32>
    %swap3A_152 = vector.shape_cast %broadcast_in_dim3A_3 : vector<16xf32> to vector<1x16xf32>
    tpu.vector_store %arg5[%swap3A_148, %swap3A_149], %swap3A_152 {strides = array<i32>} : memref<80x128xf32, #tpu.memory_space<vmem>>, vector<1x16xf32>,
    %swap3A_153 = arith.constant 3 : i32
    %swap3A_154 = arith.index_cast %swap3A_153 : i32 to index
    %swap3A_155 = arith.constant 16 : index
    %swap3A_156 = tpu.vector_load %arg5[%swap3A_154, %swap3A_155] {strides = array<i32>} : memref<80x128xf32, #tpu.memory_space<vmem>>, vector<1x16xf32>,
    %swap3A_157 = vector.shape_cast %swap3A_156 : vector<1x16xf32> to vector<16xf32>
    %swap3A_158 = vector.shape_cast %broadcast_in_dim3A_3 : vector<16xf32> to vector<1x16xf32>
    tpu.vector_store %arg5[%swap3A_154, %swap3A_155], %swap3A_158 {strides = array<i32>} : memref<80x128xf32, #tpu.memory_space<vmem>>, vector<1x16xf32>,
    %swap3A_159 = arith.constant 3 : i32
    %swap3A_160 = arith.index_cast %swap3A_159 : i32 to index
    %swap3A_161 = arith.constant 32 : index
    %swap3A_162 = tpu.vector_load %arg5[%swap3A_160, %swap3A_161] {strides = array<i32>} : memref<80x128xf32, #tpu.memory_space<vmem>>, vector<1x16xf32>,
    %swap3A_163 = vector.shape_cast %swap3A_162 : vector<1x16xf32> to vector<16xf32>
    %swap3A_164 = vector.shape_cast %broadcast_in_dim3A_3 : vector<16xf32> to vector<1x16xf32>
    tpu.vector_store %arg5[%swap3A_160, %swap3A_161], %swap3A_164 {strides = array<i32>} : memref<80x128xf32, #tpu.memory_space<vmem>>, vector<1x16xf32>,
    %swap3A_165 = arith.constant 3 : i32
    %swap3A_166 = arith.index_cast %swap3A_165 : i32 to index
    %swap3A_167 = arith.constant 48 : index
    %swap3A_168 = tpu.vector_load %arg5[%swap3A_166, %swap3A_167] {strides = array<i32>} : memref<80x128xf32, #tpu.memory_space<vmem>>, vector<1x16xf32>,
    %swap3A_169 = vector.shape_cast %swap3A_168 : vector<1x16xf32> to vector<16xf32>
    %swap3A_170 = vector.shape_cast %broadcast_in_dim3A_3 : vector<16xf32> to vector<1x16xf32>
    tpu.vector_store %arg5[%swap3A_166, %swap3A_167], %swap3A_170 {strides = array<i32>} : memref<80x128xf32, #tpu.memory_space<vmem>>, vector<1x16xf32>,
    %swap3A_171 = arith.constant 3 : i32
    %swap3A_172 = arith.index_cast %swap3A_171 : i32 to index
    %swap3A_173 = arith.constant 64 : index
    %swap3A_174 = tpu.vector_load %arg5[%swap3A_172, %swap3A_173] {strides = array<i32>} : memref<80x128xf32, #tpu.memory_space<vmem>>, vector<1x16xf32>,
    %swap3A_175 = vector.shape_cast %swap3A_174 : vector<1x16xf32> to vector<16xf32>
    %swap3A_176 = vector.shape_cast %broadcast_in_dim3A_3 : vector<16xf32> to vector<1x16xf32>
    tpu.vector_store %arg5[%swap3A_172, %swap3A_173], %swap3A_176 {strides = array<i32>} : memref<80x128xf32, #tpu.memory_space<vmem>>, vector<1x16xf32>,
    %swap3A_177 = arith.constant 3 : i32
    %swap3A_178 = arith.index_cast %swap3A_177 : i32 to index
    %swap3A_179 = arith.constant 80 : index
    %swap3A_180 = tpu.vector_load %arg5[%swap3A_178, %swap3A_179] {strides = array<i32>} : memref<80x128xf32, #tpu.memory_space<vmem>>, vector<1x16xf32>,
    %swap3A_181 = vector.shape_cast %swap3A_180 : vector<1x16xf32> to vector<16xf32>
    %swap3A_182 = vector.shape_cast %broadcast_in_dim3A_3 : vector<16xf32> to vector<1x16xf32>
    tpu.vector_store %arg5[%swap3A_178, %swap3A_179], %swap3A_182 {strides = array<i32>} : memref<80x128xf32, #tpu.memory_space<vmem>>, vector<1x16xf32>,
    %swap3A_183 = arith.constant 3 : i32
    %swap3A_184 = arith.index_cast %swap3A_183 : i32 to index
    %swap3A_185 = arith.constant 96 : index
    %swap3A_186 = tpu.vector_load %arg5[%swap3A_184, %swap3A_185] {strides = array<i32>} : memref<80x128xf32, #tpu.memory_space<vmem>>, vector<1x16xf32>,
    %swap3A_187 = vector.shape_cast %swap3A_186 : vector<1x16xf32> to vector<16xf32>
    %swap3A_188 = vector.shape_cast %broadcast_in_dim3A_3 : vector<16xf32> to vector<1x16xf32>
    tpu.vector_store %arg5[%swap3A_184, %swap3A_185], %swap3A_188 {strides = array<i32>} : memref<80x128xf32, #tpu.memory_space<vmem>>, vector<1x16xf32>,
    %swap3A_189 = arith.constant 3 : i32
    %swap3A_190 = arith.index_cast %swap3A_189 : i32 to index
    %swap3A_191 = arith.constant 112 : index
    %swap3A_192 = tpu.vector_load %arg5[%swap3A_190, %swap3A_191] {strides = array<i32>} : memref<80x128xf32, #tpu.memory_space<vmem>>, vector<1x16xf32>,
    %swap3A_193 = vector.shape_cast %swap3A_192 : vector<1x16xf32> to vector<16xf32>
    %swap3A_194 = vector.shape_cast %broadcast_in_dim3A_3 : vector<16xf32> to vector<1x16xf32>
    tpu.vector_store %arg5[%swap3A_190, %swap3A_191], %swap3A_194 {strides = array<i32>} : memref<80x128xf32, #tpu.memory_space<vmem>>, vector<1x16xf32>,
    %swap3A_195 = arith.constant 4 : i32
    %swap3A_196 = arith.index_cast %swap3A_195 : i32 to index
    %swap3A_197 = arith.constant 0 : index
    %swap3A_198 = tpu.vector_load %arg5[%swap3A_196, %swap3A_197] {strides = array<i32>} : memref<80x128xf32, #tpu.memory_space<vmem>>, vector<1x16xf32>,
    %swap3A_199 = vector.shape_cast %swap3A_198 : vector<1x16xf32> to vector<16xf32>
    %swap3A_200 = vector.shape_cast %broadcast_in_dim3A_3 : vector<16xf32> to vector<1x16xf32>
    tpu.vector_store %arg5[%swap3A_196, %swap3A_197], %swap3A_200 {strides = array<i32>} : memref<80x128xf32, #tpu.memory_space<vmem>>, vector<1x16xf32>,
    %swap3A_201 = arith.constant 4 : i32
    %swap3A_202 = arith.index_cast %swap3A_201 : i32 to index
    %swap3A_203 = arith.constant 16 : index
    %swap3A_204 = tpu.vector_load %arg5[%swap3A_202, %swap3A_203] {strides = array<i32>} : memref<80x128xf32, #tpu.memory_space<vmem>>, vector<1x16xf32>,
    %swap3A_205 = vector.shape_cast %swap3A_204 : vector<1x16xf32> to vector<16xf32>
    %swap3A_206 = vector.shape_cast %broadcast_in_dim3A_3 : vector<16xf32> to vector<1x16xf32>
    tpu.vector_store %arg5[%swap3A_202, %swap3A_203], %swap3A_206 {strides = array<i32>} : memref<80x128xf32, #tpu.memory_space<vmem>>, vector<1x16xf32>,
    %swap3A_207 = arith.constant 4 : i32
    %swap3A_208 = arith.index_cast %swap3A_207 : i32 to index
    %swap3A_209 = arith.constant 32 : index
    %swap3A_210 = tpu.vector_load %arg5[%swap3A_208, %swap3A_209] {strides = array<i32>} : memref<80x128xf32, #tpu.memory_space<vmem>>, vector<1x16xf32>,
    %swap3A_211 = vector.shape_cast %swap3A_210 : vector<1x16xf32> to vector<16xf32>
    %swap3A_212 = vector.shape_cast %broadcast_in_dim3A_3 : vector<16xf32> to vector<1x16xf32>
    tpu.vector_store %arg5[%swap3A_208, %swap3A_209], %swap3A_212 {strides = array<i32>} : memref<80x128xf32, #tpu.memory_space<vmem>>, vector<1x16xf32>,
    %swap3A_213 = arith.constant 4 : i32
    %swap3A_214 = arith.index_cast %swap3A_213 : i32 to index
    %swap3A_215 = arith.constant 48 : index
    %swap3A_216 = tpu.vector_load %arg5[%swap3A_214, %swap3A_215] {strides = array<i32>} : memref<80x128xf32, #tpu.memory_space<vmem>>, vector<1x16xf32>,
    %swap3A_217 = vector.shape_cast %swap3A_216 : vector<1x16xf32> to vector<16xf32>
    %swap3A_218 = vector.shape_cast %broadcast_in_dim3A_3 : vector<16xf32> to vector<1x16xf32>
    tpu.vector_store %arg5[%swap3A_214, %swap3A_215], %swap3A_218 {strides = array<i32>} : memref<80x128xf32, #tpu.memory_space<vmem>>, vector<1x16xf32>,
    %swap3A_219 = arith.constant 4 : i32
    %swap3A_220 = arith.index_cast %swap3A_219 : i32 to index
    %swap3A_221 = arith.constant 64 : index
    %swap3A_222 = tpu.vector_load %arg5[%swap3A_220, %swap3A_221] {strides = array<i32>} : memref<80x128xf32, #tpu.memory_space<vmem>>, vector<1x16xf32>,
    %swap3A_223 = vector.shape_cast %swap3A_222 : vector<1x16xf32> to vector<16xf32>
    %swap3A_224 = vector.shape_cast %broadcast_in_dim3A_3 : vector<16xf32> to vector<1x16xf32>
    tpu.vector_store %arg5[%swap3A_220, %swap3A_221], %swap3A_224 {strides = array<i32>} : memref<80x128xf32, #tpu.memory_space<vmem>>, vector<1x16xf32>,
    %swap3A_225 = arith.constant 4 : i32
    %swap3A_226 = arith.index_cast %swap3A_225 : i32 to index
    %swap3A_227 = arith.constant 80 : index
    %swap3A_228 = tpu.vector_load %arg5[%swap3A_226, %swap3A_227] {strides = array<i32>} : memref<80x128xf32, #tpu.memory_space<vmem>>, vector<1x16xf32>,
    %swap3A_229 = vector.shape_cast %swap3A_228 : vector<1x16xf32> to vector<16xf32>
    %swap3A_230 = vector.shape_cast %broadcast_in_dim3A_3 : vector<16xf32> to vector<1x16xf32>
    tpu.vector_store %arg5[%swap3A_226, %swap3A_227], %swap3A_230 {strides = array<i32>} : memref<80x128xf32, #tpu.memory_space<vmem>>, vector<1x16xf32>,
    %swap3A_231 = arith.constant 4 : i32
    %swap3A_232 = arith.index_cast %swap3A_231 : i32 to index
    %swap3A_233 = arith.constant 96 : index
    %swap3A_234 = tpu.vector_load %arg5[%swap3A_232, %swap3A_233] {strides = array<i32>} : memref<80x128xf32, #tpu.memory_space<vmem>>, vector<1x16xf32>,
    %swap3A_235 = vector.shape_cast %swap3A_234 : vector<1x16xf32> to vector<16xf32>
    %swap3A_236 = vector.shape_cast %broadcast_in_dim3A_3 : vector<16xf32> to vector<1x16xf32>
    tpu.vector_store %arg5[%swap3A_232, %swap3A_233], %swap3A_236 {strides = array<i32>} : memref<80x128xf32, #tpu.memory_space<vmem>>, vector<1x16xf32>,
    %swap3A_237 = arith.constant 4 : i32
    %swap3A_238 = arith.index_cast %swap3A_237 : i32 to index
    %swap3A_239 = arith.constant 112 : index
    %swap3A_240 = tpu.vector_load %arg5[%swap3A_238, %swap3A_239] {strides = array<i32>} : memref<80x128xf32, #tpu.memory_space<vmem>>, vector<1x16xf32>,
    %swap3A_241 = vector.shape_cast %swap3A_240 : vector<1x16xf32> to vector<16xf32>
    %swap3A_242 = vector.shape_cast %broadcast_in_dim3A_3 : vector<16xf32> to vector<1x16xf32>
    tpu.vector_store %arg5[%swap3A_238, %swap3A_239], %swap3A_242 {strides = array<i32>} : memref<80x128xf32, #tpu.memory_space<vmem>>, vector<1x16xf32>,
    %swap3A_243 = arith.constant 5 : i32
    %swap3A_244 = arith.index_cast %swap3A_243 : i32 to index
    %swap3A_245 = arith.constant 0 : index
    %swap3A_246 = tpu.vector_load %arg5[%swap3A_244, %swap3A_245] {strides = array<i32>} : memref<80x128xf32, #tpu.memory_space<vmem>>, vector<1x16xf32>,
    %swap3A_247 = vector.shape_cast %swap3A_246 : vector<1x16xf32> to vector<16xf32>
    %swap3A_248 = vector.shape_cast %broadcast_in_dim3A_3 : vector<16xf32> to vector<1x16xf32>
    tpu.vector_store %arg5[%swap3A_244, %swap3A_245], %swap3A_248 {strides = array<i32>} : memref<80x128xf32, #tpu.memory_space<vmem>>, vector<1x16xf32>,
    %swap3A_249 = arith.constant 5 : i32
    %swap3A_250 = arith.index_cast %swap3A_249 : i32 to index
    %swap3A_251 = arith.constant 16 : index
    %swap3A_252 = tpu.vector_load %arg5[%swap3A_250, %swap3A_251] {strides = array<i32>} : memref<80x128xf32, #tpu.memory_space<vmem>>, vector<1x16xf32>,
    %swap3A_253 = vector.shape_cast %swap3A_252 : vector<1x16xf32> to vector<16xf32>
    %swap3A_254 = vector.shape_cast %broadcast_in_dim3A_3 : vector<16xf32> to vector<1x16xf32>
    tpu.vector_store %arg5[%swap3A_250, %swap3A_251], %swap3A_254 {strides = array<i32>} : memref<80x128xf32, #tpu.memory_space<vmem>>, vector<1x16xf32>,
    %swap3A_255 = arith.constant 5 : i32
    %swap3A_256 = arith.index_cast %swap3A_255 : i32 to index
    %swap3A_257 = arith.constant 32 : index
    %swap3A_258 = tpu.vector_load %arg5[%swap3A_256, %swap3A_257] {strides = array<i32>} : memref<80x128xf32, #tpu.memory_space<vmem>>, vector<1x16xf32>,
    %swap3A_259 = vector.shape_cast %swap3A_258 : vector<1x16xf32> to vector<16xf32>
    %swap3A_260 = vector.shape_cast %broadcast_in_dim3A_3 : vector<16xf32> to vector<1x16xf32>
    tpu.vector_store %arg5[%swap3A_256, %swap3A_257], %swap3A_260 {strides = array<i32>} : memref<80x128xf32, #tpu.memory_space<vmem>>, vector<1x16xf32>,
    %swap3A_261 = arith.constant 5 : i32
    %swap3A_262 = arith.index_cast %swap3A_261 : i32 to index
    %swap3A_263 = arith.constant 48 : index
    %swap3A_264 = tpu.vector_load %arg5[%swap3A_262, %swap3A_263] {strides = array<i32>} : memref<80x128xf32, #tpu.memory_space<vmem>>, vector<1x16xf32>,
    %swap3A_265 = vector.shape_cast %swap3A_264 : vector<1x16xf32> to vector<16xf32>
    %swap3A_266 = vector.shape_cast %broadcast_in_dim3A_3 : vector<16xf32> to vector<1x16xf32>
    tpu.vector_store %arg5[%swap3A_262, %swap3A_263], %swap3A_266 {strides = array<i32>} : memref<80x128xf32, #tpu.memory_space<vmem>>, vector<1x16xf32>,
    %swap3A_267 = arith.constant 5 : i32
    %swap3A_268 = arith.index_cast %swap3A_267 : i32 to index
    %swap3A_269 = arith.constant 64 : index
    %swap3A_270 = tpu.vector_load %arg5[%swap3A_268, %swap3A_269] {strides = array<i32>} : memref<80x128xf32, #tpu.memory_space<vmem>>, vector<1x16xf32>,
    %swap3A_271 = vector.shape_cast %swap3A_270 : vector<1x16xf32> to vector<16xf32>
    %swap3A_272 = vector.shape_cast %broadcast_in_dim3A_3 : vector<16xf32> to vector<1x16xf32>
    tpu.vector_store %arg5[%swap3A_268, %swap3A_269], %swap3A_272 {strides = array<i32>} : memref<80x128xf32, #tpu.memory_space<vmem>>, vector<1x16xf32>,
    %swap3A_273 = arith.constant 5 : i32
    %swap3A_274 = arith.index_cast %swap3A_273 : i32 to index
    %swap3A_275 = arith.constant 80 : index
    %swap3A_276 = tpu.vector_load %arg5[%swap3A_274, %swap3A_275] {strides = array<i32>} : memref<80x128xf32, #tpu.memory_space<vmem>>, vector<1x16xf32>,
    %swap3A_277 = vector.shape_cast %swap3A_276 : vector<1x16xf32> to vector<16xf32>
    %swap3A_278 = vector.shape_cast %broadcast_in_dim3A_3 : vector<16xf32> to vector<1x16xf32>
    tpu.vector_store %arg5[%swap3A_274, %swap3A_275], %swap3A_278 {strides = array<i32>} : memref<80x128xf32, #tpu.memory_space<vmem>>, vector<1x16xf32>,
    %swap3A_279 = arith.constant 5 : i32
    %swap3A_280 = arith.index_cast %swap3A_279 : i32 to index
    %swap3A_281 = arith.constant 96 : index
    %swap3A_282 = tpu.vector_load %arg5[%swap3A_280, %swap3A_281] {strides = array<i32>} : memref<80x128xf32, #tpu.memory_space<vmem>>, vector<1x16xf32>,
    %swap3A_283 = vector.shape_cast %swap3A_282 : vector<1x16xf32> to vector<16xf32>
    %swap3A_284 = vector.shape_cast %broadcast_in_dim3A_3 : vector<16xf32> to vector<1x16xf32>
    tpu.vector_store %arg5[%swap3A_280, %swap3A_281], %swap3A_284 {strides = array<i32>} : memref<80x128xf32, #tpu.memory_space<vmem>>, vector<1x16xf32>,
    %swap3A_285 = arith.constant 5 : i32
    %swap3A_286 = arith.index_cast %swap3A_285 : i32 to index
    %swap3A_287 = arith.constant 112 : index
    %swap3A_288 = tpu.vector_load %arg5[%swap3A_286, %swap3A_287] {strides = array<i32>} : memref<80x128xf32, #tpu.memory_space<vmem>>, vector<1x16xf32>,
    %swap3A_289 = vector.shape_cast %swap3A_288 : vector<1x16xf32> to vector<16xf32>
    %swap3A_290 = vector.shape_cast %broadcast_in_dim3A_3 : vector<16xf32> to vector<1x16xf32>
    tpu.vector_store %arg5[%swap3A_286, %swap3A_287], %swap3A_290 {strides = array<i32>} : memref<80x128xf32, #tpu.memory_space<vmem>>, vector<1x16xf32>,
    %swap3A_291 = arith.constant 6 : i32
    %swap3A_292 = arith.index_cast %swap3A_291 : i32 to index
    %swap3A_293 = arith.constant 0 : index
    %swap3A_294 = tpu.vector_load %arg5[%swap3A_292, %swap3A_293] {strides = array<i32>} : memref<80x128xf32, #tpu.memory_space<vmem>>, vector<1x16xf32>,
    %swap3A_295 = vector.shape_cast %swap3A_294 : vector<1x16xf32> to vector<16xf32>
    %swap3A_296 = vector.shape_cast %broadcast_in_dim3A_3 : vector<16xf32> to vector<1x16xf32>
    tpu.vector_store %arg5[%swap3A_292, %swap3A_293], %swap3A_296 {strides = array<i32>} : memref<80x128xf32, #tpu.memory_space<vmem>>, vector<1x16xf32>,
    %swap3A_297 = arith.constant 6 : i32
    %swap3A_298 = arith.index_cast %swap3A_297 : i32 to index
    %swap3A_299 = arith.constant 16 : index
    %swap3A_300 = tpu.vector_load %arg5[%swap3A_298, %swap3A_299] {strides = array<i32>} : memref<80x128xf32, #tpu.memory_space<vmem>>, vector<1x16xf32>,
    %swap3A_301 = vector.shape_cast %swap3A_300 : vector<1x16xf32> to vector<16xf32>
    %swap3A_302 = vector.shape_cast %broadcast_in_dim3A_3 : vector<16xf32> to vector<1x16xf32>
    tpu.vector_store %arg5[%swap3A_298, %swap3A_299], %swap3A_302 {strides = array<i32>} : memref<80x128xf32, #tpu.memory_space<vmem>>, vector<1x16xf32>,
    %swap3A_303 = arith.constant 6 : i32
    %swap3A_304 = arith.index_cast %swap3A_303 : i32 to index
    %swap3A_305 = arith.constant 32 : index
    %swap3A_306 = tpu.vector_load %arg5[%swap3A_304, %swap3A_305] {strides = array<i32>} : memref<80x128xf32, #tpu.memory_space<vmem>>, vector<1x16xf32>,
    %swap3A_307 = vector.shape_cast %swap3A_306 : vector<1x16xf32> to vector<16xf32>
    %swap3A_308 = vector.shape_cast %broadcast_in_dim3A_3 : vector<16xf32> to vector<1x16xf32>
    tpu.vector_store %arg5[%swap3A_304, %swap3A_305], %swap3A_308 {strides = array<i32>} : memref<80x128xf32, #tpu.memory_space<vmem>>, vector<1x16xf32>,
    %swap3A_309 = arith.constant 6 : i32
    %swap3A_310 = arith.index_cast %swap3A_309 : i32 to index
    %swap3A_311 = arith.constant 48 : index
    %swap3A_312 = tpu.vector_load %arg5[%swap3A_310, %swap3A_311] {strides = array<i32>} : memref<80x128xf32, #tpu.memory_space<vmem>>, vector<1x16xf32>,
    %swap3A_313 = vector.shape_cast %swap3A_312 : vector<1x16xf32> to vector<16xf32>
    %swap3A_314 = vector.shape_cast %broadcast_in_dim3A_3 : vector<16xf32> to vector<1x16xf32>
    tpu.vector_store %arg5[%swap3A_310, %swap3A_311], %swap3A_314 {strides = array<i32>} : memref<80x128xf32, #tpu.memory_space<vmem>>, vector<1x16xf32>,
    %swap3A_315 = arith.constant 6 : i32
    %swap3A_316 = arith.index_cast %swap3A_315 : i32 to index
    %swap3A_317 = arith.constant 64 : index
    %swap3A_318 = tpu.vector_load %arg5[%swap3A_316, %swap3A_317] {strides = array<i32>} : memref<80x128xf32, #tpu.memory_space<vmem>>, vector<1x16xf32>,
    %swap3A_319 = vector.shape_cast %swap3A_318 : vector<1x16xf32> to vector<16xf32>
    %swap3A_320 = vector.shape_cast %broadcast_in_dim3A_3 : vector<16xf32> to vector<1x16xf32>
    tpu.vector_store %arg5[%swap3A_316, %swap3A_317], %swap3A_320 {strides = array<i32>} : memref<80x128xf32, #tpu.memory_space<vmem>>, vector<1x16xf32>,
    %swap3A_321 = arith.constant 6 : i32
    %swap3A_322 = arith.index_cast %swap3A_321 : i32 to index
    %swap3A_323 = arith.constant 80 : index
    %swap3A_324 = tpu.vector_load %arg5[%swap3A_322, %swap3A_323] {strides = array<i32>} : memref<80x128xf32, #tpu.memory_space<vmem>>, vector<1x16xf32>,
    %swap3A_325 = vector.shape_cast %swap3A_324 : vector<1x16xf32> to vector<16xf32>
    %swap3A_326 = vector.shape_cast %broadcast_in_dim3A_3 : vector<16xf32> to vector<1x16xf32>
    tpu.vector_store %arg5[%swap3A_322, %swap3A_323], %swap3A_326 {strides = array<i32>} : memref<80x128xf32, #tpu.memory_space<vmem>>, vector<1x16xf32>,
    %swap3A_327 = arith.constant 6 : i32
    %swap3A_328 = arith.index_cast %swap3A_327 : i32 to index
    %swap3A_329 = arith.constant 96 : index
    %swap3A_330 = tpu.vector_load %arg5[%swap3A_328, %swap3A_329] {strides = array<i32>} : memref<80x128xf32, #tpu.memory_space<vmem>>, vector<1x16xf32>,
    %swap3A_331 = vector.shape_cast %swap3A_330 : vector<1x16xf32> to vector<16xf32>
    %swap3A_332 = vector.shape_cast %broadcast_in_dim3A_3 : vector<16xf32> to vector<1x16xf32>
    tpu.vector_store %arg5[%swap3A_328, %swap3A_329], %swap3A_332 {strides = array<i32>} : memref<80x128xf32, #tpu.memory_space<vmem>>, vector<1x16xf32>,
    %swap3A_333 = arith.constant 6 : i32
    %swap3A_334 = arith.index_cast %swap3A_333 : i32 to index
    %swap3A_335 = arith.constant 112 : index
    %swap3A_336 = tpu.vector_load %arg5[%swap3A_334, %swap3A_335] {strides = array<i32>} : memref<80x128xf32, #tpu.memory_space<vmem>>, vector<1x16xf32>,
    %swap3A_337 = vector.shape_cast %swap3A_336 : vector<1x16xf32> to vector<16xf32>
    %swap3A_338 = vector.shape_cast %broadcast_in_dim3A_3 : vector<16xf32> to vector<1x16xf32>
    tpu.vector_store %arg5[%swap3A_334, %swap3A_335], %swap3A_338 {strides = array<i32>} : memref<80x128xf32, #tpu.memory_space<vmem>>, vector<1x16xf32>,
    %swap3A_339 = arith.constant 7 : i32
    %swap3A_340 = arith.index_cast %swap3A_339 : i32 to index
    %swap3A_341 = arith.constant 0 : index
    %swap3A_342 = tpu.vector_load %arg5[%swap3A_340, %swap3A_341] {strides = array<i32>} : memref<80x128xf32, #tpu.memory_space<vmem>>, vector<1x16xf32>,
    %swap3A_343 = vector.shape_cast %swap3A_342 : vector<1x16xf32> to vector<16xf32>
    %swap3A_344 = vector.shape_cast %broadcast_in_dim3A_3 : vector<16xf32> to vector<1x16xf32>
    tpu.vector_store %arg5[%swap3A_340, %swap3A_341], %swap3A_344 {strides = array<i32>} : memref<80x128xf32, #tpu.memory_space<vmem>>, vector<1x16xf32>,
    %swap3A_345 = arith.constant 7 : i32
    %swap3A_346 = arith.index_cast %swap3A_345 : i32 to index
    %swap3A_347 = arith.constant 16 : index
    %swap3A_348 = tpu.vector_load %arg5[%swap3A_346, %swap3A_347] {strides = array<i32>} : memref<80x128xf32, #tpu.memory_space<vmem>>, vector<1x16xf32>,
    %swap3A_349 = vector.shape_cast %swap3A_348 : vector<1x16xf32> to vector<16xf32>
    %swap3A_350 = vector.shape_cast %broadcast_in_dim3A_3 : vector<16xf32> to vector<1x16xf32>
    tpu.vector_store %arg5[%swap3A_346, %swap3A_347], %swap3A_350 {strides = array<i32>} : memref<80x128xf32, #tpu.memory_space<vmem>>, vector<1x16xf32>,
    %swap3A_351 = arith.constant 7 : i32
    %swap3A_352 = arith.index_cast %swap3A_351 : i32 to index
    %swap3A_353 = arith.constant 32 : index
    %swap3A_354 = tpu.vector_load %arg5[%swap3A_352, %swap3A_353] {strides = array<i32>} : memref<80x128xf32, #tpu.memory_space<vmem>>, vector<1x16xf32>,
    %swap3A_355 = vector.shape_cast %swap3A_354 : vector<1x16xf32> to vector<16xf32>
    %swap3A_356 = vector.shape_cast %broadcast_in_dim3A_3 : vector<16xf32> to vector<1x16xf32>
    tpu.vector_store %arg5[%swap3A_352, %swap3A_353], %swap3A_356 {strides = array<i32>} : memref<80x128xf32, #tpu.memory_space<vmem>>, vector<1x16xf32>,
    %swap3A_357 = arith.constant 7 : i32
    %swap3A_358 = arith.index_cast %swap3A_357 : i32 to index
    %swap3A_359 = arith.constant 48 : index
    %swap3A_360 = tpu.vector_load %arg5[%swap3A_358, %swap3A_359] {strides = array<i32>} : memref<80x128xf32, #tpu.memory_space<vmem>>, vector<1x16xf32>,
    %swap3A_361 = vector.shape_cast %swap3A_360 : vector<1x16xf32> to vector<16xf32>
    %swap3A_362 = vector.shape_cast %broadcast_in_dim3A_3 : vector<16xf32> to vector<1x16xf32>
    tpu.vector_store %arg5[%swap3A_358, %swap3A_359], %swap3A_362 {strides = array<i32>} : memref<80x128xf32, #tpu.memory_space<vmem>>, vector<1x16xf32>,
    %swap3A_363 = arith.constant 7 : i32
    %swap3A_364 = arith.index_cast %swap3A_363 : i32 to index
    %swap3A_365 = arith.constant 64 : index
    %swap3A_366 = tpu.vector_load %arg5[%swap3A_364, %swap3A_365] {strides = array<i32>} : memref<80x128xf32, #tpu.memory_space<vmem>>, vector<1x16xf32>,
    %swap3A_367 = vector.shape_cast %swap3A_366 : vector<1x16xf32> to vector<16xf32>
    %swap3A_368 = vector.shape_cast %broadcast_in_dim3A_3 : vector<16xf32> to vector<1x16xf32>
    tpu.vector_store %arg5[%swap3A_364, %swap3A_365], %swap3A_368 {strides = array<i32>} : memref<80x128xf32, #tpu.memory_space<vmem>>, vector<1x16xf32>,
    %swap3A_369 = arith.constant 7 : i32
    %swap3A_370 = arith.index_cast %swap3A_369 : i32 to index
    %swap3A_371 = arith.constant 80 : index
    %swap3A_372 = tpu.vector_load %arg5[%swap3A_370, %swap3A_371] {strides = array<i32>} : memref<80x128xf32, #tpu.memory_space<vmem>>, vector<1x16xf32>,
    %swap3A_373 = vector.shape_cast %swap3A_372 : vector<1x16xf32> to vector<16xf32>
    %swap3A_374 = vector.shape_cast %broadcast_in_dim3A_3 : vector<16xf32> to vector<1x16xf32>
    tpu.vector_store %arg5[%swap3A_370, %swap3A_371], %swap3A_374 {strides = array<i32>} : memref<80x128xf32, #tpu.memory_space<vmem>>, vector<1x16xf32>,
    %swap3A_375 = arith.constant 7 : i32
    %swap3A_376 = arith.index_cast %swap3A_375 : i32 to index
    %swap3A_377 = arith.constant 96 : index
    %swap3A_378 = tpu.vector_load %arg5[%swap3A_376, %swap3A_377] {strides = array<i32>} : memref<80x128xf32, #tpu.memory_space<vmem>>, vector<1x16xf32>,
    %swap3A_379 = vector.shape_cast %swap3A_378 : vector<1x16xf32> to vector<16xf32>
    %swap3A_380 = vector.shape_cast %broadcast_in_dim3A_3 : vector<16xf32> to vector<1x16xf32>
    tpu.vector_store %arg5[%swap3A_376, %swap3A_377], %swap3A_380 {strides = array<i32>} : memref<80x128xf32, #tpu.memory_space<vmem>>, vector<1x16xf32>,
    %swap3A_381 = arith.constant 7 : i32
    %swap3A_382 = arith.index_cast %swap3A_381 : i32 to index
    %swap3A_383 = arith.constant 112 : index
    %swap3A_384 = tpu.vector_load %arg5[%swap3A_382, %swap3A_383] {strides = array<i32>} : memref<80x128xf32, #tpu.memory_space<vmem>>, vector<1x16xf32>,
    %swap3A_385 = vector.shape_cast %swap3A_384 : vector<1x16xf32> to vector<16xf32>
    %swap3A_386 = vector.shape_cast %broadcast_in_dim3A_3 : vector<16xf32> to vector<1x16xf32>
    tpu.vector_store %arg5[%swap3A_382, %swap3A_383], %swap3A_386 {strides = array<i32>} : memref<80x128xf32, #tpu.memory_space<vmem>>, vector<1x16xf32>,
    %swap3A_387 = arith.constant 8 : i32
    %swap3A_388 = arith.index_cast %swap3A_387 : i32 to index
    %swap3A_389 = arith.constant 0 : index
    %swap3A_390 = tpu.vector_load %arg5[%swap3A_388, %swap3A_389] {strides = array<i32>} : memref<80x128xf32, #tpu.memory_space<vmem>>, vector<1x16xf32>,
    %swap3A_391 = vector.shape_cast %swap3A_390 : vector<1x16xf32> to vector<16xf32>
    %swap3A_392 = vector.shape_cast %broadcast_in_dim3A_3 : vector<16xf32> to vector<1x16xf32>
    tpu.vector_store %arg5[%swap3A_388, %swap3A_389], %swap3A_392 {strides = array<i32>} : memref<80x128xf32, #tpu.memory_space<vmem>>, vector<1x16xf32>,
    %swap3A_393 = arith.constant 8 : i32
    %swap3A_394 = arith.index_cast %swap3A_393 : i32 to index
    %swap3A_395 = arith.constant 16 : index
    %swap3A_396 = tpu.vector_load %arg5[%swap3A_394, %swap3A_395] {strides = array<i32>} : memref<80x128xf32, #tpu.memory_space<vmem>>, vector<1x16xf32>,
    %swap3A_397 = vector.shape_cast %swap3A_396 : vector<1x16xf32> to vector<16xf32>
    %swap3A_398 = vector.shape_cast %broadcast_in_dim3A_3 : vector<16xf32> to vector<1x16xf32>
    tpu.vector_store %arg5[%swap3A_394, %swap3A_395], %swap3A_398 {strides = array<i32>} : memref<80x128xf32, #tpu.memory_space<vmem>>, vector<1x16xf32>,
    %swap3A_399 = arith.constant 8 : i32
    %swap3A_400 = arith.index_cast %swap3A_399 : i32 to index
    %swap3A_401 = arith.constant 32 : index
    %swap3A_402 = tpu.vector_load %arg5[%swap3A_400, %swap3A_401] {strides = array<i32>} : memref<80x128xf32, #tpu.memory_space<vmem>>, vector<1x16xf32>,
    %swap3A_403 = vector.shape_cast %swap3A_402 : vector<1x16xf32> to vector<16xf32>
    %swap3A_404 = vector.shape_cast %broadcast_in_dim3A_3 : vector<16xf32> to vector<1x16xf32>
    tpu.vector_store %arg5[%swap3A_400, %swap3A_401], %swap3A_404 {strides = array<i32>} : memref<80x128xf32, #tpu.memory_space<vmem>>, vector<1x16xf32>,
    %swap3A_405 = arith.constant 8 : i32
    %swap3A_406 = arith.index_cast %swap3A_405 : i32 to index
    %swap3A_407 = arith.constant 48 : index
    %swap3A_408 = tpu.vector_load %arg5[%swap3A_406, %swap3A_407] {strides = array<i32>} : memref<80x128xf32, #tpu.memory_space<vmem>>, vector<1x16xf32>,
    %swap3A_409 = vector.shape_cast %swap3A_408 : vector<1x16xf32> to vector<16xf32>
    %swap3A_410 = vector.shape_cast %broadcast_in_dim3A_3 : vector<16xf32> to vector<1x16xf32>
    tpu.vector_store %arg5[%swap3A_406, %swap3A_407], %swap3A_410 {strides = array<i32>} : memref<80x128xf32, #tpu.memory_space<vmem>>, vector<1x16xf32>,
    %swap3A_411 = arith.constant 8 : i32
    %swap3A_412 = arith.index_cast %swap3A_411 : i32 to index
    %swap3A_413 = arith.constant 64 : index
    %swap3A_414 = tpu.vector_load %arg5[%swap3A_412, %swap3A_413] {strides = array<i32>} : memref<80x128xf32, #tpu.memory_space<vmem>>, vector<1x16xf32>,
    %swap3A_415 = vector.shape_cast %swap3A_414 : vector<1x16xf32> to vector<16xf32>
    %swap3A_416 = vector.shape_cast %broadcast_in_dim3A_3 : vector<16xf32> to vector<1x16xf32>
    tpu.vector_store %arg5[%swap3A_412, %swap3A_413], %swap3A_416 {strides = array<i32>} : memref<80x128xf32, #tpu.memory_space<vmem>>, vector<1x16xf32>,
    %swap3A_417 = arith.constant 8 : i32
    %swap3A_418 = arith.index_cast %swap3A_417 : i32 to index
    %swap3A_419 = arith.constant 80 : index
    %swap3A_420 = tpu.vector_load %arg5[%swap3A_418, %swap3A_419] {strides = array<i32>} : memref<80x128xf32, #tpu.memory_space<vmem>>, vector<1x16xf32>,
    %swap3A_421 = vector.shape_cast %swap3A_420 : vector<1x16xf32> to vector<16xf32>
    %swap3A_422 = vector.shape_cast %broadcast_in_dim3A_3 : vector<16xf32> to vector<1x16xf32>
    tpu.vector_store %arg5[%swap3A_418, %swap3A_419], %swap3A_422 {strides = array<i32>} : memref<80x128xf32, #tpu.memory_space<vmem>>, vector<1x16xf32>,
    %swap3A_423 = arith.constant 8 : i32
    %swap3A_424 = arith.index_cast %swap3A_423 : i32 to index
    %swap3A_425 = arith.constant 96 : index
    %swap3A_426 = tpu.vector_load %arg5[%swap3A_424, %swap3A_425] {strides = array<i32>} : memref<80x128xf32, #tpu.memory_space<vmem>>, vector<1x16xf32>,
    %swap3A_427 = vector.shape_cast %swap3A_426 : vector<1x16xf32> to vector<16xf32>
    %swap3A_428 = vector.shape_cast %broadcast_in_dim3A_3 : vector<16xf32> to vector<1x16xf32>
    tpu.vector_store %arg5[%swap3A_424, %swap3A_425], %swap3A_428 {strides = array<i32>} : memref<80x128xf32, #tpu.memory_space<vmem>>, vector<1x16xf32>,
    %swap3A_429 = arith.constant 8 : i32
    %swap3A_430 = arith.index_cast %swap3A_429 : i32 to index
    %swap3A_431 = arith.constant 112 : index
    %swap3A_432 = tpu.vector_load %arg5[%swap3A_430, %swap3A_431] {strides = array<i32>} : memref<80x128xf32, #tpu.memory_space<vmem>>, vector<1x16xf32>,
    %swap3A_433 = vector.shape_cast %swap3A_432 : vector<1x16xf32> to vector<16xf32>
    %swap3A_434 = vector.shape_cast %broadcast_in_dim3A_3 : vector<16xf32> to vector<1x16xf32>
    tpu.vector_store %arg5[%swap3A_430, %swap3A_431], %swap3A_434 {strides = array<i32>} : memref<80x128xf32, #tpu.memory_space<vmem>>, vector<1x16xf32>,
    %swap3A_435 = arith.constant 9 : i32
    %swap3A_436 = arith.index_cast %swap3A_435 : i32 to index
    %swap3A_437 = arith.constant 0 : index
    %swap3A_438 = tpu.vector_load %arg5[%swap3A_436, %swap3A_437] {strides = array<i32>} : memref<80x128xf32, #tpu.memory_space<vmem>>, vector<1x16xf32>,
    %swap3A_439 = vector.shape_cast %swap3A_438 : vector<1x16xf32> to vector<16xf32>
    %swap3A_440 = vector.shape_cast %broadcast_in_dim3A_3 : vector<16xf32> to vector<1x16xf32>
    tpu.vector_store %arg5[%swap3A_436, %swap3A_437], %swap3A_440 {strides = array<i32>} : memref<80x128xf32, #tpu.memory_space<vmem>>, vector<1x16xf32>,
    %swap3A_441 = arith.constant 9 : i32
    %swap3A_442 = arith.index_cast %swap3A_441 : i32 to index
    %swap3A_443 = arith.constant 16 : index
    %swap3A_444 = tpu.vector_load %arg5[%swap3A_442, %swap3A_443] {strides = array<i32>} : memref<80x128xf32, #tpu.memory_space<vmem>>, vector<1x16xf32>,
    %swap3A_445 = vector.shape_cast %swap3A_444 : vector<1x16xf32> to vector<16xf32>
    %swap3A_446 = vector.shape_cast %broadcast_in_dim3A_3 : vector<16xf32> to vector<1x16xf32>
    tpu.vector_store %arg5[%swap3A_442, %swap3A_443], %swap3A_446 {strides = array<i32>} : memref<80x128xf32, #tpu.memory_space<vmem>>, vector<1x16xf32>,
    %swap3A_447 = arith.constant 9 : i32
    %swap3A_448 = arith.index_cast %swap3A_447 : i32 to index
    %swap3A_449 = arith.constant 32 : index
    %swap3A_450 = tpu.vector_load %arg5[%swap3A_448, %swap3A_449] {strides = array<i32>} : memref<80x128xf32, #tpu.memory_space<vmem>>, vector<1x16xf32>,
    %swap3A_451 = vector.shape_cast %swap3A_450 : vector<1x16xf32> to vector<16xf32>
    %swap3A_452 = vector.shape_cast %broadcast_in_dim3A_3 : vector<16xf32> to vector<1x16xf32>
    tpu.vector_store %arg5[%swap3A_448, %swap3A_449], %swap3A_452 {strides = array<i32>} : memref<80x128xf32, #tpu.memory_space<vmem>>, vector<1x16xf32>,
    %swap3A_453 = arith.constant 9 : i32
    %swap3A_454 = arith.index_cast %swap3A_453 : i32 to index
    %swap3A_455 = arith.constant 48 : index
    %swap3A_456 = tpu.vector_load %arg5[%swap3A_454, %swap3A_455] {strides = array<i32>} : memref<80x128xf32, #tpu.memory_space<vmem>>, vector<1x16xf32>,
    %swap3A_457 = vector.shape_cast %swap3A_456 : vector<1x16xf32> to vector<16xf32>
    %swap3A_458 = vector.shape_cast %broadcast_in_dim3A_3 : vector<16xf32> to vector<1x16xf32>
    tpu.vector_store %arg5[%swap3A_454, %swap3A_455], %swap3A_458 {strides = array<i32>} : memref<80x128xf32, #tpu.memory_space<vmem>>, vector<1x16xf32>,
    %swap3A_459 = arith.constant 9 : i32
    %swap3A_460 = arith.index_cast %swap3A_459 : i32 to index
    %swap3A_461 = arith.constant 64 : index
    %swap3A_462 = tpu.vector_load %arg5[%swap3A_460, %swap3A_461] {strides = array<i32>} : memref<80x128xf32, #tpu.memory_space<vmem>>, vector<1x16xf32>,
    %swap3A_463 = vector.shape_cast %swap3A_462 : vector<1x16xf32> to vector<16xf32>
    %swap3A_464 = vector.shape_cast %broadcast_in_dim3A_3 : vector<16xf32> to vector<1x16xf32>
    tpu.vector_store %arg5[%swap3A_460, %swap3A_461], %swap3A_464 {strides = array<i32>} : memref<80x128xf32, #tpu.memory_space<vmem>>, vector<1x16xf32>,
    %swap3A_465 = arith.constant 9 : i32
    %swap3A_466 = arith.index_cast %swap3A_465 : i32 to index
    %swap3A_467 = arith.constant 80 : index
    %swap3A_468 = tpu.vector_load %arg5[%swap3A_466, %swap3A_467] {strides = array<i32>} : memref<80x128xf32, #tpu.memory_space<vmem>>, vector<1x16xf32>,
    %swap3A_469 = vector.shape_cast %swap3A_468 : vector<1x16xf32> to vector<16xf32>
    %swap3A_470 = vector.shape_cast %broadcast_in_dim3A_3 : vector<16xf32> to vector<1x16xf32>
    tpu.vector_store %arg5[%swap3A_466, %swap3A_467], %swap3A_470 {strides = array<i32>} : memref<80x128xf32, #tpu.memory_space<vmem>>, vector<1x16xf32>,
    %swap3A_471 = arith.constant 9 : i32
    %swap3A_472 = arith.index_cast %swap3A_471 : i32 to index
    %swap3A_473 = arith.constant 96 : index
    %swap3A_474 = tpu.vector_load %arg5[%swap3A_472, %swap3A_473] {strides = array<i32>} : memref<80x128xf32, #tpu.memory_space<vmem>>, vector<1x16xf32>,
    %swap3A_475 = vector.shape_cast %swap3A_474 : vector<1x16xf32> to vector<16xf32>
    %swap3A_476 = vector.shape_cast %broadcast_in_dim3A_3 : vector<16xf32> to vector<1x16xf32>
    tpu.vector_store %arg5[%swap3A_472, %swap3A_473], %swap3A_476 {strides = array<i32>} : memref<80x128xf32, #tpu.memory_space<vmem>>, vector<1x16xf32>,
    %swap3A_477 = arith.constant 9 : i32
    %swap3A_478 = arith.index_cast %swap3A_477 : i32 to index
    %swap3A_479 = arith.constant 112 : index
    %swap3A_480 = tpu.vector_load %arg5[%swap3A_478, %swap3A_479] {strides = array<i32>} : memref<80x128xf32, #tpu.memory_space<vmem>>, vector<1x16xf32>,
    %swap3A_481 = vector.shape_cast %swap3A_480 : vector<1x16xf32> to vector<16xf32>
    %swap3A_482 = vector.shape_cast %broadcast_in_dim3A_3 : vector<16xf32> to vector<1x16xf32>
    tpu.vector_store %arg5[%swap3A_478, %swap3A_479], %swap3A_482 {strides = array<i32>} : memref<80x128xf32, #tpu.memory_space<vmem>>, vector<1x16xf32>,
    %swap3A_483 = arith.constant 10 : i32
    %swap3A_484 = arith.index_cast %swap3A_483 : i32 to index
    %swap3A_485 = arith.constant 0 : index
    %swap3A_486 = tpu.vector_load %arg5[%swap3A_484, %swap3A_485] {strides = array<i32>} : memref<80x128xf32, #tpu.memory_space<vmem>>, vector<1x16xf32>,
    %swap3A_487 = vector.shape_cast %swap3A_486 : vector<1x16xf32> to vector<16xf32>
    %swap3A_488 = vector.shape_cast %broadcast_in_dim3A_3 : vector<16xf32> to vector<1x16xf32>
    tpu.vector_store %arg5[%swap3A_484, %swap3A_485], %swap3A_488 {strides = array<i32>} : memref<80x128xf32, #tpu.memory_space<vmem>>, vector<1x16xf32>,
    %swap3A_489 = arith.constant 10 : i32
    %swap3A_490 = arith.index_cast %swap3A_489 : i32 to index
    %swap3A_491 = arith.constant 16 : index
    %swap3A_492 = tpu.vector_load %arg5[%swap3A_490, %swap3A_491] {strides = array<i32>} : memref<80x128xf32, #tpu.memory_space<vmem>>, vector<1x16xf32>,
    %swap3A_493 = vector.shape_cast %swap3A_492 : vector<1x16xf32> to vector<16xf32>
    %swap3A_494 = vector.shape_cast %broadcast_in_dim3A_3 : vector<16xf32> to vector<1x16xf32>
    tpu.vector_store %arg5[%swap3A_490, %swap3A_491], %swap3A_494 {strides = array<i32>} : memref<80x128xf32, #tpu.memory_space<vmem>>, vector<1x16xf32>,
    %swap3A_495 = arith.constant 10 : i32
    %swap3A_496 = arith.index_cast %swap3A_495 : i32 to index
    %swap3A_497 = arith.constant 32 : index
    %swap3A_498 = tpu.vector_load %arg5[%swap3A_496, %swap3A_497] {strides = array<i32>} : memref<80x128xf32, #tpu.memory_space<vmem>>, vector<1x16xf32>,
    %swap3A_499 = vector.shape_cast %swap3A_498 : vector<1x16xf32> to vector<16xf32>
    %swap3A_500 = vector.shape_cast %broadcast_in_dim3A_3 : vector<16xf32> to vector<1x16xf32>
    tpu.vector_store %arg5[%swap3A_496, %swap3A_497], %swap3A_500 {strides = array<i32>} : memref<80x128xf32, #tpu.memory_space<vmem>>, vector<1x16xf32>,
    %swap3A_501 = arith.constant 10 : i32
    %swap3A_502 = arith.index_cast %swap3A_501 : i32 to index
    %swap3A_503 = arith.constant 48 : index
    %swap3A_504 = tpu.vector_load %arg5[%swap3A_502, %swap3A_503] {strides = array<i32>} : memref<80x128xf32, #tpu.memory_space<vmem>>, vector<1x16xf32>,
    %swap3A_505 = vector.shape_cast %swap3A_504 : vector<1x16xf32> to vector<16xf32>
    %swap3A_506 = vector.shape_cast %broadcast_in_dim3A_3 : vector<16xf32> to vector<1x16xf32>
    tpu.vector_store %arg5[%swap3A_502, %swap3A_503], %swap3A_506 {strides = array<i32>} : memref<80x128xf32, #tpu.memory_space<vmem>>, vector<1x16xf32>,
    %swap3A_507 = arith.constant 10 : i32
    %swap3A_508 = arith.index_cast %swap3A_507 : i32 to index
    %swap3A_509 = arith.constant 64 : index
    %swap3A_510 = tpu.vector_load %arg5[%swap3A_508, %swap3A_509] {strides = array<i32>} : memref<80x128xf32, #tpu.memory_space<vmem>>, vector<1x16xf32>,
    %swap3A_511 = vector.shape_cast %swap3A_510 : vector<1x16xf32> to vector<16xf32>
    %swap3A_512 = vector.shape_cast %broadcast_in_dim3A_3 : vector<16xf32> to vector<1x16xf32>
    tpu.vector_store %arg5[%swap3A_508, %swap3A_509], %swap3A_512 {strides = array<i32>} : memref<80x128xf32, #tpu.memory_space<vmem>>, vector<1x16xf32>,
    %swap3A_513 = arith.constant 10 : i32
    %swap3A_514 = arith.index_cast %swap3A_513 : i32 to index
    %swap3A_515 = arith.constant 80 : index
    %swap3A_516 = tpu.vector_load %arg5[%swap3A_514, %swap3A_515] {strides = array<i32>} : memref<80x128xf32, #tpu.memory_space<vmem>>, vector<1x16xf32>,
    %swap3A_517 = vector.shape_cast %swap3A_516 : vector<1x16xf32> to vector<16xf32>
    %swap3A_518 = vector.shape_cast %broadcast_in_dim3A_3 : vector<16xf32> to vector<1x16xf32>
    tpu.vector_store %arg5[%swap3A_514, %swap3A_515], %swap3A_518 {strides = array<i32>} : memref<80x128xf32, #tpu.memory_space<vmem>>, vector<1x16xf32>,
    %swap3A_519 = arith.constant 10 : i32
    %swap3A_520 = arith.index_cast %swap3A_519 : i32 to index
    %swap3A_521 = arith.constant 96 : index
    %swap3A_522 = tpu.vector_load %arg5[%swap3A_520, %swap3A_521] {strides = array<i32>} : memref<80x128xf32, #tpu.memory_space<vmem>>, vector<1x16xf32>,
    %swap3A_523 = vector.shape_cast %swap3A_522 : vector<1x16xf32> to vector<16xf32>
    %swap3A_524 = vector.shape_cast %broadcast_in_dim3A_3 : vector<16xf32> to vector<1x16xf32>
    tpu.vector_store %arg5[%swap3A_520, %swap3A_521], %swap3A_524 {strides = array<i32>} : memref<80x128xf32, #tpu.memory_space<vmem>>, vector<1x16xf32>,
    %swap3A_525 = arith.constant 10 : i32
    %swap3A_526 = arith.index_cast %swap3A_525 : i32 to index
    %swap3A_527 = arith.constant 112 : index
    %swap3A_528 = tpu.vector_load %arg5[%swap3A_526, %swap3A_527] {strides = array<i32>} : memref<80x128xf32, #tpu.memory_space<vmem>>, vector<1x16xf32>,
    %swap3A_529 = vector.shape_cast %swap3A_528 : vector<1x16xf32> to vector<16xf32>
    %swap3A_530 = vector.shape_cast %broadcast_in_dim3A_3 : vector<16xf32> to vector<1x16xf32>
    tpu.vector_store %arg5[%swap3A_526, %swap3A_527], %swap3A_530 {strides = array<i32>} : memref<80x128xf32, #tpu.memory_space<vmem>>, vector<1x16xf32>,
    %swap3A_531 = arith.constant 11 : i32
    %swap3A_532 = arith.index_cast %swap3A_531 : i32 to index
    %swap3A_533 = arith.constant 0 : index
    %swap3A_534 = tpu.vector_load %arg5[%swap3A_532, %swap3A_533] {strides = array<i32>} : memref<80x128xf32, #tpu.memory_space<vmem>>, vector<1x16xf32>,
    %swap3A_535 = vector.shape_cast %swap3A_534 : vector<1x16xf32> to vector<16xf32>
    %swap3A_536 = vector.shape_cast %broadcast_in_dim3A_3 : vector<16xf32> to vector<1x16xf32>
    tpu.vector_store %arg5[%swap3A_532, %swap3A_533], %swap3A_536 {strides = array<i32>} : memref<80x128xf32, #tpu.memory_space<vmem>>, vector<1x16xf32>,
    %swap3A_537 = arith.constant 11 : i32
    %swap3A_538 = arith.index_cast %swap3A_537 : i32 to index
    %swap3A_539 = arith.constant 16 : index
    %swap3A_540 = tpu.vector_load %arg5[%swap3A_538, %swap3A_539] {strides = array<i32>} : memref<80x128xf32, #tpu.memory_space<vmem>>, vector<1x16xf32>,
    %swap3A_541 = vector.shape_cast %swap3A_540 : vector<1x16xf32> to vector<16xf32>
    %swap3A_542 = vector.shape_cast %broadcast_in_dim3A_3 : vector<16xf32> to vector<1x16xf32>
    tpu.vector_store %arg5[%swap3A_538, %swap3A_539], %swap3A_542 {strides = array<i32>} : memref<80x128xf32, #tpu.memory_space<vmem>>, vector<1x16xf32>,
    %swap3A_543 = arith.constant 11 : i32
    %swap3A_544 = arith.index_cast %swap3A_543 : i32 to index
    %swap3A_545 = arith.constant 32 : index
    %swap3A_546 = tpu.vector_load %arg5[%swap3A_544, %swap3A_545] {strides = array<i32>} : memref<80x128xf32, #tpu.memory_space<vmem>>, vector<1x16xf32>,
    %swap3A_547 = vector.shape_cast %swap3A_546 : vector<1x16xf32> to vector<16xf32>
    %swap3A_548 = vector.shape_cast %broadcast_in_dim3A_3 : vector<16xf32> to vector<1x16xf32>
    tpu.vector_store %arg5[%swap3A_544, %swap3A_545], %swap3A_548 {strides = array<i32>} : memref<80x128xf32, #tpu.memory_space<vmem>>, vector<1x16xf32>,
    %swap3A_549 = arith.constant 11 : i32
    %swap3A_550 = arith.index_cast %swap3A_549 : i32 to index
    %swap3A_551 = arith.constant 48 : index
    %swap3A_552 = tpu.vector_load %arg5[%swap3A_550, %swap3A_551] {strides = array<i32>} : memref<80x128xf32, #tpu.memory_space<vmem>>, vector<1x16xf32>,
    %swap3A_553 = vector.shape_cast %swap3A_552 : vector<1x16xf32> to vector<16xf32>
    %swap3A_554 = vector.shape_cast %broadcast_in_dim3A_3 : vector<16xf32> to vector<1x16xf32>
    tpu.vector_store %arg5[%swap3A_550, %swap3A_551], %swap3A_554 {strides = array<i32>} : memref<80x128xf32, #tpu.memory_space<vmem>>, vector<1x16xf32>,
    %swap3A_555 = arith.constant 11 : i32
    %swap3A_556 = arith.index_cast %swap3A_555 : i32 to index
    %swap3A_557 = arith.constant 64 : index
    %swap3A_558 = tpu.vector_load %arg5[%swap3A_556, %swap3A_557] {strides = array<i32>} : memref<80x128xf32, #tpu.memory_space<vmem>>, vector<1x16xf32>,
    %swap3A_559 = vector.shape_cast %swap3A_558 : vector<1x16xf32> to vector<16xf32>
    %swap3A_560 = vector.shape_cast %broadcast_in_dim3A_3 : vector<16xf32> to vector<1x16xf32>
    tpu.vector_store %arg5[%swap3A_556, %swap3A_557], %swap3A_560 {strides = array<i32>} : memref<80x128xf32, #tpu.memory_space<vmem>>, vector<1x16xf32>,
    %swap3A_561 = arith.constant 11 : i32
    %swap3A_562 = arith.index_cast %swap3A_561 : i32 to index
    %swap3A_563 = arith.constant 80 : index
    %swap3A_564 = tpu.vector_load %arg5[%swap3A_562, %swap3A_563] {strides = array<i32>} : memref<80x128xf32, #tpu.memory_space<vmem>>, vector<1x16xf32>,
    %swap3A_565 = vector.shape_cast %swap3A_564 : vector<1x16xf32> to vector<16xf32>
    %swap3A_566 = vector.shape_cast %broadcast_in_dim3A_3 : vector<16xf32> to vector<1x16xf32>
    tpu.vector_store %arg5[%swap3A_562, %swap3A_563], %swap3A_566 {strides = array<i32>} : memref<80x128xf32, #tpu.memory_space<vmem>>, vector<1x16xf32>,
    %swap3A_567 = arith.constant 11 : i32
    %swap3A_568 = arith.index_cast %swap3A_567 : i32 to index
    %swap3A_569 = arith.constant 96 : index
    %swap3A_570 = tpu.vector_load %arg5[%swap3A_568, %swap3A_569] {strides = array<i32>} : memref<80x128xf32, #tpu.memory_space<vmem>>, vector<1x16xf32>,
    %swap3A_571 = vector.shape_cast %swap3A_570 : vector<1x16xf32> to vector<16xf32>
    %swap3A_572 = vector.shape_cast %broadcast_in_dim3A_3 : vector<16xf32> to vector<1x16xf32>
    tpu.vector_store %arg5[%swap3A_568, %swap3A_569], %swap3A_572 {strides = array<i32>} : memref<80x128xf32, #tpu.memory_space<vmem>>, vector<1x16xf32>,
    %swap3A_573 = arith.constant 11 : i32
    %swap3A_574 = arith.index_cast %swap3A_573 : i32 to index
    %swap3A_575 = arith.constant 112 : index
    %swap3A_576 = tpu.vector_load %arg5[%swap3A_574, %swap3A_575] {strides = array<i32>} : memref<80x128xf32, #tpu.memory_space<vmem>>, vector<1x16xf32>,
    %swap3A_577 = vector.shape_cast %swap3A_576 : vector<1x16xf32> to vector<16xf32>
    %swap3A_578 = vector.shape_cast %broadcast_in_dim3A_3 : vector<16xf32> to vector<1x16xf32>
    tpu.vector_store %arg5[%swap3A_574, %swap3A_575], %swap3A_578 {strides = array<i32>} : memref<80x128xf32, #tpu.memory_space<vmem>>, vector<1x16xf32>,
    %swap3A_579 = arith.constant 12 : i32
    %swap3A_580 = arith.index_cast %swap3A_579 : i32 to index
    %swap3A_581 = arith.constant 0 : index
    %swap3A_582 = tpu.vector_load %arg5[%swap3A_580, %swap3A_581] {strides = array<i32>} : memref<80x128xf32, #tpu.memory_space<vmem>>, vector<1x16xf32>,
    %swap3A_583 = vector.shape_cast %swap3A_582 : vector<1x16xf32> to vector<16xf32>
    %swap3A_584 = vector.shape_cast %broadcast_in_dim3A_3 : vector<16xf32> to vector<1x16xf32>
    tpu.vector_store %arg5[%swap3A_580, %swap3A_581], %swap3A_584 {strides = array<i32>} : memref<80x128xf32, #tpu.memory_space<vmem>>, vector<1x16xf32>,
    %swap3A_585 = arith.constant 12 : i32
    %swap3A_586 = arith.index_cast %swap3A_585 : i32 to index
    %swap3A_587 = arith.constant 16 : index
    %swap3A_588 = tpu.vector_load %arg5[%swap3A_586, %swap3A_587] {strides = array<i32>} : memref<80x128xf32, #tpu.memory_space<vmem>>, vector<1x16xf32>,
    %swap3A_589 = vector.shape_cast %swap3A_588 : vector<1x16xf32> to vector<16xf32>
    %swap3A_590 = vector.shape_cast %broadcast_in_dim3A_3 : vector<16xf32> to vector<1x16xf32>
    tpu.vector_store %arg5[%swap3A_586, %swap3A_587], %swap3A_590 {strides = array<i32>} : memref<80x128xf32, #tpu.memory_space<vmem>>, vector<1x16xf32>,
    %swap3A_591 = arith.constant 12 : i32
    %swap3A_592 = arith.index_cast %swap3A_591 : i32 to index
    %swap3A_593 = arith.constant 32 : index
    %swap3A_594 = tpu.vector_load %arg5[%swap3A_592, %swap3A_593] {strides = array<i32>} : memref<80x128xf32, #tpu.memory_space<vmem>>, vector<1x16xf32>,
    %swap3A_595 = vector.shape_cast %swap3A_594 : vector<1x16xf32> to vector<16xf32>
    %swap3A_596 = vector.shape_cast %broadcast_in_dim3A_3 : vector<16xf32> to vector<1x16xf32>
    tpu.vector_store %arg5[%swap3A_592, %swap3A_593], %swap3A_596 {strides = array<i32>} : memref<80x128xf32, #tpu.memory_space<vmem>>, vector<1x16xf32>,
    %swap3A_597 = arith.constant 12 : i32
    %swap3A_598 = arith.index_cast %swap3A_597 : i32 to index
    %swap3A_599 = arith.constant 48 : index
    %swap3A_600 = tpu.vector_load %arg5[%swap3A_598, %swap3A_599] {strides = array<i32>} : memref<80x128xf32, #tpu.memory_space<vmem>>, vector<1x16xf32>,
    %swap3A_601 = vector.shape_cast %swap3A_600 : vector<1x16xf32> to vector<16xf32>
    %swap3A_602 = vector.shape_cast %broadcast_in_dim3A_3 : vector<16xf32> to vector<1x16xf32>
    tpu.vector_store %arg5[%swap3A_598, %swap3A_599], %swap3A_602 {strides = array<i32>} : memref<80x128xf32, #tpu.memory_space<vmem>>, vector<1x16xf32>,
    %swap3A_603 = arith.constant 12 : i32
    %swap3A_604 = arith.index_cast %swap3A_603 : i32 to index
    %swap3A_605 = arith.constant 64 : index
    %swap3A_606 = tpu.vector_load %arg5[%swap3A_604, %swap3A_605] {strides = array<i32>} : memref<80x128xf32, #tpu.memory_space<vmem>>, vector<1x16xf32>,
    %swap3A_607 = vector.shape_cast %swap3A_606 : vector<1x16xf32> to vector<16xf32>
    %swap3A_608 = vector.shape_cast %broadcast_in_dim3A_3 : vector<16xf32> to vector<1x16xf32>
    tpu.vector_store %arg5[%swap3A_604, %swap3A_605], %swap3A_608 {strides = array<i32>} : memref<80x128xf32, #tpu.memory_space<vmem>>, vector<1x16xf32>,
    %swap3A_609 = arith.constant 12 : i32
    %swap3A_610 = arith.index_cast %swap3A_609 : i32 to index
    %swap3A_611 = arith.constant 80 : index
    %swap3A_612 = tpu.vector_load %arg5[%swap3A_610, %swap3A_611] {strides = array<i32>} : memref<80x128xf32, #tpu.memory_space<vmem>>, vector<1x16xf32>,
    %swap3A_613 = vector.shape_cast %swap3A_612 : vector<1x16xf32> to vector<16xf32>
    %swap3A_614 = vector.shape_cast %broadcast_in_dim3A_3 : vector<16xf32> to vector<1x16xf32>
    tpu.vector_store %arg5[%swap3A_610, %swap3A_611], %swap3A_614 {strides = array<i32>} : memref<80x128xf32, #tpu.memory_space<vmem>>, vector<1x16xf32>,
    %swap3A_615 = arith.constant 12 : i32
    %swap3A_616 = arith.index_cast %swap3A_615 : i32 to index
    %swap3A_617 = arith.constant 96 : index
    %swap3A_618 = tpu.vector_load %arg5[%swap3A_616, %swap3A_617] {strides = array<i32>} : memref<80x128xf32, #tpu.memory_space<vmem>>, vector<1x16xf32>,
    %swap3A_619 = vector.shape_cast %swap3A_618 : vector<1x16xf32> to vector<16xf32>
    %swap3A_620 = vector.shape_cast %broadcast_in_dim3A_3 : vector<16xf32> to vector<1x16xf32>
    tpu.vector_store %arg5[%swap3A_616, %swap3A_617], %swap3A_620 {strides = array<i32>} : memref<80x128xf32, #tpu.memory_space<vmem>>, vector<1x16xf32>,
    %swap3A_621 = arith.constant 12 : i32
    %swap3A_622 = arith.index_cast %swap3A_621 : i32 to index
    %swap3A_623 = arith.constant 112 : index
    %swap3A_624 = tpu.vector_load %arg5[%swap3A_622, %swap3A_623] {strides = array<i32>} : memref<80x128xf32, #tpu.memory_space<vmem>>, vector<1x16xf32>,
    %swap3A_625 = vector.shape_cast %swap3A_624 : vector<1x16xf32> to vector<16xf32>
    %swap3A_626 = vector.shape_cast %broadcast_in_dim3A_3 : vector<16xf32> to vector<1x16xf32>
    tpu.vector_store %arg5[%swap3A_622, %swap3A_623], %swap3A_626 {strides = array<i32>} : memref<80x128xf32, #tpu.memory_space<vmem>>, vector<1x16xf32>,
    %swap3A_627 = arith.constant 13 : i32
    %swap3A_628 = arith.index_cast %swap3A_627 : i32 to index
    %swap3A_629 = arith.constant 0 : index
    %swap3A_630 = tpu.vector_load %arg5[%swap3A_628, %swap3A_629] {strides = array<i32>} : memref<80x128xf32, #tpu.memory_space<vmem>>, vector<1x16xf32>,
    %swap3A_631 = vector.shape_cast %swap3A_630 : vector<1x16xf32> to vector<16xf32>
    %swap3A_632 = vector.shape_cast %broadcast_in_dim3A_3 : vector<16xf32> to vector<1x16xf32>
    tpu.vector_store %arg5[%swap3A_628, %swap3A_629], %swap3A_632 {strides = array<i32>} : memref<80x128xf32, #tpu.memory_space<vmem>>, vector<1x16xf32>,
    %swap3A_633 = arith.constant 13 : i32
    %swap3A_634 = arith.index_cast %swap3A_633 : i32 to index
    %swap3A_635 = arith.constant 16 : index
    %swap3A_636 = tpu.vector_load %arg5[%swap3A_634, %swap3A_635] {strides = array<i32>} : memref<80x128xf32, #tpu.memory_space<vmem>>, vector<1x16xf32>,
    %swap3A_637 = vector.shape_cast %swap3A_636 : vector<1x16xf32> to vector<16xf32>
    %swap3A_638 = vector.shape_cast %broadcast_in_dim3A_3 : vector<16xf32> to vector<1x16xf32>
    tpu.vector_store %arg5[%swap3A_634, %swap3A_635], %swap3A_638 {strides = array<i32>} : memref<80x128xf32, #tpu.memory_space<vmem>>, vector<1x16xf32>,
    %swap3A_639 = arith.constant 13 : i32
    %swap3A_640 = arith.index_cast %swap3A_639 : i32 to index
    %swap3A_641 = arith.constant 32 : index
    %swap3A_642 = tpu.vector_load %arg5[%swap3A_640, %swap3A_641] {strides = array<i32>} : memref<80x128xf32, #tpu.memory_space<vmem>>, vector<1x16xf32>,
    %swap3A_643 = vector.shape_cast %swap3A_642 : vector<1x16xf32> to vector<16xf32>
    %swap3A_644 = vector.shape_cast %broadcast_in_dim3A_3 : vector<16xf32> to vector<1x16xf32>
    tpu.vector_store %arg5[%swap3A_640, %swap3A_641], %swap3A_644 {strides = array<i32>} : memref<80x128xf32, #tpu.memory_space<vmem>>, vector<1x16xf32>,
    %swap3A_645 = arith.constant 13 : i32
    %swap3A_646 = arith.index_cast %swap3A_645 : i32 to index
    %swap3A_647 = arith.constant 48 : index
    %swap3A_648 = tpu.vector_load %arg5[%swap3A_646, %swap3A_647] {strides = array<i32>} : memref<80x128xf32, #tpu.memory_space<vmem>>, vector<1x16xf32>,
    %swap3A_649 = vector.shape_cast %swap3A_648 : vector<1x16xf32> to vector<16xf32>
    %swap3A_650 = vector.shape_cast %broadcast_in_dim3A_3 : vector<16xf32> to vector<1x16xf32>
    tpu.vector_store %arg5[%swap3A_646, %swap3A_647], %swap3A_650 {strides = array<i32>} : memref<80x128xf32, #tpu.memory_space<vmem>>, vector<1x16xf32>,
    %swap3A_651 = arith.constant 13 : i32
    %swap3A_652 = arith.index_cast %swap3A_651 : i32 to index
    %swap3A_653 = arith.constant 64 : index
    %swap3A_654 = tpu.vector_load %arg5[%swap3A_652, %swap3A_653] {strides = array<i32>} : memref<80x128xf32, #tpu.memory_space<vmem>>, vector<1x16xf32>,
    %swap3A_655 = vector.shape_cast %swap3A_654 : vector<1x16xf32> to vector<16xf32>
    %swap3A_656 = vector.shape_cast %broadcast_in_dim3A_3 : vector<16xf32> to vector<1x16xf32>
    tpu.vector_store %arg5[%swap3A_652, %swap3A_653], %swap3A_656 {strides = array<i32>} : memref<80x128xf32, #tpu.memory_space<vmem>>, vector<1x16xf32>,
    %swap3A_657 = arith.constant 13 : i32
    %swap3A_658 = arith.index_cast %swap3A_657 : i32 to index
    %swap3A_659 = arith.constant 80 : index
    %swap3A_660 = tpu.vector_load %arg5[%swap3A_658, %swap3A_659] {strides = array<i32>} : memref<80x128xf32, #tpu.memory_space<vmem>>, vector<1x16xf32>,
    %swap3A_661 = vector.shape_cast %swap3A_660 : vector<1x16xf32> to vector<16xf32>
    %swap3A_662 = vector.shape_cast %broadcast_in_dim3A_3 : vector<16xf32> to vector<1x16xf32>
    tpu.vector_store %arg5[%swap3A_658, %swap3A_659], %swap3A_662 {strides = array<i32>} : memref<80x128xf32, #tpu.memory_space<vmem>>, vector<1x16xf32>,
    %swap3A_663 = arith.constant 13 : i32
    %swap3A_664 = arith.index_cast %swap3A_663 : i32 to index
    %swap3A_665 = arith.constant 96 : index
    %swap3A_666 = tpu.vector_load %arg5[%swap3A_664, %swap3A_665] {strides = array<i32>} : memref<80x128xf32, #tpu.memory_space<vmem>>, vector<1x16xf32>,
    %swap3A_667 = vector.shape_cast %swap3A_666 : vector<1x16xf32> to vector<16xf32>
    %swap3A_668 = vector.shape_cast %broadcast_in_dim3A_3 : vector<16xf32> to vector<1x16xf32>
    tpu.vector_store %arg5[%swap3A_664, %swap3A_665], %swap3A_668 {strides = array<i32>} : memref<80x128xf32, #tpu.memory_space<vmem>>, vector<1x16xf32>,
    %swap3A_669 = arith.constant 13 : i32
    %swap3A_670 = arith.index_cast %swap3A_669 : i32 to index
    %swap3A_671 = arith.constant 112 : index
    %swap3A_672 = tpu.vector_load %arg5[%swap3A_670, %swap3A_671] {strides = array<i32>} : memref<80x128xf32, #tpu.memory_space<vmem>>, vector<1x16xf32>,
    %swap3A_673 = vector.shape_cast %swap3A_672 : vector<1x16xf32> to vector<16xf32>
    %swap3A_674 = vector.shape_cast %broadcast_in_dim3A_3 : vector<16xf32> to vector<1x16xf32>
    tpu.vector_store %arg5[%swap3A_670, %swap3A_671], %swap3A_674 {strides = array<i32>} : memref<80x128xf32, #tpu.memory_space<vmem>>, vector<1x16xf32>,
    %swap3A_675 = arith.constant 14 : i32
    %swap3A_676 = arith.index_cast %swap3A_675 : i32 to index
    %swap3A_677 = arith.constant 0 : index
    %swap3A_678 = tpu.vector_load %arg5[%swap3A_676, %swap3A_677] {strides = array<i32>} : memref<80x128xf32, #tpu.memory_space<vmem>>, vector<1x16xf32>,
    %swap3A_679 = vector.shape_cast %swap3A_678 : vector<1x16xf32> to vector<16xf32>
    %swap3A_680 = vector.shape_cast %broadcast_in_dim3A_3 : vector<16xf32> to vector<1x16xf32>
    tpu.vector_store %arg5[%swap3A_676, %swap3A_677], %swap3A_680 {strides = array<i32>} : memref<80x128xf32, #tpu.memory_space<vmem>>, vector<1x16xf32>,
    %swap3A_681 = arith.constant 14 : i32
    %swap3A_682 = arith.index_cast %swap3A_681 : i32 to index
    %swap3A_683 = arith.constant 16 : index
    %swap3A_684 = tpu.vector_load %arg5[%swap3A_682, %swap3A_683] {strides = array<i32>} : memref<80x128xf32, #tpu.memory_space<vmem>>, vector<1x16xf32>,
    %swap3A_685 = vector.shape_cast %swap3A_684 : vector<1x16xf32> to vector<16xf32>
    %swap3A_686 = vector.shape_cast %broadcast_in_dim3A_3 : vector<16xf32> to vector<1x16xf32>
    tpu.vector_store %arg5[%swap3A_682, %swap3A_683], %swap3A_686 {strides = array<i32>} : memref<80x128xf32, #tpu.memory_space<vmem>>, vector<1x16xf32>,
    %swap3A_687 = arith.constant 14 : i32
    %swap3A_688 = arith.index_cast %swap3A_687 : i32 to index
    %swap3A_689 = arith.constant 32 : index
    %swap3A_690 = tpu.vector_load %arg5[%swap3A_688, %swap3A_689] {strides = array<i32>} : memref<80x128xf32, #tpu.memory_space<vmem>>, vector<1x16xf32>,
    %swap3A_691 = vector.shape_cast %swap3A_690 : vector<1x16xf32> to vector<16xf32>
    %swap3A_692 = vector.shape_cast %broadcast_in_dim3A_3 : vector<16xf32> to vector<1x16xf32>
    tpu.vector_store %arg5[%swap3A_688, %swap3A_689], %swap3A_692 {strides = array<i32>} : memref<80x128xf32, #tpu.memory_space<vmem>>, vector<1x16xf32>,
    %swap3A_693 = arith.constant 14 : i32
    %swap3A_694 = arith.index_cast %swap3A_693 : i32 to index
    %swap3A_695 = arith.constant 48 : index
    %swap3A_696 = tpu.vector_load %arg5[%swap3A_694, %swap3A_695] {strides = array<i32>} : memref<80x128xf32, #tpu.memory_space<vmem>>, vector<1x16xf32>,
    %swap3A_697 = vector.shape_cast %swap3A_696 : vector<1x16xf32> to vector<16xf32>
    %swap3A_698 = vector.shape_cast %broadcast_in_dim3A_3 : vector<16xf32> to vector<1x16xf32>
    tpu.vector_store %arg5[%swap3A_694, %swap3A_695], %swap3A_698 {strides = array<i32>} : memref<80x128xf32, #tpu.memory_space<vmem>>, vector<1x16xf32>,
    %swap3A_699 = arith.constant 14 : i32
    %swap3A_700 = arith.index_cast %swap3A_699 : i32 to index
    %swap3A_701 = arith.constant 64 : index
    %swap3A_702 = tpu.vector_load %arg5[%swap3A_700, %swap3A_701] {strides = array<i32>} : memref<80x128xf32, #tpu.memory_space<vmem>>, vector<1x16xf32>,
    %swap3A_703 = vector.shape_cast %swap3A_702 : vector<1x16xf32> to vector<16xf32>
    %swap3A_704 = vector.shape_cast %broadcast_in_dim3A_3 : vector<16xf32> to vector<1x16xf32>
    tpu.vector_store %arg5[%swap3A_700, %swap3A_701], %swap3A_704 {strides = array<i32>} : memref<80x128xf32, #tpu.memory_space<vmem>>, vector<1x16xf32>,
    %swap3A_705 = arith.constant 14 : i32
    %swap3A_706 = arith.index_cast %swap3A_705 : i32 to index
    %swap3A_707 = arith.constant 80 : index
    %swap3A_708 = tpu.vector_load %arg5[%swap3A_706, %swap3A_707] {strides = array<i32>} : memref<80x128xf32, #tpu.memory_space<vmem>>, vector<1x16xf32>,
    %swap3A_709 = vector.shape_cast %swap3A_708 : vector<1x16xf32> to vector<16xf32>
    %swap3A_710 = vector.shape_cast %broadcast_in_dim3A_3 : vector<16xf32> to vector<1x16xf32>
    tpu.vector_store %arg5[%swap3A_706, %swap3A_707], %swap3A_710 {strides = array<i32>} : memref<80x128xf32, #tpu.memory_space<vmem>>, vector<1x16xf32>,
    %swap3A_711 = arith.constant 14 : i32
    %swap3A_712 = arith.index_cast %swap3A_711 : i32 to index
    %swap3A_713 = arith.constant 96 : index
    %swap3A_714 = tpu.vector_load %arg5[%swap3A_712, %swap3A_713] {strides = array<i32>} : memref<80x128xf32, #tpu.memory_space<vmem>>, vector<1x16xf32>,
    %swap3A_715 = vector.shape_cast %swap3A_714 : vector<1x16xf32> to vector<16xf32>
    %swap3A_716 = vector.shape_cast %broadcast_in_dim3A_3 : vector<16xf32> to vector<1x16xf32>
    tpu.vector_store %arg5[%swap3A_712, %swap3A_713], %swap3A_716 {strides = array<i32>} : memref<80x128xf32, #tpu.memory_space<vmem>>, vector<1x16xf32>,
    %swap3A_717 = arith.constant 14 : i32
    %swap3A_718 = arith.index_cast %swap3A_717 : i32 to index
    %swap3A_719 = arith.constant 112 : index
    %swap3A_720 = tpu.vector_load %arg5[%swap3A_718, %swap3A_719] {strides = array<i32>} : memref<80x128xf32, #tpu.memory_space<vmem>>, vector<1x16xf32>,
    %swap3A_721 = vector.shape_cast %swap3A_720 : vector<1x16xf32> to vector<16xf32>
    %swap3A_722 = vector.shape_cast %broadcast_in_dim3A_3 : vector<16xf32> to vector<1x16xf32>
    tpu.vector_store %arg5[%swap3A_718, %swap3A_719], %swap3A_722 {strides = array<i32>} : memref<80x128xf32, #tpu.memory_space<vmem>>, vector<1x16xf32>,
    %swap3A_723 = arith.constant 15 : i32
    %swap3A_724 = arith.index_cast %swap3A_723 : i32 to index
    %swap3A_725 = arith.constant 0 : index
    %swap3A_726 = tpu.vector_load %arg5[%swap3A_724, %swap3A_725] {strides = array<i32>} : memref<80x128xf32, #tpu.memory_space<vmem>>, vector<1x16xf32>,
    %swap3A_727 = vector.shape_cast %swap3A_726 : vector<1x16xf32> to vector<16xf32>
    %swap3A_728 = vector.shape_cast %broadcast_in_dim3A_3 : vector<16xf32> to vector<1x16xf32>
    tpu.vector_store %arg5[%swap3A_724, %swap3A_725], %swap3A_728 {strides = array<i32>} : memref<80x128xf32, #tpu.memory_space<vmem>>, vector<1x16xf32>,
    %swap3A_729 = arith.constant 15 : i32
    %swap3A_730 = arith.index_cast %swap3A_729 : i32 to index
    %swap3A_731 = arith.constant 16 : index
    %swap3A_732 = tpu.vector_load %arg5[%swap3A_730, %swap3A_731] {strides = array<i32>} : memref<80x128xf32, #tpu.memory_space<vmem>>, vector<1x16xf32>,
    %swap3A_733 = vector.shape_cast %swap3A_732 : vector<1x16xf32> to vector<16xf32>
    %swap3A_734 = vector.shape_cast %broadcast_in_dim3A_3 : vector<16xf32> to vector<1x16xf32>
    tpu.vector_store %arg5[%swap3A_730, %swap3A_731], %swap3A_734 {strides = array<i32>} : memref<80x128xf32, #tpu.memory_space<vmem>>, vector<1x16xf32>,
    %swap3A_735 = arith.constant 15 : i32
    %swap3A_736 = arith.index_cast %swap3A_735 : i32 to index
    %swap3A_737 = arith.constant 32 : index
    %swap3A_738 = tpu.vector_load %arg5[%swap3A_736, %swap3A_737] {strides = array<i32>} : memref<80x128xf32, #tpu.memory_space<vmem>>, vector<1x16xf32>,
    %swap3A_739 = vector.shape_cast %swap3A_738 : vector<1x16xf32> to vector<16xf32>
    %swap3A_740 = vector.shape_cast %broadcast_in_dim3A_3 : vector<16xf32> to vector<1x16xf32>
    tpu.vector_store %arg5[%swap3A_736, %swap3A_737], %swap3A_740 {strides = array<i32>} : memref<80x128xf32, #tpu.memory_space<vmem>>, vector<1x16xf32>,
    %swap3A_741 = arith.constant 15 : i32
    %swap3A_742 = arith.index_cast %swap3A_741 : i32 to index
    %swap3A_743 = arith.constant 48 : index
    %swap3A_744 = tpu.vector_load %arg5[%swap3A_742, %swap3A_743] {strides = array<i32>} : memref<80x128xf32, #tpu.memory_space<vmem>>, vector<1x16xf32>,
    %swap3A_745 = vector.shape_cast %swap3A_744 : vector<1x16xf32> to vector<16xf32>
    %swap3A_746 = vector.shape_cast %broadcast_in_dim3A_3 : vector<16xf32> to vector<1x16xf32>
    tpu.vector_store %arg5[%swap3A_742, %swap3A_743], %swap3A_746 {strides = array<i32>} : memref<80x128xf32, #tpu.memory_space<vmem>>, vector<1x16xf32>,
    %swap3A_747 = arith.constant 15 : i32
    %swap3A_748 = arith.index_cast %swap3A_747 : i32 to index
    %swap3A_749 = arith.constant 64 : index
    %swap3A_750 = tpu.vector_load %arg5[%swap3A_748, %swap3A_749] {strides = array<i32>} : memref<80x128xf32, #tpu.memory_space<vmem>>, vector<1x16xf32>,
    %swap3A_751 = vector.shape_cast %swap3A_750 : vector<1x16xf32> to vector<16xf32>
    %swap3A_752 = vector.shape_cast %broadcast_in_dim3A_3 : vector<16xf32> to vector<1x16xf32>
    tpu.vector_store %arg5[%swap3A_748, %swap3A_749], %swap3A_752 {strides = array<i32>} : memref<80x128xf32, #tpu.memory_space<vmem>>, vector<1x16xf32>,
    %swap3A_753 = arith.constant 15 : i32
    %swap3A_754 = arith.index_cast %swap3A_753 : i32 to index
    %swap3A_755 = arith.constant 80 : index
    %swap3A_756 = tpu.vector_load %arg5[%swap3A_754, %swap3A_755] {strides = array<i32>} : memref<80x128xf32, #tpu.memory_space<vmem>>, vector<1x16xf32>,
    %swap3A_757 = vector.shape_cast %swap3A_756 : vector<1x16xf32> to vector<16xf32>
    %swap3A_758 = vector.shape_cast %broadcast_in_dim3A_3 : vector<16xf32> to vector<1x16xf32>
    tpu.vector_store %arg5[%swap3A_754, %swap3A_755], %swap3A_758 {strides = array<i32>} : memref<80x128xf32, #tpu.memory_space<vmem>>, vector<1x16xf32>,
    %swap3A_759 = arith.constant 15 : i32
    %swap3A_760 = arith.index_cast %swap3A_759 : i32 to index
    %swap3A_761 = arith.constant 96 : index
    %swap3A_762 = tpu.vector_load %arg5[%swap3A_760, %swap3A_761] {strides = array<i32>} : memref<80x128xf32, #tpu.memory_space<vmem>>, vector<1x16xf32>,
    %swap3A_763 = vector.shape_cast %swap3A_762 : vector<1x16xf32> to vector<16xf32>
    %swap3A_764 = vector.shape_cast %broadcast_in_dim3A_3 : vector<16xf32> to vector<1x16xf32>
    tpu.vector_store %arg5[%swap3A_760, %swap3A_761], %swap3A_764 {strides = array<i32>} : memref<80x128xf32, #tpu.memory_space<vmem>>, vector<1x16xf32>,
    %swap3A_765 = arith.constant 15 : i32
    %swap3A_766 = arith.index_cast %swap3A_765 : i32 to index
    %swap3A_767 = arith.constant 112 : index
    %swap3A_768 = tpu.vector_load %arg5[%swap3A_766, %swap3A_767] {strides = array<i32>} : memref<80x128xf32, #tpu.memory_space<vmem>>, vector<1x16xf32>,
    %swap3A_769 = vector.shape_cast %swap3A_768 : vector<1x16xf32> to vector<16xf32>
    %swap3A_770 = vector.shape_cast %broadcast_in_dim3A_3 : vector<16xf32> to vector<1x16xf32>
    tpu.vector_store %arg5[%swap3A_766, %swap3A_767], %swap3A_770 {strides = array<i32>} : memref<80x128xf32, #tpu.memory_space<vmem>>, vector<1x16xf32>,
    %mul3A_771 = arith.constant 640 : i32
    %mul3A_772 = arith.muli %arg1, %mul3A_771 : i32
    %add3A_773 = arith.constant 0 : i32
    %add3A_774 = arith.addi %mul3A_772, %add3A_773 : i32
    %dma_start3A = arith.constant 0 : i32
    %dma_start3A_775 = arith.constant 0 : i32
    %dma_start3A_776 = tpu.memref_slice %arg5[%dma_start3A, %dma_start3A_775] : memref<80x128xf32, #tpu.memory_space<vmem>> -> memref<16x128xf32, #tpu.memory_space<vmem>>
    %dma_start3A_777 = arith.constant 0 : i32
    %dma_start3A_778 = tpu.memref_slice %arg11[%add3A_774, %dma_start3A_777] : memref<10240x128xf32, #tpu.memory_space<vmem_shared>> -> memref<16x128xf32, #tpu.memory_space<vmem_shared>>
    %dma_start3A_779 = arith.constant 0 : i32
    %dma_start3A_780 = tpu.memref_slice %arg11[%add3A_774, %dma_start3A_779] : memref<10240x128xf32, #tpu.memory_space<vmem_shared>> -> memref<16x128xf32, #tpu.memory_space<vmem_shared>>
    %dma_start3A_781 = arith.constant 0 : i32
    %dma_start3A_782 = arith.constant 0 : i32
    %dma_start3A_783 = tpu.memref_slice %arg5[%dma_start3A_781, %dma_start3A_782] : memref<80x128xf32, #tpu.memory_space<vmem>> -> memref<16x128xf32, #tpu.memory_space<vmem>>
    tpu.enqueue_dma source(%dma_start3A_783 : memref<16x128xf32, #tpu.memory_space<vmem>>) target(%dma_start3A_780 : memref<16x128xf32, #tpu.memory_space<vmem_shared>>) target_semaphore(%arg12 : memref<!tpu.dma_semaphore, #tpu.memory_space<semaphore_mem>>)
    %mul3A_784 = arith.constant 640 : i32
    %mul3A_785 = arith.muli %arg1, %mul3A_784 : i32
    %add3A_786 = arith.constant 16 : i32
    %add3A_787 = arith.addi %mul3A_785, %add3A_786 : i32
    %dma_start3A_788 = arith.constant 0 : i32
    %dma_start3A_789 = arith.constant 0 : i32
    %dma_start3A_790 = tpu.memref_slice %arg5[%dma_start3A_788, %dma_start3A_789] : memref<80x128xf32, #tpu.memory_space<vmem>> -> memref<16x128xf32, #tpu.memory_space<vmem>>
    %dma_start3A_791 = arith.constant 0 : i32
    %dma_start3A_792 = tpu.memref_slice %arg11[%add3A_787, %dma_start3A_791] : memref<10240x128xf32, #tpu.memory_space<vmem_shared>> -> memref<16x128xf32, #tpu.memory_space<vmem_shared>>
    %dma_start3A_793 = arith.constant 0 : i32
    %dma_start3A_794 = tpu.memref_slice %arg11[%add3A_787, %dma_start3A_793] : memref<10240x128xf32, #tpu.memory_space<vmem_shared>> -> memref<16x128xf32, #tpu.memory_space<vmem_shared>>
    %dma_start3A_795 = arith.constant 0 : i32
    %dma_start3A_796 = arith.constant 0 : i32
    %dma_start3A_797 = tpu.memref_slice %arg5[%dma_start3A_795, %dma_start3A_796] : memref<80x128xf32, #tpu.memory_space<vmem>> -> memref<16x128xf32, #tpu.memory_space<vmem>>
    tpu.enqueue_dma source(%dma_start3A_797 : memref<16x128xf32, #tpu.memory_space<vmem>>) target(%dma_start3A_794 : memref<16x128xf32, #tpu.memory_space<vmem_shared>>) target_semaphore(%arg12 : memref<!tpu.dma_semaphore, #tpu.memory_space<semaphore_mem>>)
    %mul3A_798 = arith.constant 640 : i32
    %mul3A_799 = arith.muli %arg1, %mul3A_798 : i32
    %add3A_800 = arith.constant 32 : i32
    %add3A_801 = arith.addi %mul3A_799, %add3A_800 : i32
    %dma_start3A_802 = arith.constant 0 : i32
    %dma_start3A_803 = arith.constant 0 : i32
    %dma_start3A_804 = tpu.memref_slice %arg5[%dma_start3A_802, %dma_start3A_803] : memref<80x128xf32, #tpu.memory_space<vmem>> -> memref<16x128xf32, #tpu.memory_space<vmem>>
    %dma_start3A_805 = arith.constant 0 : i32
    %dma_start3A_806 = tpu.memref_slice %arg11[%add3A_801, %dma_start3A_805] : memref<10240x128xf32, #tpu.memory_space<vmem_shared>> -> memref<16x128xf32, #tpu.memory_space<vmem_shared>>
    %dma_start3A_807 = arith.constant 0 : i32
    %dma_start3A_808 = tpu.memref_slice %arg11[%add3A_801, %dma_start3A_807] : memref<10240x128xf32, #tpu.memory_space<vmem_shared>> -> memref<16x128xf32, #tpu.memory_space<vmem_shared>>
    %dma_start3A_809 = arith.constant 0 : i32
    %dma_start3A_810 = arith.constant 0 : i32
    %dma_start3A_811 = tpu.memref_slice %arg5[%dma_start3A_809, %dma_start3A_810] : memref<80x128xf32, #tpu.memory_space<vmem>> -> memref<16x128xf32, #tpu.memory_space<vmem>>
    tpu.enqueue_dma source(%dma_start3A_811 : memref<16x128xf32, #tpu.memory_space<vmem>>) target(%dma_start3A_808 : memref<16x128xf32, #tpu.memory_space<vmem_shared>>) target_semaphore(%arg12 : memref<!tpu.dma_semaphore, #tpu.memory_space<semaphore_mem>>)
    %mul3A_812 = arith.constant 640 : i32
    %mul3A_813 = arith.muli %arg1, %mul3A_812 : i32
    %add3A_814 = arith.constant 48 : i32
    %add3A_815 = arith.addi %mul3A_813, %add3A_814 : i32
    %dma_start3A_816 = arith.constant 0 : i32
    %dma_start3A_817 = arith.constant 0 : i32
    %dma_start3A_818 = tpu.memref_slice %arg5[%dma_start3A_816, %dma_start3A_817] : memref<80x128xf32, #tpu.memory_space<vmem>> -> memref<16x128xf32, #tpu.memory_space<vmem>>
    %dma_start3A_819 = arith.constant 0 : i32
    %dma_start3A_820 = tpu.memref_slice %arg11[%add3A_815, %dma_start3A_819] : memref<10240x128xf32, #tpu.memory_space<vmem_shared>> -> memref<16x128xf32, #tpu.memory_space<vmem_shared>>
    %dma_start3A_821 = arith.constant 0 : i32
    %dma_start3A_822 = tpu.memref_slice %arg11[%add3A_815, %dma_start3A_821] : memref<10240x128xf32, #tpu.memory_space<vmem_shared>> -> memref<16x128xf32, #tpu.memory_space<vmem_shared>>
    %dma_start3A_823 = arith.constant 0 : i32
    %dma_start3A_824 = arith.constant 0 : i32
    %dma_start3A_825 = tpu.memref_slice %arg5[%dma_start3A_823, %dma_start3A_824] : memref<80x128xf32, #tpu.memory_space<vmem>> -> memref<16x128xf32, #tpu.memory_space<vmem>>
    tpu.enqueue_dma source(%dma_start3A_825 : memref<16x128xf32, #tpu.memory_space<vmem>>) target(%dma_start3A_822 : memref<16x128xf32, #tpu.memory_space<vmem_shared>>) target_semaphore(%arg12 : memref<!tpu.dma_semaphore, #tpu.memory_space<semaphore_mem>>)
    %mul3A_826 = arith.constant 640 : i32
    %mul3A_827 = arith.muli %arg1, %mul3A_826 : i32
    %add3A_828 = arith.constant 64 : i32
    %add3A_829 = arith.addi %mul3A_827, %add3A_828 : i32
    %dma_start3A_830 = arith.constant 0 : i32
    %dma_start3A_831 = arith.constant 0 : i32
    %dma_start3A_832 = tpu.memref_slice %arg5[%dma_start3A_830, %dma_start3A_831] : memref<80x128xf32, #tpu.memory_space<vmem>> -> memref<16x128xf32, #tpu.memory_space<vmem>>
    %dma_start3A_833 = arith.constant 0 : i32
    %dma_start3A_834 = tpu.memref_slice %arg11[%add3A_829, %dma_start3A_833] : memref<10240x128xf32, #tpu.memory_space<vmem_shared>> -> memref<16x128xf32, #tpu.memory_space<vmem_shared>>
    %dma_start3A_835 = arith.constant 0 : i32
    %dma_start3A_836 = tpu.memref_slice %arg11[%add3A_829, %dma_start3A_835] : memref<10240x128xf32, #tpu.memory_space<vmem_shared>> -> memref<16x128xf32, #tpu.memory_space<vmem_shared>>
    %dma_start3A_837 = arith.constant 0 : i32
    %dma_start3A_838 = arith.constant 0 : i32
    %dma_start3A_839 = tpu.memref_slice %arg5[%dma_start3A_837, %dma_start3A_838] : memref<80x128xf32, #tpu.memory_space<vmem>> -> memref<16x128xf32, #tpu.memory_space<vmem>>
    tpu.enqueue_dma source(%dma_start3A_839 : memref<16x128xf32, #tpu.memory_space<vmem>>) target(%dma_start3A_836 : memref<16x128xf32, #tpu.memory_space<vmem_shared>>) target_semaphore(%arg12 : memref<!tpu.dma_semaphore, #tpu.memory_space<semaphore_mem>>)
    %mul3A_840 = arith.constant 640 : i32
    %mul3A_841 = arith.muli %arg1, %mul3A_840 : i32
    %add3A_842 = arith.constant 80 : i32
    %add3A_843 = arith.addi %mul3A_841, %add3A_842 : i32
    %dma_start3A_844 = arith.constant 0 : i32
    %dma_start3A_845 = arith.constant 0 : i32
    %dma_start3A_846 = tpu.memref_slice %arg5[%dma_start3A_844, %dma_start3A_845] : memref<80x128xf32, #tpu.memory_space<vmem>> -> memref<16x128xf32, #tpu.memory_space<vmem>>
    %dma_start3A_847 = arith.constant 0 : i32
    %dma_start3A_848 = tpu.memref_slice %arg11[%add3A_843, %dma_start3A_847] : memref<10240x128xf32, #tpu.memory_space<vmem_shared>> -> memref<16x128xf32, #tpu.memory_space<vmem_shared>>
    %dma_start3A_849 = arith.constant 0 : i32
    %dma_start3A_850 = tpu.memref_slice %arg11[%add3A_843, %dma_start3A_849] : memref<10240x128xf32, #tpu.memory_space<vmem_shared>> -> memref<16x128xf32, #tpu.memory_space<vmem_shared>>
    %dma_start3A_851 = arith.constant 0 : i32
    %dma_start3A_852 = arith.constant 0 : i32
    %dma_start3A_853 = tpu.memref_slice %arg5[%dma_start3A_851, %dma_start3A_852] : memref<80x128xf32, #tpu.memory_space<vmem>> -> memref<16x128xf32, #tpu.memory_space<vmem>>
    tpu.enqueue_dma source(%dma_start3A_853 : memref<16x128xf32, #tpu.memory_space<vmem>>) target(%dma_start3A_850 : memref<16x128xf32, #tpu.memory_space<vmem_shared>>) target_semaphore(%arg12 : memref<!tpu.dma_semaphore, #tpu.memory_space<semaphore_mem>>)
    %mul3A_854 = arith.constant 640 : i32
    %mul3A_855 = arith.muli %arg1, %mul3A_854 : i32
    %add3A_856 = arith.constant 96 : i32
    %add3A_857 = arith.addi %mul3A_855, %add3A_856 : i32
    %dma_start3A_858 = arith.constant 0 : i32
    %dma_start3A_859 = arith.constant 0 : i32
    %dma_start3A_860 = tpu.memref_slice %arg5[%dma_start3A_858, %dma_start3A_859] : memref<80x128xf32, #tpu.memory_space<vmem>> -> memref<16x128xf32, #tpu.memory_space<vmem>>
    %dma_start3A_861 = arith.constant 0 : i32
    %dma_start3A_862 = tpu.memref_slice %arg11[%add3A_857, %dma_start3A_861] : memref<10240x128xf32, #tpu.memory_space<vmem_shared>> -> memref<16x128xf32, #tpu.memory_space<vmem_shared>>
    %dma_start3A_863 = arith.constant 0 : i32
    %dma_start3A_864 = tpu.memref_slice %arg11[%add3A_857, %dma_start3A_863] : memref<10240x128xf32, #tpu.memory_space<vmem_shared>> -> memref<16x128xf32, #tpu.memory_space<vmem_shared>>
    %dma_start3A_865 = arith.constant 0 : i32
    %dma_start3A_866 = arith.constant 0 : i32
    %dma_start3A_867 = tpu.memref_slice %arg5[%dma_start3A_865, %dma_start3A_866] : memref<80x128xf32, #tpu.memory_space<vmem>> -> memref<16x128xf32, #tpu.memory_space<vmem>>
    tpu.enqueue_dma source(%dma_start3A_867 : memref<16x128xf32, #tpu.memory_space<vmem>>) target(%dma_start3A_864 : memref<16x128xf32, #tpu.memory_space<vmem_shared>>) target_semaphore(%arg12 : memref<!tpu.dma_semaphore, #tpu.memory_space<semaphore_mem>>)
    %mul3A_868 = arith.constant 640 : i32
    %mul3A_869 = arith.muli %arg1, %mul3A_868 : i32
    %add3A_870 = arith.constant 112 : i32
    %add3A_871 = arith.addi %mul3A_869, %add3A_870 : i32
    %dma_start3A_872 = arith.constant 0 : i32
    %dma_start3A_873 = arith.constant 0 : i32
    %dma_start3A_874 = tpu.memref_slice %arg5[%dma_start3A_872, %dma_start3A_873] : memref<80x128xf32, #tpu.memory_space<vmem>> -> memref<16x128xf32, #tpu.memory_space<vmem>>
    %dma_start3A_875 = arith.constant 0 : i32
    %dma_start3A_876 = tpu.memref_slice %arg11[%add3A_871, %dma_start3A_875] : memref<10240x128xf32, #tpu.memory_space<vmem_shared>> -> memref<16x128xf32, #tpu.memory_space<vmem_shared>>
    %dma_start3A_877 = arith.constant 0 : i32
    %dma_start3A_878 = tpu.memref_slice %arg11[%add3A_871, %dma_start3A_877] : memref<10240x128xf32, #tpu.memory_space<vmem_shared>> -> memref<16x128xf32, #tpu.memory_space<vmem_shared>>
    %dma_start3A_879 = arith.constant 0 : i32
    %dma_start3A_880 = arith.constant 0 : i32
    %dma_start3A_881 = tpu.memref_slice %arg5[%dma_start3A_879, %dma_start3A_880] : memref<80x128xf32, #tpu.memory_space<vmem>> -> memref<16x128xf32, #tpu.memory_space<vmem>>
    tpu.enqueue_dma source(%dma_start3A_881 : memref<16x128xf32, #tpu.memory_space<vmem>>) target(%dma_start3A_878 : memref<16x128xf32, #tpu.memory_space<vmem_shared>>) target_semaphore(%arg12 : memref<!tpu.dma_semaphore, #tpu.memory_space<semaphore_mem>>)
    %mul3A_882 = arith.constant 640 : i32
    %mul3A_883 = arith.muli %arg1, %mul3A_882 : i32
    %add3A_884 = arith.constant 128 : i32
    %add3A_885 = arith.addi %mul3A_883, %add3A_884 : i32
    %dma_start3A_886 = arith.constant 0 : i32
    %dma_start3A_887 = arith.constant 0 : i32
    %dma_start3A_888 = tpu.memref_slice %arg5[%dma_start3A_886, %dma_start3A_887] : memref<80x128xf32, #tpu.memory_space<vmem>> -> memref<16x128xf32, #tpu.memory_space<vmem>>
    %dma_start3A_889 = arith.constant 0 : i32
    %dma_start3A_890 = tpu.memref_slice %arg11[%add3A_885, %dma_start3A_889] : memref<10240x128xf32, #tpu.memory_space<vmem_shared>> -> memref<16x128xf32, #tpu.memory_space<vmem_shared>>
    %dma_start3A_891 = arith.constant 0 : i32
    %dma_start3A_892 = tpu.memref_slice %arg11[%add3A_885, %dma_start3A_891] : memref<10240x128xf32, #tpu.memory_space<vmem_shared>> -> memref<16x128xf32, #tpu.memory_space<vmem_shared>>
    %dma_start3A_893 = arith.constant 0 : i32
    %dma_start3A_894 = arith.constant 0 : i32
    %dma_start3A_895 = tpu.memref_slice %arg5[%dma_start3A_893, %dma_start3A_894] : memref<80x128xf32, #tpu.memory_space<vmem>> -> memref<16x128xf32, #tpu.memory_space<vmem>>
    tpu.enqueue_dma source(%dma_start3A_895 : memref<16x128xf32, #tpu.memory_space<vmem>>) target(%dma_start3A_892 : memref<16x128xf32, #tpu.memory_space<vmem_shared>>) target_semaphore(%arg12 : memref<!tpu.dma_semaphore, #tpu.memory_space<semaphore_mem>>)
    %mul3A_896 = arith.constant 640 : i32
    %mul3A_897 = arith.muli %arg1, %mul3A_896 : i32
    %add3A_898 = arith.constant 144 : i32
    %add3A_899 = arith.addi %mul3A_897, %add3A_898 : i32
    %dma_start3A_900 = arith.constant 0 : i32
    %dma_start3A_901 = arith.constant 0 : i32
    %dma_start3A_902 = tpu.memref_slice %arg5[%dma_start3A_900, %dma_start3A_901] : memref<80x128xf32, #tpu.memory_space<vmem>> -> memref<16x128xf32, #tpu.memory_space<vmem>>
    %dma_start3A_903 = arith.constant 0 : i32
    %dma_start3A_904 = tpu.memref_slice %arg11[%add3A_899, %dma_start3A_903] : memref<10240x128xf32, #tpu.memory_space<vmem_shared>> -> memref<16x128xf32, #tpu.memory_space<vmem_shared>>
    %dma_start3A_905 = arith.constant 0 : i32
    %dma_start3A_906 = tpu.memref_slice %arg11[%add3A_899, %dma_start3A_905] : memref<10240x128xf32, #tpu.memory_space<vmem_shared>> -> memref<16x128xf32, #tpu.memory_space<vmem_shared>>
    %dma_start3A_907 = arith.constant 0 : i32
    %dma_start3A_908 = arith.constant 0 : i32
    %dma_start3A_909 = tpu.memref_slice %arg5[%dma_start3A_907, %dma_start3A_908] : memref<80x128xf32, #tpu.memory_space<vmem>> -> memref<16x128xf32, #tpu.memory_space<vmem>>
    tpu.enqueue_dma source(%dma_start3A_909 : memref<16x128xf32, #tpu.memory_space<vmem>>) target(%dma_start3A_906 : memref<16x128xf32, #tpu.memory_space<vmem_shared>>) target_semaphore(%arg12 : memref<!tpu.dma_semaphore, #tpu.memory_space<semaphore_mem>>)
    %mul3A_910 = arith.constant 640 : i32
    %mul3A_911 = arith.muli %arg1, %mul3A_910 : i32
    %add3A_912 = arith.constant 160 : i32
    %add3A_913 = arith.addi %mul3A_911, %add3A_912 : i32
    %dma_start3A_914 = arith.constant 0 : i32
    %dma_start3A_915 = arith.constant 0 : i32
    %dma_start3A_916 = tpu.memref_slice %arg5[%dma_start3A_914, %dma_start3A_915] : memref<80x128xf32, #tpu.memory_space<vmem>> -> memref<16x128xf32, #tpu.memory_space<vmem>>
    %dma_start3A_917 = arith.constant 0 : i32
    %dma_start3A_918 = tpu.memref_slice %arg11[%add3A_913, %dma_start3A_917] : memref<10240x128xf32, #tpu.memory_space<vmem_shared>> -> memref<16x128xf32, #tpu.memory_space<vmem_shared>>
    %dma_start3A_919 = arith.constant 0 : i32
    %dma_start3A_920 = tpu.memref_slice %arg11[%add3A_913, %dma_start3A_919] : memref<10240x128xf32, #tpu.memory_space<vmem_shared>> -> memref<16x128xf32, #tpu.memory_space<vmem_shared>>
    %dma_start3A_921 = arith.constant 0 : i32
    %dma_start3A_922 = arith.constant 0 : i32
    %dma_start3A_923 = tpu.memref_slice %arg5[%dma_start3A_921, %dma_start3A_922] : memref<80x128xf32, #tpu.memory_space<vmem>> -> memref<16x128xf32, #tpu.memory_space<vmem>>
    tpu.enqueue_dma source(%dma_start3A_923 : memref<16x128xf32, #tpu.memory_space<vmem>>) target(%dma_start3A_920 : memref<16x128xf32, #tpu.memory_space<vmem_shared>>) target_semaphore(%arg12 : memref<!tpu.dma_semaphore, #tpu.memory_space<semaphore_mem>>)
    %mul3A_924 = arith.constant 640 : i32
    %mul3A_925 = arith.muli %arg1, %mul3A_924 : i32
    %add3A_926 = arith.constant 176 : i32
    %add3A_927 = arith.addi %mul3A_925, %add3A_926 : i32
    %dma_start3A_928 = arith.constant 0 : i32
    %dma_start3A_929 = arith.constant 0 : i32
    %dma_start3A_930 = tpu.memref_slice %arg5[%dma_start3A_928, %dma_start3A_929] : memref<80x128xf32, #tpu.memory_space<vmem>> -> memref<16x128xf32, #tpu.memory_space<vmem>>
    %dma_start3A_931 = arith.constant 0 : i32
    %dma_start3A_932 = tpu.memref_slice %arg11[%add3A_927, %dma_start3A_931] : memref<10240x128xf32, #tpu.memory_space<vmem_shared>> -> memref<16x128xf32, #tpu.memory_space<vmem_shared>>
    %dma_start3A_933 = arith.constant 0 : i32
    %dma_start3A_934 = tpu.memref_slice %arg11[%add3A_927, %dma_start3A_933] : memref<10240x128xf32, #tpu.memory_space<vmem_shared>> -> memref<16x128xf32, #tpu.memory_space<vmem_shared>>
    %dma_start3A_935 = arith.constant 0 : i32
    %dma_start3A_936 = arith.constant 0 : i32
    %dma_start3A_937 = tpu.memref_slice %arg5[%dma_start3A_935, %dma_start3A_936] : memref<80x128xf32, #tpu.memory_space<vmem>> -> memref<16x128xf32, #tpu.memory_space<vmem>>
    tpu.enqueue_dma source(%dma_start3A_937 : memref<16x128xf32, #tpu.memory_space<vmem>>) target(%dma_start3A_934 : memref<16x128xf32, #tpu.memory_space<vmem_shared>>) target_semaphore(%arg12 : memref<!tpu.dma_semaphore, #tpu.memory_space<semaphore_mem>>)
    %mul3A_938 = arith.constant 640 : i32
    %mul3A_939 = arith.muli %arg1, %mul3A_938 : i32
    %add3A_940 = arith.constant 192 : i32
    %add3A_941 = arith.addi %mul3A_939, %add3A_940 : i32
    %dma_start3A_942 = arith.constant 0 : i32
    %dma_start3A_943 = arith.constant 0 : i32
    %dma_start3A_944 = tpu.memref_slice %arg5[%dma_start3A_942, %dma_start3A_943] : memref<80x128xf32, #tpu.memory_space<vmem>> -> memref<16x128xf32, #tpu.memory_space<vmem>>
    %dma_start3A_945 = arith.constant 0 : i32
    %dma_start3A_946 = tpu.memref_slice %arg11[%add3A_941, %dma_start3A_945] : memref<10240x128xf32, #tpu.memory_space<vmem_shared>> -> memref<16x128xf32, #tpu.memory_space<vmem_shared>>
    %dma_start3A_947 = arith.constant 0 : i32
    %dma_start3A_948 = tpu.memref_slice %arg11[%add3A_941, %dma_start3A_947] : memref<10240x128xf32, #tpu.memory_space<vmem_shared>> -> memref<16x128xf32, #tpu.memory_space<vmem_shared>>
    %dma_start3A_949 = arith.constant 0 : i32
    %dma_start3A_950 = arith.constant 0 : i32
    %dma_start3A_951 = tpu.memref_slice %arg5[%dma_start3A_949, %dma_start3A_950] : memref<80x128xf32, #tpu.memory_space<vmem>> -> memref<16x128xf32, #tpu.memory_space<vmem>>
    tpu.enqueue_dma source(%dma_start3A_951 : memref<16x128xf32, #tpu.memory_space<vmem>>) target(%dma_start3A_948 : memref<16x128xf32, #tpu.memory_space<vmem_shared>>) target_semaphore(%arg12 : memref<!tpu.dma_semaphore, #tpu.memory_space<semaphore_mem>>)
    %mul3A_952 = arith.constant 640 : i32
    %mul3A_953 = arith.muli %arg1, %mul3A_952 : i32
    %add3A_954 = arith.constant 208 : i32
    %add3A_955 = arith.addi %mul3A_953, %add3A_954 : i32
    %dma_start3A_956 = arith.constant 0 : i32
    %dma_start3A_957 = arith.constant 0 : i32
    %dma_start3A_958 = tpu.memref_slice %arg5[%dma_start3A_956, %dma_start3A_957] : memref<80x128xf32, #tpu.memory_space<vmem>> -> memref<16x128xf32, #tpu.memory_space<vmem>>
    %dma_start3A_959 = arith.constant 0 : i32
    %dma_start3A_960 = tpu.memref_slice %arg11[%add3A_955, %dma_start3A_959] : memref<10240x128xf32, #tpu.memory_space<vmem_shared>> -> memref<16x128xf32, #tpu.memory_space<vmem_shared>>
    %dma_start3A_961 = arith.constant 0 : i32
    %dma_start3A_962 = tpu.memref_slice %arg11[%add3A_955, %dma_start3A_961] : memref<10240x128xf32, #tpu.memory_space<vmem_shared>> -> memref<16x128xf32, #tpu.memory_space<vmem_shared>>
    %dma_start3A_963 = arith.constant 0 : i32
    %dma_start3A_964 = arith.constant 0 : i32
    %dma_start3A_965 = tpu.memref_slice %arg5[%dma_start3A_963, %dma_start3A_964] : memref<80x128xf32, #tpu.memory_space<vmem>> -> memref<16x128xf32, #tpu.memory_space<vmem>>
    tpu.enqueue_dma source(%dma_start3A_965 : memref<16x128xf32, #tpu.memory_space<vmem>>) target(%dma_start3A_962 : memref<16x128xf32, #tpu.memory_space<vmem_shared>>) target_semaphore(%arg12 : memref<!tpu.dma_semaphore, #tpu.memory_space<semaphore_mem>>)
    %mul3A_966 = arith.constant 640 : i32
    %mul3A_967 = arith.muli %arg1, %mul3A_966 : i32
    %add3A_968 = arith.constant 224 : i32
    %add3A_969 = arith.addi %mul3A_967, %add3A_968 : i32
    %dma_start3A_970 = arith.constant 0 : i32
    %dma_start3A_971 = arith.constant 0 : i32
    %dma_start3A_972 = tpu.memref_slice %arg5[%dma_start3A_970, %dma_start3A_971] : memref<80x128xf32, #tpu.memory_space<vmem>> -> memref<16x128xf32, #tpu.memory_space<vmem>>
    %dma_start3A_973 = arith.constant 0 : i32
    %dma_start3A_974 = tpu.memref_slice %arg11[%add3A_969, %dma_start3A_973] : memref<10240x128xf32, #tpu.memory_space<vmem_shared>> -> memref<16x128xf32, #tpu.memory_space<vmem_shared>>
    %dma_start3A_975 = arith.constant 0 : i32
    %dma_start3A_976 = tpu.memref_slice %arg11[%add3A_969, %dma_start3A_975] : memref<10240x128xf32, #tpu.memory_space<vmem_shared>> -> memref<16x128xf32, #tpu.memory_space<vmem_shared>>
    %dma_start3A_977 = arith.constant 0 : i32
    %dma_start3A_978 = arith.constant 0 : i32
    %dma_start3A_979 = tpu.memref_slice %arg5[%dma_start3A_977, %dma_start3A_978] : memref<80x128xf32, #tpu.memory_space<vmem>> -> memref<16x128xf32, #tpu.memory_space<vmem>>
    tpu.enqueue_dma source(%dma_start3A_979 : memref<16x128xf32, #tpu.memory_space<vmem>>) target(%dma_start3A_976 : memref<16x128xf32, #tpu.memory_space<vmem_shared>>) target_semaphore(%arg12 : memref<!tpu.dma_semaphore, #tpu.memory_space<semaphore_mem>>)
    %mul3A_980 = arith.constant 640 : i32
    %mul3A_981 = arith.muli %arg1, %mul3A_980 : i32
    %add3A_982 = arith.constant 240 : i32
    %add3A_983 = arith.addi %mul3A_981, %add3A_982 : i32
    %dma_start3A_984 = arith.constant 0 : i32
    %dma_start3A_985 = arith.constant 0 : i32
    %dma_start3A_986 = tpu.memref_slice %arg5[%dma_start3A_984, %dma_start3A_985] : memref<80x128xf32, #tpu.memory_space<vmem>> -> memref<16x128xf32, #tpu.memory_space<vmem>>
    %dma_start3A_987 = arith.constant 0 : i32
    %dma_start3A_988 = tpu.memref_slice %arg11[%add3A_983, %dma_start3A_987] : memref<10240x128xf32, #tpu.memory_space<vmem_shared>> -> memref<16x128xf32, #tpu.memory_space<vmem_shared>>
    %dma_start3A_989 = arith.constant 0 : i32
    %dma_start3A_990 = tpu.memref_slice %arg11[%add3A_983, %dma_start3A_989] : memref<10240x128xf32, #tpu.memory_space<vmem_shared>> -> memref<16x128xf32, #tpu.memory_space<vmem_shared>>
    %dma_start3A_991 = arith.constant 0 : i32
    %dma_start3A_992 = arith.constant 0 : i32
    %dma_start3A_993 = tpu.memref_slice %arg5[%dma_start3A_991, %dma_start3A_992] : memref<80x128xf32, #tpu.memory_space<vmem>> -> memref<16x128xf32, #tpu.memory_space<vmem>>
    tpu.enqueue_dma source(%dma_start3A_993 : memref<16x128xf32, #tpu.memory_space<vmem>>) target(%dma_start3A_990 : memref<16x128xf32, #tpu.memory_space<vmem_shared>>) target_semaphore(%arg12 : memref<!tpu.dma_semaphore, #tpu.memory_space<semaphore_mem>>)
    %mul3A_994 = arith.constant 640 : i32
    %mul3A_995 = arith.muli %arg1, %mul3A_994 : i32
    %add3A_996 = arith.constant 256 : i32
    %add3A_997 = arith.addi %mul3A_995, %add3A_996 : i32
    %dma_start3A_998 = arith.constant 0 : i32
    %dma_start3A_999 = arith.constant 0 : i32
    %dma_start3A_1000 = tpu.memref_slice %arg5[%dma_start3A_998, %dma_start3A_999] : memref<80x128xf32, #tpu.memory_space<vmem>> -> memref<16x128xf32, #tpu.memory_space<vmem>>
    %dma_start3A_1001 = arith.constant 0 : i32
    %dma_start3A_1002 = tpu.memref_slice %arg11[%add3A_997, %dma_start3A_1001] : memref<10240x128xf32, #tpu.memory_space<vmem_shared>> -> memref<16x128xf32, #tpu.memory_space<vmem_shared>>
    %dma_start3A_1003 = arith.constant 0 : i32
    %dma_start3A_1004 = tpu.memref_slice %arg11[%add3A_997, %dma_start3A_1003] : memref<10240x128xf32, #tpu.memory_space<vmem_shared>> -> memref<16x128xf32, #tpu.memory_space<vmem_shared>>
    %dma_start3A_1005 = arith.constant 0 : i32
    %dma_start3A_1006 = arith.constant 0 : i32
    %dma_start3A_1007 = tpu.memref_slice %arg5[%dma_start3A_1005, %dma_start3A_1006] : memref<80x128xf32, #tpu.memory_space<vmem>> -> memref<16x128xf32, #tpu.memory_space<vmem>>
    tpu.enqueue_dma source(%dma_start3A_1007 : memref<16x128xf32, #tpu.memory_space<vmem>>) target(%dma_start3A_1004 : memref<16x128xf32, #tpu.memory_space<vmem_shared>>) target_semaphore(%arg12 : memref<!tpu.dma_semaphore, #tpu.memory_space<semaphore_mem>>)
    %mul3A_1008 = arith.constant 640 : i32
    %mul3A_1009 = arith.muli %arg1, %mul3A_1008 : i32
    %add3A_1010 = arith.constant 272 : i32
    %add3A_1011 = arith.addi %mul3A_1009, %add3A_1010 : i32
    %dma_start3A_1012 = arith.constant 0 : i32
    %dma_start3A_1013 = arith.constant 0 : i32
    %dma_start3A_1014 = tpu.memref_slice %arg5[%dma_start3A_1012, %dma_start3A_1013] : memref<80x128xf32, #tpu.memory_space<vmem>> -> memref<16x128xf32, #tpu.memory_space<vmem>>
    %dma_start3A_1015 = arith.constant 0 : i32
    %dma_start3A_1016 = tpu.memref_slice %arg11[%add3A_1011, %dma_start3A_1015] : memref<10240x128xf32, #tpu.memory_space<vmem_shared>> -> memref<16x128xf32, #tpu.memory_space<vmem_shared>>
    %dma_start3A_1017 = arith.constant 0 : i32
    %dma_start3A_1018 = tpu.memref_slice %arg11[%add3A_1011, %dma_start3A_1017] : memref<10240x128xf32, #tpu.memory_space<vmem_shared>> -> memref<16x128xf32, #tpu.memory_space<vmem_shared>>
    %dma_start3A_1019 = arith.constant 0 : i32
    %dma_start3A_1020 = arith.constant 0 : i32
    %dma_start3A_1021 = tpu.memref_slice %arg5[%dma_start3A_1019, %dma_start3A_1020] : memref<80x128xf32, #tpu.memory_space<vmem>> -> memref<16x128xf32, #tpu.memory_space<vmem>>
    tpu.enqueue_dma source(%dma_start3A_1021 : memref<16x128xf32, #tpu.memory_space<vmem>>) target(%dma_start3A_1018 : memref<16x128xf32, #tpu.memory_space<vmem_shared>>) target_semaphore(%arg12 : memref<!tpu.dma_semaphore, #tpu.memory_space<semaphore_mem>>)
    %mul3A_1022 = arith.constant 640 : i32
    %mul3A_1023 = arith.muli %arg1, %mul3A_1022 : i32
    %add3A_1024 = arith.constant 288 : i32
    %add3A_1025 = arith.addi %mul3A_1023, %add3A_1024 : i32
    %dma_start3A_1026 = arith.constant 0 : i32
    %dma_start3A_1027 = arith.constant 0 : i32
    %dma_start3A_1028 = tpu.memref_slice %arg5[%dma_start3A_1026, %dma_start3A_1027] : memref<80x128xf32, #tpu.memory_space<vmem>> -> memref<16x128xf32, #tpu.memory_space<vmem>>
    %dma_start3A_1029 = arith.constant 0 : i32
    %dma_start3A_1030 = tpu.memref_slice %arg11[%add3A_1025, %dma_start3A_1029] : memref<10240x128xf32, #tpu.memory_space<vmem_shared>> -> memref<16x128xf32, #tpu.memory_space<vmem_shared>>
    %dma_start3A_1031 = arith.constant 0 : i32
    %dma_start3A_1032 = tpu.memref_slice %arg11[%add3A_1025, %dma_start3A_1031] : memref<10240x128xf32, #tpu.memory_space<vmem_shared>> -> memref<16x128xf32, #tpu.memory_space<vmem_shared>>
    %dma_start3A_1033 = arith.constant 0 : i32
    %dma_start3A_1034 = arith.constant 0 : i32
    %dma_start3A_1035 = tpu.memref_slice %arg5[%dma_start3A_1033, %dma_start3A_1034] : memref<80x128xf32, #tpu.memory_space<vmem>> -> memref<16x128xf32, #tpu.memory_space<vmem>>
    tpu.enqueue_dma source(%dma_start3A_1035 : memref<16x128xf32, #tpu.memory_space<vmem>>) target(%dma_start3A_1032 : memref<16x128xf32, #tpu.memory_space<vmem_shared>>) target_semaphore(%arg12 : memref<!tpu.dma_semaphore, #tpu.memory_space<semaphore_mem>>)
    %mul3A_1036 = arith.constant 640 : i32
    %mul3A_1037 = arith.muli %arg1, %mul3A_1036 : i32
    %add3A_1038 = arith.constant 304 : i32
    %add3A_1039 = arith.addi %mul3A_1037, %add3A_1038 : i32
    %dma_start3A_1040 = arith.constant 0 : i32
    %dma_start3A_1041 = arith.constant 0 : i32
    %dma_start3A_1042 = tpu.memref_slice %arg5[%dma_start3A_1040, %dma_start3A_1041] : memref<80x128xf32, #tpu.memory_space<vmem>> -> memref<16x128xf32, #tpu.memory_space<vmem>>
    %dma_start3A_1043 = arith.constant 0 : i32
    %dma_start3A_1044 = tpu.memref_slice %arg11[%add3A_1039, %dma_start3A_1043] : memref<10240x128xf32, #tpu.memory_space<vmem_shared>> -> memref<16x128xf32, #tpu.memory_space<vmem_shared>>
    %dma_start3A_1045 = arith.constant 0 : i32
    %dma_start3A_1046 = tpu.memref_slice %arg11[%add3A_1039, %dma_start3A_1045] : memref<10240x128xf32, #tpu.memory_space<vmem_shared>> -> memref<16x128xf32, #tpu.memory_space<vmem_shared>>
    %dma_start3A_1047 = arith.constant 0 : i32
    %dma_start3A_1048 = arith.constant 0 : i32
    %dma_start3A_1049 = tpu.memref_slice %arg5[%dma_start3A_1047, %dma_start3A_1048] : memref<80x128xf32, #tpu.memory_space<vmem>> -> memref<16x128xf32, #tpu.memory_space<vmem>>
    tpu.enqueue_dma source(%dma_start3A_1049 : memref<16x128xf32, #tpu.memory_space<vmem>>) target(%dma_start3A_1046 : memref<16x128xf32, #tpu.memory_space<vmem_shared>>) target_semaphore(%arg12 : memref<!tpu.dma_semaphore, #tpu.memory_space<semaphore_mem>>)
    %mul3A_1050 = arith.constant 640 : i32
    %mul3A_1051 = arith.muli %arg1, %mul3A_1050 : i32
    %add3A_1052 = arith.constant 320 : i32
    %add3A_1053 = arith.addi %mul3A_1051, %add3A_1052 : i32
    %dma_start3A_1054 = arith.constant 0 : i32
    %dma_start3A_1055 = arith.constant 0 : i32
    %dma_start3A_1056 = tpu.memref_slice %arg5[%dma_start3A_1054, %dma_start3A_1055] : memref<80x128xf32, #tpu.memory_space<vmem>> -> memref<16x128xf32, #tpu.memory_space<vmem>>
    %dma_start3A_1057 = arith.constant 0 : i32
    %dma_start3A_1058 = tpu.memref_slice %arg11[%add3A_1053, %dma_start3A_1057] : memref<10240x128xf32, #tpu.memory_space<vmem_shared>> -> memref<16x128xf32, #tpu.memory_space<vmem_shared>>
    %dma_start3A_1059 = arith.constant 0 : i32
    %dma_start3A_1060 = tpu.memref_slice %arg11[%add3A_1053, %dma_start3A_1059] : memref<10240x128xf32, #tpu.memory_space<vmem_shared>> -> memref<16x128xf32, #tpu.memory_space<vmem_shared>>
    %dma_start3A_1061 = arith.constant 0 : i32
    %dma_start3A_1062 = arith.constant 0 : i32
    %dma_start3A_1063 = tpu.memref_slice %arg5[%dma_start3A_1061, %dma_start3A_1062] : memref<80x128xf32, #tpu.memory_space<vmem>> -> memref<16x128xf32, #tpu.memory_space<vmem>>
    tpu.enqueue_dma source(%dma_start3A_1063 : memref<16x128xf32, #tpu.memory_space<vmem>>) target(%dma_start3A_1060 : memref<16x128xf32, #tpu.memory_space<vmem_shared>>) target_semaphore(%arg12 : memref<!tpu.dma_semaphore, #tpu.memory_space<semaphore_mem>>)
    %mul3A_1064 = arith.constant 640 : i32
    %mul3A_1065 = arith.muli %arg1, %mul3A_1064 : i32
    %add3A_1066 = arith.constant 336 : i32
    %add3A_1067 = arith.addi %mul3A_1065, %add3A_1066 : i32
    %dma_start3A_1068 = arith.constant 0 : i32
    %dma_start3A_1069 = arith.constant 0 : i32
    %dma_start3A_1070 = tpu.memref_slice %arg5[%dma_start3A_1068, %dma_start3A_1069] : memref<80x128xf32, #tpu.memory_space<vmem>> -> memref<16x128xf32, #tpu.memory_space<vmem>>
    %dma_start3A_1071 = arith.constant 0 : i32
    %dma_start3A_1072 = tpu.memref_slice %arg11[%add3A_1067, %dma_start3A_1071] : memref<10240x128xf32, #tpu.memory_space<vmem_shared>> -> memref<16x128xf32, #tpu.memory_space<vmem_shared>>
    %dma_start3A_1073 = arith.constant 0 : i32
    %dma_start3A_1074 = tpu.memref_slice %arg11[%add3A_1067, %dma_start3A_1073] : memref<10240x128xf32, #tpu.memory_space<vmem_shared>> -> memref<16x128xf32, #tpu.memory_space<vmem_shared>>
    %dma_start3A_1075 = arith.constant 0 : i32
    %dma_start3A_1076 = arith.constant 0 : i32
    %dma_start3A_1077 = tpu.memref_slice %arg5[%dma_start3A_1075, %dma_start3A_1076] : memref<80x128xf32, #tpu.memory_space<vmem>> -> memref<16x128xf32, #tpu.memory_space<vmem>>
    tpu.enqueue_dma source(%dma_start3A_1077 : memref<16x128xf32, #tpu.memory_space<vmem>>) target(%dma_start3A_1074 : memref<16x128xf32, #tpu.memory_space<vmem_shared>>) target_semaphore(%arg12 : memref<!tpu.dma_semaphore, #tpu.memory_space<semaphore_mem>>)
    %mul3A_1078 = arith.constant 640 : i32
    %mul3A_1079 = arith.muli %arg1, %mul3A_1078 : i32
    %add3A_1080 = arith.constant 352 : i32
    %add3A_1081 = arith.addi %mul3A_1079, %add3A_1080 : i32
    %dma_start3A_1082 = arith.constant 0 : i32
    %dma_start3A_1083 = arith.constant 0 : i32
    %dma_start3A_1084 = tpu.memref_slice %arg5[%dma_start3A_1082, %dma_start3A_1083] : memref<80x128xf32, #tpu.memory_space<vmem>> -> memref<16x128xf32, #tpu.memory_space<vmem>>
    %dma_start3A_1085 = arith.constant 0 : i32
    %dma_start3A_1086 = tpu.memref_slice %arg11[%add3A_1081, %dma_start3A_1085] : memref<10240x128xf32, #tpu.memory_space<vmem_shared>> -> memref<16x128xf32, #tpu.memory_space<vmem_shared>>
    %dma_start3A_1087 = arith.constant 0 : i32
    %dma_start3A_1088 = tpu.memref_slice %arg11[%add3A_1081, %dma_start3A_1087] : memref<10240x128xf32, #tpu.memory_space<vmem_shared>> -> memref<16x128xf32, #tpu.memory_space<vmem_shared>>
    %dma_start3A_1089 = arith.constant 0 : i32
    %dma_start3A_1090 = arith.constant 0 : i32
    %dma_start3A_1091 = tpu.memref_slice %arg5[%dma_start3A_1089, %dma_start3A_1090] : memref<80x128xf32, #tpu.memory_space<vmem>> -> memref<16x128xf32, #tpu.memory_space<vmem>>
    tpu.enqueue_dma source(%dma_start3A_1091 : memref<16x128xf32, #tpu.memory_space<vmem>>) target(%dma_start3A_1088 : memref<16x128xf32, #tpu.memory_space<vmem_shared>>) target_semaphore(%arg12 : memref<!tpu.dma_semaphore, #tpu.memory_space<semaphore_mem>>)
    %mul3A_1092 = arith.constant 640 : i32
    %mul3A_1093 = arith.muli %arg1, %mul3A_1092 : i32
    %add3A_1094 = arith.constant 368 : i32
    %add3A_1095 = arith.addi %mul3A_1093, %add3A_1094 : i32
    %dma_start3A_1096 = arith.constant 0 : i32
    %dma_start3A_1097 = arith.constant 0 : i32
    %dma_start3A_1098 = tpu.memref_slice %arg5[%dma_start3A_1096, %dma_start3A_1097] : memref<80x128xf32, #tpu.memory_space<vmem>> -> memref<16x128xf32, #tpu.memory_space<vmem>>
    %dma_start3A_1099 = arith.constant 0 : i32
    %dma_start3A_1100 = tpu.memref_slice %arg11[%add3A_1095, %dma_start3A_1099] : memref<10240x128xf32, #tpu.memory_space<vmem_shared>> -> memref<16x128xf32, #tpu.memory_space<vmem_shared>>
    %dma_start3A_1101 = arith.constant 0 : i32
    %dma_start3A_1102 = tpu.memref_slice %arg11[%add3A_1095, %dma_start3A_1101] : memref<10240x128xf32, #tpu.memory_space<vmem_shared>> -> memref<16x128xf32, #tpu.memory_space<vmem_shared>>
    %dma_start3A_1103 = arith.constant 0 : i32
    %dma_start3A_1104 = arith.constant 0 : i32
    %dma_start3A_1105 = tpu.memref_slice %arg5[%dma_start3A_1103, %dma_start3A_1104] : memref<80x128xf32, #tpu.memory_space<vmem>> -> memref<16x128xf32, #tpu.memory_space<vmem>>
    tpu.enqueue_dma source(%dma_start3A_1105 : memref<16x128xf32, #tpu.memory_space<vmem>>) target(%dma_start3A_1102 : memref<16x128xf32, #tpu.memory_space<vmem_shared>>) target_semaphore(%arg12 : memref<!tpu.dma_semaphore, #tpu.memory_space<semaphore_mem>>)
    %mul3A_1106 = arith.constant 640 : i32
    %mul3A_1107 = arith.muli %arg1, %mul3A_1106 : i32
    %add3A_1108 = arith.constant 384 : i32
    %add3A_1109 = arith.addi %mul3A_1107, %add3A_1108 : i32
    %dma_start3A_1110 = arith.constant 0 : i32
    %dma_start3A_1111 = arith.constant 0 : i32
    %dma_start3A_1112 = tpu.memref_slice %arg5[%dma_start3A_1110, %dma_start3A_1111] : memref<80x128xf32, #tpu.memory_space<vmem>> -> memref<16x128xf32, #tpu.memory_space<vmem>>
    %dma_start3A_1113 = arith.constant 0 : i32
    %dma_start3A_1114 = tpu.memref_slice %arg11[%add3A_1109, %dma_start3A_1113] : memref<10240x128xf32, #tpu.memory_space<vmem_shared>> -> memref<16x128xf32, #tpu.memory_space<vmem_shared>>
    %dma_start3A_1115 = arith.constant 0 : i32
    %dma_start3A_1116 = tpu.memref_slice %arg11[%add3A_1109, %dma_start3A_1115] : memref<10240x128xf32, #tpu.memory_space<vmem_shared>> -> memref<16x128xf32, #tpu.memory_space<vmem_shared>>
    %dma_start3A_1117 = arith.constant 0 : i32
    %dma_start3A_1118 = arith.constant 0 : i32
    %dma_start3A_1119 = tpu.memref_slice %arg5[%dma_start3A_1117, %dma_start3A_1118] : memref<80x128xf32, #tpu.memory_space<vmem>> -> memref<16x128xf32, #tpu.memory_space<vmem>>
    tpu.enqueue_dma source(%dma_start3A_1119 : memref<16x128xf32, #tpu.memory_space<vmem>>) target(%dma_start3A_1116 : memref<16x128xf32, #tpu.memory_space<vmem_shared>>) target_semaphore(%arg12 : memref<!tpu.dma_semaphore, #tpu.memory_space<semaphore_mem>>)
    %mul3A_1120 = arith.constant 640 : i32
    %mul3A_1121 = arith.muli %arg1, %mul3A_1120 : i32
    %add3A_1122 = arith.constant 400 : i32
    %add3A_1123 = arith.addi %mul3A_1121, %add3A_1122 : i32
    %dma_start3A_1124 = arith.constant 0 : i32
    %dma_start3A_1125 = arith.constant 0 : i32
    %dma_start3A_1126 = tpu.memref_slice %arg5[%dma_start3A_1124, %dma_start3A_1125] : memref<80x128xf32, #tpu.memory_space<vmem>> -> memref<16x128xf32, #tpu.memory_space<vmem>>
    %dma_start3A_1127 = arith.constant 0 : i32
    %dma_start3A_1128 = tpu.memref_slice %arg11[%add3A_1123, %dma_start3A_1127] : memref<10240x128xf32, #tpu.memory_space<vmem_shared>> -> memref<16x128xf32, #tpu.memory_space<vmem_shared>>
    %dma_start3A_1129 = arith.constant 0 : i32
    %dma_start3A_1130 = tpu.memref_slice %arg11[%add3A_1123, %dma_start3A_1129] : memref<10240x128xf32, #tpu.memory_space<vmem_shared>> -> memref<16x128xf32, #tpu.memory_space<vmem_shared>>
    %dma_start3A_1131 = arith.constant 0 : i32
    %dma_start3A_1132 = arith.constant 0 : i32
    %dma_start3A_1133 = tpu.memref_slice %arg5[%dma_start3A_1131, %dma_start3A_1132] : memref<80x128xf32, #tpu.memory_space<vmem>> -> memref<16x128xf32, #tpu.memory_space<vmem>>
    tpu.enqueue_dma source(%dma_start3A_1133 : memref<16x128xf32, #tpu.memory_space<vmem>>) target(%dma_start3A_1130 : memref<16x128xf32, #tpu.memory_space<vmem_shared>>) target_semaphore(%arg12 : memref<!tpu.dma_semaphore, #tpu.memory_space<semaphore_mem>>)
    %mul3A_1134 = arith.constant 640 : i32
    %mul3A_1135 = arith.muli %arg1, %mul3A_1134 : i32
    %add3A_1136 = arith.constant 416 : i32
    %add3A_1137 = arith.addi %mul3A_1135, %add3A_1136 : i32
    %dma_start3A_1138 = arith.constant 0 : i32
    %dma_start3A_1139 = arith.constant 0 : i32
    %dma_start3A_1140 = tpu.memref_slice %arg5[%dma_start3A_1138, %dma_start3A_1139] : memref<80x128xf32, #tpu.memory_space<vmem>> -> memref<16x128xf32, #tpu.memory_space<vmem>>
    %dma_start3A_1141 = arith.constant 0 : i32
    %dma_start3A_1142 = tpu.memref_slice %arg11[%add3A_1137, %dma_start3A_1141] : memref<10240x128xf32, #tpu.memory_space<vmem_shared>> -> memref<16x128xf32, #tpu.memory_space<vmem_shared>>
    %dma_start3A_1143 = arith.constant 0 : i32
    %dma_start3A_1144 = tpu.memref_slice %arg11[%add3A_1137, %dma_start3A_1143] : memref<10240x128xf32, #tpu.memory_space<vmem_shared>> -> memref<16x128xf32, #tpu.memory_space<vmem_shared>>
    %dma_start3A_1145 = arith.constant 0 : i32
    %dma_start3A_1146 = arith.constant 0 : i32
    %dma_start3A_1147 = tpu.memref_slice %arg5[%dma_start3A_1145, %dma_start3A_1146] : memref<80x128xf32, #tpu.memory_space<vmem>> -> memref<16x128xf32, #tpu.memory_space<vmem>>
    tpu.enqueue_dma source(%dma_start3A_1147 : memref<16x128xf32, #tpu.memory_space<vmem>>) target(%dma_start3A_1144 : memref<16x128xf32, #tpu.memory_space<vmem_shared>>) target_semaphore(%arg12 : memref<!tpu.dma_semaphore, #tpu.memory_space<semaphore_mem>>)
    %mul3A_1148 = arith.constant 640 : i32
    %mul3A_1149 = arith.muli %arg1, %mul3A_1148 : i32
    %add3A_1150 = arith.constant 432 : i32
    %add3A_1151 = arith.addi %mul3A_1149, %add3A_1150 : i32
    %dma_start3A_1152 = arith.constant 0 : i32
    %dma_start3A_1153 = arith.constant 0 : i32
    %dma_start3A_1154 = tpu.memref_slice %arg5[%dma_start3A_1152, %dma_start3A_1153] : memref<80x128xf32, #tpu.memory_space<vmem>> -> memref<16x128xf32, #tpu.memory_space<vmem>>
    %dma_start3A_1155 = arith.constant 0 : i32
    %dma_start3A_1156 = tpu.memref_slice %arg11[%add3A_1151, %dma_start3A_1155] : memref<10240x128xf32, #tpu.memory_space<vmem_shared>> -> memref<16x128xf32, #tpu.memory_space<vmem_shared>>
    %dma_start3A_1157 = arith.constant 0 : i32
    %dma_start3A_1158 = tpu.memref_slice %arg11[%add3A_1151, %dma_start3A_1157] : memref<10240x128xf32, #tpu.memory_space<vmem_shared>> -> memref<16x128xf32, #tpu.memory_space<vmem_shared>>
    %dma_start3A_1159 = arith.constant 0 : i32
    %dma_start3A_1160 = arith.constant 0 : i32
    %dma_start3A_1161 = tpu.memref_slice %arg5[%dma_start3A_1159, %dma_start3A_1160] : memref<80x128xf32, #tpu.memory_space<vmem>> -> memref<16x128xf32, #tpu.memory_space<vmem>>
    tpu.enqueue_dma source(%dma_start3A_1161 : memref<16x128xf32, #tpu.memory_space<vmem>>) target(%dma_start3A_1158 : memref<16x128xf32, #tpu.memory_space<vmem_shared>>) target_semaphore(%arg12 : memref<!tpu.dma_semaphore, #tpu.memory_space<semaphore_mem>>)
    %mul3A_1162 = arith.constant 640 : i32
    %mul3A_1163 = arith.muli %arg1, %mul3A_1162 : i32
    %add3A_1164 = arith.constant 448 : i32
    %add3A_1165 = arith.addi %mul3A_1163, %add3A_1164 : i32
    %dma_start3A_1166 = arith.constant 0 : i32
    %dma_start3A_1167 = arith.constant 0 : i32
    %dma_start3A_1168 = tpu.memref_slice %arg5[%dma_start3A_1166, %dma_start3A_1167] : memref<80x128xf32, #tpu.memory_space<vmem>> -> memref<16x128xf32, #tpu.memory_space<vmem>>
    %dma_start3A_1169 = arith.constant 0 : i32
    %dma_start3A_1170 = tpu.memref_slice %arg11[%add3A_1165, %dma_start3A_1169] : memref<10240x128xf32, #tpu.memory_space<vmem_shared>> -> memref<16x128xf32, #tpu.memory_space<vmem_shared>>
    %dma_start3A_1171 = arith.constant 0 : i32
    %dma_start3A_1172 = tpu.memref_slice %arg11[%add3A_1165, %dma_start3A_1171] : memref<10240x128xf32, #tpu.memory_space<vmem_shared>> -> memref<16x128xf32, #tpu.memory_space<vmem_shared>>
    %dma_start3A_1173 = arith.constant 0 : i32
    %dma_start3A_1174 = arith.constant 0 : i32
    %dma_start3A_1175 = tpu.memref_slice %arg5[%dma_start3A_1173, %dma_start3A_1174] : memref<80x128xf32, #tpu.memory_space<vmem>> -> memref<16x128xf32, #tpu.memory_space<vmem>>
    tpu.enqueue_dma source(%dma_start3A_1175 : memref<16x128xf32, #tpu.memory_space<vmem>>) target(%dma_start3A_1172 : memref<16x128xf32, #tpu.memory_space<vmem_shared>>) target_semaphore(%arg12 : memref<!tpu.dma_semaphore, #tpu.memory_space<semaphore_mem>>)
    %mul3A_1176 = arith.constant 640 : i32
    %mul3A_1177 = arith.muli %arg1, %mul3A_1176 : i32
    %add3A_1178 = arith.constant 464 : i32
    %add3A_1179 = arith.addi %mul3A_1177, %add3A_1178 : i32
    %dma_start3A_1180 = arith.constant 0 : i32
    %dma_start3A_1181 = arith.constant 0 : i32
    %dma_start3A_1182 = tpu.memref_slice %arg5[%dma_start3A_1180, %dma_start3A_1181] : memref<80x128xf32, #tpu.memory_space<vmem>> -> memref<16x128xf32, #tpu.memory_space<vmem>>
    %dma_start3A_1183 = arith.constant 0 : i32
    %dma_start3A_1184 = tpu.memref_slice %arg11[%add3A_1179, %dma_start3A_1183] : memref<10240x128xf32, #tpu.memory_space<vmem_shared>> -> memref<16x128xf32, #tpu.memory_space<vmem_shared>>
    %dma_start3A_1185 = arith.constant 0 : i32
    %dma_start3A_1186 = tpu.memref_slice %arg11[%add3A_1179, %dma_start3A_1185] : memref<10240x128xf32, #tpu.memory_space<vmem_shared>> -> memref<16x128xf32, #tpu.memory_space<vmem_shared>>
    %dma_start3A_1187 = arith.constant 0 : i32
    %dma_start3A_1188 = arith.constant 0 : i32
    %dma_start3A_1189 = tpu.memref_slice %arg5[%dma_start3A_1187, %dma_start3A_1188] : memref<80x128xf32, #tpu.memory_space<vmem>> -> memref<16x128xf32, #tpu.memory_space<vmem>>
    tpu.enqueue_dma source(%dma_start3A_1189 : memref<16x128xf32, #tpu.memory_space<vmem>>) target(%dma_start3A_1186 : memref<16x128xf32, #tpu.memory_space<vmem_shared>>) target_semaphore(%arg12 : memref<!tpu.dma_semaphore, #tpu.memory_space<semaphore_mem>>)
    %mul3A_1190 = arith.constant 640 : i32
    %mul3A_1191 = arith.muli %arg1, %mul3A_1190 : i32
    %add3A_1192 = arith.constant 480 : i32
    %add3A_1193 = arith.addi %mul3A_1191, %add3A_1192 : i32
    %dma_start3A_1194 = arith.constant 0 : i32
    %dma_start3A_1195 = arith.constant 0 : i32
    %dma_start3A_1196 = tpu.memref_slice %arg5[%dma_start3A_1194, %dma_start3A_1195] : memref<80x128xf32, #tpu.memory_space<vmem>> -> memref<16x128xf32, #tpu.memory_space<vmem>>
    %dma_start3A_1197 = arith.constant 0 : i32
    %dma_start3A_1198 = tpu.memref_slice %arg11[%add3A_1193, %dma_start3A_1197] : memref<10240x128xf32, #tpu.memory_space<vmem_shared>> -> memref<16x128xf32, #tpu.memory_space<vmem_shared>>
    %dma_start3A_1199 = arith.constant 0 : i32
    %dma_start3A_1200 = tpu.memref_slice %arg11[%add3A_1193, %dma_start3A_1199] : memref<10240x128xf32, #tpu.memory_space<vmem_shared>> -> memref<16x128xf32, #tpu.memory_space<vmem_shared>>
    %dma_start3A_1201 = arith.constant 0 : i32
    %dma_start3A_1202 = arith.constant 0 : i32
    %dma_start3A_1203 = tpu.memref_slice %arg5[%dma_start3A_1201, %dma_start3A_1202] : memref<80x128xf32, #tpu.memory_space<vmem>> -> memref<16x128xf32, #tpu.memory_space<vmem>>
    tpu.enqueue_dma source(%dma_start3A_1203 : memref<16x128xf32, #tpu.memory_space<vmem>>) target(%dma_start3A_1200 : memref<16x128xf32, #tpu.memory_space<vmem_shared>>) target_semaphore(%arg12 : memref<!tpu.dma_semaphore, #tpu.memory_space<semaphore_mem>>)
    %mul3A_1204 = arith.constant 640 : i32
    %mul3A_1205 = arith.muli %arg1, %mul3A_1204 : i32
    %add3A_1206 = arith.constant 496 : i32
    %add3A_1207 = arith.addi %mul3A_1205, %add3A_1206 : i32
    %dma_start3A_1208 = arith.constant 0 : i32
    %dma_start3A_1209 = arith.constant 0 : i32
    %dma_start3A_1210 = tpu.memref_slice %arg5[%dma_start3A_1208, %dma_start3A_1209] : memref<80x128xf32, #tpu.memory_space<vmem>> -> memref<16x128xf32, #tpu.memory_space<vmem>>
    %dma_start3A_1211 = arith.constant 0 : i32
    %dma_start3A_1212 = tpu.memref_slice %arg11[%add3A_1207, %dma_start3A_1211] : memref<10240x128xf32, #tpu.memory_space<vmem_shared>> -> memref<16x128xf32, #tpu.memory_space<vmem_shared>>
    %dma_start3A_1213 = arith.constant 0 : i32
    %dma_start3A_1214 = tpu.memref_slice %arg11[%add3A_1207, %dma_start3A_1213] : memref<10240x128xf32, #tpu.memory_space<vmem_shared>> -> memref<16x128xf32, #tpu.memory_space<vmem_shared>>
    %dma_start3A_1215 = arith.constant 0 : i32
    %dma_start3A_1216 = arith.constant 0 : i32
    %dma_start3A_1217 = tpu.memref_slice %arg5[%dma_start3A_1215, %dma_start3A_1216] : memref<80x128xf32, #tpu.memory_space<vmem>> -> memref<16x128xf32, #tpu.memory_space<vmem>>
    tpu.enqueue_dma source(%dma_start3A_1217 : memref<16x128xf32, #tpu.memory_space<vmem>>) target(%dma_start3A_1214 : memref<16x128xf32, #tpu.memory_space<vmem_shared>>) target_semaphore(%arg12 : memref<!tpu.dma_semaphore, #tpu.memory_space<semaphore_mem>>)
    %mul3A_1218 = arith.constant 640 : i32
    %mul3A_1219 = arith.muli %arg1, %mul3A_1218 : i32
    %add3A_1220 = arith.constant 512 : i32
    %add3A_1221 = arith.addi %mul3A_1219, %add3A_1220 : i32
    %dma_start3A_1222 = arith.constant 0 : i32
    %dma_start3A_1223 = arith.constant 0 : i32
    %dma_start3A_1224 = tpu.memref_slice %arg5[%dma_start3A_1222, %dma_start3A_1223] : memref<80x128xf32, #tpu.memory_space<vmem>> -> memref<16x128xf32, #tpu.memory_space<vmem>>
    %dma_start3A_1225 = arith.constant 0 : i32
    %dma_start3A_1226 = tpu.memref_slice %arg11[%add3A_1221, %dma_start3A_1225] : memref<10240x128xf32, #tpu.memory_space<vmem_shared>> -> memref<16x128xf32, #tpu.memory_space<vmem_shared>>
    %dma_start3A_1227 = arith.constant 0 : i32
    %dma_start3A_1228 = tpu.memref_slice %arg11[%add3A_1221, %dma_start3A_1227] : memref<10240x128xf32, #tpu.memory_space<vmem_shared>> -> memref<16x128xf32, #tpu.memory_space<vmem_shared>>
    %dma_start3A_1229 = arith.constant 0 : i32
    %dma_start3A_1230 = arith.constant 0 : i32
    %dma_start3A_1231 = tpu.memref_slice %arg5[%dma_start3A_1229, %dma_start3A_1230] : memref<80x128xf32, #tpu.memory_space<vmem>> -> memref<16x128xf32, #tpu.memory_space<vmem>>
    tpu.enqueue_dma source(%dma_start3A_1231 : memref<16x128xf32, #tpu.memory_space<vmem>>) target(%dma_start3A_1228 : memref<16x128xf32, #tpu.memory_space<vmem_shared>>) target_semaphore(%arg12 : memref<!tpu.dma_semaphore, #tpu.memory_space<semaphore_mem>>)
    %mul3A_1232 = arith.constant 640 : i32
    %mul3A_1233 = arith.muli %arg1, %mul3A_1232 : i32
    %add3A_1234 = arith.constant 528 : i32
    %add3A_1235 = arith.addi %mul3A_1233, %add3A_1234 : i32
    %dma_start3A_1236 = arith.constant 0 : i32
    %dma_start3A_1237 = arith.constant 0 : i32
    %dma_start3A_1238 = tpu.memref_slice %arg5[%dma_start3A_1236, %dma_start3A_1237] : memref<80x128xf32, #tpu.memory_space<vmem>> -> memref<16x128xf32, #tpu.memory_space<vmem>>
    %dma_start3A_1239 = arith.constant 0 : i32
    %dma_start3A_1240 = tpu.memref_slice %arg11[%add3A_1235, %dma_start3A_1239] : memref<10240x128xf32, #tpu.memory_space<vmem_shared>> -> memref<16x128xf32, #tpu.memory_space<vmem_shared>>
    %dma_start3A_1241 = arith.constant 0 : i32
    %dma_start3A_1242 = tpu.memref_slice %arg11[%add3A_1235, %dma_start3A_1241] : memref<10240x128xf32, #tpu.memory_space<vmem_shared>> -> memref<16x128xf32, #tpu.memory_space<vmem_shared>>
    %dma_start3A_1243 = arith.constant 0 : i32
    %dma_start3A_1244 = arith.constant 0 : i32
    %dma_start3A_1245 = tpu.memref_slice %arg5[%dma_start3A_1243, %dma_start3A_1244] : memref<80x128xf32, #tpu.memory_space<vmem>> -> memref<16x128xf32, #tpu.memory_space<vmem>>
    tpu.enqueue_dma source(%dma_start3A_1245 : memref<16x128xf32, #tpu.memory_space<vmem>>) target(%dma_start3A_1242 : memref<16x128xf32, #tpu.memory_space<vmem_shared>>) target_semaphore(%arg12 : memref<!tpu.dma_semaphore, #tpu.memory_space<semaphore_mem>>)
    %mul3A_1246 = arith.constant 640 : i32
    %mul3A_1247 = arith.muli %arg1, %mul3A_1246 : i32
    %add3A_1248 = arith.constant 544 : i32
    %add3A_1249 = arith.addi %mul3A_1247, %add3A_1248 : i32
    %dma_start3A_1250 = arith.constant 0 : i32
    %dma_start3A_1251 = arith.constant 0 : i32
    %dma_start3A_1252 = tpu.memref_slice %arg5[%dma_start3A_1250, %dma_start3A_1251] : memref<80x128xf32, #tpu.memory_space<vmem>> -> memref<16x128xf32, #tpu.memory_space<vmem>>
    %dma_start3A_1253 = arith.constant 0 : i32
    %dma_start3A_1254 = tpu.memref_slice %arg11[%add3A_1249, %dma_start3A_1253] : memref<10240x128xf32, #tpu.memory_space<vmem_shared>> -> memref<16x128xf32, #tpu.memory_space<vmem_shared>>
    %dma_start3A_1255 = arith.constant 0 : i32
    %dma_start3A_1256 = tpu.memref_slice %arg11[%add3A_1249, %dma_start3A_1255] : memref<10240x128xf32, #tpu.memory_space<vmem_shared>> -> memref<16x128xf32, #tpu.memory_space<vmem_shared>>
    %dma_start3A_1257 = arith.constant 0 : i32
    %dma_start3A_1258 = arith.constant 0 : i32
    %dma_start3A_1259 = tpu.memref_slice %arg5[%dma_start3A_1257, %dma_start3A_1258] : memref<80x128xf32, #tpu.memory_space<vmem>> -> memref<16x128xf32, #tpu.memory_space<vmem>>
    tpu.enqueue_dma source(%dma_start3A_1259 : memref<16x128xf32, #tpu.memory_space<vmem>>) target(%dma_start3A_1256 : memref<16x128xf32, #tpu.memory_space<vmem_shared>>) target_semaphore(%arg12 : memref<!tpu.dma_semaphore, #tpu.memory_space<semaphore_mem>>)
    %mul3A_1260 = arith.constant 640 : i32
    %mul3A_1261 = arith.muli %arg1, %mul3A_1260 : i32
    %add3A_1262 = arith.constant 560 : i32
    %add3A_1263 = arith.addi %mul3A_1261, %add3A_1262 : i32
    %dma_start3A_1264 = arith.constant 0 : i32
    %dma_start3A_1265 = arith.constant 0 : i32
    %dma_start3A_1266 = tpu.memref_slice %arg5[%dma_start3A_1264, %dma_start3A_1265] : memref<80x128xf32, #tpu.memory_space<vmem>> -> memref<16x128xf32, #tpu.memory_space<vmem>>
    %dma_start3A_1267 = arith.constant 0 : i32
    %dma_start3A_1268 = tpu.memref_slice %arg11[%add3A_1263, %dma_start3A_1267] : memref<10240x128xf32, #tpu.memory_space<vmem_shared>> -> memref<16x128xf32, #tpu.memory_space<vmem_shared>>
    %dma_start3A_1269 = arith.constant 0 : i32
    %dma_start3A_1270 = tpu.memref_slice %arg11[%add3A_1263, %dma_start3A_1269] : memref<10240x128xf32, #tpu.memory_space<vmem_shared>> -> memref<16x128xf32, #tpu.memory_space<vmem_shared>>
    %dma_start3A_1271 = arith.constant 0 : i32
    %dma_start3A_1272 = arith.constant 0 : i32
    %dma_start3A_1273 = tpu.memref_slice %arg5[%dma_start3A_1271, %dma_start3A_1272] : memref<80x128xf32, #tpu.memory_space<vmem>> -> memref<16x128xf32, #tpu.memory_space<vmem>>
    tpu.enqueue_dma source(%dma_start3A_1273 : memref<16x128xf32, #tpu.memory_space<vmem>>) target(%dma_start3A_1270 : memref<16x128xf32, #tpu.memory_space<vmem_shared>>) target_semaphore(%arg12 : memref<!tpu.dma_semaphore, #tpu.memory_space<semaphore_mem>>)
    %mul3A_1274 = arith.constant 640 : i32
    %mul3A_1275 = arith.muli %arg1, %mul3A_1274 : i32
    %add3A_1276 = arith.constant 576 : i32
    %add3A_1277 = arith.addi %mul3A_1275, %add3A_1276 : i32
    %dma_start3A_1278 = arith.constant 0 : i32
    %dma_start3A_1279 = arith.constant 0 : i32
    %dma_start3A_1280 = tpu.memref_slice %arg5[%dma_start3A_1278, %dma_start3A_1279] : memref<80x128xf32, #tpu.memory_space<vmem>> -> memref<16x128xf32, #tpu.memory_space<vmem>>
    %dma_start3A_1281 = arith.constant 0 : i32
    %dma_start3A_1282 = tpu.memref_slice %arg11[%add3A_1277, %dma_start3A_1281] : memref<10240x128xf32, #tpu.memory_space<vmem_shared>> -> memref<16x128xf32, #tpu.memory_space<vmem_shared>>
    %dma_start3A_1283 = arith.constant 0 : i32
    %dma_start3A_1284 = tpu.memref_slice %arg11[%add3A_1277, %dma_start3A_1283] : memref<10240x128xf32, #tpu.memory_space<vmem_shared>> -> memref<16x128xf32, #tpu.memory_space<vmem_shared>>
    %dma_start3A_1285 = arith.constant 0 : i32
    %dma_start3A_1286 = arith.constant 0 : i32
    %dma_start3A_1287 = tpu.memref_slice %arg5[%dma_start3A_1285, %dma_start3A_1286] : memref<80x128xf32, #tpu.memory_space<vmem>> -> memref<16x128xf32, #tpu.memory_space<vmem>>
    tpu.enqueue_dma source(%dma_start3A_1287 : memref<16x128xf32, #tpu.memory_space<vmem>>) target(%dma_start3A_1284 : memref<16x128xf32, #tpu.memory_space<vmem_shared>>) target_semaphore(%arg12 : memref<!tpu.dma_semaphore, #tpu.memory_space<semaphore_mem>>)
    %mul3A_1288 = arith.constant 640 : i32
    %mul3A_1289 = arith.muli %arg1, %mul3A_1288 : i32
    %add3A_1290 = arith.constant 592 : i32
    %add3A_1291 = arith.addi %mul3A_1289, %add3A_1290 : i32
    %dma_start3A_1292 = arith.constant 0 : i32
    %dma_start3A_1293 = arith.constant 0 : i32
    %dma_start3A_1294 = tpu.memref_slice %arg5[%dma_start3A_1292, %dma_start3A_1293] : memref<80x128xf32, #tpu.memory_space<vmem>> -> memref<16x128xf32, #tpu.memory_space<vmem>>
    %dma_start3A_1295 = arith.constant 0 : i32
    %dma_start3A_1296 = tpu.memref_slice %arg11[%add3A_1291, %dma_start3A_1295] : memref<10240x128xf32, #tpu.memory_space<vmem_shared>> -> memref<16x128xf32, #tpu.memory_space<vmem_shared>>
    %dma_start3A_1297 = arith.constant 0 : i32
    %dma_start3A_1298 = tpu.memref_slice %arg11[%add3A_1291, %dma_start3A_1297] : memref<10240x128xf32, #tpu.memory_space<vmem_shared>> -> memref<16x128xf32, #tpu.memory_space<vmem_shared>>
    %dma_start3A_1299 = arith.constant 0 : i32
    %dma_start3A_1300 = arith.constant 0 : i32
    %dma_start3A_1301 = tpu.memref_slice %arg5[%dma_start3A_1299, %dma_start3A_1300] : memref<80x128xf32, #tpu.memory_space<vmem>> -> memref<16x128xf32, #tpu.memory_space<vmem>>
    tpu.enqueue_dma source(%dma_start3A_1301 : memref<16x128xf32, #tpu.memory_space<vmem>>) target(%dma_start3A_1298 : memref<16x128xf32, #tpu.memory_space<vmem_shared>>) target_semaphore(%arg12 : memref<!tpu.dma_semaphore, #tpu.memory_space<semaphore_mem>>)
    %mul3A_1302 = arith.constant 640 : i32
    %mul3A_1303 = arith.muli %arg1, %mul3A_1302 : i32
    %add3A_1304 = arith.constant 608 : i32
    %add3A_1305 = arith.addi %mul3A_1303, %add3A_1304 : i32
    %dma_start3A_1306 = arith.constant 0 : i32
    %dma_start3A_1307 = arith.constant 0 : i32
    %dma_start3A_1308 = tpu.memref_slice %arg5[%dma_start3A_1306, %dma_start3A_1307] : memref<80x128xf32, #tpu.memory_space<vmem>> -> memref<16x128xf32, #tpu.memory_space<vmem>>
    %dma_start3A_1309 = arith.constant 0 : i32
    %dma_start3A_1310 = tpu.memref_slice %arg11[%add3A_1305, %dma_start3A_1309] : memref<10240x128xf32, #tpu.memory_space<vmem_shared>> -> memref<16x128xf32, #tpu.memory_space<vmem_shared>>
    %dma_start3A_1311 = arith.constant 0 : i32
    %dma_start3A_1312 = tpu.memref_slice %arg11[%add3A_1305, %dma_start3A_1311] : memref<10240x128xf32, #tpu.memory_space<vmem_shared>> -> memref<16x128xf32, #tpu.memory_space<vmem_shared>>
    %dma_start3A_1313 = arith.constant 0 : i32
    %dma_start3A_1314 = arith.constant 0 : i32
    %dma_start3A_1315 = tpu.memref_slice %arg5[%dma_start3A_1313, %dma_start3A_1314] : memref<80x128xf32, #tpu.memory_space<vmem>> -> memref<16x128xf32, #tpu.memory_space<vmem>>
    tpu.enqueue_dma source(%dma_start3A_1315 : memref<16x128xf32, #tpu.memory_space<vmem>>) target(%dma_start3A_1312 : memref<16x128xf32, #tpu.memory_space<vmem_shared>>) target_semaphore(%arg12 : memref<!tpu.dma_semaphore, #tpu.memory_space<semaphore_mem>>)
    %mul3A_1316 = arith.constant 640 : i32
    %mul3A_1317 = arith.muli %arg1, %mul3A_1316 : i32
    %add3A_1318 = arith.constant 624 : i32
    %add3A_1319 = arith.addi %mul3A_1317, %add3A_1318 : i32
    %dma_start3A_1320 = arith.constant 0 : i32
    %dma_start3A_1321 = arith.constant 0 : i32
    %dma_start3A_1322 = tpu.memref_slice %arg5[%dma_start3A_1320, %dma_start3A_1321] : memref<80x128xf32, #tpu.memory_space<vmem>> -> memref<16x128xf32, #tpu.memory_space<vmem>>
    %dma_start3A_1323 = arith.constant 0 : i32
    %dma_start3A_1324 = tpu.memref_slice %arg11[%add3A_1319, %dma_start3A_1323] : memref<10240x128xf32, #tpu.memory_space<vmem_shared>> -> memref<16x128xf32, #tpu.memory_space<vmem_shared>>
    %dma_start3A_1325 = arith.constant 0 : i32
    %dma_start3A_1326 = tpu.memref_slice %arg11[%add3A_1319, %dma_start3A_1325] : memref<10240x128xf32, #tpu.memory_space<vmem_shared>> -> memref<16x128xf32, #tpu.memory_space<vmem_shared>>
    %dma_start3A_1327 = arith.constant 0 : i32
    %dma_start3A_1328 = arith.constant 0 : i32
    %dma_start3A_1329 = tpu.memref_slice %arg5[%dma_start3A_1327, %dma_start3A_1328] : memref<80x128xf32, #tpu.memory_space<vmem>> -> memref<16x128xf32, #tpu.memory_space<vmem>>
    tpu.enqueue_dma source(%dma_start3A_1329 : memref<16x128xf32, #tpu.memory_space<vmem>>) target(%dma_start3A_1326 : memref<16x128xf32, #tpu.memory_space<vmem_shared>>) target_semaphore(%arg12 : memref<!tpu.dma_semaphore, #tpu.memory_space<semaphore_mem>>)
    %dma_start3A_1330 = arith.constant 0 : i32
    %dma_start3A_1331 = arith.constant 0 : i32
    %dma_start3A_1332 = arith.constant 0 : i32
    %dma_start3A_1333 = tpu.memref_slice %arg3[%add3A, %dma_start3A_1330, %dma_start3A_1331, %dma_start3A_1332] : memref<32x4x32x80xi32, #tpu.memory_space<hbm>> -> memref<1x1x32x80xi32, #tpu.memory_space<hbm>>
    %dma_start3A_1334 = tpu.memref_squeeze %dma_start3A_1333 : memref<1x1x32x80xi32, #tpu.memory_space<hbm>> -> memref<32x80xi32, #tpu.memory_space<hbm>>
    %dma_start3A_1335 = arith.constant 0 : i32
    %dma_start3A_1336 = arith.constant 0 : i32
    %dma_start3A_1337 = tpu.memref_slice %arg3[%add3A, %dma_start3A_1330, %dma_start3A_1335, %dma_start3A_1336] : memref<32x4x32x80xi32, #tpu.memory_space<hbm>> -> memref<1x1x32x80xi32, #tpu.memory_space<hbm>>
    %dma_start3A_1338 = tpu.memref_squeeze %dma_start3A_1337 : memref<1x1x32x80xi32, #tpu.memory_space<hbm>> -> memref<32x80xi32, #tpu.memory_space<hbm>>
    tpu.enqueue_dma source(%dma_start3A_1338 : memref<32x80xi32, #tpu.memory_space<hbm>>) target(%arg9 : memref<32x80xi32, #tpu.memory_space<vmem>>) target_semaphore(%arg16 : memref<!tpu.dma_semaphore, #tpu.memory_space<semaphore_mem>>)
    %dma_start3A_1339 = arith.constant 1 : i32
    %dma_start3A_1340 = arith.constant 0 : i32
    %dma_start3A_1341 = arith.constant 0 : i32
    %dma_start3A_1342 = tpu.memref_slice %arg3[%add3A, %dma_start3A_1339, %dma_start3A_1340, %dma_start3A_1341] : memref<32x4x32x80xi32, #tpu.memory_space<hbm>> -> memref<1x1x32x80xi32, #tpu.memory_space<hbm>>
    %dma_start3A_1343 = tpu.memref_squeeze %dma_start3A_1342 : memref<1x1x32x80xi32, #tpu.memory_space<hbm>> -> memref<32x80xi32, #tpu.memory_space<hbm>>
    %dma_start3A_1344 = arith.constant 0 : i32
    %dma_start3A_1345 = arith.constant 0 : i32
    %dma_start3A_1346 = tpu.memref_slice %arg3[%add3A, %dma_start3A_1339, %dma_start3A_1344, %dma_start3A_1345] : memref<32x4x32x80xi32, #tpu.memory_space<hbm>> -> memref<1x1x32x80xi32, #tpu.memory_space<hbm>>
    %dma_start3A_1347 = tpu.memref_squeeze %dma_start3A_1346 : memref<1x1x32x80xi32, #tpu.memory_space<hbm>> -> memref<32x80xi32, #tpu.memory_space<hbm>>
    tpu.enqueue_dma source(%dma_start3A_1347 : memref<32x80xi32, #tpu.memory_space<hbm>>) target(%arg10 : memref<32x80xi32, #tpu.memory_space<vmem>>) target_semaphore(%arg17 : memref<!tpu.dma_semaphore, #tpu.memory_space<semaphore_mem>>)
    %add3A_1348 = arith.constant 80 : i32
    %add3A_1349 = arith.addi %mul3A_2, %add3A_1348 : i32
    %multiple_of3A = tpu.assume_multiple %add3A_1349, 80 : i32
    %dma_start3A_1350 = arith.constant 0 : i32
    %dma_start3A_1351 = tpu.memref_slice %arg2[%multiple_of3A, %dma_start3A_1350] : memref<320000x128xf32, #tpu.memory_space<hbm>> -> memref<80x128xf32, #tpu.memory_space<hbm>>
    %dma_start3A_1352 = arith.constant 0 : i32
    %dma_start3A_1353 = tpu.memref_slice %arg2[%multiple_of3A, %dma_start3A_1352] : memref<320000x128xf32, #tpu.memory_space<hbm>> -> memref<80x128xf32, #tpu.memory_space<hbm>>
    tpu.enqueue_dma source(%dma_start3A_1353 : memref<80x128xf32, #tpu.memory_space<hbm>>) target(%arg6 : memref<80x128xf32, #tpu.memory_space<vmem>>) target_semaphore(%arg13 : memref<!tpu.dma_semaphore, #tpu.memory_space<semaphore_mem>>)
    %add3A_1354 = arith.constant 160 : i32
    %add3A_1355 = arith.addi %mul3A_2, %add3A_1354 : i32
    %multiple_of3A_1356 = tpu.assume_multiple %add3A_1355, 80 : i32
    %dma_start3A_1357 = arith.constant 0 : i32
    %dma_start3A_1358 = tpu.memref_slice %arg2[%multiple_of3A_1356, %dma_start3A_1357] : memref<320000x128xf32, #tpu.memory_space<hbm>> -> memref<80x128xf32, #tpu.memory_space<hbm>>
    %dma_start3A_1359 = arith.constant 0 : i32
    %dma_start3A_1360 = tpu.memref_slice %arg2[%multiple_of3A_1356, %dma_start3A_1359] : memref<320000x128xf32, #tpu.memory_space<hbm>> -> memref<80x128xf32, #tpu.memory_space<hbm>>
    tpu.enqueue_dma source(%dma_start3A_1360 : memref<80x128xf32, #tpu.memory_space<hbm>>) target(%arg7 : memref<80x128xf32, #tpu.memory_space<vmem>>) target_semaphore(%arg14 : memref<!tpu.dma_semaphore, #tpu.memory_space<semaphore_mem>>)
    %add3A_1361 = arith.constant 240 : i32
    %add3A_1362 = arith.addi %mul3A_2, %add3A_1361 : i32
    %multiple_of3A_1363 = tpu.assume_multiple %add3A_1362, 80 : i32
    %dma_start3A_1364 = arith.constant 0 : i32
    %dma_start3A_1365 = tpu.memref_slice %arg2[%multiple_of3A_1363, %dma_start3A_1364] : memref<320000x128xf32, #tpu.memory_space<hbm>> -> memref<80x128xf32, #tpu.memory_space<hbm>>
    %dma_start3A_1366 = arith.constant 0 : i32
    %dma_start3A_1367 = tpu.memref_slice %arg2[%multiple_of3A_1363, %dma_start3A_1366] : memref<320000x128xf32, #tpu.memory_space<hbm>> -> memref<80x128xf32, #tpu.memory_space<hbm>>
    tpu.enqueue_dma source(%dma_start3A_1367 : memref<80x128xf32, #tpu.memory_space<hbm>>) target(%arg8 : memref<80x128xf32, #tpu.memory_space<vmem>>) target_semaphore(%arg15 : memref<!tpu.dma_semaphore, #tpu.memory_space<semaphore_mem>>)
    %mul3A_1368 = arith.constant 640 : i32
    %mul3A_1369 = arith.muli %arg1, %mul3A_1368 : i32
    %add3A_1370 = arith.constant 0 : i32
    %add3A_1371 = arith.addi %mul3A_1369, %add3A_1370 : i32
    %dma_wait3A = arith.constant 0 : i32
    %dma_wait3A_1372 = arith.constant 0 : i32
    %dma_wait3A_1373 = tpu.memref_slice %arg5[%dma_wait3A, %dma_wait3A_1372] : memref<80x128xf32, #tpu.memory_space<vmem>> -> memref<16x128xf32, #tpu.memory_space<vmem>>
    %dma_wait3A_1374 = arith.constant 0 : i32
    %dma_wait3A_1375 = tpu.memref_slice %arg11[%add3A_1371, %dma_wait3A_1374] : memref<10240x128xf32, #tpu.memory_space<vmem_shared>> -> memref<16x128xf32, #tpu.memory_space<vmem_shared>>
    %dma_wait3A_1376 = arith.constant 0 : i32
    %dma_wait3A_1377 = tpu.memref_slice %arg11[%add3A_1371, %dma_wait3A_1376] : memref<10240x128xf32, #tpu.memory_space<vmem_shared>> -> memref<16x128xf32, #tpu.memory_space<vmem_shared>>
    %dma_wait3A_1378 = arith.constant 0 : i32
    %dma_wait3A_1379 = arith.constant 0 : i32
    %dma_wait3A_1380 = tpu.memref_slice %arg5[%dma_wait3A_1378, %dma_wait3A_1379] : memref<80x128xf32, #tpu.memory_space<vmem>> -> memref<16x128xf32, #tpu.memory_space<vmem>>
    tpu.wait_dma2 semaphore(%arg12 : memref<!tpu.dma_semaphore, #tpu.memory_space<semaphore_mem>>) src(%dma_wait3A_1380 : memref<16x128xf32, #tpu.memory_space<vmem>>) dst(%dma_wait3A_1377 : memref<16x128xf32, #tpu.memory_space<vmem_shared>>)
    %mul3A_1381 = arith.constant 640 : i32
    %mul3A_1382 = arith.muli %arg1, %mul3A_1381 : i32
    %add3A_1383 = arith.constant 16 : i32
    %add3A_1384 = arith.addi %mul3A_1382, %add3A_1383 : i32
    %dma_wait3A_1385 = arith.constant 0 : i32
    %dma_wait3A_1386 = arith.constant 0 : i32
    %dma_wait3A_1387 = tpu.memref_slice %arg5[%dma_wait3A_1385, %dma_wait3A_1386] : memref<80x128xf32, #tpu.memory_space<vmem>> -> memref<16x128xf32, #tpu.memory_space<vmem>>
    %dma_wait3A_1388 = arith.constant 0 : i32
    %dma_wait3A_1389 = tpu.memref_slice %arg11[%add3A_1384, %dma_wait3A_1388] : memref<10240x128xf32, #tpu.memory_space<vmem_shared>> -> memref<16x128xf32, #tpu.memory_space<vmem_shared>>
    %dma_wait3A_1390 = arith.constant 0 : i32
    %dma_wait3A_1391 = tpu.memref_slice %arg11[%add3A_1384, %dma_wait3A_1390] : memref<10240x128xf32, #tpu.memory_space<vmem_shared>> -> memref<16x128xf32, #tpu.memory_space<vmem_shared>>
    %dma_wait3A_1392 = arith.constant 0 : i32
    %dma_wait3A_1393 = arith.constant 0 : i32
    %dma_wait3A_1394 = tpu.memref_slice %arg5[%dma_wait3A_1392, %dma_wait3A_1393] : memref<80x128xf32, #tpu.memory_space<vmem>> -> memref<16x128xf32, #tpu.memory_space<vmem>>
    tpu.wait_dma2 semaphore(%arg12 : memref<!tpu.dma_semaphore, #tpu.memory_space<semaphore_mem>>) src(%dma_wait3A_1394 : memref<16x128xf32, #tpu.memory_space<vmem>>) dst(%dma_wait3A_1391 : memref<16x128xf32, #tpu.memory_space<vmem_shared>>)
    %mul3A_1395 = arith.constant 640 : i32
    %mul3A_1396 = arith.muli %arg1, %mul3A_1395 : i32
    %add3A_1397 = arith.constant 32 : i32
    %add3A_1398 = arith.addi %mul3A_1396, %add3A_1397 : i32
    %dma_wait3A_1399 = arith.constant 0 : i32
    %dma_wait3A_1400 = arith.constant 0 : i32
    %dma_wait3A_1401 = tpu.memref_slice %arg5[%dma_wait3A_1399, %dma_wait3A_1400] : memref<80x128xf32, #tpu.memory_space<vmem>> -> memref<16x128xf32, #tpu.memory_space<vmem>>
    %dma_wait3A_1402 = arith.constant 0 : i32
    %dma_wait3A_1403 = tpu.memref_slice %arg11[%add3A_1398, %dma_wait3A_1402] : memref<10240x128xf32, #tpu.memory_space<vmem_shared>> -> memref<16x128xf32, #tpu.memory_space<vmem_shared>>
    %dma_wait3A_1404 = arith.constant 0 : i32
    %dma_wait3A_1405 = tpu.memref_slice %arg11[%add3A_1398, %dma_wait3A_1404] : memref<10240x128xf32, #tpu.memory_space<vmem_shared>> -> memref<16x128xf32, #tpu.memory_space<vmem_shared>>
    %dma_wait3A_1406 = arith.constant 0 : i32
    %dma_wait3A_1407 = arith.constant 0 : i32
    %dma_wait3A_1408 = tpu.memref_slice %arg5[%dma_wait3A_1406, %dma_wait3A_1407] : memref<80x128xf32, #tpu.memory_space<vmem>> -> memref<16x128xf32, #tpu.memory_space<vmem>>
    tpu.wait_dma2 semaphore(%arg12 : memref<!tpu.dma_semaphore, #tpu.memory_space<semaphore_mem>>) src(%dma_wait3A_1408 : memref<16x128xf32, #tpu.memory_space<vmem>>) dst(%dma_wait3A_1405 : memref<16x128xf32, #tpu.memory_space<vmem_shared>>)
    %mul3A_1409 = arith.constant 640 : i32
    %mul3A_1410 = arith.muli %arg1, %mul3A_1409 : i32
    %add3A_1411 = arith.constant 48 : i32
    %add3A_1412 = arith.addi %mul3A_1410, %add3A_1411 : i32
    %dma_wait3A_1413 = arith.constant 0 : i32
    %dma_wait3A_1414 = arith.constant 0 : i32
    %dma_wait3A_1415 = tpu.memref_slice %arg5[%dma_wait3A_1413, %dma_wait3A_1414] : memref<80x128xf32, #tpu.memory_space<vmem>> -> memref<16x128xf32, #tpu.memory_space<vmem>>
    %dma_wait3A_1416 = arith.constant 0 : i32
    %dma_wait3A_1417 = tpu.memref_slice %arg11[%add3A_1412, %dma_wait3A_1416] : memref<10240x128xf32, #tpu.memory_space<vmem_shared>> -> memref<16x128xf32, #tpu.memory_space<vmem_shared>>
    %dma_wait3A_1418 = arith.constant 0 : i32
    %dma_wait3A_1419 = tpu.memref_slice %arg11[%add3A_1412, %dma_wait3A_1418] : memref<10240x128xf32, #tpu.memory_space<vmem_shared>> -> memref<16x128xf32, #tpu.memory_space<vmem_shared>>
    %dma_wait3A_1420 = arith.constant 0 : i32
    %dma_wait3A_1421 = arith.constant 0 : i32
    %dma_wait3A_1422 = tpu.memref_slice %arg5[%dma_wait3A_1420, %dma_wait3A_1421] : memref<80x128xf32, #tpu.memory_space<vmem>> -> memref<16x128xf32, #tpu.memory_space<vmem>>
    tpu.wait_dma2 semaphore(%arg12 : memref<!tpu.dma_semaphore, #tpu.memory_space<semaphore_mem>>) src(%dma_wait3A_1422 : memref<16x128xf32, #tpu.memory_space<vmem>>) dst(%dma_wait3A_1419 : memref<16x128xf32, #tpu.memory_space<vmem_shared>>)
    %mul3A_1423 = arith.constant 640 : i32
    %mul3A_1424 = arith.muli %arg1, %mul3A_1423 : i32
    %add3A_1425 = arith.constant 64 : i32
    %add3A_1426 = arith.addi %mul3A_1424, %add3A_1425 : i32
    %dma_wait3A_1427 = arith.constant 0 : i32
    %dma_wait3A_1428 = arith.constant 0 : i32
    %dma_wait3A_1429 = tpu.memref_slice %arg5[%dma_wait3A_1427, %dma_wait3A_1428] : memref<80x128xf32, #tpu.memory_space<vmem>> -> memref<16x128xf32, #tpu.memory_space<vmem>>
    %dma_wait3A_1430 = arith.constant 0 : i32
    %dma_wait3A_1431 = tpu.memref_slice %arg11[%add3A_1426, %dma_wait3A_1430] : memref<10240x128xf32, #tpu.memory_space<vmem_shared>> -> memref<16x128xf32, #tpu.memory_space<vmem_shared>>
    %dma_wait3A_1432 = arith.constant 0 : i32
    %dma_wait3A_1433 = tpu.memref_slice %arg11[%add3A_1426, %dma_wait3A_1432] : memref<10240x128xf32, #tpu.memory_space<vmem_shared>> -> memref<16x128xf32, #tpu.memory_space<vmem_shared>>
    %dma_wait3A_1434 = arith.constant 0 : i32
    %dma_wait3A_1435 = arith.constant 0 : i32
    %dma_wait3A_1436 = tpu.memref_slice %arg5[%dma_wait3A_1434, %dma_wait3A_1435] : memref<80x128xf32, #tpu.memory_space<vmem>> -> memref<16x128xf32, #tpu.memory_space<vmem>>
    tpu.wait_dma2 semaphore(%arg12 : memref<!tpu.dma_semaphore, #tpu.memory_space<semaphore_mem>>) src(%dma_wait3A_1436 : memref<16x128xf32, #tpu.memory_space<vmem>>) dst(%dma_wait3A_1433 : memref<16x128xf32, #tpu.memory_space<vmem_shared>>)
    %mul3A_1437 = arith.constant 640 : i32
    %mul3A_1438 = arith.muli %arg1, %mul3A_1437 : i32
    %add3A_1439 = arith.constant 80 : i32
    %add3A_1440 = arith.addi %mul3A_1438, %add3A_1439 : i32
    %dma_wait3A_1441 = arith.constant 0 : i32
    %dma_wait3A_1442 = arith.constant 0 : i32
    %dma_wait3A_1443 = tpu.memref_slice %arg5[%dma_wait3A_1441, %dma_wait3A_1442] : memref<80x128xf32, #tpu.memory_space<vmem>> -> memref<16x128xf32, #tpu.memory_space<vmem>>
    %dma_wait3A_1444 = arith.constant 0 : i32
    %dma_wait3A_1445 = tpu.memref_slice %arg11[%add3A_1440, %dma_wait3A_1444] : memref<10240x128xf32, #tpu.memory_space<vmem_shared>> -> memref<16x128xf32, #tpu.memory_space<vmem_shared>>
    %dma_wait3A_1446 = arith.constant 0 : i32
    %dma_wait3A_1447 = tpu.memref_slice %arg11[%add3A_1440, %dma_wait3A_1446] : memref<10240x128xf32, #tpu.memory_space<vmem_shared>> -> memref<16x128xf32, #tpu.memory_space<vmem_shared>>
    %dma_wait3A_1448 = arith.constant 0 : i32
    %dma_wait3A_1449 = arith.constant 0 : i32
    %dma_wait3A_1450 = tpu.memref_slice %arg5[%dma_wait3A_1448, %dma_wait3A_1449] : memref<80x128xf32, #tpu.memory_space<vmem>> -> memref<16x128xf32, #tpu.memory_space<vmem>>
    tpu.wait_dma2 semaphore(%arg12 : memref<!tpu.dma_semaphore, #tpu.memory_space<semaphore_mem>>) src(%dma_wait3A_1450 : memref<16x128xf32, #tpu.memory_space<vmem>>) dst(%dma_wait3A_1447 : memref<16x128xf32, #tpu.memory_space<vmem_shared>>)
    %mul3A_1451 = arith.constant 640 : i32
    %mul3A_1452 = arith.muli %arg1, %mul3A_1451 : i32
    %add3A_1453 = arith.constant 96 : i32
    %add3A_1454 = arith.addi %mul3A_1452, %add3A_1453 : i32
    %dma_wait3A_1455 = arith.constant 0 : i32
    %dma_wait3A_1456 = arith.constant 0 : i32
    %dma_wait3A_1457 = tpu.memref_slice %arg5[%dma_wait3A_1455, %dma_wait3A_1456] : memref<80x128xf32, #tpu.memory_space<vmem>> -> memref<16x128xf32, #tpu.memory_space<vmem>>
    %dma_wait3A_1458 = arith.constant 0 : i32
    %dma_wait3A_1459 = tpu.memref_slice %arg11[%add3A_1454, %dma_wait3A_1458] : memref<10240x128xf32, #tpu.memory_space<vmem_shared>> -> memref<16x128xf32, #tpu.memory_space<vmem_shared>>
    %dma_wait3A_1460 = arith.constant 0 : i32
    %dma_wait3A_1461 = tpu.memref_slice %arg11[%add3A_1454, %dma_wait3A_1460] : memref<10240x128xf32, #tpu.memory_space<vmem_shared>> -> memref<16x128xf32, #tpu.memory_space<vmem_shared>>
    %dma_wait3A_1462 = arith.constant 0 : i32
    %dma_wait3A_1463 = arith.constant 0 : i32
    %dma_wait3A_1464 = tpu.memref_slice %arg5[%dma_wait3A_1462, %dma_wait3A_1463] : memref<80x128xf32, #tpu.memory_space<vmem>> -> memref<16x128xf32, #tpu.memory_space<vmem>>
    tpu.wait_dma2 semaphore(%arg12 : memref<!tpu.dma_semaphore, #tpu.memory_space<semaphore_mem>>) src(%dma_wait3A_1464 : memref<16x128xf32, #tpu.memory_space<vmem>>) dst(%dma_wait3A_1461 : memref<16x128xf32, #tpu.memory_space<vmem_shared>>)
    %mul3A_1465 = arith.constant 640 : i32
    %mul3A_1466 = arith.muli %arg1, %mul3A_1465 : i32
    %add3A_1467 = arith.constant 112 : i32
    %add3A_1468 = arith.addi %mul3A_1466, %add3A_1467 : i32
    %dma_wait3A_1469 = arith.constant 0 : i32
    %dma_wait3A_1470 = arith.constant 0 : i32
    %dma_wait3A_1471 = tpu.memref_slice %arg5[%dma_wait3A_1469, %dma_wait3A_1470] : memref<80x128xf32, #tpu.memory_space<vmem>> -> memref<16x128xf32, #tpu.memory_space<vmem>>
    %dma_wait3A_1472 = arith.constant 0 : i32
    %dma_wait3A_1473 = tpu.memref_slice %arg11[%add3A_1468, %dma_wait3A_1472] : memref<10240x128xf32, #tpu.memory_space<vmem_shared>> -> memref<16x128xf32, #tpu.memory_space<vmem_shared>>
    %dma_wait3A_1474 = arith.constant 0 : i32
    %dma_wait3A_1475 = tpu.memref_slice %arg11[%add3A_1468, %dma_wait3A_1474] : memref<10240x128xf32, #tpu.memory_space<vmem_shared>> -> memref<16x128xf32, #tpu.memory_space<vmem_shared>>
    %dma_wait3A_1476 = arith.constant 0 : i32
    %dma_wait3A_1477 = arith.constant 0 : i32
    %dma_wait3A_1478 = tpu.memref_slice %arg5[%dma_wait3A_1476, %dma_wait3A_1477] : memref<80x128xf32, #tpu.memory_space<vmem>> -> memref<16x128xf32, #tpu.memory_space<vmem>>
    tpu.wait_dma2 semaphore(%arg12 : memref<!tpu.dma_semaphore, #tpu.memory_space<semaphore_mem>>) src(%dma_wait3A_1478 : memref<16x128xf32, #tpu.memory_space<vmem>>) dst(%dma_wait3A_1475 : memref<16x128xf32, #tpu.memory_space<vmem_shared>>)
    %mul3A_1479 = arith.constant 640 : i32
    %mul3A_1480 = arith.muli %arg1, %mul3A_1479 : i32
    %add3A_1481 = arith.constant 128 : i32
    %add3A_1482 = arith.addi %mul3A_1480, %add3A_1481 : i32
    %dma_wait3A_1483 = arith.constant 0 : i32
    %dma_wait3A_1484 = arith.constant 0 : i32
    %dma_wait3A_1485 = tpu.memref_slice %arg5[%dma_wait3A_1483, %dma_wait3A_1484] : memref<80x128xf32, #tpu.memory_space<vmem>> -> memref<16x128xf32, #tpu.memory_space<vmem>>
    %dma_wait3A_1486 = arith.constant 0 : i32
    %dma_wait3A_1487 = tpu.memref_slice %arg11[%add3A_1482, %dma_wait3A_1486] : memref<10240x128xf32, #tpu.memory_space<vmem_shared>> -> memref<16x128xf32, #tpu.memory_space<vmem_shared>>
    %dma_wait3A_1488 = arith.constant 0 : i32
    %dma_wait3A_1489 = tpu.memref_slice %arg11[%add3A_1482, %dma_wait3A_1488] : memref<10240x128xf32, #tpu.memory_space<vmem_shared>> -> memref<16x128xf32, #tpu.memory_space<vmem_shared>>
    %dma_wait3A_1490 = arith.constant 0 : i32
    %dma_wait3A_1491 = arith.constant 0 : i32
    %dma_wait3A_1492 = tpu.memref_slice %arg5[%dma_wait3A_1490, %dma_wait3A_1491] : memref<80x128xf32, #tpu.memory_space<vmem>> -> memref<16x128xf32, #tpu.memory_space<vmem>>
    tpu.wait_dma2 semaphore(%arg12 : memref<!tpu.dma_semaphore, #tpu.memory_space<semaphore_mem>>) src(%dma_wait3A_1492 : memref<16x128xf32, #tpu.memory_space<vmem>>) dst(%dma_wait3A_1489 : memref<16x128xf32, #tpu.memory_space<vmem_shared>>)
    %mul3A_1493 = arith.constant 640 : i32
    %mul3A_1494 = arith.muli %arg1, %mul3A_1493 : i32
    %add3A_1495 = arith.constant 144 : i32
    %add3A_1496 = arith.addi %mul3A_1494, %add3A_1495 : i32
    %dma_wait3A_1497 = arith.constant 0 : i32
    %dma_wait3A_1498 = arith.constant 0 : i32
    %dma_wait3A_1499 = tpu.memref_slice %arg5[%dma_wait3A_1497, %dma_wait3A_1498] : memref<80x128xf32, #tpu.memory_space<vmem>> -> memref<16x128xf32, #tpu.memory_space<vmem>>
    %dma_wait3A_1500 = arith.constant 0 : i32
    %dma_wait3A_1501 = tpu.memref_slice %arg11[%add3A_1496, %dma_wait3A_1500] : memref<10240x128xf32, #tpu.memory_space<vmem_shared>> -> memref<16x128xf32, #tpu.memory_space<vmem_shared>>
    %dma_wait3A_1502 = arith.constant 0 : i32
    %dma_wait3A_1503 = tpu.memref_slice %arg11[%add3A_1496, %dma_wait3A_1502] : memref<10240x128xf32, #tpu.memory_space<vmem_shared>> -> memref<16x128xf32, #tpu.memory_space<vmem_shared>>
    %dma_wait3A_1504 = arith.constant 0 : i32
    %dma_wait3A_1505 = arith.constant 0 : i32
    %dma_wait3A_1506 = tpu.memref_slice %arg5[%dma_wait3A_1504, %dma_wait3A_1505] : memref<80x128xf32, #tpu.memory_space<vmem>> -> memref<16x128xf32, #tpu.memory_space<vmem>>
    tpu.wait_dma2 semaphore(%arg12 : memref<!tpu.dma_semaphore, #tpu.memory_space<semaphore_mem>>) src(%dma_wait3A_1506 : memref<16x128xf32, #tpu.memory_space<vmem>>) dst(%dma_wait3A_1503 : memref<16x128xf32, #tpu.memory_space<vmem_shared>>)
    %mul3A_1507 = arith.constant 640 : i32
    %mul3A_1508 = arith.muli %arg1, %mul3A_1507 : i32
    %add3A_1509 = arith.constant 160 : i32
    %add3A_1510 = arith.addi %mul3A_1508, %add3A_1509 : i32
    %dma_wait3A_1511 = arith.constant 0 : i32
    %dma_wait3A_1512 = arith.constant 0 : i32
    %dma_wait3A_1513 = tpu.memref_slice %arg5[%dma_wait3A_1511, %dma_wait3A_1512] : memref<80x128xf32, #tpu.memory_space<vmem>> -> memref<16x128xf32, #tpu.memory_space<vmem>>
    %dma_wait3A_1514 = arith.constant 0 : i32
    %dma_wait3A_1515 = tpu.memref_slice %arg11[%add3A_1510, %dma_wait3A_1514] : memref<10240x128xf32, #tpu.memory_space<vmem_shared>> -> memref<16x128xf32, #tpu.memory_space<vmem_shared>>
    %dma_wait3A_1516 = arith.constant 0 : i32
    %dma_wait3A_1517 = tpu.memref_slice %arg11[%add3A_1510, %dma_wait3A_1516] : memref<10240x128xf32, #tpu.memory_space<vmem_shared>> -> memref<16x128xf32, #tpu.memory_space<vmem_shared>>
    %dma_wait3A_1518 = arith.constant 0 : i32
    %dma_wait3A_1519 = arith.constant 0 : i32
    %dma_wait3A_1520 = tpu.memref_slice %arg5[%dma_wait3A_1518, %dma_wait3A_1519] : memref<80x128xf32, #tpu.memory_space<vmem>> -> memref<16x128xf32, #tpu.memory_space<vmem>>
    tpu.wait_dma2 semaphore(%arg12 : memref<!tpu.dma_semaphore, #tpu.memory_space<semaphore_mem>>) src(%dma_wait3A_1520 : memref<16x128xf32, #tpu.memory_space<vmem>>) dst(%dma_wait3A_1517 : memref<16x128xf32, #tpu.memory_space<vmem_shared>>)
    %mul3A_1521 = arith.constant 640 : i32
    %mul3A_1522 = arith.muli %arg1, %mul3A_1521 : i32
    %add3A_1523 = arith.constant 176 : i32
    %add3A_1524 = arith.addi %mul3A_1522, %add3A_1523 : i32
    %dma_wait3A_1525 = arith.constant 0 : i32
    %dma_wait3A_1526 = arith.constant 0 : i32
    %dma_wait3A_1527 = tpu.memref_slice %arg5[%dma_wait3A_1525, %dma_wait3A_1526] : memref<80x128xf32, #tpu.memory_space<vmem>> -> memref<16x128xf32, #tpu.memory_space<vmem>>
    %dma_wait3A_1528 = arith.constant 0 : i32
    %dma_wait3A_1529 = tpu.memref_slice %arg11[%add3A_1524, %dma_wait3A_1528] : memref<10240x128xf32, #tpu.memory_space<vmem_shared>> -> memref<16x128xf32, #tpu.memory_space<vmem_shared>>
    %dma_wait3A_1530 = arith.constant 0 : i32
    %dma_wait3A_1531 = tpu.memref_slice %arg11[%add3A_1524, %dma_wait3A_1530] : memref<10240x128xf32, #tpu.memory_space<vmem_shared>> -> memref<16x128xf32, #tpu.memory_space<vmem_shared>>
    %dma_wait3A_1532 = arith.constant 0 : i32
    %dma_wait3A_1533 = arith.constant 0 : i32
    %dma_wait3A_1534 = tpu.memref_slice %arg5[%dma_wait3A_1532, %dma_wait3A_1533] : memref<80x128xf32, #tpu.memory_space<vmem>> -> memref<16x128xf32, #tpu.memory_space<vmem>>
    tpu.wait_dma2 semaphore(%arg12 : memref<!tpu.dma_semaphore, #tpu.memory_space<semaphore_mem>>) src(%dma_wait3A_1534 : memref<16x128xf32, #tpu.memory_space<vmem>>) dst(%dma_wait3A_1531 : memref<16x128xf32, #tpu.memory_space<vmem_shared>>)
    %mul3A_1535 = arith.constant 640 : i32
    %mul3A_1536 = arith.muli %arg1, %mul3A_1535 : i32
    %add3A_1537 = arith.constant 192 : i32
    %add3A_1538 = arith.addi %mul3A_1536, %add3A_1537 : i32
    %dma_wait3A_1539 = arith.constant 0 : i32
    %dma_wait3A_1540 = arith.constant 0 : i32
    %dma_wait3A_1541 = tpu.memref_slice %arg5[%dma_wait3A_1539, %dma_wait3A_1540] : memref<80x128xf32, #tpu.memory_space<vmem>> -> memref<16x128xf32, #tpu.memory_space<vmem>>
    %dma_wait3A_1542 = arith.constant 0 : i32
    %dma_wait3A_1543 = tpu.memref_slice %arg11[%add3A_1538, %dma_wait3A_1542] : memref<10240x128xf32, #tpu.memory_space<vmem_shared>> -> memref<16x128xf32, #tpu.memory_space<vmem_shared>>
    %dma_wait3A_1544 = arith.constant 0 : i32
    %dma_wait3A_1545 = tpu.memref_slice %arg11[%add3A_1538, %dma_wait3A_1544] : memref<10240x128xf32, #tpu.memory_space<vmem_shared>> -> memref<16x128xf32, #tpu.memory_space<vmem_shared>>
    %dma_wait3A_1546 = arith.constant 0 : i32
    %dma_wait3A_1547 = arith.constant 0 : i32
    %dma_wait3A_1548 = tpu.memref_slice %arg5[%dma_wait3A_1546, %dma_wait3A_1547] : memref<80x128xf32, #tpu.memory_space<vmem>> -> memref<16x128xf32, #tpu.memory_space<vmem>>
    tpu.wait_dma2 semaphore(%arg12 : memref<!tpu.dma_semaphore, #tpu.memory_space<semaphore_mem>>) src(%dma_wait3A_1548 : memref<16x128xf32, #tpu.memory_space<vmem>>) dst(%dma_wait3A_1545 : memref<16x128xf32, #tpu.memory_space<vmem_shared>>)
    %mul3A_1549 = arith.constant 640 : i32
    %mul3A_1550 = arith.muli %arg1, %mul3A_1549 : i32
    %add3A_1551 = arith.constant 208 : i32
    %add3A_1552 = arith.addi %mul3A_1550, %add3A_1551 : i32
    %dma_wait3A_1553 = arith.constant 0 : i32
    %dma_wait3A_1554 = arith.constant 0 : i32
    %dma_wait3A_1555 = tpu.memref_slice %arg5[%dma_wait3A_1553, %dma_wait3A_1554] : memref<80x128xf32, #tpu.memory_space<vmem>> -> memref<16x128xf32, #tpu.memory_space<vmem>>
    %dma_wait3A_1556 = arith.constant 0 : i32
    %dma_wait3A_1557 = tpu.memref_slice %arg11[%add3A_1552, %dma_wait3A_1556] : memref<10240x128xf32, #tpu.memory_space<vmem_shared>> -> memref<16x128xf32, #tpu.memory_space<vmem_shared>>
    %dma_wait3A_1558 = arith.constant 0 : i32
    %dma_wait3A_1559 = tpu.memref_slice %arg11[%add3A_1552, %dma_wait3A_1558] : memref<10240x128xf32, #tpu.memory_space<vmem_shared>> -> memref<16x128xf32, #tpu.memory_space<vmem_shared>>
    %dma_wait3A_1560 = arith.constant 0 : i32
    %dma_wait3A_1561 = arith.constant 0 : i32
    %dma_wait3A_1562 = tpu.memref_slice %arg5[%dma_wait3A_1560, %dma_wait3A_1561] : memref<80x128xf32, #tpu.memory_space<vmem>> -> memref<16x128xf32, #tpu.memory_space<vmem>>
    tpu.wait_dma2 semaphore(%arg12 : memref<!tpu.dma_semaphore, #tpu.memory_space<semaphore_mem>>) src(%dma_wait3A_1562 : memref<16x128xf32, #tpu.memory_space<vmem>>) dst(%dma_wait3A_1559 : memref<16x128xf32, #tpu.memory_space<vmem_shared>>)
    %mul3A_1563 = arith.constant 640 : i32
    %mul3A_1564 = arith.muli %arg1, %mul3A_1563 : i32
    %add3A_1565 = arith.constant 224 : i32
    %add3A_1566 = arith.addi %mul3A_1564, %add3A_1565 : i32
    %dma_wait3A_1567 = arith.constant 0 : i32
    %dma_wait3A_1568 = arith.constant 0 : i32
    %dma_wait3A_1569 = tpu.memref_slice %arg5[%dma_wait3A_1567, %dma_wait3A_1568] : memref<80x128xf32, #tpu.memory_space<vmem>> -> memref<16x128xf32, #tpu.memory_space<vmem>>
    %dma_wait3A_1570 = arith.constant 0 : i32
    %dma_wait3A_1571 = tpu.memref_slice %arg11[%add3A_1566, %dma_wait3A_1570] : memref<10240x128xf32, #tpu.memory_space<vmem_shared>> -> memref<16x128xf32, #tpu.memory_space<vmem_shared>>
    %dma_wait3A_1572 = arith.constant 0 : i32
    %dma_wait3A_1573 = tpu.memref_slice %arg11[%add3A_1566, %dma_wait3A_1572] : memref<10240x128xf32, #tpu.memory_space<vmem_shared>> -> memref<16x128xf32, #tpu.memory_space<vmem_shared>>
    %dma_wait3A_1574 = arith.constant 0 : i32
    %dma_wait3A_1575 = arith.constant 0 : i32
    %dma_wait3A_1576 = tpu.memref_slice %arg5[%dma_wait3A_1574, %dma_wait3A_1575] : memref<80x128xf32, #tpu.memory_space<vmem>> -> memref<16x128xf32, #tpu.memory_space<vmem>>
    tpu.wait_dma2 semaphore(%arg12 : memref<!tpu.dma_semaphore, #tpu.memory_space<semaphore_mem>>) src(%dma_wait3A_1576 : memref<16x128xf32, #tpu.memory_space<vmem>>) dst(%dma_wait3A_1573 : memref<16x128xf32, #tpu.memory_space<vmem_shared>>)
    %mul3A_1577 = arith.constant 640 : i32
    %mul3A_1578 = arith.muli %arg1, %mul3A_1577 : i32
    %add3A_1579 = arith.constant 240 : i32
    %add3A_1580 = arith.addi %mul3A_1578, %add3A_1579 : i32
    %dma_wait3A_1581 = arith.constant 0 : i32
    %dma_wait3A_1582 = arith.constant 0 : i32
    %dma_wait3A_1583 = tpu.memref_slice %arg5[%dma_wait3A_1581, %dma_wait3A_1582] : memref<80x128xf32, #tpu.memory_space<vmem>> -> memref<16x128xf32, #tpu.memory_space<vmem>>
    %dma_wait3A_1584 = arith.constant 0 : i32
    %dma_wait3A_1585 = tpu.memref_slice %arg11[%add3A_1580, %dma_wait3A_1584] : memref<10240x128xf32, #tpu.memory_space<vmem_shared>> -> memref<16x128xf32, #tpu.memory_space<vmem_shared>>
    %dma_wait3A_1586 = arith.constant 0 : i32
    %dma_wait3A_1587 = tpu.memref_slice %arg11[%add3A_1580, %dma_wait3A_1586] : memref<10240x128xf32, #tpu.memory_space<vmem_shared>> -> memref<16x128xf32, #tpu.memory_space<vmem_shared>>
    %dma_wait3A_1588 = arith.constant 0 : i32
    %dma_wait3A_1589 = arith.constant 0 : i32
    %dma_wait3A_1590 = tpu.memref_slice %arg5[%dma_wait3A_1588, %dma_wait3A_1589] : memref<80x128xf32, #tpu.memory_space<vmem>> -> memref<16x128xf32, #tpu.memory_space<vmem>>
    tpu.wait_dma2 semaphore(%arg12 : memref<!tpu.dma_semaphore, #tpu.memory_space<semaphore_mem>>) src(%dma_wait3A_1590 : memref<16x128xf32, #tpu.memory_space<vmem>>) dst(%dma_wait3A_1587 : memref<16x128xf32, #tpu.memory_space<vmem_shared>>)
    %mul3A_1591 = arith.constant 640 : i32
    %mul3A_1592 = arith.muli %arg1, %mul3A_1591 : i32
    %add3A_1593 = arith.constant 256 : i32
    %add3A_1594 = arith.addi %mul3A_1592, %add3A_1593 : i32
    %dma_wait3A_1595 = arith.constant 0 : i32
    %dma_wait3A_1596 = arith.constant 0 : i32
    %dma_wait3A_1597 = tpu.memref_slice %arg5[%dma_wait3A_1595, %dma_wait3A_1596] : memref<80x128xf32, #tpu.memory_space<vmem>> -> memref<16x128xf32, #tpu.memory_space<vmem>>
    %dma_wait3A_1598 = arith.constant 0 : i32
    %dma_wait3A_1599 = tpu.memref_slice %arg11[%add3A_1594, %dma_wait3A_1598] : memref<10240x128xf32, #tpu.memory_space<vmem_shared>> -> memref<16x128xf32, #tpu.memory_space<vmem_shared>>
    %dma_wait3A_1600 = arith.constant 0 : i32
    %dma_wait3A_1601 = tpu.memref_slice %arg11[%add3A_1594, %dma_wait3A_1600] : memref<10240x128xf32, #tpu.memory_space<vmem_shared>> -> memref<16x128xf32, #tpu.memory_space<vmem_shared>>
    %dma_wait3A_1602 = arith.constant 0 : i32
    %dma_wait3A_1603 = arith.constant 0 : i32
    %dma_wait3A_1604 = tpu.memref_slice %arg5[%dma_wait3A_1602, %dma_wait3A_1603] : memref<80x128xf32, #tpu.memory_space<vmem>> -> memref<16x128xf32, #tpu.memory_space<vmem>>
    tpu.wait_dma2 semaphore(%arg12 : memref<!tpu.dma_semaphore, #tpu.memory_space<semaphore_mem>>) src(%dma_wait3A_1604 : memref<16x128xf32, #tpu.memory_space<vmem>>) dst(%dma_wait3A_1601 : memref<16x128xf32, #tpu.memory_space<vmem_shared>>)
    %mul3A_1605 = arith.constant 640 : i32
    %mul3A_1606 = arith.muli %arg1, %mul3A_1605 : i32
    %add3A_1607 = arith.constant 272 : i32
    %add3A_1608 = arith.addi %mul3A_1606, %add3A_1607 : i32
    %dma_wait3A_1609 = arith.constant 0 : i32
    %dma_wait3A_1610 = arith.constant 0 : i32
    %dma_wait3A_1611 = tpu.memref_slice %arg5[%dma_wait3A_1609, %dma_wait3A_1610] : memref<80x128xf32, #tpu.memory_space<vmem>> -> memref<16x128xf32, #tpu.memory_space<vmem>>
    %dma_wait3A_1612 = arith.constant 0 : i32
    %dma_wait3A_1613 = tpu.memref_slice %arg11[%add3A_1608, %dma_wait3A_1612] : memref<10240x128xf32, #tpu.memory_space<vmem_shared>> -> memref<16x128xf32, #tpu.memory_space<vmem_shared>>
    %dma_wait3A_1614 = arith.constant 0 : i32
    %dma_wait3A_1615 = tpu.memref_slice %arg11[%add3A_1608, %dma_wait3A_1614] : memref<10240x128xf32, #tpu.memory_space<vmem_shared>> -> memref<16x128xf32, #tpu.memory_space<vmem_shared>>
    %dma_wait3A_1616 = arith.constant 0 : i32
    %dma_wait3A_1617 = arith.constant 0 : i32
    %dma_wait3A_1618 = tpu.memref_slice %arg5[%dma_wait3A_1616, %dma_wait3A_1617] : memref<80x128xf32, #tpu.memory_space<vmem>> -> memref<16x128xf32, #tpu.memory_space<vmem>>
    tpu.wait_dma2 semaphore(%arg12 : memref<!tpu.dma_semaphore, #tpu.memory_space<semaphore_mem>>) src(%dma_wait3A_1618 : memref<16x128xf32, #tpu.memory_space<vmem>>) dst(%dma_wait3A_1615 : memref<16x128xf32, #tpu.memory_space<vmem_shared>>)
    %mul3A_1619 = arith.constant 640 : i32
    %mul3A_1620 = arith.muli %arg1, %mul3A_1619 : i32
    %add3A_1621 = arith.constant 288 : i32
    %add3A_1622 = arith.addi %mul3A_1620, %add3A_1621 : i32
    %dma_wait3A_1623 = arith.constant 0 : i32
    %dma_wait3A_1624 = arith.constant 0 : i32
    %dma_wait3A_1625 = tpu.memref_slice %arg5[%dma_wait3A_1623, %dma_wait3A_1624] : memref<80x128xf32, #tpu.memory_space<vmem>> -> memref<16x128xf32, #tpu.memory_space<vmem>>
    %dma_wait3A_1626 = arith.constant 0 : i32
    %dma_wait3A_1627 = tpu.memref_slice %arg11[%add3A_1622, %dma_wait3A_1626] : memref<10240x128xf32, #tpu.memory_space<vmem_shared>> -> memref<16x128xf32, #tpu.memory_space<vmem_shared>>
    %dma_wait3A_1628 = arith.constant 0 : i32
    %dma_wait3A_1629 = tpu.memref_slice %arg11[%add3A_1622, %dma_wait3A_1628] : memref<10240x128xf32, #tpu.memory_space<vmem_shared>> -> memref<16x128xf32, #tpu.memory_space<vmem_shared>>
    %dma_wait3A_1630 = arith.constant 0 : i32
    %dma_wait3A_1631 = arith.constant 0 : i32
    %dma_wait3A_1632 = tpu.memref_slice %arg5[%dma_wait3A_1630, %dma_wait3A_1631] : memref<80x128xf32, #tpu.memory_space<vmem>> -> memref<16x128xf32, #tpu.memory_space<vmem>>
    tpu.wait_dma2 semaphore(%arg12 : memref<!tpu.dma_semaphore, #tpu.memory_space<semaphore_mem>>) src(%dma_wait3A_1632 : memref<16x128xf32, #tpu.memory_space<vmem>>) dst(%dma_wait3A_1629 : memref<16x128xf32, #tpu.memory_space<vmem_shared>>)
    %mul3A_1633 = arith.constant 640 : i32
    %mul3A_1634 = arith.muli %arg1, %mul3A_1633 : i32
    %add3A_1635 = arith.constant 304 : i32
    %add3A_1636 = arith.addi %mul3A_1634, %add3A_1635 : i32
    %dma_wait3A_1637 = arith.constant 0 : i32
    %dma_wait3A_1638 = arith.constant 0 : i32
    %dma_wait3A_1639 = tpu.memref_slice %arg5[%dma_wait3A_1637, %dma_wait3A_1638] : memref<80x128xf32, #tpu.memory_space<vmem>> -> memref<16x128xf32, #tpu.memory_space<vmem>>
    %dma_wait3A_1640 = arith.constant 0 : i32
    %dma_wait3A_1641 = tpu.memref_slice %arg11[%add3A_1636, %dma_wait3A_1640] : memref<10240x128xf32, #tpu.memory_space<vmem_shared>> -> memref<16x128xf32, #tpu.memory_space<vmem_shared>>
    %dma_wait3A_1642 = arith.constant 0 : i32
    %dma_wait3A_1643 = tpu.memref_slice %arg11[%add3A_1636, %dma_wait3A_1642] : memref<10240x128xf32, #tpu.memory_space<vmem_shared>> -> memref<16x128xf32, #tpu.memory_space<vmem_shared>>
    %dma_wait3A_1644 = arith.constant 0 : i32
    %dma_wait3A_1645 = arith.constant 0 : i32
    %dma_wait3A_1646 = tpu.memref_slice %arg5[%dma_wait3A_1644, %dma_wait3A_1645] : memref<80x128xf32, #tpu.memory_space<vmem>> -> memref<16x128xf32, #tpu.memory_space<vmem>>
    tpu.wait_dma2 semaphore(%arg12 : memref<!tpu.dma_semaphore, #tpu.memory_space<semaphore_mem>>) src(%dma_wait3A_1646 : memref<16x128xf32, #tpu.memory_space<vmem>>) dst(%dma_wait3A_1643 : memref<16x128xf32, #tpu.memory_space<vmem_shared>>)
    %mul3A_1647 = arith.constant 640 : i32
    %mul3A_1648 = arith.muli %arg1, %mul3A_1647 : i32
    %add3A_1649 = arith.constant 320 : i32
    %add3A_1650 = arith.addi %mul3A_1648, %add3A_1649 : i32
    %dma_wait3A_1651 = arith.constant 0 : i32
    %dma_wait3A_1652 = arith.constant 0 : i32
    %dma_wait3A_1653 = tpu.memref_slice %arg5[%dma_wait3A_1651, %dma_wait3A_1652] : memref<80x128xf32, #tpu.memory_space<vmem>> -> memref<16x128xf32, #tpu.memory_space<vmem>>
    %dma_wait3A_1654 = arith.constant 0 : i32
    %dma_wait3A_1655 = tpu.memref_slice %arg11[%add3A_1650, %dma_wait3A_1654] : memref<10240x128xf32, #tpu.memory_space<vmem_shared>> -> memref<16x128xf32, #tpu.memory_space<vmem_shared>>
    %dma_wait3A_1656 = arith.constant 0 : i32
    %dma_wait3A_1657 = tpu.memref_slice %arg11[%add3A_1650, %dma_wait3A_1656] : memref<10240x128xf32, #tpu.memory_space<vmem_shared>> -> memref<16x128xf32, #tpu.memory_space<vmem_shared>>
    %dma_wait3A_1658 = arith.constant 0 : i32
    %dma_wait3A_1659 = arith.constant 0 : i32
    %dma_wait3A_1660 = tpu.memref_slice %arg5[%dma_wait3A_1658, %dma_wait3A_1659] : memref<80x128xf32, #tpu.memory_space<vmem>> -> memref<16x128xf32, #tpu.memory_space<vmem>>
    tpu.wait_dma2 semaphore(%arg12 : memref<!tpu.dma_semaphore, #tpu.memory_space<semaphore_mem>>) src(%dma_wait3A_1660 : memref<16x128xf32, #tpu.memory_space<vmem>>) dst(%dma_wait3A_1657 : memref<16x128xf32, #tpu.memory_space<vmem_shared>>)
    %mul3A_1661 = arith.constant 640 : i32
    %mul3A_1662 = arith.muli %arg1, %mul3A_1661 : i32
    %add3A_1663 = arith.constant 336 : i32
    %add3A_1664 = arith.addi %mul3A_1662, %add3A_1663 : i32
    %dma_wait3A_1665 = arith.constant 0 : i32
    %dma_wait3A_1666 = arith.constant 0 : i32
    %dma_wait3A_1667 = tpu.memref_slice %arg5[%dma_wait3A_1665, %dma_wait3A_1666] : memref<80x128xf32, #tpu.memory_space<vmem>> -> memref<16x128xf32, #tpu.memory_space<vmem>>
    %dma_wait3A_1668 = arith.constant 0 : i32
    %dma_wait3A_1669 = tpu.memref_slice %arg11[%add3A_1664, %dma_wait3A_1668] : memref<10240x128xf32, #tpu.memory_space<vmem_shared>> -> memref<16x128xf32, #tpu.memory_space<vmem_shared>>
    %dma_wait3A_1670 = arith.constant 0 : i32
    %dma_wait3A_1671 = tpu.memref_slice %arg11[%add3A_1664, %dma_wait3A_1670] : memref<10240x128xf32, #tpu.memory_space<vmem_shared>> -> memref<16x128xf32, #tpu.memory_space<vmem_shared>>
    %dma_wait3A_1672 = arith.constant 0 : i32
    %dma_wait3A_1673 = arith.constant 0 : i32
    %dma_wait3A_1674 = tpu.memref_slice %arg5[%dma_wait3A_1672, %dma_wait3A_1673] : memref<80x128xf32, #tpu.memory_space<vmem>> -> memref<16x128xf32, #tpu.memory_space<vmem>>
    tpu.wait_dma2 semaphore(%arg12 : memref<!tpu.dma_semaphore, #tpu.memory_space<semaphore_mem>>) src(%dma_wait3A_1674 : memref<16x128xf32, #tpu.memory_space<vmem>>) dst(%dma_wait3A_1671 : memref<16x128xf32, #tpu.memory_space<vmem_shared>>)
    %mul3A_1675 = arith.constant 640 : i32
    %mul3A_1676 = arith.muli %arg1, %mul3A_1675 : i32
    %add3A_1677 = arith.constant 352 : i32
    %add3A_1678 = arith.addi %mul3A_1676, %add3A_1677 : i32
    %dma_wait3A_1679 = arith.constant 0 : i32
    %dma_wait3A_1680 = arith.constant 0 : i32
    %dma_wait3A_1681 = tpu.memref_slice %arg5[%dma_wait3A_1679, %dma_wait3A_1680] : memref<80x128xf32, #tpu.memory_space<vmem>> -> memref<16x128xf32, #tpu.memory_space<vmem>>
    %dma_wait3A_1682 = arith.constant 0 : i32
    %dma_wait3A_1683 = tpu.memref_slice %arg11[%add3A_1678, %dma_wait3A_1682] : memref<10240x128xf32, #tpu.memory_space<vmem_shared>> -> memref<16x128xf32, #tpu.memory_space<vmem_shared>>
    %dma_wait3A_1684 = arith.constant 0 : i32
    %dma_wait3A_1685 = tpu.memref_slice %arg11[%add3A_1678, %dma_wait3A_1684] : memref<10240x128xf32, #tpu.memory_space<vmem_shared>> -> memref<16x128xf32, #tpu.memory_space<vmem_shared>>
    %dma_wait3A_1686 = arith.constant 0 : i32
    %dma_wait3A_1687 = arith.constant 0 : i32
    %dma_wait3A_1688 = tpu.memref_slice %arg5[%dma_wait3A_1686, %dma_wait3A_1687] : memref<80x128xf32, #tpu.memory_space<vmem>> -> memref<16x128xf32, #tpu.memory_space<vmem>>
    tpu.wait_dma2 semaphore(%arg12 : memref<!tpu.dma_semaphore, #tpu.memory_space<semaphore_mem>>) src(%dma_wait3A_1688 : memref<16x128xf32, #tpu.memory_space<vmem>>) dst(%dma_wait3A_1685 : memref<16x128xf32, #tpu.memory_space<vmem_shared>>)
    %mul3A_1689 = arith.constant 640 : i32
    %mul3A_1690 = arith.muli %arg1, %mul3A_1689 : i32
    %add3A_1691 = arith.constant 368 : i32
    %add3A_1692 = arith.addi %mul3A_1690, %add3A_1691 : i32
    %dma_wait3A_1693 = arith.constant 0 : i32
    %dma_wait3A_1694 = arith.constant 0 : i32
    %dma_wait3A_1695 = tpu.memref_slice %arg5[%dma_wait3A_1693, %dma_wait3A_1694] : memref<80x128xf32, #tpu.memory_space<vmem>> -> memref<16x128xf32, #tpu.memory_space<vmem>>
    %dma_wait3A_1696 = arith.constant 0 : i32
    %dma_wait3A_1697 = tpu.memref_slice %arg11[%add3A_1692, %dma_wait3A_1696] : memref<10240x128xf32, #tpu.memory_space<vmem_shared>> -> memref<16x128xf32, #tpu.memory_space<vmem_shared>>
    %dma_wait3A_1698 = arith.constant 0 : i32
    %dma_wait3A_1699 = tpu.memref_slice %arg11[%add3A_1692, %dma_wait3A_1698] : memref<10240x128xf32, #tpu.memory_space<vmem_shared>> -> memref<16x128xf32, #tpu.memory_space<vmem_shared>>
    %dma_wait3A_1700 = arith.constant 0 : i32
    %dma_wait3A_1701 = arith.constant 0 : i32
    %dma_wait3A_1702 = tpu.memref_slice %arg5[%dma_wait3A_1700, %dma_wait3A_1701] : memref<80x128xf32, #tpu.memory_space<vmem>> -> memref<16x128xf32, #tpu.memory_space<vmem>>
    tpu.wait_dma2 semaphore(%arg12 : memref<!tpu.dma_semaphore, #tpu.memory_space<semaphore_mem>>) src(%dma_wait3A_1702 : memref<16x128xf32, #tpu.memory_space<vmem>>) dst(%dma_wait3A_1699 : memref<16x128xf32, #tpu.memory_space<vmem_shared>>)
    %mul3A_1703 = arith.constant 640 : i32
    %mul3A_1704 = arith.muli %arg1, %mul3A_1703 : i32
    %add3A_1705 = arith.constant 384 : i32
    %add3A_1706 = arith.addi %mul3A_1704, %add3A_1705 : i32
    %dma_wait3A_1707 = arith.constant 0 : i32
    %dma_wait3A_1708 = arith.constant 0 : i32
    %dma_wait3A_1709 = tpu.memref_slice %arg5[%dma_wait3A_1707, %dma_wait3A_1708] : memref<80x128xf32, #tpu.memory_space<vmem>> -> memref<16x128xf32, #tpu.memory_space<vmem>>
    %dma_wait3A_1710 = arith.constant 0 : i32
    %dma_wait3A_1711 = tpu.memref_slice %arg11[%add3A_1706, %dma_wait3A_1710] : memref<10240x128xf32, #tpu.memory_space<vmem_shared>> -> memref<16x128xf32, #tpu.memory_space<vmem_shared>>
    %dma_wait3A_1712 = arith.constant 0 : i32
    %dma_wait3A_1713 = tpu.memref_slice %arg11[%add3A_1706, %dma_wait3A_1712] : memref<10240x128xf32, #tpu.memory_space<vmem_shared>> -> memref<16x128xf32, #tpu.memory_space<vmem_shared>>
    %dma_wait3A_1714 = arith.constant 0 : i32
    %dma_wait3A_1715 = arith.constant 0 : i32
    %dma_wait3A_1716 = tpu.memref_slice %arg5[%dma_wait3A_1714, %dma_wait3A_1715] : memref<80x128xf32, #tpu.memory_space<vmem>> -> memref<16x128xf32, #tpu.memory_space<vmem>>
    tpu.wait_dma2 semaphore(%arg12 : memref<!tpu.dma_semaphore, #tpu.memory_space<semaphore_mem>>) src(%dma_wait3A_1716 : memref<16x128xf32, #tpu.memory_space<vmem>>) dst(%dma_wait3A_1713 : memref<16x128xf32, #tpu.memory_space<vmem_shared>>)
    %mul3A_1717 = arith.constant 640 : i32
    %mul3A_1718 = arith.muli %arg1, %mul3A_1717 : i32
    %add3A_1719 = arith.constant 400 : i32
    %add3A_1720 = arith.addi %mul3A_1718, %add3A_1719 : i32
    %dma_wait3A_1721 = arith.constant 0 : i32
    %dma_wait3A_1722 = arith.constant 0 : i32
    %dma_wait3A_1723 = tpu.memref_slice %arg5[%dma_wait3A_1721, %dma_wait3A_1722] : memref<80x128xf32, #tpu.memory_space<vmem>> -> memref<16x128xf32, #tpu.memory_space<vmem>>
    %dma_wait3A_1724 = arith.constant 0 : i32
    %dma_wait3A_1725 = tpu.memref_slice %arg11[%add3A_1720, %dma_wait3A_1724] : memref<10240x128xf32, #tpu.memory_space<vmem_shared>> -> memref<16x128xf32, #tpu.memory_space<vmem_shared>>
    %dma_wait3A_1726 = arith.constant 0 : i32
    %dma_wait3A_1727 = tpu.memref_slice %arg11[%add3A_1720, %dma_wait3A_1726] : memref<10240x128xf32, #tpu.memory_space<vmem_shared>> -> memref<16x128xf32, #tpu.memory_space<vmem_shared>>
    %dma_wait3A_1728 = arith.constant 0 : i32
    %dma_wait3A_1729 = arith.constant 0 : i32
    %dma_wait3A_1730 = tpu.memref_slice %arg5[%dma_wait3A_1728, %dma_wait3A_1729] : memref<80x128xf32, #tpu.memory_space<vmem>> -> memref<16x128xf32, #tpu.memory_space<vmem>>
    tpu.wait_dma2 semaphore(%arg12 : memref<!tpu.dma_semaphore, #tpu.memory_space<semaphore_mem>>) src(%dma_wait3A_1730 : memref<16x128xf32, #tpu.memory_space<vmem>>) dst(%dma_wait3A_1727 : memref<16x128xf32, #tpu.memory_space<vmem_shared>>)
    %mul3A_1731 = arith.constant 640 : i32
    %mul3A_1732 = arith.muli %arg1, %mul3A_1731 : i32
    %add3A_1733 = arith.constant 416 : i32
    %add3A_1734 = arith.addi %mul3A_1732, %add3A_1733 : i32
    %dma_wait3A_1735 = arith.constant 0 : i32
    %dma_wait3A_1736 = arith.constant 0 : i32
    %dma_wait3A_1737 = tpu.memref_slice %arg5[%dma_wait3A_1735, %dma_wait3A_1736] : memref<80x128xf32, #tpu.memory_space<vmem>> -> memref<16x128xf32, #tpu.memory_space<vmem>>
    %dma_wait3A_1738 = arith.constant 0 : i32
    %dma_wait3A_1739 = tpu.memref_slice %arg11[%add3A_1734, %dma_wait3A_1738] : memref<10240x128xf32, #tpu.memory_space<vmem_shared>> -> memref<16x128xf32, #tpu.memory_space<vmem_shared>>
    %dma_wait3A_1740 = arith.constant 0 : i32
    %dma_wait3A_1741 = tpu.memref_slice %arg11[%add3A_1734, %dma_wait3A_1740] : memref<10240x128xf32, #tpu.memory_space<vmem_shared>> -> memref<16x128xf32, #tpu.memory_space<vmem_shared>>
    %dma_wait3A_1742 = arith.constant 0 : i32
    %dma_wait3A_1743 = arith.constant 0 : i32
    %dma_wait3A_1744 = tpu.memref_slice %arg5[%dma_wait3A_1742, %dma_wait3A_1743] : memref<80x128xf32, #tpu.memory_space<vmem>> -> memref<16x128xf32, #tpu.memory_space<vmem>>
    tpu.wait_dma2 semaphore(%arg12 : memref<!tpu.dma_semaphore, #tpu.memory_space<semaphore_mem>>) src(%dma_wait3A_1744 : memref<16x128xf32, #tpu.memory_space<vmem>>) dst(%dma_wait3A_1741 : memref<16x128xf32, #tpu.memory_space<vmem_shared>>)
    %mul3A_1745 = arith.constant 640 : i32
    %mul3A_1746 = arith.muli %arg1, %mul3A_1745 : i32
    %add3A_1747 = arith.constant 432 : i32
    %add3A_1748 = arith.addi %mul3A_1746, %add3A_1747 : i32
    %dma_wait3A_1749 = arith.constant 0 : i32
    %dma_wait3A_1750 = arith.constant 0 : i32
    %dma_wait3A_1751 = tpu.memref_slice %arg5[%dma_wait3A_1749, %dma_wait3A_1750] : memref<80x128xf32, #tpu.memory_space<vmem>> -> memref<16x128xf32, #tpu.memory_space<vmem>>
    %dma_wait3A_1752 = arith.constant 0 : i32
    %dma_wait3A_1753 = tpu.memref_slice %arg11[%add3A_1748, %dma_wait3A_1752] : memref<10240x128xf32, #tpu.memory_space<vmem_shared>> -> memref<16x128xf32, #tpu.memory_space<vmem_shared>>
    %dma_wait3A_1754 = arith.constant 0 : i32
    %dma_wait3A_1755 = tpu.memref_slice %arg11[%add3A_1748, %dma_wait3A_1754] : memref<10240x128xf32, #tpu.memory_space<vmem_shared>> -> memref<16x128xf32, #tpu.memory_space<vmem_shared>>
    %dma_wait3A_1756 = arith.constant 0 : i32
    %dma_wait3A_1757 = arith.constant 0 : i32
    %dma_wait3A_1758 = tpu.memref_slice %arg5[%dma_wait3A_1756, %dma_wait3A_1757] : memref<80x128xf32, #tpu.memory_space<vmem>> -> memref<16x128xf32, #tpu.memory_space<vmem>>
    tpu.wait_dma2 semaphore(%arg12 : memref<!tpu.dma_semaphore, #tpu.memory_space<semaphore_mem>>) src(%dma_wait3A_1758 : memref<16x128xf32, #tpu.memory_space<vmem>>) dst(%dma_wait3A_1755 : memref<16x128xf32, #tpu.memory_space<vmem_shared>>)
    %mul3A_1759 = arith.constant 640 : i32
    %mul3A_1760 = arith.muli %arg1, %mul3A_1759 : i32
    %add3A_1761 = arith.constant 448 : i32
    %add3A_1762 = arith.addi %mul3A_1760, %add3A_1761 : i32
    %dma_wait3A_1763 = arith.constant 0 : i32
    %dma_wait3A_1764 = arith.constant 0 : i32
    %dma_wait3A_1765 = tpu.memref_slice %arg5[%dma_wait3A_1763, %dma_wait3A_1764] : memref<80x128xf32, #tpu.memory_space<vmem>> -> memref<16x128xf32, #tpu.memory_space<vmem>>
    %dma_wait3A_1766 = arith.constant 0 : i32
    %dma_wait3A_1767 = tpu.memref_slice %arg11[%add3A_1762, %dma_wait3A_1766] : memref<10240x128xf32, #tpu.memory_space<vmem_shared>> -> memref<16x128xf32, #tpu.memory_space<vmem_shared>>
    %dma_wait3A_1768 = arith.constant 0 : i32
    %dma_wait3A_1769 = tpu.memref_slice %arg11[%add3A_1762, %dma_wait3A_1768] : memref<10240x128xf32, #tpu.memory_space<vmem_shared>> -> memref<16x128xf32, #tpu.memory_space<vmem_shared>>
    %dma_wait3A_1770 = arith.constant 0 : i32
    %dma_wait3A_1771 = arith.constant 0 : i32
    %dma_wait3A_1772 = tpu.memref_slice %arg5[%dma_wait3A_1770, %dma_wait3A_1771] : memref<80x128xf32, #tpu.memory_space<vmem>> -> memref<16x128xf32, #tpu.memory_space<vmem>>
    tpu.wait_dma2 semaphore(%arg12 : memref<!tpu.dma_semaphore, #tpu.memory_space<semaphore_mem>>) src(%dma_wait3A_1772 : memref<16x128xf32, #tpu.memory_space<vmem>>) dst(%dma_wait3A_1769 : memref<16x128xf32, #tpu.memory_space<vmem_shared>>)
    %mul3A_1773 = arith.constant 640 : i32
    %mul3A_1774 = arith.muli %arg1, %mul3A_1773 : i32
    %add3A_1775 = arith.constant 464 : i32
    %add3A_1776 = arith.addi %mul3A_1774, %add3A_1775 : i32
    %dma_wait3A_1777 = arith.constant 0 : i32
    %dma_wait3A_1778 = arith.constant 0 : i32
    %dma_wait3A_1779 = tpu.memref_slice %arg5[%dma_wait3A_1777, %dma_wait3A_1778] : memref<80x128xf32, #tpu.memory_space<vmem>> -> memref<16x128xf32, #tpu.memory_space<vmem>>
    %dma_wait3A_1780 = arith.constant 0 : i32
    %dma_wait3A_1781 = tpu.memref_slice %arg11[%add3A_1776, %dma_wait3A_1780] : memref<10240x128xf32, #tpu.memory_space<vmem_shared>> -> memref<16x128xf32, #tpu.memory_space<vmem_shared>>
    %dma_wait3A_1782 = arith.constant 0 : i32
    %dma_wait3A_1783 = tpu.memref_slice %arg11[%add3A_1776, %dma_wait3A_1782] : memref<10240x128xf32, #tpu.memory_space<vmem_shared>> -> memref<16x128xf32, #tpu.memory_space<vmem_shared>>
    %dma_wait3A_1784 = arith.constant 0 : i32
    %dma_wait3A_1785 = arith.constant 0 : i32
    %dma_wait3A_1786 = tpu.memref_slice %arg5[%dma_wait3A_1784, %dma_wait3A_1785] : memref<80x128xf32, #tpu.memory_space<vmem>> -> memref<16x128xf32, #tpu.memory_space<vmem>>
    tpu.wait_dma2 semaphore(%arg12 : memref<!tpu.dma_semaphore, #tpu.memory_space<semaphore_mem>>) src(%dma_wait3A_1786 : memref<16x128xf32, #tpu.memory_space<vmem>>) dst(%dma_wait3A_1783 : memref<16x128xf32, #tpu.memory_space<vmem_shared>>)
    %mul3A_1787 = arith.constant 640 : i32
    %mul3A_1788 = arith.muli %arg1, %mul3A_1787 : i32
    %add3A_1789 = arith.constant 480 : i32
    %add3A_1790 = arith.addi %mul3A_1788, %add3A_1789 : i32
    %dma_wait3A_1791 = arith.constant 0 : i32
    %dma_wait3A_1792 = arith.constant 0 : i32
    %dma_wait3A_1793 = tpu.memref_slice %arg5[%dma_wait3A_1791, %dma_wait3A_1792] : memref<80x128xf32, #tpu.memory_space<vmem>> -> memref<16x128xf32, #tpu.memory_space<vmem>>
    %dma_wait3A_1794 = arith.constant 0 : i32
    %dma_wait3A_1795 = tpu.memref_slice %arg11[%add3A_1790, %dma_wait3A_1794] : memref<10240x128xf32, #tpu.memory_space<vmem_shared>> -> memref<16x128xf32, #tpu.memory_space<vmem_shared>>
    %dma_wait3A_1796 = arith.constant 0 : i32
    %dma_wait3A_1797 = tpu.memref_slice %arg11[%add3A_1790, %dma_wait3A_1796] : memref<10240x128xf32, #tpu.memory_space<vmem_shared>> -> memref<16x128xf32, #tpu.memory_space<vmem_shared>>
    %dma_wait3A_1798 = arith.constant 0 : i32
    %dma_wait3A_1799 = arith.constant 0 : i32
    %dma_wait3A_1800 = tpu.memref_slice %arg5[%dma_wait3A_1798, %dma_wait3A_1799] : memref<80x128xf32, #tpu.memory_space<vmem>> -> memref<16x128xf32, #tpu.memory_space<vmem>>
    tpu.wait_dma2 semaphore(%arg12 : memref<!tpu.dma_semaphore, #tpu.memory_space<semaphore_mem>>) src(%dma_wait3A_1800 : memref<16x128xf32, #tpu.memory_space<vmem>>) dst(%dma_wait3A_1797 : memref<16x128xf32, #tpu.memory_space<vmem_shared>>)
    %mul3A_1801 = arith.constant 640 : i32
    %mul3A_1802 = arith.muli %arg1, %mul3A_1801 : i32
    %add3A_1803 = arith.constant 496 : i32
    %add3A_1804 = arith.addi %mul3A_1802, %add3A_1803 : i32
    %dma_wait3A_1805 = arith.constant 0 : i32
    %dma_wait3A_1806 = arith.constant 0 : i32
    %dma_wait3A_1807 = tpu.memref_slice %arg5[%dma_wait3A_1805, %dma_wait3A_1806] : memref<80x128xf32, #tpu.memory_space<vmem>> -> memref<16x128xf32, #tpu.memory_space<vmem>>
    %dma_wait3A_1808 = arith.constant 0 : i32
    %dma_wait3A_1809 = tpu.memref_slice %arg11[%add3A_1804, %dma_wait3A_1808] : memref<10240x128xf32, #tpu.memory_space<vmem_shared>> -> memref<16x128xf32, #tpu.memory_space<vmem_shared>>
    %dma_wait3A_1810 = arith.constant 0 : i32
    %dma_wait3A_1811 = tpu.memref_slice %arg11[%add3A_1804, %dma_wait3A_1810] : memref<10240x128xf32, #tpu.memory_space<vmem_shared>> -> memref<16x128xf32, #tpu.memory_space<vmem_shared>>
    %dma_wait3A_1812 = arith.constant 0 : i32
    %dma_wait3A_1813 = arith.constant 0 : i32
    %dma_wait3A_1814 = tpu.memref_slice %arg5[%dma_wait3A_1812, %dma_wait3A_1813] : memref<80x128xf32, #tpu.memory_space<vmem>> -> memref<16x128xf32, #tpu.memory_space<vmem>>
    tpu.wait_dma2 semaphore(%arg12 : memref<!tpu.dma_semaphore, #tpu.memory_space<semaphore_mem>>) src(%dma_wait3A_1814 : memref<16x128xf32, #tpu.memory_space<vmem>>) dst(%dma_wait3A_1811 : memref<16x128xf32, #tpu.memory_space<vmem_shared>>)
    %mul3A_1815 = arith.constant 640 : i32
    %mul3A_1816 = arith.muli %arg1, %mul3A_1815 : i32
    %add3A_1817 = arith.constant 512 : i32
    %add3A_1818 = arith.addi %mul3A_1816, %add3A_1817 : i32
    %dma_wait3A_1819 = arith.constant 0 : i32
    %dma_wait3A_1820 = arith.constant 0 : i32
    %dma_wait3A_1821 = tpu.memref_slice %arg5[%dma_wait3A_1819, %dma_wait3A_1820] : memref<80x128xf32, #tpu.memory_space<vmem>> -> memref<16x128xf32, #tpu.memory_space<vmem>>
    %dma_wait3A_1822 = arith.constant 0 : i32
    %dma_wait3A_1823 = tpu.memref_slice %arg11[%add3A_1818, %dma_wait3A_1822] : memref<10240x128xf32, #tpu.memory_space<vmem_shared>> -> memref<16x128xf32, #tpu.memory_space<vmem_shared>>
    %dma_wait3A_1824 = arith.constant 0 : i32
    %dma_wait3A_1825 = tpu.memref_slice %arg11[%add3A_1818, %dma_wait3A_1824] : memref<10240x128xf32, #tpu.memory_space<vmem_shared>> -> memref<16x128xf32, #tpu.memory_space<vmem_shared>>
    %dma_wait3A_1826 = arith.constant 0 : i32
    %dma_wait3A_1827 = arith.constant 0 : i32
    %dma_wait3A_1828 = tpu.memref_slice %arg5[%dma_wait3A_1826, %dma_wait3A_1827] : memref<80x128xf32, #tpu.memory_space<vmem>> -> memref<16x128xf32, #tpu.memory_space<vmem>>
    tpu.wait_dma2 semaphore(%arg12 : memref<!tpu.dma_semaphore, #tpu.memory_space<semaphore_mem>>) src(%dma_wait3A_1828 : memref<16x128xf32, #tpu.memory_space<vmem>>) dst(%dma_wait3A_1825 : memref<16x128xf32, #tpu.memory_space<vmem_shared>>)
    %mul3A_1829 = arith.constant 640 : i32
    %mul3A_1830 = arith.muli %arg1, %mul3A_1829 : i32
    %add3A_1831 = arith.constant 528 : i32
    %add3A_1832 = arith.addi %mul3A_1830, %add3A_1831 : i32
    %dma_wait3A_1833 = arith.constant 0 : i32
    %dma_wait3A_1834 = arith.constant 0 : i32
    %dma_wait3A_1835 = tpu.memref_slice %arg5[%dma_wait3A_1833, %dma_wait3A_1834] : memref<80x128xf32, #tpu.memory_space<vmem>> -> memref<16x128xf32, #tpu.memory_space<vmem>>
    %dma_wait3A_1836 = arith.constant 0 : i32
    %dma_wait3A_1837 = tpu.memref_slice %arg11[%add3A_1832, %dma_wait3A_1836] : memref<10240x128xf32, #tpu.memory_space<vmem_shared>> -> memref<16x128xf32, #tpu.memory_space<vmem_shared>>
    %dma_wait3A_1838 = arith.constant 0 : i32
    %dma_wait3A_1839 = tpu.memref_slice %arg11[%add3A_1832, %dma_wait3A_1838] : memref<10240x128xf32, #tpu.memory_space<vmem_shared>> -> memref<16x128xf32, #tpu.memory_space<vmem_shared>>
    %dma_wait3A_1840 = arith.constant 0 : i32
    %dma_wait3A_1841 = arith.constant 0 : i32
    %dma_wait3A_1842 = tpu.memref_slice %arg5[%dma_wait3A_1840, %dma_wait3A_1841] : memref<80x128xf32, #tpu.memory_space<vmem>> -> memref<16x128xf32, #tpu.memory_space<vmem>>
    tpu.wait_dma2 semaphore(%arg12 : memref<!tpu.dma_semaphore, #tpu.memory_space<semaphore_mem>>) src(%dma_wait3A_1842 : memref<16x128xf32, #tpu.memory_space<vmem>>) dst(%dma_wait3A_1839 : memref<16x128xf32, #tpu.memory_space<vmem_shared>>)
    %mul3A_1843 = arith.constant 640 : i32
    %mul3A_1844 = arith.muli %arg1, %mul3A_1843 : i32
    %add3A_1845 = arith.constant 544 : i32
    %add3A_1846 = arith.addi %mul3A_1844, %add3A_1845 : i32
    %dma_wait3A_1847 = arith.constant 0 : i32
    %dma_wait3A_1848 = arith.constant 0 : i32
    %dma_wait3A_1849 = tpu.memref_slice %arg5[%dma_wait3A_1847, %dma_wait3A_1848] : memref<80x128xf32, #tpu.memory_space<vmem>> -> memref<16x128xf32, #tpu.memory_space<vmem>>
    %dma_wait3A_1850 = arith.constant 0 : i32
    %dma_wait3A_1851 = tpu.memref_slice %arg11[%add3A_1846, %dma_wait3A_1850] : memref<10240x128xf32, #tpu.memory_space<vmem_shared>> -> memref<16x128xf32, #tpu.memory_space<vmem_shared>>
    %dma_wait3A_1852 = arith.constant 0 : i32
    %dma_wait3A_1853 = tpu.memref_slice %arg11[%add3A_1846, %dma_wait3A_1852] : memref<10240x128xf32, #tpu.memory_space<vmem_shared>> -> memref<16x128xf32, #tpu.memory_space<vmem_shared>>
    %dma_wait3A_1854 = arith.constant 0 : i32
    %dma_wait3A_1855 = arith.constant 0 : i32
    %dma_wait3A_1856 = tpu.memref_slice %arg5[%dma_wait3A_1854, %dma_wait3A_1855] : memref<80x128xf32, #tpu.memory_space<vmem>> -> memref<16x128xf32, #tpu.memory_space<vmem>>
    tpu.wait_dma2 semaphore(%arg12 : memref<!tpu.dma_semaphore, #tpu.memory_space<semaphore_mem>>) src(%dma_wait3A_1856 : memref<16x128xf32, #tpu.memory_space<vmem>>) dst(%dma_wait3A_1853 : memref<16x128xf32, #tpu.memory_space<vmem_shared>>)
    %mul3A_1857 = arith.constant 640 : i32
    %mul3A_1858 = arith.muli %arg1, %mul3A_1857 : i32
    %add3A_1859 = arith.constant 560 : i32
    %add3A_1860 = arith.addi %mul3A_1858, %add3A_1859 : i32
    %dma_wait3A_1861 = arith.constant 0 : i32
    %dma_wait3A_1862 = arith.constant 0 : i32
    %dma_wait3A_1863 = tpu.memref_slice %arg5[%dma_wait3A_1861, %dma_wait3A_1862] : memref<80x128xf32, #tpu.memory_space<vmem>> -> memref<16x128xf32, #tpu.memory_space<vmem>>
    %dma_wait3A_1864 = arith.constant 0 : i32
    %dma_wait3A_1865 = tpu.memref_slice %arg11[%add3A_1860, %dma_wait3A_1864] : memref<10240x128xf32, #tpu.memory_space<vmem_shared>> -> memref<16x128xf32, #tpu.memory_space<vmem_shared>>
    %dma_wait3A_1866 = arith.constant 0 : i32
    %dma_wait3A_1867 = tpu.memref_slice %arg11[%add3A_1860, %dma_wait3A_1866] : memref<10240x128xf32, #tpu.memory_space<vmem_shared>> -> memref<16x128xf32, #tpu.memory_space<vmem_shared>>
    %dma_wait3A_1868 = arith.constant 0 : i32
    %dma_wait3A_1869 = arith.constant 0 : i32
    %dma_wait3A_1870 = tpu.memref_slice %arg5[%dma_wait3A_1868, %dma_wait3A_1869] : memref<80x128xf32, #tpu.memory_space<vmem>> -> memref<16x128xf32, #tpu.memory_space<vmem>>
    tpu.wait_dma2 semaphore(%arg12 : memref<!tpu.dma_semaphore, #tpu.memory_space<semaphore_mem>>) src(%dma_wait3A_1870 : memref<16x128xf32, #tpu.memory_space<vmem>>) dst(%dma_wait3A_1867 : memref<16x128xf32, #tpu.memory_space<vmem_shared>>)
    %mul3A_1871 = arith.constant 640 : i32
    %mul3A_1872 = arith.muli %arg1, %mul3A_1871 : i32
    %add3A_1873 = arith.constant 576 : i32
    %add3A_1874 = arith.addi %mul3A_1872, %add3A_1873 : i32
    %dma_wait3A_1875 = arith.constant 0 : i32
    %dma_wait3A_1876 = arith.constant 0 : i32
    %dma_wait3A_1877 = tpu.memref_slice %arg5[%dma_wait3A_1875, %dma_wait3A_1876] : memref<80x128xf32, #tpu.memory_space<vmem>> -> memref<16x128xf32, #tpu.memory_space<vmem>>
    %dma_wait3A_1878 = arith.constant 0 : i32
    %dma_wait3A_1879 = tpu.memref_slice %arg11[%add3A_1874, %dma_wait3A_1878] : memref<10240x128xf32, #tpu.memory_space<vmem_shared>> -> memref<16x128xf32, #tpu.memory_space<vmem_shared>>
    %dma_wait3A_1880 = arith.constant 0 : i32
    %dma_wait3A_1881 = tpu.memref_slice %arg11[%add3A_1874, %dma_wait3A_1880] : memref<10240x128xf32, #tpu.memory_space<vmem_shared>> -> memref<16x128xf32, #tpu.memory_space<vmem_shared>>
    %dma_wait3A_1882 = arith.constant 0 : i32
    %dma_wait3A_1883 = arith.constant 0 : i32
    %dma_wait3A_1884 = tpu.memref_slice %arg5[%dma_wait3A_1882, %dma_wait3A_1883] : memref<80x128xf32, #tpu.memory_space<vmem>> -> memref<16x128xf32, #tpu.memory_space<vmem>>
    tpu.wait_dma2 semaphore(%arg12 : memref<!tpu.dma_semaphore, #tpu.memory_space<semaphore_mem>>) src(%dma_wait3A_1884 : memref<16x128xf32, #tpu.memory_space<vmem>>) dst(%dma_wait3A_1881 : memref<16x128xf32, #tpu.memory_space<vmem_shared>>)
    %mul3A_1885 = arith.constant 640 : i32
    %mul3A_1886 = arith.muli %arg1, %mul3A_1885 : i32
    %add3A_1887 = arith.constant 592 : i32
    %add3A_1888 = arith.addi %mul3A_1886, %add3A_1887 : i32
    %dma_wait3A_1889 = arith.constant 0 : i32
    %dma_wait3A_1890 = arith.constant 0 : i32
    %dma_wait3A_1891 = tpu.memref_slice %arg5[%dma_wait3A_1889, %dma_wait3A_1890] : memref<80x128xf32, #tpu.memory_space<vmem>> -> memref<16x128xf32, #tpu.memory_space<vmem>>
    %dma_wait3A_1892 = arith.constant 0 : i32
    %dma_wait3A_1893 = tpu.memref_slice %arg11[%add3A_1888, %dma_wait3A_1892] : memref<10240x128xf32, #tpu.memory_space<vmem_shared>> -> memref<16x128xf32, #tpu.memory_space<vmem_shared>>
    %dma_wait3A_1894 = arith.constant 0 : i32
    %dma_wait3A_1895 = tpu.memref_slice %arg11[%add3A_1888, %dma_wait3A_1894] : memref<10240x128xf32, #tpu.memory_space<vmem_shared>> -> memref<16x128xf32, #tpu.memory_space<vmem_shared>>
    %dma_wait3A_1896 = arith.constant 0 : i32
    %dma_wait3A_1897 = arith.constant 0 : i32
    %dma_wait3A_1898 = tpu.memref_slice %arg5[%dma_wait3A_1896, %dma_wait3A_1897] : memref<80x128xf32, #tpu.memory_space<vmem>> -> memref<16x128xf32, #tpu.memory_space<vmem>>
    tpu.wait_dma2 semaphore(%arg12 : memref<!tpu.dma_semaphore, #tpu.memory_space<semaphore_mem>>) src(%dma_wait3A_1898 : memref<16x128xf32, #tpu.memory_space<vmem>>) dst(%dma_wait3A_1895 : memref<16x128xf32, #tpu.memory_space<vmem_shared>>)
    %mul3A_1899 = arith.constant 640 : i32
    %mul3A_1900 = arith.muli %arg1, %mul3A_1899 : i32
    %add3A_1901 = arith.constant 608 : i32
    %add3A_1902 = arith.addi %mul3A_1900, %add3A_1901 : i32
    %dma_wait3A_1903 = arith.constant 0 : i32
    %dma_wait3A_1904 = arith.constant 0 : i32
    %dma_wait3A_1905 = tpu.memref_slice %arg5[%dma_wait3A_1903, %dma_wait3A_1904] : memref<80x128xf32, #tpu.memory_space<vmem>> -> memref<16x128xf32, #tpu.memory_space<vmem>>
    %dma_wait3A_1906 = arith.constant 0 : i32
    %dma_wait3A_1907 = tpu.memref_slice %arg11[%add3A_1902, %dma_wait3A_1906] : memref<10240x128xf32, #tpu.memory_space<vmem_shared>> -> memref<16x128xf32, #tpu.memory_space<vmem_shared>>
    %dma_wait3A_1908 = arith.constant 0 : i32
    %dma_wait3A_1909 = tpu.memref_slice %arg11[%add3A_1902, %dma_wait3A_1908] : memref<10240x128xf32, #tpu.memory_space<vmem_shared>> -> memref<16x128xf32, #tpu.memory_space<vmem_shared>>
    %dma_wait3A_1910 = arith.constant 0 : i32
    %dma_wait3A_1911 = arith.constant 0 : i32
    %dma_wait3A_1912 = tpu.memref_slice %arg5[%dma_wait3A_1910, %dma_wait3A_1911] : memref<80x128xf32, #tpu.memory_space<vmem>> -> memref<16x128xf32, #tpu.memory_space<vmem>>
    tpu.wait_dma2 semaphore(%arg12 : memref<!tpu.dma_semaphore, #tpu.memory_space<semaphore_mem>>) src(%dma_wait3A_1912 : memref<16x128xf32, #tpu.memory_space<vmem>>) dst(%dma_wait3A_1909 : memref<16x128xf32, #tpu.memory_space<vmem_shared>>)
    %mul3A_1913 = arith.constant 640 : i32
    %mul3A_1914 = arith.muli %arg1, %mul3A_1913 : i32
    %add3A_1915 = arith.constant 624 : i32
    %add3A_1916 = arith.addi %mul3A_1914, %add3A_1915 : i32
    %dma_wait3A_1917 = arith.constant 0 : i32
    %dma_wait3A_1918 = arith.constant 0 : i32
    %dma_wait3A_1919 = tpu.memref_slice %arg5[%dma_wait3A_1917, %dma_wait3A_1918] : memref<80x128xf32, #tpu.memory_space<vmem>> -> memref<16x128xf32, #tpu.memory_space<vmem>>
    %dma_wait3A_1920 = arith.constant 0 : i32
    %dma_wait3A_1921 = tpu.memref_slice %arg11[%add3A_1916, %dma_wait3A_1920] : memref<10240x128xf32, #tpu.memory_space<vmem_shared>> -> memref<16x128xf32, #tpu.memory_space<vmem_shared>>
    %dma_wait3A_1922 = arith.constant 0 : i32
    %dma_wait3A_1923 = tpu.memref_slice %arg11[%add3A_1916, %dma_wait3A_1922] : memref<10240x128xf32, #tpu.memory_space<vmem_shared>> -> memref<16x128xf32, #tpu.memory_space<vmem_shared>>
    %dma_wait3A_1924 = arith.constant 0 : i32
    %dma_wait3A_1925 = arith.constant 0 : i32
    %dma_wait3A_1926 = tpu.memref_slice %arg5[%dma_wait3A_1924, %dma_wait3A_1925] : memref<80x128xf32, #tpu.memory_space<vmem>> -> memref<16x128xf32, #tpu.memory_space<vmem>>
    tpu.wait_dma2 semaphore(%arg12 : memref<!tpu.dma_semaphore, #tpu.memory_space<semaphore_mem>>) src(%dma_wait3A_1926 : memref<16x128xf32, #tpu.memory_space<vmem>>) dst(%dma_wait3A_1923 : memref<16x128xf32, #tpu.memory_space<vmem_shared>>)
    %add3A_1927 = arith.constant 0 : i32
    %add3A_1928 = arith.addi %mul3A_2, %add3A_1927 : i32
    %multiple_of3A_1929 = tpu.assume_multiple %add3A_1928, 80 : i32
    %dma_start3A_1930 = arith.constant 0 : i32
    %dma_start3A_1931 = tpu.memref_slice %arg2[%multiple_of3A_1929, %dma_start3A_1930] : memref<320000x128xf32, #tpu.memory_space<hbm>> -> memref<80x128xf32, #tpu.memory_space<hbm>>
    %dma_start3A_1932 = arith.constant 0 : i32
    %dma_start3A_1933 = tpu.memref_slice %arg2[%multiple_of3A_1929, %dma_start3A_1932] : memref<320000x128xf32, #tpu.memory_space<hbm>> -> memref<80x128xf32, #tpu.memory_space<hbm>>
    tpu.enqueue_dma source(%dma_start3A_1933 : memref<80x128xf32, #tpu.memory_space<hbm>>) target(%arg5 : memref<80x128xf32, #tpu.memory_space<vmem>>) target_semaphore(%arg12 : memref<!tpu.dma_semaphore, #tpu.memory_space<semaphore_mem>>)
    %barrier3A = arith.constant 0 : index
    tpu.barrier barrier_id(%barrier3A)
    %dma_wait3A_1934 = arith.constant 0 : i32
    %dma_wait3A_1935 = arith.constant 0 : i32
    %dma_wait3A_1936 = arith.constant 0 : i32
    %dma_wait3A_1937 = tpu.memref_slice %arg3[%add3A, %dma_wait3A_1934, %dma_wait3A_1935, %dma_wait3A_1936] : memref<32x4x32x80xi32, #tpu.memory_space<hbm>> -> memref<1x1x32x80xi32, #tpu.memory_space<hbm>>
    %dma_wait3A_1938 = tpu.memref_squeeze %dma_wait3A_1937 : memref<1x1x32x80xi32, #tpu.memory_space<hbm>> -> memref<32x80xi32, #tpu.memory_space<hbm>>
    %dma_wait3A_1939 = arith.constant 0 : i32
    %dma_wait3A_1940 = arith.constant 0 : i32
    %dma_wait3A_1941 = tpu.memref_slice %arg3[%add3A, %dma_wait3A_1934, %dma_wait3A_1939, %dma_wait3A_1940] : memref<32x4x32x80xi32, #tpu.memory_space<hbm>> -> memref<1x1x32x80xi32, #tpu.memory_space<hbm>>
    %dma_wait3A_1942 = tpu.memref_squeeze %dma_wait3A_1941 : memref<1x1x32x80xi32, #tpu.memory_space<hbm>> -> memref<32x80xi32, #tpu.memory_space<hbm>>
    tpu.wait_dma2 semaphore(%arg16 : memref<!tpu.dma_semaphore, #tpu.memory_space<semaphore_mem>>) src(%dma_wait3A_1942 : memref<32x80xi32, #tpu.memory_space<hbm>>) dst(%arg9 : memref<32x80xi32, #tpu.memory_space<vmem>>)
    %scan3A = arith.constant 0 : i32
    %scan3A_1943 = arith.constant 0 : i32
    %scan3A_1944 = arith.constant 8 : i32
    %scan3A_1945 = arith.addi %scan3A_1943, %scan3A_1944 : i32
    %scan3A_1946 = arith.constant 1 : i32
    %scan3A_1947 = scf.for %scan3A_2027 = %scan3A_1943 to %scan3A_1945 step %scan3A_1946 iter_args(%scan3A_2028 = %scan3A) -> (i32)  : i32 {
      %mul3A_2029 = arith.constant 4 : i32
      %mul3A_2030 = arith.muli %mul3A_2029, %scan3A_2027 : i32
      %add3A_2031 = arith.constant 0 : i32
      %add3A_2032 = arith.addi %add3A_2031, %mul3A_2030 : i32
      %add3A_2033 = arith.constant 0 : i32
      %add3A_2034 = arith.addi %add3A_2032, %add3A_2033 : i32
      %mul3A_2035 = arith.constant 80 : i32
      %mul3A_2036 = arith.muli %add3A_2034, %mul3A_2035 : i32
      %add3A_2037 = arith.addi %mul3A_2, %mul3A_2036 : i32
      %multiple_of3A_2038 = tpu.assume_multiple %add3A_2037, 80 : i32
      %dma_wait3A_2039 = arith.constant 0 : i32
      %dma_wait3A_2040 = tpu.memref_slice %arg2[%multiple_of3A_2038, %dma_wait3A_2039] : memref<320000x128xf32, #tpu.memory_space<hbm>> -> memref<80x128xf32, #tpu.memory_space<hbm>>
      %dma_wait3A_2041 = arith.constant 0 : i32
      %dma_wait3A_2042 = tpu.memref_slice %arg2[%multiple_of3A_2038, %dma_wait3A_2041] : memref<320000x128xf32, #tpu.memory_space<hbm>> -> memref<80x128xf32, #tpu.memory_space<hbm>>
      tpu.wait_dma2 semaphore(%arg12 : memref<!tpu.dma_semaphore, #tpu.memory_space<semaphore_mem>>) src(%dma_wait3A_2042 : memref<80x128xf32, #tpu.memory_space<hbm>>) dst(%arg5 : memref<80x128xf32, #tpu.memory_space<vmem>>)
      %mul3A_2043 = arith.constant 4 : i32
      %mul3A_2044 = arith.muli %mul3A_2043, %scan3A_2027 : i32
      %add3A_2045 = arith.constant 0 : i32
      %add3A_2046 = arith.addi %mul3A_2044, %add3A_2045 : i32
      "tpu.region"() ({
        %run_scoped3A_2123 = tpu.sem_alloc : memref<!tpu.dma_semaphore, #tpu.memory_space<semaphore_mem>>
        %dma_start3A_2124 = arith.constant 0 : i32
        %dma_start3A_2125 = tpu.memref_slice %arg9[%add3A_2046, %dma_start3A_2124] : memref<32x80xi32, #tpu.memory_space<vmem>> -> memref<1x80xi32, #tpu.memory_space<vmem>>
        %dma_start3A_2126 = tpu.memref_squeeze %dma_start3A_2125 : memref<1x80xi32, #tpu.memory_space<vmem>> -> memref<80xi32, #tpu.memory_space<vmem>>
        %dma_start3A_2127 = arith.constant 0 : i32
        %dma_start3A_2128 = arith.constant 0 : i32
        %dma_start3A_2129 = tpu.memref_slice %arg11[%dma_start3A_2127, %dma_start3A_2128] : memref<10240x128xf32, #tpu.memory_space<vmem_shared>> -> memref<10240x128xf32, #tpu.memory_space<vmem_shared>>
        tpu.enqueue_indirect_dma source(%arg5 : memref<80x128xf32, #tpu.memory_space<vmem>>) target(%dma_start3A_2129 : memref<10240x128xf32, #tpu.memory_space<vmem_shared>>) offsets(%dma_start3A_2126 : memref<80xi32, #tpu.memory_space<vmem>>) semaphore(%run_scoped3A_2123 : memref<!tpu.dma_semaphore, #tpu.memory_space<semaphore_mem>>) {add = true}
        %dma_wait3A_2130 = arith.constant 0 : i32
        %dma_wait3A_2131 = tpu.memref_slice %arg9[%add3A_2046, %dma_wait3A_2130] : memref<32x80xi32, #tpu.memory_space<vmem>> -> memref<1x80xi32, #tpu.memory_space<vmem>>
        %dma_wait3A_2132 = tpu.memref_squeeze %dma_wait3A_2131 : memref<1x80xi32, #tpu.memory_space<vmem>> -> memref<80xi32, #tpu.memory_space<vmem>>
        %dma_wait3A_2133 = arith.constant 0 : i32
        %dma_wait3A_2134 = arith.constant 0 : i32
        %dma_wait3A_2135 = tpu.memref_slice %arg11[%dma_wait3A_2133, %dma_wait3A_2134] : memref<10240x128xf32, #tpu.memory_space<vmem_shared>> -> memref<10240x128xf32, #tpu.memory_space<vmem_shared>>
        tpu.wait_indirect_dma semaphore(%run_scoped3A_2123 : memref<!tpu.dma_semaphore, #tpu.memory_space<semaphore_mem>>) src(%arg5 : memref<80x128xf32, #tpu.memory_space<vmem>>) dst(%dma_wait3A_2135 : memref<10240x128xf32, #tpu.memory_space<vmem_shared>>)
        tpu.yield
      }) : () -> ()
      %add3A_2047 = arith.constant 4 : i32
      %add3A_2048 = arith.addi %add3A_2032, %add3A_2047 : i32
      %add3A_2049 = arith.constant 0 : i32
      %add3A_2050 = arith.addi %add3A_2048, %add3A_2049 : i32
      %lt3A = arith.constant 125 : i32
      %lt3A_2051 = arith.cmpi slt, %add3A_2050, %lt3A : i32
      %convert_element_type3A = arith.extui %lt3A_2051 : i1 to i32
      %cond3A = arith.constant 0 : i32
      %cond3A_2052 = arith.cmpi ne, %convert_element_type3A, %cond3A : i32
      scf.if %cond3A_2052 {
        %add3A_2123 = arith.constant 4 : i32
        %add3A_2124 = arith.addi %add3A_2032, %add3A_2123 : i32
        %add3A_2125 = arith.constant 0 : i32
        %add3A_2126 = arith.addi %add3A_2124, %add3A_2125 : i32
        %mul3A_2127 = arith.constant 80 : i32
        %mul3A_2128 = arith.muli %add3A_2126, %mul3A_2127 : i32
        %add3A_2129 = arith.addi %mul3A_2, %mul3A_2128 : i32
        %multiple_of3A_2130 = tpu.assume_multiple %add3A_2129, 80 : i32
        %dma_start3A_2131 = arith.constant 0 : i32
        %dma_start3A_2132 = tpu.memref_slice %arg2[%multiple_of3A_2130, %dma_start3A_2131] : memref<320000x128xf32, #tpu.memory_space<hbm>> -> memref<80x128xf32, #tpu.memory_space<hbm>>
        %dma_start3A_2133 = arith.constant 0 : i32
        %dma_start3A_2134 = tpu.memref_slice %arg2[%multiple_of3A_2130, %dma_start3A_2133] : memref<320000x128xf32, #tpu.memory_space<hbm>> -> memref<80x128xf32, #tpu.memory_space<hbm>>
        tpu.enqueue_dma source(%dma_start3A_2134 : memref<80x128xf32, #tpu.memory_space<hbm>>) target(%arg5 : memref<80x128xf32, #tpu.memory_space<vmem>>) target_semaphore(%arg12 : memref<!tpu.dma_semaphore, #tpu.memory_space<semaphore_mem>>)
      } else {
      }
      %add3A_2053 = arith.constant 1 : i32
      %add3A_2054 = arith.addi %add3A_2032, %add3A_2053 : i32
      %mul3A_2055 = arith.constant 80 : i32
      %mul3A_2056 = arith.muli %add3A_2054, %mul3A_2055 : i32
      %add3A_2057 = arith.addi %mul3A_2, %mul3A_2056 : i32
      %multiple_of3A_2058 = tpu.assume_multiple %add3A_2057, 80 : i32
      %dma_wait3A_2059 = arith.constant 0 : i32
      %dma_wait3A_2060 = tpu.memref_slice %arg2[%multiple_of3A_2058, %dma_wait3A_2059] : memref<320000x128xf32, #tpu.memory_space<hbm>> -> memref<80x128xf32, #tpu.memory_space<hbm>>
      %dma_wait3A_2061 = arith.constant 0 : i32
      %dma_wait3A_2062 = tpu.memref_slice %arg2[%multiple_of3A_2058, %dma_wait3A_2061] : memref<320000x128xf32, #tpu.memory_space<hbm>> -> memref<80x128xf32, #tpu.memory_space<hbm>>
      tpu.wait_dma2 semaphore(%arg13 : memref<!tpu.dma_semaphore, #tpu.memory_space<semaphore_mem>>) src(%dma_wait3A_2062 : memref<80x128xf32, #tpu.memory_space<hbm>>) dst(%arg6 : memref<80x128xf32, #tpu.memory_space<vmem>>)
      %mul3A_2063 = arith.constant 4 : i32
      %mul3A_2064 = arith.muli %mul3A_2063, %scan3A_2027 : i32
      %add3A_2065 = arith.constant 1 : i32
      %add3A_2066 = arith.addi %mul3A_2064, %add3A_2065 : i32
      "tpu.region"() ({
        %run_scoped3A_2123 = tpu.sem_alloc : memref<!tpu.dma_semaphore, #tpu.memory_space<semaphore_mem>>
        %dma_start3A_2124 = arith.constant 0 : i32
        %dma_start3A_2125 = tpu.memref_slice %arg9[%add3A_2066, %dma_start3A_2124] : memref<32x80xi32, #tpu.memory_space<vmem>> -> memref<1x80xi32, #tpu.memory_space<vmem>>
        %dma_start3A_2126 = tpu.memref_squeeze %dma_start3A_2125 : memref<1x80xi32, #tpu.memory_space<vmem>> -> memref<80xi32, #tpu.memory_space<vmem>>
        %dma_start3A_2127 = arith.constant 0 : i32
        %dma_start3A_2128 = arith.constant 0 : i32
        %dma_start3A_2129 = tpu.memref_slice %arg11[%dma_start3A_2127, %dma_start3A_2128] : memref<10240x128xf32, #tpu.memory_space<vmem_shared>> -> memref<10240x128xf32, #tpu.memory_space<vmem_shared>>
        tpu.enqueue_indirect_dma source(%arg6 : memref<80x128xf32, #tpu.memory_space<vmem>>) target(%dma_start3A_2129 : memref<10240x128xf32, #tpu.memory_space<vmem_shared>>) offsets(%dma_start3A_2126 : memref<80xi32, #tpu.memory_space<vmem>>) semaphore(%run_scoped3A_2123 : memref<!tpu.dma_semaphore, #tpu.memory_space<semaphore_mem>>) {add = true}
        %dma_wait3A_2130 = arith.constant 0 : i32
        %dma_wait3A_2131 = tpu.memref_slice %arg9[%add3A_2066, %dma_wait3A_2130] : memref<32x80xi32, #tpu.memory_space<vmem>> -> memref<1x80xi32, #tpu.memory_space<vmem>>
        %dma_wait3A_2132 = tpu.memref_squeeze %dma_wait3A_2131 : memref<1x80xi32, #tpu.memory_space<vmem>> -> memref<80xi32, #tpu.memory_space<vmem>>
        %dma_wait3A_2133 = arith.constant 0 : i32
        %dma_wait3A_2134 = arith.constant 0 : i32
        %dma_wait3A_2135 = tpu.memref_slice %arg11[%dma_wait3A_2133, %dma_wait3A_2134] : memref<10240x128xf32, #tpu.memory_space<vmem_shared>> -> memref<10240x128xf32, #tpu.memory_space<vmem_shared>>
        tpu.wait_indirect_dma semaphore(%run_scoped3A_2123 : memref<!tpu.dma_semaphore, #tpu.memory_space<semaphore_mem>>) src(%arg6 : memref<80x128xf32, #tpu.memory_space<vmem>>) dst(%dma_wait3A_2135 : memref<10240x128xf32, #tpu.memory_space<vmem_shared>>)
        tpu.yield
      }) : () -> ()
      %add3A_2067 = arith.constant 4 : i32
      %add3A_2068 = arith.addi %add3A_2032, %add3A_2067 : i32
      %add3A_2069 = arith.constant 1 : i32
      %add3A_2070 = arith.addi %add3A_2068, %add3A_2069 : i32
      %lt3A_2071 = arith.constant 125 : i32
      %lt3A_2072 = arith.cmpi slt, %add3A_2070, %lt3A_2071 : i32
      %convert_element_type3A_2073 = arith.extui %lt3A_2072 : i1 to i32
      %cond3A_2074 = arith.constant 0 : i32
      %cond3A_2075 = arith.cmpi ne, %convert_element_type3A_2073, %cond3A_2074 : i32
      scf.if %cond3A_2075 {
        %add3A_2123 = arith.constant 4 : i32
        %add3A_2124 = arith.addi %add3A_2032, %add3A_2123 : i32
        %add3A_2125 = arith.constant 1 : i32
        %add3A_2126 = arith.addi %add3A_2124, %add3A_2125 : i32
        %mul3A_2127 = arith.constant 80 : i32
        %mul3A_2128 = arith.muli %add3A_2126, %mul3A_2127 : i32
        %add3A_2129 = arith.addi %mul3A_2, %mul3A_2128 : i32
        %multiple_of3A_2130 = tpu.assume_multiple %add3A_2129, 80 : i32
        %dma_start3A_2131 = arith.constant 0 : i32
        %dma_start3A_2132 = tpu.memref_slice %arg2[%multiple_of3A_2130, %dma_start3A_2131] : memref<320000x128xf32, #tpu.memory_space<hbm>> -> memref<80x128xf32, #tpu.memory_space<hbm>>
        %dma_start3A_2133 = arith.constant 0 : i32
        %dma_start3A_2134 = tpu.memref_slice %arg2[%multiple_of3A_2130, %dma_start3A_2133] : memref<320000x128xf32, #tpu.memory_space<hbm>> -> memref<80x128xf32, #tpu.memory_space<hbm>>
        tpu.enqueue_dma source(%dma_start3A_2134 : memref<80x128xf32, #tpu.memory_space<hbm>>) target(%arg6 : memref<80x128xf32, #tpu.memory_space<vmem>>) target_semaphore(%arg13 : memref<!tpu.dma_semaphore, #tpu.memory_space<semaphore_mem>>)
      } else {
      }
      %add3A_2076 = arith.constant 2 : i32
      %add3A_2077 = arith.addi %add3A_2032, %add3A_2076 : i32
      %mul3A_2078 = arith.constant 80 : i32
      %mul3A_2079 = arith.muli %add3A_2077, %mul3A_2078 : i32
      %add3A_2080 = arith.addi %mul3A_2, %mul3A_2079 : i32
      %multiple_of3A_2081 = tpu.assume_multiple %add3A_2080, 80 : i32
      %dma_wait3A_2082 = arith.constant 0 : i32
      %dma_wait3A_2083 = tpu.memref_slice %arg2[%multiple_of3A_2081, %dma_wait3A_2082] : memref<320000x128xf32, #tpu.memory_space<hbm>> -> memref<80x128xf32, #tpu.memory_space<hbm>>
      %dma_wait3A_2084 = arith.constant 0 : i32
      %dma_wait3A_2085 = tpu.memref_slice %arg2[%multiple_of3A_2081, %dma_wait3A_2084] : memref<320000x128xf32, #tpu.memory_space<hbm>> -> memref<80x128xf32, #tpu.memory_space<hbm>>
      tpu.wait_dma2 semaphore(%arg14 : memref<!tpu.dma_semaphore, #tpu.memory_space<semaphore_mem>>) src(%dma_wait3A_2085 : memref<80x128xf32, #tpu.memory_space<hbm>>) dst(%arg7 : memref<80x128xf32, #tpu.memory_space<vmem>>)
      %mul3A_2086 = arith.constant 4 : i32
      %mul3A_2087 = arith.muli %mul3A_2086, %scan3A_2027 : i32
      %add3A_2088 = arith.constant 2 : i32
      %add3A_2089 = arith.addi %mul3A_2087, %add3A_2088 : i32
      "tpu.region"() ({
        %run_scoped3A_2123 = tpu.sem_alloc : memref<!tpu.dma_semaphore, #tpu.memory_space<semaphore_mem>>
        %dma_start3A_2124 = arith.constant 0 : i32
        %dma_start3A_2125 = tpu.memref_slice %arg9[%add3A_2089, %dma_start3A_2124] : memref<32x80xi32, #tpu.memory_space<vmem>> -> memref<1x80xi32, #tpu.memory_space<vmem>>
        %dma_start3A_2126 = tpu.memref_squeeze %dma_start3A_2125 : memref<1x80xi32, #tpu.memory_space<vmem>> -> memref<80xi32, #tpu.memory_space<vmem>>
        %dma_start3A_2127 = arith.constant 0 : i32
        %dma_start3A_2128 = arith.constant 0 : i32
        %dma_start3A_2129 = tpu.memref_slice %arg11[%dma_start3A_2127, %dma_start3A_2128] : memref<10240x128xf32, #tpu.memory_space<vmem_shared>> -> memref<10240x128xf32, #tpu.memory_space<vmem_shared>>
        tpu.enqueue_indirect_dma source(%arg7 : memref<80x128xf32, #tpu.memory_space<vmem>>) target(%dma_start3A_2129 : memref<10240x128xf32, #tpu.memory_space<vmem_shared>>) offsets(%dma_start3A_2126 : memref<80xi32, #tpu.memory_space<vmem>>) semaphore(%run_scoped3A_2123 : memref<!tpu.dma_semaphore, #tpu.memory_space<semaphore_mem>>) {add = true}
        %dma_wait3A_2130 = arith.constant 0 : i32
        %dma_wait3A_2131 = tpu.memref_slice %arg9[%add3A_2089, %dma_wait3A_2130] : memref<32x80xi32, #tpu.memory_space<vmem>> -> memref<1x80xi32, #tpu.memory_space<vmem>>
        %dma_wait3A_2132 = tpu.memref_squeeze %dma_wait3A_2131 : memref<1x80xi32, #tpu.memory_space<vmem>> -> memref<80xi32, #tpu.memory_space<vmem>>
        %dma_wait3A_2133 = arith.constant 0 : i32
        %dma_wait3A_2134 = arith.constant 0 : i32
        %dma_wait3A_2135 = tpu.memref_slice %arg11[%dma_wait3A_2133, %dma_wait3A_2134] : memref<10240x128xf32, #tpu.memory_space<vmem_shared>> -> memref<10240x128xf32, #tpu.memory_space<vmem_shared>>
        tpu.wait_indirect_dma semaphore(%run_scoped3A_2123 : memref<!tpu.dma_semaphore, #tpu.memory_space<semaphore_mem>>) src(%arg7 : memref<80x128xf32, #tpu.memory_space<vmem>>) dst(%dma_wait3A_2135 : memref<10240x128xf32, #tpu.memory_space<vmem_shared>>)
        tpu.yield
      }) : () -> ()
      %add3A_2090 = arith.constant 4 : i32
      %add3A_2091 = arith.addi %add3A_2032, %add3A_2090 : i32
      %add3A_2092 = arith.constant 2 : i32
      %add3A_2093 = arith.addi %add3A_2091, %add3A_2092 : i32
      %lt3A_2094 = arith.constant 125 : i32
      %lt3A_2095 = arith.cmpi slt, %add3A_2093, %lt3A_2094 : i32
      %convert_element_type3A_2096 = arith.extui %lt3A_2095 : i1 to i32
      %cond3A_2097 = arith.constant 0 : i32
      %cond3A_2098 = arith.cmpi ne, %convert_element_type3A_2096, %cond3A_2097 : i32
      scf.if %cond3A_2098 {
        %add3A_2123 = arith.constant 4 : i32
        %add3A_2124 = arith.addi %add3A_2032, %add3A_2123 : i32
        %add3A_2125 = arith.constant 2 : i32
        %add3A_2126 = arith.addi %add3A_2124, %add3A_2125 : i32
        %mul3A_2127 = arith.constant 80 : i32
        %mul3A_2128 = arith.muli %add3A_2126, %mul3A_2127 : i32
        %add3A_2129 = arith.addi %mul3A_2, %mul3A_2128 : i32
        %multiple_of3A_2130 = tpu.assume_multiple %add3A_2129, 80 : i32
        %dma_start3A_2131 = arith.constant 0 : i32
        %dma_start3A_2132 = tpu.memref_slice %arg2[%multiple_of3A_2130, %dma_start3A_2131] : memref<320000x128xf32, #tpu.memory_space<hbm>> -> memref<80x128xf32, #tpu.memory_space<hbm>>
        %dma_start3A_2133 = arith.constant 0 : i32
        %dma_start3A_2134 = tpu.memref_slice %arg2[%multiple_of3A_2130, %dma_start3A_2133] : memref<320000x128xf32, #tpu.memory_space<hbm>> -> memref<80x128xf32, #tpu.memory_space<hbm>>
        tpu.enqueue_dma source(%dma_start3A_2134 : memref<80x128xf32, #tpu.memory_space<hbm>>) target(%arg7 : memref<80x128xf32, #tpu.memory_space<vmem>>) target_semaphore(%arg14 : memref<!tpu.dma_semaphore, #tpu.memory_space<semaphore_mem>>)
      } else {
      }
      %add3A_2099 = arith.constant 3 : i32
      %add3A_2100 = arith.addi %add3A_2032, %add3A_2099 : i32
      %mul3A_2101 = arith.constant 80 : i32
      %mul3A_2102 = arith.muli %add3A_2100, %mul3A_2101 : i32
      %add3A_2103 = arith.addi %mul3A_2, %mul3A_2102 : i32
      %multiple_of3A_2104 = tpu.assume_multiple %add3A_2103, 80 : i32
      %dma_wait3A_2105 = arith.constant 0 : i32
      %dma_wait3A_2106 = tpu.memref_slice %arg2[%multiple_of3A_2104, %dma_wait3A_2105] : memref<320000x128xf32, #tpu.memory_space<hbm>> -> memref<80x128xf32, #tpu.memory_space<hbm>>
      %dma_wait3A_2107 = arith.constant 0 : i32
      %dma_wait3A_2108 = tpu.memref_slice %arg2[%multiple_of3A_2104, %dma_wait3A_2107] : memref<320000x128xf32, #tpu.memory_space<hbm>> -> memref<80x128xf32, #tpu.memory_space<hbm>>
      tpu.wait_dma2 semaphore(%arg15 : memref<!tpu.dma_semaphore, #tpu.memory_space<semaphore_mem>>) src(%dma_wait3A_2108 : memref<80x128xf32, #tpu.memory_space<hbm>>) dst(%arg8 : memref<80x128xf32, #tpu.memory_space<vmem>>)
      %mul3A_2109 = arith.constant 4 : i32
      %mul3A_2110 = arith.muli %mul3A_2109, %scan3A_2027 : i32
      %add3A_2111 = arith.constant 3 : i32
      %add3A_2112 = arith.addi %mul3A_2110, %add3A_2111 : i32
      "tpu.region"() ({
        %run_scoped3A_2123 = tpu.sem_alloc : memref<!tpu.dma_semaphore, #tpu.memory_space<semaphore_mem>>
        %dma_start3A_2124 = arith.constant 0 : i32
        %dma_start3A_2125 = tpu.memref_slice %arg9[%add3A_2112, %dma_start3A_2124] : memref<32x80xi32, #tpu.memory_space<vmem>> -> memref<1x80xi32, #tpu.memory_space<vmem>>
        %dma_start3A_2126 = tpu.memref_squeeze %dma_start3A_2125 : memref<1x80xi32, #tpu.memory_space<vmem>> -> memref<80xi32, #tpu.memory_space<vmem>>
        %dma_start3A_2127 = arith.constant 0 : i32
        %dma_start3A_2128 = arith.constant 0 : i32
        %dma_start3A_2129 = tpu.memref_slice %arg11[%dma_start3A_2127, %dma_start3A_2128] : memref<10240x128xf32, #tpu.memory_space<vmem_shared>> -> memref<10240x128xf32, #tpu.memory_space<vmem_shared>>
        tpu.enqueue_indirect_dma source(%arg8 : memref<80x128xf32, #tpu.memory_space<vmem>>) target(%dma_start3A_2129 : memref<10240x128xf32, #tpu.memory_space<vmem_shared>>) offsets(%dma_start3A_2126 : memref<80xi32, #tpu.memory_space<vmem>>) semaphore(%run_scoped3A_2123 : memref<!tpu.dma_semaphore, #tpu.memory_space<semaphore_mem>>) {add = true}
        %dma_wait3A_2130 = arith.constant 0 : i32
        %dma_wait3A_2131 = tpu.memref_slice %arg9[%add3A_2112, %dma_wait3A_2130] : memref<32x80xi32, #tpu.memory_space<vmem>> -> memref<1x80xi32, #tpu.memory_space<vmem>>
        %dma_wait3A_2132 = tpu.memref_squeeze %dma_wait3A_2131 : memref<1x80xi32, #tpu.memory_space<vmem>> -> memref<80xi32, #tpu.memory_space<vmem>>
        %dma_wait3A_2133 = arith.constant 0 : i32
        %dma_wait3A_2134 = arith.constant 0 : i32
        %dma_wait3A_2135 = tpu.memref_slice %arg11[%dma_wait3A_2133, %dma_wait3A_2134] : memref<10240x128xf32, #tpu.memory_space<vmem_shared>> -> memref<10240x128xf32, #tpu.memory_space<vmem_shared>>
        tpu.wait_indirect_dma semaphore(%run_scoped3A_2123 : memref<!tpu.dma_semaphore, #tpu.memory_space<semaphore_mem>>) src(%arg8 : memref<80x128xf32, #tpu.memory_space<vmem>>) dst(%dma_wait3A_2135 : memref<10240x128xf32, #tpu.memory_space<vmem_shared>>)
        tpu.yield
      }) : () -> ()
      %add3A_2113 = arith.constant 4 : i32
      %add3A_2114 = arith.addi %add3A_2032, %add3A_2113 : i32
      %add3A_2115 = arith.constant 3 : i32
      %add3A_2116 = arith.addi %add3A_2114, %add3A_2115 : i32
      %lt3A_2117 = arith.constant 125 : i32
      %lt3A_2118 = arith.cmpi slt, %add3A_2116, %lt3A_2117 : i32
      %convert_element_type3A_2119 = arith.extui %lt3A_2118 : i1 to i32
      %cond3A_2120 = arith.constant 0 : i32
      %cond3A_2121 = arith.cmpi ne, %convert_element_type3A_2119, %cond3A_2120 : i32
      scf.if %cond3A_2121 {
        %add3A_2123 = arith.constant 4 : i32
        %add3A_2124 = arith.addi %add3A_2032, %add3A_2123 : i32
        %add3A_2125 = arith.constant 3 : i32
        %add3A_2126 = arith.addi %add3A_2124, %add3A_2125 : i32
        %mul3A_2127 = arith.constant 80 : i32
        %mul3A_2128 = arith.muli %add3A_2126, %mul3A_2127 : i32
        %add3A_2129 = arith.addi %mul3A_2, %mul3A_2128 : i32
        %multiple_of3A_2130 = tpu.assume_multiple %add3A_2129, 80 : i32
        %dma_start3A_2131 = arith.constant 0 : i32
        %dma_start3A_2132 = tpu.memref_slice %arg2[%multiple_of3A_2130, %dma_start3A_2131] : memref<320000x128xf32, #tpu.memory_space<hbm>> -> memref<80x128xf32, #tpu.memory_space<hbm>>
        %dma_start3A_2133 = arith.constant 0 : i32
        %dma_start3A_2134 = tpu.memref_slice %arg2[%multiple_of3A_2130, %dma_start3A_2133] : memref<320000x128xf32, #tpu.memory_space<hbm>> -> memref<80x128xf32, #tpu.memory_space<hbm>>
        tpu.enqueue_dma source(%dma_start3A_2134 : memref<80x128xf32, #tpu.memory_space<hbm>>) target(%arg8 : memref<80x128xf32, #tpu.memory_space<vmem>>) target_semaphore(%arg15 : memref<!tpu.dma_semaphore, #tpu.memory_space<semaphore_mem>>)
      } else {
      }
      %scan3A_2122 = arith.constant 0 : i32
      scf.yield %scan3A_2122 : i32
    }
    %scan3A_1948 = arith.constant 8 : i32
    %dma_start3A_1949 = arith.constant 2 : i32
    %dma_start3A_1950 = arith.constant 0 : i32
    %dma_start3A_1951 = arith.constant 0 : i32
    %dma_start3A_1952 = tpu.memref_slice %arg3[%add3A, %dma_start3A_1949, %dma_start3A_1950, %dma_start3A_1951] : memref<32x4x32x80xi32, #tpu.memory_space<hbm>> -> memref<1x1x32x80xi32, #tpu.memory_space<hbm>>
    %dma_start3A_1953 = tpu.memref_squeeze %dma_start3A_1952 : memref<1x1x32x80xi32, #tpu.memory_space<hbm>> -> memref<32x80xi32, #tpu.memory_space<hbm>>
    %dma_start3A_1954 = arith.constant 0 : i32
    %dma_start3A_1955 = arith.constant 0 : i32
    %dma_start3A_1956 = tpu.memref_slice %arg3[%add3A, %dma_start3A_1949, %dma_start3A_1954, %dma_start3A_1955] : memref<32x4x32x80xi32, #tpu.memory_space<hbm>> -> memref<1x1x32x80xi32, #tpu.memory_space<hbm>>
    %dma_start3A_1957 = tpu.memref_squeeze %dma_start3A_1956 : memref<1x1x32x80xi32, #tpu.memory_space<hbm>> -> memref<32x80xi32, #tpu.memory_space<hbm>>
    tpu.enqueue_dma source(%dma_start3A_1957 : memref<32x80xi32, #tpu.memory_space<hbm>>) target(%arg9 : memref<32x80xi32, #tpu.memory_space<vmem>>) target_semaphore(%arg16 : memref<!tpu.dma_semaphore, #tpu.memory_space<semaphore_mem>>)
    %dma_wait3A_1958 = arith.constant 1 : i32
    %dma_wait3A_1959 = arith.constant 0 : i32
    %dma_wait3A_1960 = arith.constant 0 : i32
    %dma_wait3A_1961 = tpu.memref_slice %arg3[%add3A, %dma_wait3A_1958, %dma_wait3A_1959, %dma_wait3A_1960] : memref<32x4x32x80xi32, #tpu.memory_space<hbm>> -> memref<1x1x32x80xi32, #tpu.memory_space<hbm>>
    %dma_wait3A_1962 = tpu.memref_squeeze %dma_wait3A_1961 : memref<1x1x32x80xi32, #tpu.memory_space<hbm>> -> memref<32x80xi32, #tpu.memory_space<hbm>>
    %dma_wait3A_1963 = arith.constant 0 : i32
    %dma_wait3A_1964 = arith.constant 0 : i32
    %dma_wait3A_1965 = tpu.memref_slice %arg3[%add3A, %dma_wait3A_1958, %dma_wait3A_1963, %dma_wait3A_1964] : memref<32x4x32x80xi32, #tpu.memory_space<hbm>> -> memref<1x1x32x80xi32, #tpu.memory_space<hbm>>
    %dma_wait3A_1966 = tpu.memref_squeeze %dma_wait3A_1965 : memref<1x1x32x80xi32, #tpu.memory_space<hbm>> -> memref<32x80xi32, #tpu.memory_space<hbm>>
    tpu.wait_dma2 semaphore(%arg17 : memref<!tpu.dma_semaphore, #tpu.memory_space<semaphore_mem>>) src(%dma_wait3A_1966 : memref<32x80xi32, #tpu.memory_space<hbm>>) dst(%arg10 : memref<32x80xi32, #tpu.memory_space<vmem>>)
    %scan3A_1967 = arith.constant 0 : i32
    %scan3A_1968 = arith.constant 0 : i32
    %scan3A_1969 = arith.constant 8 : i32
    %scan3A_1970 = arith.addi %scan3A_1968, %scan3A_1969 : i32
    %scan3A_1971 = arith.constant 1 : i32
    %scan3A_1972 = scf.for %scan3A_2027 = %scan3A_1968 to %scan3A_1970 step %scan3A_1971 iter_args(%scan3A_2028 = %scan3A_1967) -> (i32)  : i32 {
      %mul3A_2029 = arith.constant 4 : i32
      %mul3A_2030 = arith.muli %mul3A_2029, %scan3A_2027 : i32
      %add3A_2031 = arith.constant 32 : i32
      %add3A_2032 = arith.addi %add3A_2031, %mul3A_2030 : i32
      %add3A_2033 = arith.constant 0 : i32
      %add3A_2034 = arith.addi %add3A_2032, %add3A_2033 : i32
      %mul3A_2035 = arith.constant 80 : i32
      %mul3A_2036 = arith.muli %add3A_2034, %mul3A_2035 : i32
      %add3A_2037 = arith.addi %mul3A_2, %mul3A_2036 : i32
      %multiple_of3A_2038 = tpu.assume_multiple %add3A_2037, 80 : i32
      %dma_wait3A_2039 = arith.constant 0 : i32
      %dma_wait3A_2040 = tpu.memref_slice %arg2[%multiple_of3A_2038, %dma_wait3A_2039] : memref<320000x128xf32, #tpu.memory_space<hbm>> -> memref<80x128xf32, #tpu.memory_space<hbm>>
      %dma_wait3A_2041 = arith.constant 0 : i32
      %dma_wait3A_2042 = tpu.memref_slice %arg2[%multiple_of3A_2038, %dma_wait3A_2041] : memref<320000x128xf32, #tpu.memory_space<hbm>> -> memref<80x128xf32, #tpu.memory_space<hbm>>
      tpu.wait_dma2 semaphore(%arg12 : memref<!tpu.dma_semaphore, #tpu.memory_space<semaphore_mem>>) src(%dma_wait3A_2042 : memref<80x128xf32, #tpu.memory_space<hbm>>) dst(%arg5 : memref<80x128xf32, #tpu.memory_space<vmem>>)
      %mul3A_2043 = arith.constant 4 : i32
      %mul3A_2044 = arith.muli %mul3A_2043, %scan3A_2027 : i32
      %add3A_2045 = arith.constant 0 : i32
      %add3A_2046 = arith.addi %mul3A_2044, %add3A_2045 : i32
      "tpu.region"() ({
        %run_scoped3A_2123 = tpu.sem_alloc : memref<!tpu.dma_semaphore, #tpu.memory_space<semaphore_mem>>
        %dma_start3A_2124 = arith.constant 0 : i32
        %dma_start3A_2125 = tpu.memref_slice %arg10[%add3A_2046, %dma_start3A_2124] : memref<32x80xi32, #tpu.memory_space<vmem>> -> memref<1x80xi32, #tpu.memory_space<vmem>>
        %dma_start3A_2126 = tpu.memref_squeeze %dma_start3A_2125 : memref<1x80xi32, #tpu.memory_space<vmem>> -> memref<80xi32, #tpu.memory_space<vmem>>
        %dma_start3A_2127 = arith.constant 0 : i32
        %dma_start3A_2128 = arith.constant 0 : i32
        %dma_start3A_2129 = tpu.memref_slice %arg11[%dma_start3A_2127, %dma_start3A_2128] : memref<10240x128xf32, #tpu.memory_space<vmem_shared>> -> memref<10240x128xf32, #tpu.memory_space<vmem_shared>>
        tpu.enqueue_indirect_dma source(%arg5 : memref<80x128xf32, #tpu.memory_space<vmem>>) target(%dma_start3A_2129 : memref<10240x128xf32, #tpu.memory_space<vmem_shared>>) offsets(%dma_start3A_2126 : memref<80xi32, #tpu.memory_space<vmem>>) semaphore(%run_scoped3A_2123 : memref<!tpu.dma_semaphore, #tpu.memory_space<semaphore_mem>>) {add = true}
        %dma_wait3A_2130 = arith.constant 0 : i32
        %dma_wait3A_2131 = tpu.memref_slice %arg10[%add3A_2046, %dma_wait3A_2130] : memref<32x80xi32, #tpu.memory_space<vmem>> -> memref<1x80xi32, #tpu.memory_space<vmem>>
        %dma_wait3A_2132 = tpu.memref_squeeze %dma_wait3A_2131 : memref<1x80xi32, #tpu.memory_space<vmem>> -> memref<80xi32, #tpu.memory_space<vmem>>
        %dma_wait3A_2133 = arith.constant 0 : i32
        %dma_wait3A_2134 = arith.constant 0 : i32
        %dma_wait3A_2135 = tpu.memref_slice %arg11[%dma_wait3A_2133, %dma_wait3A_2134] : memref<10240x128xf32, #tpu.memory_space<vmem_shared>> -> memref<10240x128xf32, #tpu.memory_space<vmem_shared>>
        tpu.wait_indirect_dma semaphore(%run_scoped3A_2123 : memref<!tpu.dma_semaphore, #tpu.memory_space<semaphore_mem>>) src(%arg5 : memref<80x128xf32, #tpu.memory_space<vmem>>) dst(%dma_wait3A_2135 : memref<10240x128xf32, #tpu.memory_space<vmem_shared>>)
        tpu.yield
      }) : () -> ()
      %add3A_2047 = arith.constant 4 : i32
      %add3A_2048 = arith.addi %add3A_2032, %add3A_2047 : i32
      %add3A_2049 = arith.constant 0 : i32
      %add3A_2050 = arith.addi %add3A_2048, %add3A_2049 : i32
      %lt3A = arith.constant 125 : i32
      %lt3A_2051 = arith.cmpi slt, %add3A_2050, %lt3A : i32
      %convert_element_type3A = arith.extui %lt3A_2051 : i1 to i32
      %cond3A = arith.constant 0 : i32
      %cond3A_2052 = arith.cmpi ne, %convert_element_type3A, %cond3A : i32
      scf.if %cond3A_2052 {
        %add3A_2123 = arith.constant 4 : i32
        %add3A_2124 = arith.addi %add3A_2032, %add3A_2123 : i32
        %add3A_2125 = arith.constant 0 : i32
        %add3A_2126 = arith.addi %add3A_2124, %add3A_2125 : i32
        %mul3A_2127 = arith.constant 80 : i32
        %mul3A_2128 = arith.muli %add3A_2126, %mul3A_2127 : i32
        %add3A_2129 = arith.addi %mul3A_2, %mul3A_2128 : i32
        %multiple_of3A_2130 = tpu.assume_multiple %add3A_2129, 80 : i32
        %dma_start3A_2131 = arith.constant 0 : i32
        %dma_start3A_2132 = tpu.memref_slice %arg2[%multiple_of3A_2130, %dma_start3A_2131] : memref<320000x128xf32, #tpu.memory_space<hbm>> -> memref<80x128xf32, #tpu.memory_space<hbm>>
        %dma_start3A_2133 = arith.constant 0 : i32
        %dma_start3A_2134 = tpu.memref_slice %arg2[%multiple_of3A_2130, %dma_start3A_2133] : memref<320000x128xf32, #tpu.memory_space<hbm>> -> memref<80x128xf32, #tpu.memory_space<hbm>>
        tpu.enqueue_dma source(%dma_start3A_2134 : memref<80x128xf32, #tpu.memory_space<hbm>>) target(%arg5 : memref<80x128xf32, #tpu.memory_space<vmem>>) target_semaphore(%arg12 : memref<!tpu.dma_semaphore, #tpu.memory_space<semaphore_mem>>)
      } else {
      }
      %add3A_2053 = arith.constant 1 : i32
      %add3A_2054 = arith.addi %add3A_2032, %add3A_2053 : i32
      %mul3A_2055 = arith.constant 80 : i32
      %mul3A_2056 = arith.muli %add3A_2054, %mul3A_2055 : i32
      %add3A_2057 = arith.addi %mul3A_2, %mul3A_2056 : i32
      %multiple_of3A_2058 = tpu.assume_multiple %add3A_2057, 80 : i32
      %dma_wait3A_2059 = arith.constant 0 : i32
      %dma_wait3A_2060 = tpu.memref_slice %arg2[%multiple_of3A_2058, %dma_wait3A_2059] : memref<320000x128xf32, #tpu.memory_space<hbm>> -> memref<80x128xf32, #tpu.memory_space<hbm>>
      %dma_wait3A_2061 = arith.constant 0 : i32
      %dma_wait3A_2062 = tpu.memref_slice %arg2[%multiple_of3A_2058, %dma_wait3A_2061] : memref<320000x128xf32, #tpu.memory_space<hbm>> -> memref<80x128xf32, #tpu.memory_space<hbm>>
      tpu.wait_dma2 semaphore(%arg13 : memref<!tpu.dma_semaphore, #tpu.memory_space<semaphore_mem>>) src(%dma_wait3A_2062 : memref<80x128xf32, #tpu.memory_space<hbm>>) dst(%arg6 : memref<80x128xf32, #tpu.memory_space<vmem>>)
      %mul3A_2063 = arith.constant 4 : i32
      %mul3A_2064 = arith.muli %mul3A_2063, %scan3A_2027 : i32
      %add3A_2065 = arith.constant 1 : i32
      %add3A_2066 = arith.addi %mul3A_2064, %add3A_2065 : i32
      "tpu.region"() ({
        %run_scoped3A_2123 = tpu.sem_alloc : memref<!tpu.dma_semaphore, #tpu.memory_space<semaphore_mem>>
        %dma_start3A_2124 = arith.constant 0 : i32
        %dma_start3A_2125 = tpu.memref_slice %arg10[%add3A_2066, %dma_start3A_2124] : memref<32x80xi32, #tpu.memory_space<vmem>> -> memref<1x80xi32, #tpu.memory_space<vmem>>
        %dma_start3A_2126 = tpu.memref_squeeze %dma_start3A_2125 : memref<1x80xi32, #tpu.memory_space<vmem>> -> memref<80xi32, #tpu.memory_space<vmem>>
        %dma_start3A_2127 = arith.constant 0 : i32
        %dma_start3A_2128 = arith.constant 0 : i32
        %dma_start3A_2129 = tpu.memref_slice %arg11[%dma_start3A_2127, %dma_start3A_2128] : memref<10240x128xf32, #tpu.memory_space<vmem_shared>> -> memref<10240x128xf32, #tpu.memory_space<vmem_shared>>
        tpu.enqueue_indirect_dma source(%arg6 : memref<80x128xf32, #tpu.memory_space<vmem>>) target(%dma_start3A_2129 : memref<10240x128xf32, #tpu.memory_space<vmem_shared>>) offsets(%dma_start3A_2126 : memref<80xi32, #tpu.memory_space<vmem>>) semaphore(%run_scoped3A_2123 : memref<!tpu.dma_semaphore, #tpu.memory_space<semaphore_mem>>) {add = true}
        %dma_wait3A_2130 = arith.constant 0 : i32
        %dma_wait3A_2131 = tpu.memref_slice %arg10[%add3A_2066, %dma_wait3A_2130] : memref<32x80xi32, #tpu.memory_space<vmem>> -> memref<1x80xi32, #tpu.memory_space<vmem>>
        %dma_wait3A_2132 = tpu.memref_squeeze %dma_wait3A_2131 : memref<1x80xi32, #tpu.memory_space<vmem>> -> memref<80xi32, #tpu.memory_space<vmem>>
        %dma_wait3A_2133 = arith.constant 0 : i32
        %dma_wait3A_2134 = arith.constant 0 : i32
        %dma_wait3A_2135 = tpu.memref_slice %arg11[%dma_wait3A_2133, %dma_wait3A_2134] : memref<10240x128xf32, #tpu.memory_space<vmem_shared>> -> memref<10240x128xf32, #tpu.memory_space<vmem_shared>>
        tpu.wait_indirect_dma semaphore(%run_scoped3A_2123 : memref<!tpu.dma_semaphore, #tpu.memory_space<semaphore_mem>>) src(%arg6 : memref<80x128xf32, #tpu.memory_space<vmem>>) dst(%dma_wait3A_2135 : memref<10240x128xf32, #tpu.memory_space<vmem_shared>>)
        tpu.yield
      }) : () -> ()
      %add3A_2067 = arith.constant 4 : i32
      %add3A_2068 = arith.addi %add3A_2032, %add3A_2067 : i32
      %add3A_2069 = arith.constant 1 : i32
      %add3A_2070 = arith.addi %add3A_2068, %add3A_2069 : i32
      %lt3A_2071 = arith.constant 125 : i32
      %lt3A_2072 = arith.cmpi slt, %add3A_2070, %lt3A_2071 : i32
      %convert_element_type3A_2073 = arith.extui %lt3A_2072 : i1 to i32
      %cond3A_2074 = arith.constant 0 : i32
      %cond3A_2075 = arith.cmpi ne, %convert_element_type3A_2073, %cond3A_2074 : i32
      scf.if %cond3A_2075 {
        %add3A_2123 = arith.constant 4 : i32
        %add3A_2124 = arith.addi %add3A_2032, %add3A_2123 : i32
        %add3A_2125 = arith.constant 1 : i32
        %add3A_2126 = arith.addi %add3A_2124, %add3A_2125 : i32
        %mul3A_2127 = arith.constant 80 : i32
        %mul3A_2128 = arith.muli %add3A_2126, %mul3A_2127 : i32
        %add3A_2129 = arith.addi %mul3A_2, %mul3A_2128 : i32
        %multiple_of3A_2130 = tpu.assume_multiple %add3A_2129, 80 : i32
        %dma_start3A_2131 = arith.constant 0 : i32
        %dma_start3A_2132 = tpu.memref_slice %arg2[%multiple_of3A_2130, %dma_start3A_2131] : memref<320000x128xf32, #tpu.memory_space<hbm>> -> memref<80x128xf32, #tpu.memory_space<hbm>>
        %dma_start3A_2133 = arith.constant 0 : i32
        %dma_start3A_2134 = tpu.memref_slice %arg2[%multiple_of3A_2130, %dma_start3A_2133] : memref<320000x128xf32, #tpu.memory_space<hbm>> -> memref<80x128xf32, #tpu.memory_space<hbm>>
        tpu.enqueue_dma source(%dma_start3A_2134 : memref<80x128xf32, #tpu.memory_space<hbm>>) target(%arg6 : memref<80x128xf32, #tpu.memory_space<vmem>>) target_semaphore(%arg13 : memref<!tpu.dma_semaphore, #tpu.memory_space<semaphore_mem>>)
      } else {
      }
      %add3A_2076 = arith.constant 2 : i32
      %add3A_2077 = arith.addi %add3A_2032, %add3A_2076 : i32
      %mul3A_2078 = arith.constant 80 : i32
      %mul3A_2079 = arith.muli %add3A_2077, %mul3A_2078 : i32
      %add3A_2080 = arith.addi %mul3A_2, %mul3A_2079 : i32
      %multiple_of3A_2081 = tpu.assume_multiple %add3A_2080, 80 : i32
      %dma_wait3A_2082 = arith.constant 0 : i32
      %dma_wait3A_2083 = tpu.memref_slice %arg2[%multiple_of3A_2081, %dma_wait3A_2082] : memref<320000x128xf32, #tpu.memory_space<hbm>> -> memref<80x128xf32, #tpu.memory_space<hbm>>
      %dma_wait3A_2084 = arith.constant 0 : i32
      %dma_wait3A_2085 = tpu.memref_slice %arg2[%multiple_of3A_2081, %dma_wait3A_2084] : memref<320000x128xf32, #tpu.memory_space<hbm>> -> memref<80x128xf32, #tpu.memory_space<hbm>>
      tpu.wait_dma2 semaphore(%arg14 : memref<!tpu.dma_semaphore, #tpu.memory_space<semaphore_mem>>) src(%dma_wait3A_2085 : memref<80x128xf32, #tpu.memory_space<hbm>>) dst(%arg7 : memref<80x128xf32, #tpu.memory_space<vmem>>)
      %mul3A_2086 = arith.constant 4 : i32
      %mul3A_2087 = arith.muli %mul3A_2086, %scan3A_2027 : i32
      %add3A_2088 = arith.constant 2 : i32
      %add3A_2089 = arith.addi %mul3A_2087, %add3A_2088 : i32
      "tpu.region"() ({
        %run_scoped3A_2123 = tpu.sem_alloc : memref<!tpu.dma_semaphore, #tpu.memory_space<semaphore_mem>>
        %dma_start3A_2124 = arith.constant 0 : i32
        %dma_start3A_2125 = tpu.memref_slice %arg10[%add3A_2089, %dma_start3A_2124] : memref<32x80xi32, #tpu.memory_space<vmem>> -> memref<1x80xi32, #tpu.memory_space<vmem>>
        %dma_start3A_2126 = tpu.memref_squeeze %dma_start3A_2125 : memref<1x80xi32, #tpu.memory_space<vmem>> -> memref<80xi32, #tpu.memory_space<vmem>>
        %dma_start3A_2127 = arith.constant 0 : i32
        %dma_start3A_2128 = arith.constant 0 : i32
        %dma_start3A_2129 = tpu.memref_slice %arg11[%dma_start3A_2127, %dma_start3A_2128] : memref<10240x128xf32, #tpu.memory_space<vmem_shared>> -> memref<10240x128xf32, #tpu.memory_space<vmem_shared>>
        tpu.enqueue_indirect_dma source(%arg7 : memref<80x128xf32, #tpu.memory_space<vmem>>) target(%dma_start3A_2129 : memref<10240x128xf32, #tpu.memory_space<vmem_shared>>) offsets(%dma_start3A_2126 : memref<80xi32, #tpu.memory_space<vmem>>) semaphore(%run_scoped3A_2123 : memref<!tpu.dma_semaphore, #tpu.memory_space<semaphore_mem>>) {add = true}
        %dma_wait3A_2130 = arith.constant 0 : i32
        %dma_wait3A_2131 = tpu.memref_slice %arg10[%add3A_2089, %dma_wait3A_2130] : memref<32x80xi32, #tpu.memory_space<vmem>> -> memref<1x80xi32, #tpu.memory_space<vmem>>
        %dma_wait3A_2132 = tpu.memref_squeeze %dma_wait3A_2131 : memref<1x80xi32, #tpu.memory_space<vmem>> -> memref<80xi32, #tpu.memory_space<vmem>>
        %dma_wait3A_2133 = arith.constant 0 : i32
        %dma_wait3A_2134 = arith.constant 0 : i32
        %dma_wait3A_2135 = tpu.memref_slice %arg11[%dma_wait3A_2133, %dma_wait3A_2134] : memref<10240x128xf32, #tpu.memory_space<vmem_shared>> -> memref<10240x128xf32, #tpu.memory_space<vmem_shared>>
        tpu.wait_indirect_dma semaphore(%run_scoped3A_2123 : memref<!tpu.dma_semaphore, #tpu.memory_space<semaphore_mem>>) src(%arg7 : memref<80x128xf32, #tpu.memory_space<vmem>>) dst(%dma_wait3A_2135 : memref<10240x128xf32, #tpu.memory_space<vmem_shared>>)
        tpu.yield
      }) : () -> ()
      %add3A_2090 = arith.constant 4 : i32
      %add3A_2091 = arith.addi %add3A_2032, %add3A_2090 : i32
      %add3A_2092 = arith.constant 2 : i32
      %add3A_2093 = arith.addi %add3A_2091, %add3A_2092 : i32
      %lt3A_2094 = arith.constant 125 : i32
      %lt3A_2095 = arith.cmpi slt, %add3A_2093, %lt3A_2094 : i32
      %convert_element_type3A_2096 = arith.extui %lt3A_2095 : i1 to i32
      %cond3A_2097 = arith.constant 0 : i32
      %cond3A_2098 = arith.cmpi ne, %convert_element_type3A_2096, %cond3A_2097 : i32
      scf.if %cond3A_2098 {
        %add3A_2123 = arith.constant 4 : i32
        %add3A_2124 = arith.addi %add3A_2032, %add3A_2123 : i32
        %add3A_2125 = arith.constant 2 : i32
        %add3A_2126 = arith.addi %add3A_2124, %add3A_2125 : i32
        %mul3A_2127 = arith.constant 80 : i32
        %mul3A_2128 = arith.muli %add3A_2126, %mul3A_2127 : i32
        %add3A_2129 = arith.addi %mul3A_2, %mul3A_2128 : i32
        %multiple_of3A_2130 = tpu.assume_multiple %add3A_2129, 80 : i32
        %dma_start3A_2131 = arith.constant 0 : i32
        %dma_start3A_2132 = tpu.memref_slice %arg2[%multiple_of3A_2130, %dma_start3A_2131] : memref<320000x128xf32, #tpu.memory_space<hbm>> -> memref<80x128xf32, #tpu.memory_space<hbm>>
        %dma_start3A_2133 = arith.constant 0 : i32
        %dma_start3A_2134 = tpu.memref_slice %arg2[%multiple_of3A_2130, %dma_start3A_2133] : memref<320000x128xf32, #tpu.memory_space<hbm>> -> memref<80x128xf32, #tpu.memory_space<hbm>>
        tpu.enqueue_dma source(%dma_start3A_2134 : memref<80x128xf32, #tpu.memory_space<hbm>>) target(%arg7 : memref<80x128xf32, #tpu.memory_space<vmem>>) target_semaphore(%arg14 : memref<!tpu.dma_semaphore, #tpu.memory_space<semaphore_mem>>)
      } else {
      }
      %add3A_2099 = arith.constant 3 : i32
      %add3A_2100 = arith.addi %add3A_2032, %add3A_2099 : i32
      %mul3A_2101 = arith.constant 80 : i32
      %mul3A_2102 = arith.muli %add3A_2100, %mul3A_2101 : i32
      %add3A_2103 = arith.addi %mul3A_2, %mul3A_2102 : i32
      %multiple_of3A_2104 = tpu.assume_multiple %add3A_2103, 80 : i32
      %dma_wait3A_2105 = arith.constant 0 : i32
      %dma_wait3A_2106 = tpu.memref_slice %arg2[%multiple_of3A_2104, %dma_wait3A_2105] : memref<320000x128xf32, #tpu.memory_space<hbm>> -> memref<80x128xf32, #tpu.memory_space<hbm>>
      %dma_wait3A_2107 = arith.constant 0 : i32
      %dma_wait3A_2108 = tpu.memref_slice %arg2[%multiple_of3A_2104, %dma_wait3A_2107] : memref<320000x128xf32, #tpu.memory_space<hbm>> -> memref<80x128xf32, #tpu.memory_space<hbm>>
      tpu.wait_dma2 semaphore(%arg15 : memref<!tpu.dma_semaphore, #tpu.memory_space<semaphore_mem>>) src(%dma_wait3A_2108 : memref<80x128xf32, #tpu.memory_space<hbm>>) dst(%arg8 : memref<80x128xf32, #tpu.memory_space<vmem>>)
      %mul3A_2109 = arith.constant 4 : i32
      %mul3A_2110 = arith.muli %mul3A_2109, %scan3A_2027 : i32
      %add3A_2111 = arith.constant 3 : i32
      %add3A_2112 = arith.addi %mul3A_2110, %add3A_2111 : i32
      "tpu.region"() ({
        %run_scoped3A_2123 = tpu.sem_alloc : memref<!tpu.dma_semaphore, #tpu.memory_space<semaphore_mem>>
        %dma_start3A_2124 = arith.constant 0 : i32
        %dma_start3A_2125 = tpu.memref_slice %arg10[%add3A_2112, %dma_start3A_2124] : memref<32x80xi32, #tpu.memory_space<vmem>> -> memref<1x80xi32, #tpu.memory_space<vmem>>
        %dma_start3A_2126 = tpu.memref_squeeze %dma_start3A_2125 : memref<1x80xi32, #tpu.memory_space<vmem>> -> memref<80xi32, #tpu.memory_space<vmem>>
        %dma_start3A_2127 = arith.constant 0 : i32
        %dma_start3A_2128 = arith.constant 0 : i32
        %dma_start3A_2129 = tpu.memref_slice %arg11[%dma_start3A_2127, %dma_start3A_2128] : memref<10240x128xf32, #tpu.memory_space<vmem_shared>> -> memref<10240x128xf32, #tpu.memory_space<vmem_shared>>
        tpu.enqueue_indirect_dma source(%arg8 : memref<80x128xf32, #tpu.memory_space<vmem>>) target(%dma_start3A_2129 : memref<10240x128xf32, #tpu.memory_space<vmem_shared>>) offsets(%dma_start3A_2126 : memref<80xi32, #tpu.memory_space<vmem>>) semaphore(%run_scoped3A_2123 : memref<!tpu.dma_semaphore, #tpu.memory_space<semaphore_mem>>) {add = true}
        %dma_wait3A_2130 = arith.constant 0 : i32
        %dma_wait3A_2131 = tpu.memref_slice %arg10[%add3A_2112, %dma_wait3A_2130] : memref<32x80xi32, #tpu.memory_space<vmem>> -> memref<1x80xi32, #tpu.memory_space<vmem>>
        %dma_wait3A_2132 = tpu.memref_squeeze %dma_wait3A_2131 : memref<1x80xi32, #tpu.memory_space<vmem>> -> memref<80xi32, #tpu.memory_space<vmem>>
        %dma_wait3A_2133 = arith.constant 0 : i32
        %dma_wait3A_2134 = arith.constant 0 : i32
        %dma_wait3A_2135 = tpu.memref_slice %arg11[%dma_wait3A_2133, %dma_wait3A_2134] : memref<10240x128xf32, #tpu.memory_space<vmem_shared>> -> memref<10240x128xf32, #tpu.memory_space<vmem_shared>>
        tpu.wait_indirect_dma semaphore(%run_scoped3A_2123 : memref<!tpu.dma_semaphore, #tpu.memory_space<semaphore_mem>>) src(%arg8 : memref<80x128xf32, #tpu.memory_space<vmem>>) dst(%dma_wait3A_2135 : memref<10240x128xf32, #tpu.memory_space<vmem_shared>>)
        tpu.yield
      }) : () -> ()
      %add3A_2113 = arith.constant 4 : i32
      %add3A_2114 = arith.addi %add3A_2032, %add3A_2113 : i32
      %add3A_2115 = arith.constant 3 : i32
      %add3A_2116 = arith.addi %add3A_2114, %add3A_2115 : i32
      %lt3A_2117 = arith.constant 125 : i32
      %lt3A_2118 = arith.cmpi slt, %add3A_2116, %lt3A_2117 : i32
      %convert_element_type3A_2119 = arith.extui %lt3A_2118 : i1 to i32
      %cond3A_2120 = arith.constant 0 : i32
      %cond3A_2121 = arith.cmpi ne, %convert_element_type3A_2119, %cond3A_2120 : i32
      scf.if %cond3A_2121 {
        %add3A_2123 = arith.constant 4 : i32
        %add3A_2124 = arith.addi %add3A_2032, %add3A_2123 : i32
        %add3A_2125 = arith.constant 3 : i32
        %add3A_2126 = arith.addi %add3A_2124, %add3A_2125 : i32
        %mul3A_2127 = arith.constant 80 : i32
        %mul3A_2128 = arith.muli %add3A_2126, %mul3A_2127 : i32
        %add3A_2129 = arith.addi %mul3A_2, %mul3A_2128 : i32
        %multiple_of3A_2130 = tpu.assume_multiple %add3A_2129, 80 : i32
        %dma_start3A_2131 = arith.constant 0 : i32
        %dma_start3A_2132 = tpu.memref_slice %arg2[%multiple_of3A_2130, %dma_start3A_2131] : memref<320000x128xf32, #tpu.memory_space<hbm>> -> memref<80x128xf32, #tpu.memory_space<hbm>>
        %dma_start3A_2133 = arith.constant 0 : i32
        %dma_start3A_2134 = tpu.memref_slice %arg2[%multiple_of3A_2130, %dma_start3A_2133] : memref<320000x128xf32, #tpu.memory_space<hbm>> -> memref<80x128xf32, #tpu.memory_space<hbm>>
        tpu.enqueue_dma source(%dma_start3A_2134 : memref<80x128xf32, #tpu.memory_space<hbm>>) target(%arg8 : memref<80x128xf32, #tpu.memory_space<vmem>>) target_semaphore(%arg15 : memref<!tpu.dma_semaphore, #tpu.memory_space<semaphore_mem>>)
      } else {
      }
      %scan3A_2122 = arith.constant 0 : i32
      scf.yield %scan3A_2122 : i32
    }
    %scan3A_1973 = arith.constant 8 : i32
    %dma_start3A_1974 = arith.constant 3 : i32
    %dma_start3A_1975 = arith.constant 0 : i32
    %dma_start3A_1976 = arith.constant 0 : i32
    %dma_start3A_1977 = tpu.memref_slice %arg3[%add3A, %dma_start3A_1974, %dma_start3A_1975, %dma_start3A_1976] : memref<32x4x32x80xi32, #tpu.memory_space<hbm>> -> memref<1x1x32x80xi32, #tpu.memory_space<hbm>>
    %dma_start3A_1978 = tpu.memref_squeeze %dma_start3A_1977 : memref<1x1x32x80xi32, #tpu.memory_space<hbm>> -> memref<32x80xi32, #tpu.memory_space<hbm>>
    %dma_start3A_1979 = arith.constant 0 : i32
    %dma_start3A_1980 = arith.constant 0 : i32
    %dma_start3A_1981 = tpu.memref_slice %arg3[%add3A, %dma_start3A_1974, %dma_start3A_1979, %dma_start3A_1980] : memref<32x4x32x80xi32, #tpu.memory_space<hbm>> -> memref<1x1x32x80xi32, #tpu.memory_space<hbm>>
    %dma_start3A_1982 = tpu.memref_squeeze %dma_start3A_1981 : memref<1x1x32x80xi32, #tpu.memory_space<hbm>> -> memref<32x80xi32, #tpu.memory_space<hbm>>
    tpu.enqueue_dma source(%dma_start3A_1982 : memref<32x80xi32, #tpu.memory_space<hbm>>) target(%arg10 : memref<32x80xi32, #tpu.memory_space<vmem>>) target_semaphore(%arg17 : memref<!tpu.dma_semaphore, #tpu.memory_space<semaphore_mem>>)
    %dma_wait3A_1983 = arith.constant 2 : i32
    %dma_wait3A_1984 = arith.constant 0 : i32
    %dma_wait3A_1985 = arith.constant 0 : i32
    %dma_wait3A_1986 = tpu.memref_slice %arg3[%add3A, %dma_wait3A_1983, %dma_wait3A_1984, %dma_wait3A_1985] : memref<32x4x32x80xi32, #tpu.memory_space<hbm>> -> memref<1x1x32x80xi32, #tpu.memory_space<hbm>>
    %dma_wait3A_1987 = tpu.memref_squeeze %dma_wait3A_1986 : memref<1x1x32x80xi32, #tpu.memory_space<hbm>> -> memref<32x80xi32, #tpu.memory_space<hbm>>
    %dma_wait3A_1988 = arith.constant 0 : i32
    %dma_wait3A_1989 = arith.constant 0 : i32
    %dma_wait3A_1990 = tpu.memref_slice %arg3[%add3A, %dma_wait3A_1983, %dma_wait3A_1988, %dma_wait3A_1989] : memref<32x4x32x80xi32, #tpu.memory_space<hbm>> -> memref<1x1x32x80xi32, #tpu.memory_space<hbm>>
    %dma_wait3A_1991 = tpu.memref_squeeze %dma_wait3A_1990 : memref<1x1x32x80xi32, #tpu.memory_space<hbm>> -> memref<32x80xi32, #tpu.memory_space<hbm>>
    tpu.wait_dma2 semaphore(%arg16 : memref<!tpu.dma_semaphore, #tpu.memory_space<semaphore_mem>>) src(%dma_wait3A_1991 : memref<32x80xi32, #tpu.memory_space<hbm>>) dst(%arg9 : memref<32x80xi32, #tpu.memory_space<vmem>>)
    %scan3A_1992 = arith.constant 0 : i32
    %scan3A_1993 = arith.constant 0 : i32
    %scan3A_1994 = arith.constant 8 : i32
    %scan3A_1995 = arith.addi %scan3A_1993, %scan3A_1994 : i32
    %scan3A_1996 = arith.constant 1 : i32
    %scan3A_1997 = scf.for %scan3A_2027 = %scan3A_1993 to %scan3A_1995 step %scan3A_1996 iter_args(%scan3A_2028 = %scan3A_1992) -> (i32)  : i32 {
      %mul3A_2029 = arith.constant 4 : i32
      %mul3A_2030 = arith.muli %mul3A_2029, %scan3A_2027 : i32
      %add3A_2031 = arith.constant 64 : i32
      %add3A_2032 = arith.addi %add3A_2031, %mul3A_2030 : i32
      %add3A_2033 = arith.constant 0 : i32
      %add3A_2034 = arith.addi %add3A_2032, %add3A_2033 : i32
      %mul3A_2035 = arith.constant 80 : i32
      %mul3A_2036 = arith.muli %add3A_2034, %mul3A_2035 : i32
      %add3A_2037 = arith.addi %mul3A_2, %mul3A_2036 : i32
      %multiple_of3A_2038 = tpu.assume_multiple %add3A_2037, 80 : i32
      %dma_wait3A_2039 = arith.constant 0 : i32
      %dma_wait3A_2040 = tpu.memref_slice %arg2[%multiple_of3A_2038, %dma_wait3A_2039] : memref<320000x128xf32, #tpu.memory_space<hbm>> -> memref<80x128xf32, #tpu.memory_space<hbm>>
      %dma_wait3A_2041 = arith.constant 0 : i32
      %dma_wait3A_2042 = tpu.memref_slice %arg2[%multiple_of3A_2038, %dma_wait3A_2041] : memref<320000x128xf32, #tpu.memory_space<hbm>> -> memref<80x128xf32, #tpu.memory_space<hbm>>
      tpu.wait_dma2 semaphore(%arg12 : memref<!tpu.dma_semaphore, #tpu.memory_space<semaphore_mem>>) src(%dma_wait3A_2042 : memref<80x128xf32, #tpu.memory_space<hbm>>) dst(%arg5 : memref<80x128xf32, #tpu.memory_space<vmem>>)
      %mul3A_2043 = arith.constant 4 : i32
      %mul3A_2044 = arith.muli %mul3A_2043, %scan3A_2027 : i32
      %add3A_2045 = arith.constant 0 : i32
      %add3A_2046 = arith.addi %mul3A_2044, %add3A_2045 : i32
      "tpu.region"() ({
        %run_scoped3A_2123 = tpu.sem_alloc : memref<!tpu.dma_semaphore, #tpu.memory_space<semaphore_mem>>
        %dma_start3A_2124 = arith.constant 0 : i32
        %dma_start3A_2125 = tpu.memref_slice %arg9[%add3A_2046, %dma_start3A_2124] : memref<32x80xi32, #tpu.memory_space<vmem>> -> memref<1x80xi32, #tpu.memory_space<vmem>>
        %dma_start3A_2126 = tpu.memref_squeeze %dma_start3A_2125 : memref<1x80xi32, #tpu.memory_space<vmem>> -> memref<80xi32, #tpu.memory_space<vmem>>
        %dma_start3A_2127 = arith.constant 0 : i32
        %dma_start3A_2128 = arith.constant 0 : i32
        %dma_start3A_2129 = tpu.memref_slice %arg11[%dma_start3A_2127, %dma_start3A_2128] : memref<10240x128xf32, #tpu.memory_space<vmem_shared>> -> memref<10240x128xf32, #tpu.memory_space<vmem_shared>>
        tpu.enqueue_indirect_dma source(%arg5 : memref<80x128xf32, #tpu.memory_space<vmem>>) target(%dma_start3A_2129 : memref<10240x128xf32, #tpu.memory_space<vmem_shared>>) offsets(%dma_start3A_2126 : memref<80xi32, #tpu.memory_space<vmem>>) semaphore(%run_scoped3A_2123 : memref<!tpu.dma_semaphore, #tpu.memory_space<semaphore_mem>>) {add = true}
        %dma_wait3A_2130 = arith.constant 0 : i32
        %dma_wait3A_2131 = tpu.memref_slice %arg9[%add3A_2046, %dma_wait3A_2130] : memref<32x80xi32, #tpu.memory_space<vmem>> -> memref<1x80xi32, #tpu.memory_space<vmem>>
        %dma_wait3A_2132 = tpu.memref_squeeze %dma_wait3A_2131 : memref<1x80xi32, #tpu.memory_space<vmem>> -> memref<80xi32, #tpu.memory_space<vmem>>
        %dma_wait3A_2133 = arith.constant 0 : i32
        %dma_wait3A_2134 = arith.constant 0 : i32
        %dma_wait3A_2135 = tpu.memref_slice %arg11[%dma_wait3A_2133, %dma_wait3A_2134] : memref<10240x128xf32, #tpu.memory_space<vmem_shared>> -> memref<10240x128xf32, #tpu.memory_space<vmem_shared>>
        tpu.wait_indirect_dma semaphore(%run_scoped3A_2123 : memref<!tpu.dma_semaphore, #tpu.memory_space<semaphore_mem>>) src(%arg5 : memref<80x128xf32, #tpu.memory_space<vmem>>) dst(%dma_wait3A_2135 : memref<10240x128xf32, #tpu.memory_space<vmem_shared>>)
        tpu.yield
      }) : () -> ()
      %add3A_2047 = arith.constant 4 : i32
      %add3A_2048 = arith.addi %add3A_2032, %add3A_2047 : i32
      %add3A_2049 = arith.constant 0 : i32
      %add3A_2050 = arith.addi %add3A_2048, %add3A_2049 : i32
      %lt3A = arith.constant 125 : i32
      %lt3A_2051 = arith.cmpi slt, %add3A_2050, %lt3A : i32
      %convert_element_type3A = arith.extui %lt3A_2051 : i1 to i32
      %cond3A = arith.constant 0 : i32
      %cond3A_2052 = arith.cmpi ne, %convert_element_type3A, %cond3A : i32
      scf.if %cond3A_2052 {
        %add3A_2123 = arith.constant 4 : i32
        %add3A_2124 = arith.addi %add3A_2032, %add3A_2123 : i32
        %add3A_2125 = arith.constant 0 : i32
        %add3A_2126 = arith.addi %add3A_2124, %add3A_2125 : i32
        %mul3A_2127 = arith.constant 80 : i32
        %mul3A_2128 = arith.muli %add3A_2126, %mul3A_2127 : i32
        %add3A_2129 = arith.addi %mul3A_2, %mul3A_2128 : i32
        %multiple_of3A_2130 = tpu.assume_multiple %add3A_2129, 80 : i32
        %dma_start3A_2131 = arith.constant 0 : i32
        %dma_start3A_2132 = tpu.memref_slice %arg2[%multiple_of3A_2130, %dma_start3A_2131] : memref<320000x128xf32, #tpu.memory_space<hbm>> -> memref<80x128xf32, #tpu.memory_space<hbm>>
        %dma_start3A_2133 = arith.constant 0 : i32
        %dma_start3A_2134 = tpu.memref_slice %arg2[%multiple_of3A_2130, %dma_start3A_2133] : memref<320000x128xf32, #tpu.memory_space<hbm>> -> memref<80x128xf32, #tpu.memory_space<hbm>>
        tpu.enqueue_dma source(%dma_start3A_2134 : memref<80x128xf32, #tpu.memory_space<hbm>>) target(%arg5 : memref<80x128xf32, #tpu.memory_space<vmem>>) target_semaphore(%arg12 : memref<!tpu.dma_semaphore, #tpu.memory_space<semaphore_mem>>)
      } else {
      }
      %add3A_2053 = arith.constant 1 : i32
      %add3A_2054 = arith.addi %add3A_2032, %add3A_2053 : i32
      %mul3A_2055 = arith.constant 80 : i32
      %mul3A_2056 = arith.muli %add3A_2054, %mul3A_2055 : i32
      %add3A_2057 = arith.addi %mul3A_2, %mul3A_2056 : i32
      %multiple_of3A_2058 = tpu.assume_multiple %add3A_2057, 80 : i32
      %dma_wait3A_2059 = arith.constant 0 : i32
      %dma_wait3A_2060 = tpu.memref_slice %arg2[%multiple_of3A_2058, %dma_wait3A_2059] : memref<320000x128xf32, #tpu.memory_space<hbm>> -> memref<80x128xf32, #tpu.memory_space<hbm>>
      %dma_wait3A_2061 = arith.constant 0 : i32
      %dma_wait3A_2062 = tpu.memref_slice %arg2[%multiple_of3A_2058, %dma_wait3A_2061] : memref<320000x128xf32, #tpu.memory_space<hbm>> -> memref<80x128xf32, #tpu.memory_space<hbm>>
      tpu.wait_dma2 semaphore(%arg13 : memref<!tpu.dma_semaphore, #tpu.memory_space<semaphore_mem>>) src(%dma_wait3A_2062 : memref<80x128xf32, #tpu.memory_space<hbm>>) dst(%arg6 : memref<80x128xf32, #tpu.memory_space<vmem>>)
      %mul3A_2063 = arith.constant 4 : i32
      %mul3A_2064 = arith.muli %mul3A_2063, %scan3A_2027 : i32
      %add3A_2065 = arith.constant 1 : i32
      %add3A_2066 = arith.addi %mul3A_2064, %add3A_2065 : i32
      "tpu.region"() ({
        %run_scoped3A_2123 = tpu.sem_alloc : memref<!tpu.dma_semaphore, #tpu.memory_space<semaphore_mem>>
        %dma_start3A_2124 = arith.constant 0 : i32
        %dma_start3A_2125 = tpu.memref_slice %arg9[%add3A_2066, %dma_start3A_2124] : memref<32x80xi32, #tpu.memory_space<vmem>> -> memref<1x80xi32, #tpu.memory_space<vmem>>
        %dma_start3A_2126 = tpu.memref_squeeze %dma_start3A_2125 : memref<1x80xi32, #tpu.memory_space<vmem>> -> memref<80xi32, #tpu.memory_space<vmem>>
        %dma_start3A_2127 = arith.constant 0 : i32
        %dma_start3A_2128 = arith.constant 0 : i32
        %dma_start3A_2129 = tpu.memref_slice %arg11[%dma_start3A_2127, %dma_start3A_2128] : memref<10240x128xf32, #tpu.memory_space<vmem_shared>> -> memref<10240x128xf32, #tpu.memory_space<vmem_shared>>
        tpu.enqueue_indirect_dma source(%arg6 : memref<80x128xf32, #tpu.memory_space<vmem>>) target(%dma_start3A_2129 : memref<10240x128xf32, #tpu.memory_space<vmem_shared>>) offsets(%dma_start3A_2126 : memref<80xi32, #tpu.memory_space<vmem>>) semaphore(%run_scoped3A_2123 : memref<!tpu.dma_semaphore, #tpu.memory_space<semaphore_mem>>) {add = true}
        %dma_wait3A_2130 = arith.constant 0 : i32
        %dma_wait3A_2131 = tpu.memref_slice %arg9[%add3A_2066, %dma_wait3A_2130] : memref<32x80xi32, #tpu.memory_space<vmem>> -> memref<1x80xi32, #tpu.memory_space<vmem>>
        %dma_wait3A_2132 = tpu.memref_squeeze %dma_wait3A_2131 : memref<1x80xi32, #tpu.memory_space<vmem>> -> memref<80xi32, #tpu.memory_space<vmem>>
        %dma_wait3A_2133 = arith.constant 0 : i32
        %dma_wait3A_2134 = arith.constant 0 : i32
        %dma_wait3A_2135 = tpu.memref_slice %arg11[%dma_wait3A_2133, %dma_wait3A_2134] : memref<10240x128xf32, #tpu.memory_space<vmem_shared>> -> memref<10240x128xf32, #tpu.memory_space<vmem_shared>>
        tpu.wait_indirect_dma semaphore(%run_scoped3A_2123 : memref<!tpu.dma_semaphore, #tpu.memory_space<semaphore_mem>>) src(%arg6 : memref<80x128xf32, #tpu.memory_space<vmem>>) dst(%dma_wait3A_2135 : memref<10240x128xf32, #tpu.memory_space<vmem_shared>>)
        tpu.yield
      }) : () -> ()
      %add3A_2067 = arith.constant 4 : i32
      %add3A_2068 = arith.addi %add3A_2032, %add3A_2067 : i32
      %add3A_2069 = arith.constant 1 : i32
      %add3A_2070 = arith.addi %add3A_2068, %add3A_2069 : i32
      %lt3A_2071 = arith.constant 125 : i32
      %lt3A_2072 = arith.cmpi slt, %add3A_2070, %lt3A_2071 : i32
      %convert_element_type3A_2073 = arith.extui %lt3A_2072 : i1 to i32
      %cond3A_2074 = arith.constant 0 : i32
      %cond3A_2075 = arith.cmpi ne, %convert_element_type3A_2073, %cond3A_2074 : i32
      scf.if %cond3A_2075 {
        %add3A_2123 = arith.constant 4 : i32
        %add3A_2124 = arith.addi %add3A_2032, %add3A_2123 : i32
        %add3A_2125 = arith.constant 1 : i32
        %add3A_2126 = arith.addi %add3A_2124, %add3A_2125 : i32
        %mul3A_2127 = arith.constant 80 : i32
        %mul3A_2128 = arith.muli %add3A_2126, %mul3A_2127 : i32
        %add3A_2129 = arith.addi %mul3A_2, %mul3A_2128 : i32
        %multiple_of3A_2130 = tpu.assume_multiple %add3A_2129, 80 : i32
        %dma_start3A_2131 = arith.constant 0 : i32
        %dma_start3A_2132 = tpu.memref_slice %arg2[%multiple_of3A_2130, %dma_start3A_2131] : memref<320000x128xf32, #tpu.memory_space<hbm>> -> memref<80x128xf32, #tpu.memory_space<hbm>>
        %dma_start3A_2133 = arith.constant 0 : i32
        %dma_start3A_2134 = tpu.memref_slice %arg2[%multiple_of3A_2130, %dma_start3A_2133] : memref<320000x128xf32, #tpu.memory_space<hbm>> -> memref<80x128xf32, #tpu.memory_space<hbm>>
        tpu.enqueue_dma source(%dma_start3A_2134 : memref<80x128xf32, #tpu.memory_space<hbm>>) target(%arg6 : memref<80x128xf32, #tpu.memory_space<vmem>>) target_semaphore(%arg13 : memref<!tpu.dma_semaphore, #tpu.memory_space<semaphore_mem>>)
      } else {
      }
      %add3A_2076 = arith.constant 2 : i32
      %add3A_2077 = arith.addi %add3A_2032, %add3A_2076 : i32
      %mul3A_2078 = arith.constant 80 : i32
      %mul3A_2079 = arith.muli %add3A_2077, %mul3A_2078 : i32
      %add3A_2080 = arith.addi %mul3A_2, %mul3A_2079 : i32
      %multiple_of3A_2081 = tpu.assume_multiple %add3A_2080, 80 : i32
      %dma_wait3A_2082 = arith.constant 0 : i32
      %dma_wait3A_2083 = tpu.memref_slice %arg2[%multiple_of3A_2081, %dma_wait3A_2082] : memref<320000x128xf32, #tpu.memory_space<hbm>> -> memref<80x128xf32, #tpu.memory_space<hbm>>
      %dma_wait3A_2084 = arith.constant 0 : i32
      %dma_wait3A_2085 = tpu.memref_slice %arg2[%multiple_of3A_2081, %dma_wait3A_2084] : memref<320000x128xf32, #tpu.memory_space<hbm>> -> memref<80x128xf32, #tpu.memory_space<hbm>>
      tpu.wait_dma2 semaphore(%arg14 : memref<!tpu.dma_semaphore, #tpu.memory_space<semaphore_mem>>) src(%dma_wait3A_2085 : memref<80x128xf32, #tpu.memory_space<hbm>>) dst(%arg7 : memref<80x128xf32, #tpu.memory_space<vmem>>)
      %mul3A_2086 = arith.constant 4 : i32
      %mul3A_2087 = arith.muli %mul3A_2086, %scan3A_2027 : i32
      %add3A_2088 = arith.constant 2 : i32
      %add3A_2089 = arith.addi %mul3A_2087, %add3A_2088 : i32
      "tpu.region"() ({
        %run_scoped3A_2123 = tpu.sem_alloc : memref<!tpu.dma_semaphore, #tpu.memory_space<semaphore_mem>>
        %dma_start3A_2124 = arith.constant 0 : i32
        %dma_start3A_2125 = tpu.memref_slice %arg9[%add3A_2089, %dma_start3A_2124] : memref<32x80xi32, #tpu.memory_space<vmem>> -> memref<1x80xi32, #tpu.memory_space<vmem>>
        %dma_start3A_2126 = tpu.memref_squeeze %dma_start3A_2125 : memref<1x80xi32, #tpu.memory_space<vmem>> -> memref<80xi32, #tpu.memory_space<vmem>>
        %dma_start3A_2127 = arith.constant 0 : i32
        %dma_start3A_2128 = arith.constant 0 : i32
        %dma_start3A_2129 = tpu.memref_slice %arg11[%dma_start3A_2127, %dma_start3A_2128] : memref<10240x128xf32, #tpu.memory_space<vmem_shared>> -> memref<10240x128xf32, #tpu.memory_space<vmem_shared>>
        tpu.enqueue_indirect_dma source(%arg7 : memref<80x128xf32, #tpu.memory_space<vmem>>) target(%dma_start3A_2129 : memref<10240x128xf32, #tpu.memory_space<vmem_shared>>) offsets(%dma_start3A_2126 : memref<80xi32, #tpu.memory_space<vmem>>) semaphore(%run_scoped3A_2123 : memref<!tpu.dma_semaphore, #tpu.memory_space<semaphore_mem>>) {add = true}
        %dma_wait3A_2130 = arith.constant 0 : i32
        %dma_wait3A_2131 = tpu.memref_slice %arg9[%add3A_2089, %dma_wait3A_2130] : memref<32x80xi32, #tpu.memory_space<vmem>> -> memref<1x80xi32, #tpu.memory_space<vmem>>
        %dma_wait3A_2132 = tpu.memref_squeeze %dma_wait3A_2131 : memref<1x80xi32, #tpu.memory_space<vmem>> -> memref<80xi32, #tpu.memory_space<vmem>>
        %dma_wait3A_2133 = arith.constant 0 : i32
        %dma_wait3A_2134 = arith.constant 0 : i32
        %dma_wait3A_2135 = tpu.memref_slice %arg11[%dma_wait3A_2133, %dma_wait3A_2134] : memref<10240x128xf32, #tpu.memory_space<vmem_shared>> -> memref<10240x128xf32, #tpu.memory_space<vmem_shared>>
        tpu.wait_indirect_dma semaphore(%run_scoped3A_2123 : memref<!tpu.dma_semaphore, #tpu.memory_space<semaphore_mem>>) src(%arg7 : memref<80x128xf32, #tpu.memory_space<vmem>>) dst(%dma_wait3A_2135 : memref<10240x128xf32, #tpu.memory_space<vmem_shared>>)
        tpu.yield
      }) : () -> ()
      %add3A_2090 = arith.constant 4 : i32
      %add3A_2091 = arith.addi %add3A_2032, %add3A_2090 : i32
      %add3A_2092 = arith.constant 2 : i32
      %add3A_2093 = arith.addi %add3A_2091, %add3A_2092 : i32
      %lt3A_2094 = arith.constant 125 : i32
      %lt3A_2095 = arith.cmpi slt, %add3A_2093, %lt3A_2094 : i32
      %convert_element_type3A_2096 = arith.extui %lt3A_2095 : i1 to i32
      %cond3A_2097 = arith.constant 0 : i32
      %cond3A_2098 = arith.cmpi ne, %convert_element_type3A_2096, %cond3A_2097 : i32
      scf.if %cond3A_2098 {
        %add3A_2123 = arith.constant 4 : i32
        %add3A_2124 = arith.addi %add3A_2032, %add3A_2123 : i32
        %add3A_2125 = arith.constant 2 : i32
        %add3A_2126 = arith.addi %add3A_2124, %add3A_2125 : i32
        %mul3A_2127 = arith.constant 80 : i32
        %mul3A_2128 = arith.muli %add3A_2126, %mul3A_2127 : i32
        %add3A_2129 = arith.addi %mul3A_2, %mul3A_2128 : i32
        %multiple_of3A_2130 = tpu.assume_multiple %add3A_2129, 80 : i32
        %dma_start3A_2131 = arith.constant 0 : i32
        %dma_start3A_2132 = tpu.memref_slice %arg2[%multiple_of3A_2130, %dma_start3A_2131] : memref<320000x128xf32, #tpu.memory_space<hbm>> -> memref<80x128xf32, #tpu.memory_space<hbm>>
        %dma_start3A_2133 = arith.constant 0 : i32
        %dma_start3A_2134 = tpu.memref_slice %arg2[%multiple_of3A_2130, %dma_start3A_2133] : memref<320000x128xf32, #tpu.memory_space<hbm>> -> memref<80x128xf32, #tpu.memory_space<hbm>>
        tpu.enqueue_dma source(%dma_start3A_2134 : memref<80x128xf32, #tpu.memory_space<hbm>>) target(%arg7 : memref<80x128xf32, #tpu.memory_space<vmem>>) target_semaphore(%arg14 : memref<!tpu.dma_semaphore, #tpu.memory_space<semaphore_mem>>)
      } else {
      }
      %add3A_2099 = arith.constant 3 : i32
      %add3A_2100 = arith.addi %add3A_2032, %add3A_2099 : i32
      %mul3A_2101 = arith.constant 80 : i32
      %mul3A_2102 = arith.muli %add3A_2100, %mul3A_2101 : i32
      %add3A_2103 = arith.addi %mul3A_2, %mul3A_2102 : i32
      %multiple_of3A_2104 = tpu.assume_multiple %add3A_2103, 80 : i32
      %dma_wait3A_2105 = arith.constant 0 : i32
      %dma_wait3A_2106 = tpu.memref_slice %arg2[%multiple_of3A_2104, %dma_wait3A_2105] : memref<320000x128xf32, #tpu.memory_space<hbm>> -> memref<80x128xf32, #tpu.memory_space<hbm>>
      %dma_wait3A_2107 = arith.constant 0 : i32
      %dma_wait3A_2108 = tpu.memref_slice %arg2[%multiple_of3A_2104, %dma_wait3A_2107] : memref<320000x128xf32, #tpu.memory_space<hbm>> -> memref<80x128xf32, #tpu.memory_space<hbm>>
      tpu.wait_dma2 semaphore(%arg15 : memref<!tpu.dma_semaphore, #tpu.memory_space<semaphore_mem>>) src(%dma_wait3A_2108 : memref<80x128xf32, #tpu.memory_space<hbm>>) dst(%arg8 : memref<80x128xf32, #tpu.memory_space<vmem>>)
      %mul3A_2109 = arith.constant 4 : i32
      %mul3A_2110 = arith.muli %mul3A_2109, %scan3A_2027 : i32
      %add3A_2111 = arith.constant 3 : i32
      %add3A_2112 = arith.addi %mul3A_2110, %add3A_2111 : i32
      "tpu.region"() ({
        %run_scoped3A_2123 = tpu.sem_alloc : memref<!tpu.dma_semaphore, #tpu.memory_space<semaphore_mem>>
        %dma_start3A_2124 = arith.constant 0 : i32
        %dma_start3A_2125 = tpu.memref_slice %arg9[%add3A_2112, %dma_start3A_2124] : memref<32x80xi32, #tpu.memory_space<vmem>> -> memref<1x80xi32, #tpu.memory_space<vmem>>
        %dma_start3A_2126 = tpu.memref_squeeze %dma_start3A_2125 : memref<1x80xi32, #tpu.memory_space<vmem>> -> memref<80xi32, #tpu.memory_space<vmem>>
        %dma_start3A_2127 = arith.constant 0 : i32
        %dma_start3A_2128 = arith.constant 0 : i32
        %dma_start3A_2129 = tpu.memref_slice %arg11[%dma_start3A_2127, %dma_start3A_2128] : memref<10240x128xf32, #tpu.memory_space<vmem_shared>> -> memref<10240x128xf32, #tpu.memory_space<vmem_shared>>
        tpu.enqueue_indirect_dma source(%arg8 : memref<80x128xf32, #tpu.memory_space<vmem>>) target(%dma_start3A_2129 : memref<10240x128xf32, #tpu.memory_space<vmem_shared>>) offsets(%dma_start3A_2126 : memref<80xi32, #tpu.memory_space<vmem>>) semaphore(%run_scoped3A_2123 : memref<!tpu.dma_semaphore, #tpu.memory_space<semaphore_mem>>) {add = true}
        %dma_wait3A_2130 = arith.constant 0 : i32
        %dma_wait3A_2131 = tpu.memref_slice %arg9[%add3A_2112, %dma_wait3A_2130] : memref<32x80xi32, #tpu.memory_space<vmem>> -> memref<1x80xi32, #tpu.memory_space<vmem>>
        %dma_wait3A_2132 = tpu.memref_squeeze %dma_wait3A_2131 : memref<1x80xi32, #tpu.memory_space<vmem>> -> memref<80xi32, #tpu.memory_space<vmem>>
        %dma_wait3A_2133 = arith.constant 0 : i32
        %dma_wait3A_2134 = arith.constant 0 : i32
        %dma_wait3A_2135 = tpu.memref_slice %arg11[%dma_wait3A_2133, %dma_wait3A_2134] : memref<10240x128xf32, #tpu.memory_space<vmem_shared>> -> memref<10240x128xf32, #tpu.memory_space<vmem_shared>>
        tpu.wait_indirect_dma semaphore(%run_scoped3A_2123 : memref<!tpu.dma_semaphore, #tpu.memory_space<semaphore_mem>>) src(%arg8 : memref<80x128xf32, #tpu.memory_space<vmem>>) dst(%dma_wait3A_2135 : memref<10240x128xf32, #tpu.memory_space<vmem_shared>>)
        tpu.yield
      }) : () -> ()
      %add3A_2113 = arith.constant 4 : i32
      %add3A_2114 = arith.addi %add3A_2032, %add3A_2113 : i32
      %add3A_2115 = arith.constant 3 : i32
      %add3A_2116 = arith.addi %add3A_2114, %add3A_2115 : i32
      %lt3A_2117 = arith.constant 125 : i32
      %lt3A_2118 = arith.cmpi slt, %add3A_2116, %lt3A_2117 : i32
      %convert_element_type3A_2119 = arith.extui %lt3A_2118 : i1 to i32
      %cond3A_2120 = arith.constant 0 : i32
      %cond3A_2121 = arith.cmpi ne, %convert_element_type3A_2119, %cond3A_2120 : i32
      scf.if %cond3A_2121 {
        %add3A_2123 = arith.constant 4 : i32
        %add3A_2124 = arith.addi %add3A_2032, %add3A_2123 : i32
        %add3A_2125 = arith.constant 3 : i32
        %add3A_2126 = arith.addi %add3A_2124, %add3A_2125 : i32
        %mul3A_2127 = arith.constant 80 : i32
        %mul3A_2128 = arith.muli %add3A_2126, %mul3A_2127 : i32
        %add3A_2129 = arith.addi %mul3A_2, %mul3A_2128 : i32
        %multiple_of3A_2130 = tpu.assume_multiple %add3A_2129, 80 : i32
        %dma_start3A_2131 = arith.constant 0 : i32
        %dma_start3A_2132 = tpu.memref_slice %arg2[%multiple_of3A_2130, %dma_start3A_2131] : memref<320000x128xf32, #tpu.memory_space<hbm>> -> memref<80x128xf32, #tpu.memory_space<hbm>>
        %dma_start3A_2133 = arith.constant 0 : i32
        %dma_start3A_2134 = tpu.memref_slice %arg2[%multiple_of3A_2130, %dma_start3A_2133] : memref<320000x128xf32, #tpu.memory_space<hbm>> -> memref<80x128xf32, #tpu.memory_space<hbm>>
        tpu.enqueue_dma source(%dma_start3A_2134 : memref<80x128xf32, #tpu.memory_space<hbm>>) target(%arg8 : memref<80x128xf32, #tpu.memory_space<vmem>>) target_semaphore(%arg15 : memref<!tpu.dma_semaphore, #tpu.memory_space<semaphore_mem>>)
      } else {
      }
      %scan3A_2122 = arith.constant 0 : i32
      scf.yield %scan3A_2122 : i32
    }
    %scan3A_1998 = arith.constant 8 : i32
    %dma_wait3A_1999 = arith.constant 3 : i32
    %dma_wait3A_2000 = arith.constant 0 : i32
    %dma_wait3A_2001 = arith.constant 0 : i32
    %dma_wait3A_2002 = tpu.memref_slice %arg3[%add3A, %dma_wait3A_1999, %dma_wait3A_2000, %dma_wait3A_2001] : memref<32x4x32x80xi32, #tpu.memory_space<hbm>> -> memref<1x1x32x80xi32, #tpu.memory_space<hbm>>
    %dma_wait3A_2003 = tpu.memref_squeeze %dma_wait3A_2002 : memref<1x1x32x80xi32, #tpu.memory_space<hbm>> -> memref<32x80xi32, #tpu.memory_space<hbm>>
    %dma_wait3A_2004 = arith.constant 0 : i32
    %dma_wait3A_2005 = arith.constant 0 : i32
    %dma_wait3A_2006 = tpu.memref_slice %arg3[%add3A, %dma_wait3A_1999, %dma_wait3A_2004, %dma_wait3A_2005] : memref<32x4x32x80xi32, #tpu.memory_space<hbm>> -> memref<1x1x32x80xi32, #tpu.memory_space<hbm>>
    %dma_wait3A_2007 = tpu.memref_squeeze %dma_wait3A_2006 : memref<1x1x32x80xi32, #tpu.memory_space<hbm>> -> memref<32x80xi32, #tpu.memory_space<hbm>>
    tpu.wait_dma2 semaphore(%arg17 : memref<!tpu.dma_semaphore, #tpu.memory_space<semaphore_mem>>) src(%dma_wait3A_2007 : memref<32x80xi32, #tpu.memory_space<hbm>>) dst(%arg10 : memref<32x80xi32, #tpu.memory_space<vmem>>)
    %scan3A_2008 = arith.constant 0 : i32
    %scan3A_2009 = arith.constant 0 : i32
    %scan3A_2010 = arith.constant 7 : i32
    %scan3A_2011 = arith.addi %scan3A_2009, %scan3A_2010 : i32
    %scan3A_2012 = arith.constant 1 : i32
    %scan3A_2013 = scf.for %scan3A_2027 = %scan3A_2009 to %scan3A_2011 step %scan3A_2012 iter_args(%scan3A_2028 = %scan3A_2008) -> (i32)  : i32 {
      %mul3A_2029 = arith.constant 4 : i32
      %mul3A_2030 = arith.muli %mul3A_2029, %scan3A_2027 : i32
      %add3A_2031 = arith.constant 96 : i32
      %add3A_2032 = arith.addi %add3A_2031, %mul3A_2030 : i32
      %add3A_2033 = arith.constant 0 : i32
      %add3A_2034 = arith.addi %add3A_2032, %add3A_2033 : i32
      %mul3A_2035 = arith.constant 80 : i32
      %mul3A_2036 = arith.muli %add3A_2034, %mul3A_2035 : i32
      %add3A_2037 = arith.addi %mul3A_2, %mul3A_2036 : i32
      %multiple_of3A_2038 = tpu.assume_multiple %add3A_2037, 80 : i32
      %dma_wait3A_2039 = arith.constant 0 : i32
      %dma_wait3A_2040 = tpu.memref_slice %arg2[%multiple_of3A_2038, %dma_wait3A_2039] : memref<320000x128xf32, #tpu.memory_space<hbm>> -> memref<80x128xf32, #tpu.memory_space<hbm>>
      %dma_wait3A_2041 = arith.constant 0 : i32
      %dma_wait3A_2042 = tpu.memref_slice %arg2[%multiple_of3A_2038, %dma_wait3A_2041] : memref<320000x128xf32, #tpu.memory_space<hbm>> -> memref<80x128xf32, #tpu.memory_space<hbm>>
      tpu.wait_dma2 semaphore(%arg12 : memref<!tpu.dma_semaphore, #tpu.memory_space<semaphore_mem>>) src(%dma_wait3A_2042 : memref<80x128xf32, #tpu.memory_space<hbm>>) dst(%arg5 : memref<80x128xf32, #tpu.memory_space<vmem>>)
      %mul3A_2043 = arith.constant 4 : i32
      %mul3A_2044 = arith.muli %mul3A_2043, %scan3A_2027 : i32
      %add3A_2045 = arith.constant 0 : i32
      %add3A_2046 = arith.addi %mul3A_2044, %add3A_2045 : i32
      "tpu.region"() ({
        %run_scoped3A_2123 = tpu.sem_alloc : memref<!tpu.dma_semaphore, #tpu.memory_space<semaphore_mem>>
        %dma_start3A_2124 = arith.constant 0 : i32
        %dma_start3A_2125 = tpu.memref_slice %arg10[%add3A_2046, %dma_start3A_2124] : memref<32x80xi32, #tpu.memory_space<vmem>> -> memref<1x80xi32, #tpu.memory_space<vmem>>
        %dma_start3A_2126 = tpu.memref_squeeze %dma_start3A_2125 : memref<1x80xi32, #tpu.memory_space<vmem>> -> memref<80xi32, #tpu.memory_space<vmem>>
        %dma_start3A_2127 = arith.constant 0 : i32
        %dma_start3A_2128 = arith.constant 0 : i32
        %dma_start3A_2129 = tpu.memref_slice %arg11[%dma_start3A_2127, %dma_start3A_2128] : memref<10240x128xf32, #tpu.memory_space<vmem_shared>> -> memref<10240x128xf32, #tpu.memory_space<vmem_shared>>
        tpu.enqueue_indirect_dma source(%arg5 : memref<80x128xf32, #tpu.memory_space<vmem>>) target(%dma_start3A_2129 : memref<10240x128xf32, #tpu.memory_space<vmem_shared>>) offsets(%dma_start3A_2126 : memref<80xi32, #tpu.memory_space<vmem>>) semaphore(%run_scoped3A_2123 : memref<!tpu.dma_semaphore, #tpu.memory_space<semaphore_mem>>) {add = true}
        %dma_wait3A_2130 = arith.constant 0 : i32
        %dma_wait3A_2131 = tpu.memref_slice %arg10[%add3A_2046, %dma_wait3A_2130] : memref<32x80xi32, #tpu.memory_space<vmem>> -> memref<1x80xi32, #tpu.memory_space<vmem>>
        %dma_wait3A_2132 = tpu.memref_squeeze %dma_wait3A_2131 : memref<1x80xi32, #tpu.memory_space<vmem>> -> memref<80xi32, #tpu.memory_space<vmem>>
        %dma_wait3A_2133 = arith.constant 0 : i32
        %dma_wait3A_2134 = arith.constant 0 : i32
        %dma_wait3A_2135 = tpu.memref_slice %arg11[%dma_wait3A_2133, %dma_wait3A_2134] : memref<10240x128xf32, #tpu.memory_space<vmem_shared>> -> memref<10240x128xf32, #tpu.memory_space<vmem_shared>>
        tpu.wait_indirect_dma semaphore(%run_scoped3A_2123 : memref<!tpu.dma_semaphore, #tpu.memory_space<semaphore_mem>>) src(%arg5 : memref<80x128xf32, #tpu.memory_space<vmem>>) dst(%dma_wait3A_2135 : memref<10240x128xf32, #tpu.memory_space<vmem_shared>>)
        tpu.yield
      }) : () -> ()
      %add3A_2047 = arith.constant 4 : i32
      %add3A_2048 = arith.addi %add3A_2032, %add3A_2047 : i32
      %add3A_2049 = arith.constant 0 : i32
      %add3A_2050 = arith.addi %add3A_2048, %add3A_2049 : i32
      %lt3A = arith.constant 125 : i32
      %lt3A_2051 = arith.cmpi slt, %add3A_2050, %lt3A : i32
      %convert_element_type3A = arith.extui %lt3A_2051 : i1 to i32
      %cond3A = arith.constant 0 : i32
      %cond3A_2052 = arith.cmpi ne, %convert_element_type3A, %cond3A : i32
      scf.if %cond3A_2052 {
        %add3A_2123 = arith.constant 4 : i32
        %add3A_2124 = arith.addi %add3A_2032, %add3A_2123 : i32
        %add3A_2125 = arith.constant 0 : i32
        %add3A_2126 = arith.addi %add3A_2124, %add3A_2125 : i32
        %mul3A_2127 = arith.constant 80 : i32
        %mul3A_2128 = arith.muli %add3A_2126, %mul3A_2127 : i32
        %add3A_2129 = arith.addi %mul3A_2, %mul3A_2128 : i32
        %multiple_of3A_2130 = tpu.assume_multiple %add3A_2129, 80 : i32
        %dma_start3A_2131 = arith.constant 0 : i32
        %dma_start3A_2132 = tpu.memref_slice %arg2[%multiple_of3A_2130, %dma_start3A_2131] : memref<320000x128xf32, #tpu.memory_space<hbm>> -> memref<80x128xf32, #tpu.memory_space<hbm>>
        %dma_start3A_2133 = arith.constant 0 : i32
        %dma_start3A_2134 = tpu.memref_slice %arg2[%multiple_of3A_2130, %dma_start3A_2133] : memref<320000x128xf32, #tpu.memory_space<hbm>> -> memref<80x128xf32, #tpu.memory_space<hbm>>
        tpu.enqueue_dma source(%dma_start3A_2134 : memref<80x128xf32, #tpu.memory_space<hbm>>) target(%arg5 : memref<80x128xf32, #tpu.memory_space<vmem>>) target_semaphore(%arg12 : memref<!tpu.dma_semaphore, #tpu.memory_space<semaphore_mem>>)
      } else {
      }
      %add3A_2053 = arith.constant 1 : i32
      %add3A_2054 = arith.addi %add3A_2032, %add3A_2053 : i32
      %mul3A_2055 = arith.constant 80 : i32
      %mul3A_2056 = arith.muli %add3A_2054, %mul3A_2055 : i32
      %add3A_2057 = arith.addi %mul3A_2, %mul3A_2056 : i32
      %multiple_of3A_2058 = tpu.assume_multiple %add3A_2057, 80 : i32
      %dma_wait3A_2059 = arith.constant 0 : i32
      %dma_wait3A_2060 = tpu.memref_slice %arg2[%multiple_of3A_2058, %dma_wait3A_2059] : memref<320000x128xf32, #tpu.memory_space<hbm>> -> memref<80x128xf32, #tpu.memory_space<hbm>>
      %dma_wait3A_2061 = arith.constant 0 : i32
      %dma_wait3A_2062 = tpu.memref_slice %arg2[%multiple_of3A_2058, %dma_wait3A_2061] : memref<320000x128xf32, #tpu.memory_space<hbm>> -> memref<80x128xf32, #tpu.memory_space<hbm>>
      tpu.wait_dma2 semaphore(%arg13 : memref<!tpu.dma_semaphore, #tpu.memory_space<semaphore_mem>>) src(%dma_wait3A_2062 : memref<80x128xf32, #tpu.memory_space<hbm>>) dst(%arg6 : memref<80x128xf32, #tpu.memory_space<vmem>>)
      %mul3A_2063 = arith.constant 4 : i32
      %mul3A_2064 = arith.muli %mul3A_2063, %scan3A_2027 : i32
      %add3A_2065 = arith.constant 1 : i32
      %add3A_2066 = arith.addi %mul3A_2064, %add3A_2065 : i32
      "tpu.region"() ({
        %run_scoped3A_2123 = tpu.sem_alloc : memref<!tpu.dma_semaphore, #tpu.memory_space<semaphore_mem>>
        %dma_start3A_2124 = arith.constant 0 : i32
        %dma_start3A_2125 = tpu.memref_slice %arg10[%add3A_2066, %dma_start3A_2124] : memref<32x80xi32, #tpu.memory_space<vmem>> -> memref<1x80xi32, #tpu.memory_space<vmem>>
        %dma_start3A_2126 = tpu.memref_squeeze %dma_start3A_2125 : memref<1x80xi32, #tpu.memory_space<vmem>> -> memref<80xi32, #tpu.memory_space<vmem>>
        %dma_start3A_2127 = arith.constant 0 : i32
        %dma_start3A_2128 = arith.constant 0 : i32
        %dma_start3A_2129 = tpu.memref_slice %arg11[%dma_start3A_2127, %dma_start3A_2128] : memref<10240x128xf32, #tpu.memory_space<vmem_shared>> -> memref<10240x128xf32, #tpu.memory_space<vmem_shared>>
        tpu.enqueue_indirect_dma source(%arg6 : memref<80x128xf32, #tpu.memory_space<vmem>>) target(%dma_start3A_2129 : memref<10240x128xf32, #tpu.memory_space<vmem_shared>>) offsets(%dma_start3A_2126 : memref<80xi32, #tpu.memory_space<vmem>>) semaphore(%run_scoped3A_2123 : memref<!tpu.dma_semaphore, #tpu.memory_space<semaphore_mem>>) {add = true}
        %dma_wait3A_2130 = arith.constant 0 : i32
        %dma_wait3A_2131 = tpu.memref_slice %arg10[%add3A_2066, %dma_wait3A_2130] : memref<32x80xi32, #tpu.memory_space<vmem>> -> memref<1x80xi32, #tpu.memory_space<vmem>>
        %dma_wait3A_2132 = tpu.memref_squeeze %dma_wait3A_2131 : memref<1x80xi32, #tpu.memory_space<vmem>> -> memref<80xi32, #tpu.memory_space<vmem>>
        %dma_wait3A_2133 = arith.constant 0 : i32
        %dma_wait3A_2134 = arith.constant 0 : i32
        %dma_wait3A_2135 = tpu.memref_slice %arg11[%dma_wait3A_2133, %dma_wait3A_2134] : memref<10240x128xf32, #tpu.memory_space<vmem_shared>> -> memref<10240x128xf32, #tpu.memory_space<vmem_shared>>
        tpu.wait_indirect_dma semaphore(%run_scoped3A_2123 : memref<!tpu.dma_semaphore, #tpu.memory_space<semaphore_mem>>) src(%arg6 : memref<80x128xf32, #tpu.memory_space<vmem>>) dst(%dma_wait3A_2135 : memref<10240x128xf32, #tpu.memory_space<vmem_shared>>)
        tpu.yield
      }) : () -> ()
      %add3A_2067 = arith.constant 4 : i32
      %add3A_2068 = arith.addi %add3A_2032, %add3A_2067 : i32
      %add3A_2069 = arith.constant 1 : i32
      %add3A_2070 = arith.addi %add3A_2068, %add3A_2069 : i32
      %lt3A_2071 = arith.constant 125 : i32
      %lt3A_2072 = arith.cmpi slt, %add3A_2070, %lt3A_2071 : i32
      %convert_element_type3A_2073 = arith.extui %lt3A_2072 : i1 to i32
      %cond3A_2074 = arith.constant 0 : i32
      %cond3A_2075 = arith.cmpi ne, %convert_element_type3A_2073, %cond3A_2074 : i32
      scf.if %cond3A_2075 {
        %add3A_2123 = arith.constant 4 : i32
        %add3A_2124 = arith.addi %add3A_2032, %add3A_2123 : i32
        %add3A_2125 = arith.constant 1 : i32
        %add3A_2126 = arith.addi %add3A_2124, %add3A_2125 : i32
        %mul3A_2127 = arith.constant 80 : i32
        %mul3A_2128 = arith.muli %add3A_2126, %mul3A_2127 : i32
        %add3A_2129 = arith.addi %mul3A_2, %mul3A_2128 : i32
        %multiple_of3A_2130 = tpu.assume_multiple %add3A_2129, 80 : i32
        %dma_start3A_2131 = arith.constant 0 : i32
        %dma_start3A_2132 = tpu.memref_slice %arg2[%multiple_of3A_2130, %dma_start3A_2131] : memref<320000x128xf32, #tpu.memory_space<hbm>> -> memref<80x128xf32, #tpu.memory_space<hbm>>
        %dma_start3A_2133 = arith.constant 0 : i32
        %dma_start3A_2134 = tpu.memref_slice %arg2[%multiple_of3A_2130, %dma_start3A_2133] : memref<320000x128xf32, #tpu.memory_space<hbm>> -> memref<80x128xf32, #tpu.memory_space<hbm>>
        tpu.enqueue_dma source(%dma_start3A_2134 : memref<80x128xf32, #tpu.memory_space<hbm>>) target(%arg6 : memref<80x128xf32, #tpu.memory_space<vmem>>) target_semaphore(%arg13 : memref<!tpu.dma_semaphore, #tpu.memory_space<semaphore_mem>>)
      } else {
      }
      %add3A_2076 = arith.constant 2 : i32
      %add3A_2077 = arith.addi %add3A_2032, %add3A_2076 : i32
      %mul3A_2078 = arith.constant 80 : i32
      %mul3A_2079 = arith.muli %add3A_2077, %mul3A_2078 : i32
      %add3A_2080 = arith.addi %mul3A_2, %mul3A_2079 : i32
      %multiple_of3A_2081 = tpu.assume_multiple %add3A_2080, 80 : i32
      %dma_wait3A_2082 = arith.constant 0 : i32
      %dma_wait3A_2083 = tpu.memref_slice %arg2[%multiple_of3A_2081, %dma_wait3A_2082] : memref<320000x128xf32, #tpu.memory_space<hbm>> -> memref<80x128xf32, #tpu.memory_space<hbm>>
      %dma_wait3A_2084 = arith.constant 0 : i32
      %dma_wait3A_2085 = tpu.memref_slice %arg2[%multiple_of3A_2081, %dma_wait3A_2084] : memref<320000x128xf32, #tpu.memory_space<hbm>> -> memref<80x128xf32, #tpu.memory_space<hbm>>
      tpu.wait_dma2 semaphore(%arg14 : memref<!tpu.dma_semaphore, #tpu.memory_space<semaphore_mem>>) src(%dma_wait3A_2085 : memref<80x128xf32, #tpu.memory_space<hbm>>) dst(%arg7 : memref<80x128xf32, #tpu.memory_space<vmem>>)
      %mul3A_2086 = arith.constant 4 : i32
      %mul3A_2087 = arith.muli %mul3A_2086, %scan3A_2027 : i32
      %add3A_2088 = arith.constant 2 : i32
      %add3A_2089 = arith.addi %mul3A_2087, %add3A_2088 : i32
      "tpu.region"() ({
        %run_scoped3A_2123 = tpu.sem_alloc : memref<!tpu.dma_semaphore, #tpu.memory_space<semaphore_mem>>
        %dma_start3A_2124 = arith.constant 0 : i32
        %dma_start3A_2125 = tpu.memref_slice %arg10[%add3A_2089, %dma_start3A_2124] : memref<32x80xi32, #tpu.memory_space<vmem>> -> memref<1x80xi32, #tpu.memory_space<vmem>>
        %dma_start3A_2126 = tpu.memref_squeeze %dma_start3A_2125 : memref<1x80xi32, #tpu.memory_space<vmem>> -> memref<80xi32, #tpu.memory_space<vmem>>
        %dma_start3A_2127 = arith.constant 0 : i32
        %dma_start3A_2128 = arith.constant 0 : i32
        %dma_start3A_2129 = tpu.memref_slice %arg11[%dma_start3A_2127, %dma_start3A_2128] : memref<10240x128xf32, #tpu.memory_space<vmem_shared>> -> memref<10240x128xf32, #tpu.memory_space<vmem_shared>>
        tpu.enqueue_indirect_dma source(%arg7 : memref<80x128xf32, #tpu.memory_space<vmem>>) target(%dma_start3A_2129 : memref<10240x128xf32, #tpu.memory_space<vmem_shared>>) offsets(%dma_start3A_2126 : memref<80xi32, #tpu.memory_space<vmem>>) semaphore(%run_scoped3A_2123 : memref<!tpu.dma_semaphore, #tpu.memory_space<semaphore_mem>>) {add = true}
        %dma_wait3A_2130 = arith.constant 0 : i32
        %dma_wait3A_2131 = tpu.memref_slice %arg10[%add3A_2089, %dma_wait3A_2130] : memref<32x80xi32, #tpu.memory_space<vmem>> -> memref<1x80xi32, #tpu.memory_space<vmem>>
        %dma_wait3A_2132 = tpu.memref_squeeze %dma_wait3A_2131 : memref<1x80xi32, #tpu.memory_space<vmem>> -> memref<80xi32, #tpu.memory_space<vmem>>
        %dma_wait3A_2133 = arith.constant 0 : i32
        %dma_wait3A_2134 = arith.constant 0 : i32
        %dma_wait3A_2135 = tpu.memref_slice %arg11[%dma_wait3A_2133, %dma_wait3A_2134] : memref<10240x128xf32, #tpu.memory_space<vmem_shared>> -> memref<10240x128xf32, #tpu.memory_space<vmem_shared>>
        tpu.wait_indirect_dma semaphore(%run_scoped3A_2123 : memref<!tpu.dma_semaphore, #tpu.memory_space<semaphore_mem>>) src(%arg7 : memref<80x128xf32, #tpu.memory_space<vmem>>) dst(%dma_wait3A_2135 : memref<10240x128xf32, #tpu.memory_space<vmem_shared>>)
        tpu.yield
      }) : () -> ()
      %add3A_2090 = arith.constant 4 : i32
      %add3A_2091 = arith.addi %add3A_2032, %add3A_2090 : i32
      %add3A_2092 = arith.constant 2 : i32
      %add3A_2093 = arith.addi %add3A_2091, %add3A_2092 : i32
      %lt3A_2094 = arith.constant 125 : i32
      %lt3A_2095 = arith.cmpi slt, %add3A_2093, %lt3A_2094 : i32
      %convert_element_type3A_2096 = arith.extui %lt3A_2095 : i1 to i32
      %cond3A_2097 = arith.constant 0 : i32
      %cond3A_2098 = arith.cmpi ne, %convert_element_type3A_2096, %cond3A_2097 : i32
      scf.if %cond3A_2098 {
        %add3A_2123 = arith.constant 4 : i32
        %add3A_2124 = arith.addi %add3A_2032, %add3A_2123 : i32
        %add3A_2125 = arith.constant 2 : i32
        %add3A_2126 = arith.addi %add3A_2124, %add3A_2125 : i32
        %mul3A_2127 = arith.constant 80 : i32
        %mul3A_2128 = arith.muli %add3A_2126, %mul3A_2127 : i32
        %add3A_2129 = arith.addi %mul3A_2, %mul3A_2128 : i32
        %multiple_of3A_2130 = tpu.assume_multiple %add3A_2129, 80 : i32
        %dma_start3A_2131 = arith.constant 0 : i32
        %dma_start3A_2132 = tpu.memref_slice %arg2[%multiple_of3A_2130, %dma_start3A_2131] : memref<320000x128xf32, #tpu.memory_space<hbm>> -> memref<80x128xf32, #tpu.memory_space<hbm>>
        %dma_start3A_2133 = arith.constant 0 : i32
        %dma_start3A_2134 = tpu.memref_slice %arg2[%multiple_of3A_2130, %dma_start3A_2133] : memref<320000x128xf32, #tpu.memory_space<hbm>> -> memref<80x128xf32, #tpu.memory_space<hbm>>
        tpu.enqueue_dma source(%dma_start3A_2134 : memref<80x128xf32, #tpu.memory_space<hbm>>) target(%arg7 : memref<80x128xf32, #tpu.memory_space<vmem>>) target_semaphore(%arg14 : memref<!tpu.dma_semaphore, #tpu.memory_space<semaphore_mem>>)
      } else {
      }
      %add3A_2099 = arith.constant 3 : i32
      %add3A_2100 = arith.addi %add3A_2032, %add3A_2099 : i32
      %mul3A_2101 = arith.constant 80 : i32
      %mul3A_2102 = arith.muli %add3A_2100, %mul3A_2101 : i32
      %add3A_2103 = arith.addi %mul3A_2, %mul3A_2102 : i32
      %multiple_of3A_2104 = tpu.assume_multiple %add3A_2103, 80 : i32
      %dma_wait3A_2105 = arith.constant 0 : i32
      %dma_wait3A_2106 = tpu.memref_slice %arg2[%multiple_of3A_2104, %dma_wait3A_2105] : memref<320000x128xf32, #tpu.memory_space<hbm>> -> memref<80x128xf32, #tpu.memory_space<hbm>>
      %dma_wait3A_2107 = arith.constant 0 : i32
      %dma_wait3A_2108 = tpu.memref_slice %arg2[%multiple_of3A_2104, %dma_wait3A_2107] : memref<320000x128xf32, #tpu.memory_space<hbm>> -> memref<80x128xf32, #tpu.memory_space<hbm>>
      tpu.wait_dma2 semaphore(%arg15 : memref<!tpu.dma_semaphore, #tpu.memory_space<semaphore_mem>>) src(%dma_wait3A_2108 : memref<80x128xf32, #tpu.memory_space<hbm>>) dst(%arg8 : memref<80x128xf32, #tpu.memory_space<vmem>>)
      %mul3A_2109 = arith.constant 4 : i32
      %mul3A_2110 = arith.muli %mul3A_2109, %scan3A_2027 : i32
      %add3A_2111 = arith.constant 3 : i32
      %add3A_2112 = arith.addi %mul3A_2110, %add3A_2111 : i32
      "tpu.region"() ({
        %run_scoped3A_2123 = tpu.sem_alloc : memref<!tpu.dma_semaphore, #tpu.memory_space<semaphore_mem>>
        %dma_start3A_2124 = arith.constant 0 : i32
        %dma_start3A_2125 = tpu.memref_slice %arg10[%add3A_2112, %dma_start3A_2124] : memref<32x80xi32, #tpu.memory_space<vmem>> -> memref<1x80xi32, #tpu.memory_space<vmem>>
        %dma_start3A_2126 = tpu.memref_squeeze %dma_start3A_2125 : memref<1x80xi32, #tpu.memory_space<vmem>> -> memref<80xi32, #tpu.memory_space<vmem>>
        %dma_start3A_2127 = arith.constant 0 : i32
        %dma_start3A_2128 = arith.constant 0 : i32
        %dma_start3A_2129 = tpu.memref_slice %arg11[%dma_start3A_2127, %dma_start3A_2128] : memref<10240x128xf32, #tpu.memory_space<vmem_shared>> -> memref<10240x128xf32, #tpu.memory_space<vmem_shared>>
        tpu.enqueue_indirect_dma source(%arg8 : memref<80x128xf32, #tpu.memory_space<vmem>>) target(%dma_start3A_2129 : memref<10240x128xf32, #tpu.memory_space<vmem_shared>>) offsets(%dma_start3A_2126 : memref<80xi32, #tpu.memory_space<vmem>>) semaphore(%run_scoped3A_2123 : memref<!tpu.dma_semaphore, #tpu.memory_space<semaphore_mem>>) {add = true}
        %dma_wait3A_2130 = arith.constant 0 : i32
        %dma_wait3A_2131 = tpu.memref_slice %arg10[%add3A_2112, %dma_wait3A_2130] : memref<32x80xi32, #tpu.memory_space<vmem>> -> memref<1x80xi32, #tpu.memory_space<vmem>>
        %dma_wait3A_2132 = tpu.memref_squeeze %dma_wait3A_2131 : memref<1x80xi32, #tpu.memory_space<vmem>> -> memref<80xi32, #tpu.memory_space<vmem>>
        %dma_wait3A_2133 = arith.constant 0 : i32
        %dma_wait3A_2134 = arith.constant 0 : i32
        %dma_wait3A_2135 = tpu.memref_slice %arg11[%dma_wait3A_2133, %dma_wait3A_2134] : memref<10240x128xf32, #tpu.memory_space<vmem_shared>> -> memref<10240x128xf32, #tpu.memory_space<vmem_shared>>
        tpu.wait_indirect_dma semaphore(%run_scoped3A_2123 : memref<!tpu.dma_semaphore, #tpu.memory_space<semaphore_mem>>) src(%arg8 : memref<80x128xf32, #tpu.memory_space<vmem>>) dst(%dma_wait3A_2135 : memref<10240x128xf32, #tpu.memory_space<vmem_shared>>)
        tpu.yield
      }) : () -> ()
      %add3A_2113 = arith.constant 4 : i32
      %add3A_2114 = arith.addi %add3A_2032, %add3A_2113 : i32
      %add3A_2115 = arith.constant 3 : i32
      %add3A_2116 = arith.addi %add3A_2114, %add3A_2115 : i32
      %lt3A_2117 = arith.constant 125 : i32
      %lt3A_2118 = arith.cmpi slt, %add3A_2116, %lt3A_2117 : i32
      %convert_element_type3A_2119 = arith.extui %lt3A_2118 : i1 to i32
      %cond3A_2120 = arith.constant 0 : i32
      %cond3A_2121 = arith.cmpi ne, %convert_element_type3A_2119, %cond3A_2120 : i32
      scf.if %cond3A_2121 {
        %add3A_2123 = arith.constant 4 : i32
        %add3A_2124 = arith.addi %add3A_2032, %add3A_2123 : i32
        %add3A_2125 = arith.constant 3 : i32
        %add3A_2126 = arith.addi %add3A_2124, %add3A_2125 : i32
        %mul3A_2127 = arith.constant 80 : i32
        %mul3A_2128 = arith.muli %add3A_2126, %mul3A_2127 : i32
        %add3A_2129 = arith.addi %mul3A_2, %mul3A_2128 : i32
        %multiple_of3A_2130 = tpu.assume_multiple %add3A_2129, 80 : i32
        %dma_start3A_2131 = arith.constant 0 : i32
        %dma_start3A_2132 = tpu.memref_slice %arg2[%multiple_of3A_2130, %dma_start3A_2131] : memref<320000x128xf32, #tpu.memory_space<hbm>> -> memref<80x128xf32, #tpu.memory_space<hbm>>
        %dma_start3A_2133 = arith.constant 0 : i32
        %dma_start3A_2134 = tpu.memref_slice %arg2[%multiple_of3A_2130, %dma_start3A_2133] : memref<320000x128xf32, #tpu.memory_space<hbm>> -> memref<80x128xf32, #tpu.memory_space<hbm>>
        tpu.enqueue_dma source(%dma_start3A_2134 : memref<80x128xf32, #tpu.memory_space<hbm>>) target(%arg8 : memref<80x128xf32, #tpu.memory_space<vmem>>) target_semaphore(%arg15 : memref<!tpu.dma_semaphore, #tpu.memory_space<semaphore_mem>>)
      } else {
      }
      %scan3A_2122 = arith.constant 0 : i32
      scf.yield %scan3A_2122 : i32
    }
    %scan3A_2014 = arith.constant 7 : i32
    %add3A_2015 = arith.constant 9920 : i32
    %add3A_2016 = arith.addi %mul3A_2, %add3A_2015 : i32
    %multiple_of3A_2017 = tpu.assume_multiple %add3A_2016, 80 : i32
    %dma_wait3A_2018 = arith.constant 0 : i32
    %dma_wait3A_2019 = tpu.memref_slice %arg2[%multiple_of3A_2017, %dma_wait3A_2018] : memref<320000x128xf32, #tpu.memory_space<hbm>> -> memref<80x128xf32, #tpu.memory_space<hbm>>
    %dma_wait3A_2020 = arith.constant 0 : i32
    %dma_wait3A_2021 = tpu.memref_slice %arg2[%multiple_of3A_2017, %dma_wait3A_2020] : memref<320000x128xf32, #tpu.memory_space<hbm>> -> memref<80x128xf32, #tpu.memory_space<hbm>>
    tpu.wait_dma2 semaphore(%arg12 : memref<!tpu.dma_semaphore, #tpu.memory_space<semaphore_mem>>) src(%dma_wait3A_2021 : memref<80x128xf32, #tpu.memory_space<hbm>>) dst(%arg5 : memref<80x128xf32, #tpu.memory_space<vmem>>)
    %run_scoped3A = arith.constant 28 : i32
    "tpu.region"() ({
      %run_scoped3A_2027 = tpu.sem_alloc : memref<!tpu.dma_semaphore, #tpu.memory_space<semaphore_mem>>
      %dma_start3A_2028 = arith.constant 0 : i32
      %dma_start3A_2029 = tpu.memref_slice %arg10[%run_scoped3A, %dma_start3A_2028] : memref<32x80xi32, #tpu.memory_space<vmem>> -> memref<1x80xi32, #tpu.memory_space<vmem>>
      %dma_start3A_2030 = tpu.memref_squeeze %dma_start3A_2029 : memref<1x80xi32, #tpu.memory_space<vmem>> -> memref<80xi32, #tpu.memory_space<vmem>>
      %dma_start3A_2031 = arith.constant 0 : i32
      %dma_start3A_2032 = arith.constant 0 : i32
      %dma_start3A_2033 = tpu.memref_slice %arg11[%dma_start3A_2031, %dma_start3A_2032] : memref<10240x128xf32, #tpu.memory_space<vmem_shared>> -> memref<10240x128xf32, #tpu.memory_space<vmem_shared>>
      tpu.enqueue_indirect_dma source(%arg5 : memref<80x128xf32, #tpu.memory_space<vmem>>) target(%dma_start3A_2033 : memref<10240x128xf32, #tpu.memory_space<vmem_shared>>) offsets(%dma_start3A_2030 : memref<80xi32, #tpu.memory_space<vmem>>) semaphore(%run_scoped3A_2027 : memref<!tpu.dma_semaphore, #tpu.memory_space<semaphore_mem>>) {add = true}
      %dma_wait3A_2034 = arith.constant 0 : i32
      %dma_wait3A_2035 = tpu.memref_slice %arg10[%run_scoped3A, %dma_wait3A_2034] : memref<32x80xi32, #tpu.memory_space<vmem>> -> memref<1x80xi32, #tpu.memory_space<vmem>>
      %dma_wait3A_2036 = tpu.memref_squeeze %dma_wait3A_2035 : memref<1x80xi32, #tpu.memory_space<vmem>> -> memref<80xi32, #tpu.memory_space<vmem>>
      %dma_wait3A_2037 = arith.constant 0 : i32
      %dma_wait3A_2038 = arith.constant 0 : i32
      %dma_wait3A_2039 = tpu.memref_slice %arg11[%dma_wait3A_2037, %dma_wait3A_2038] : memref<10240x128xf32, #tpu.memory_space<vmem_shared>> -> memref<10240x128xf32, #tpu.memory_space<vmem_shared>>
      tpu.wait_indirect_dma semaphore(%run_scoped3A_2027 : memref<!tpu.dma_semaphore, #tpu.memory_space<semaphore_mem>>) src(%arg5 : memref<80x128xf32, #tpu.memory_space<vmem>>) dst(%dma_wait3A_2039 : memref<10240x128xf32, #tpu.memory_space<vmem_shared>>)
      tpu.yield
    }) : () -> ()
    %barrier3A_2022 = arith.constant 0 : index
    tpu.barrier barrier_id(%barrier3A_2022)
    %mul3A_2023 = arith.constant 640 : i32
    %mul3A_2024 = arith.muli %arg1, %mul3A_2023 : i32
    %mul3A_2025 = arith.constant 640 : i32
    %mul3A_2026 = arith.muli %arg1, %mul3A_2025 : i32
    "tpu.region"() ({
      %run_scoped3A_2027 = tpu.sem_alloc : memref<!tpu.dma_semaphore, #tpu.memory_space<semaphore_mem>>
      %dma_start3A_2028 = arith.constant 0 : i32
      %dma_start3A_2029 = tpu.memref_slice %arg4[%arg0, %mul3A_2026, %dma_start3A_2028] : memref<2x10240x128xf32, #tpu.memory_space<hbm>> -> memref<1x640x128xf32, #tpu.memory_space<hbm>>
      %dma_start3A_2030 = tpu.memref_squeeze %dma_start3A_2029 : memref<1x640x128xf32, #tpu.memory_space<hbm>> -> memref<640x128xf32, #tpu.memory_space<hbm>>
      %dma_start3A_2031 = arith.constant 0 : i32
      %dma_start3A_2032 = tpu.memref_slice %arg11[%mul3A_2024, %dma_start3A_2031] : memref<10240x128xf32, #tpu.memory_space<vmem_shared>> -> memref<640x128xf32, #tpu.memory_space<vmem_shared>>
      tpu.enqueue_dma source(%dma_start3A_2032 : memref<640x128xf32, #tpu.memory_space<vmem_shared>>) target(%dma_start3A_2030 : memref<640x128xf32, #tpu.memory_space<hbm>>) target_semaphore(%run_scoped3A_2027 : memref<!tpu.dma_semaphore, #tpu.memory_space<semaphore_mem>>)
      %dma_wait3A_2033 = arith.constant 0 : i32
      %dma_wait3A_2034 = tpu.memref_slice %arg4[%arg0, %mul3A_2026, %dma_wait3A_2033] : memref<2x10240x128xf32, #tpu.memory_space<hbm>> -> memref<1x640x128xf32, #tpu.memory_space<hbm>>
      %dma_wait3A_2035 = tpu.memref_squeeze %dma_wait3A_2034 : memref<1x640x128xf32, #tpu.memory_space<hbm>> -> memref<640x128xf32, #tpu.memory_space<hbm>>
      %dma_wait3A_2036 = arith.constant 0 : i32
      %dma_wait3A_2037 = tpu.memref_slice %arg11[%mul3A_2024, %dma_wait3A_2036] : memref<10240x128xf32, #tpu.memory_space<vmem_shared>> -> memref<640x128xf32, #tpu.memory_space<vmem_shared>>
      tpu.wait_dma2 semaphore(%run_scoped3A_2027 : memref<!tpu.dma_semaphore, #tpu.memory_space<semaphore_mem>>) src(%dma_wait3A_2037 : memref<640x128xf32, #tpu.memory_space<vmem_shared>>) dst(%dma_wait3A_2035 : memref<640x128xf32, #tpu.memory_space<hbm>>)
      tpu.yield
    }) : () -> ()
    return
  }
}

module attributes {stable_mosaic.version = 14 : i64} {
  func.func @body(%arg0: i32, %arg1: memref<2x5000x128xf32, #tpu.memory_space<vmem>>, %arg2: memref<5000x128xf32, #tpu.memory_space<vmem>>) attributes {dimension_semantics = [#tpu.dimension_semantics<arbitrary>], iteration_bounds = array<i64: 2>, scalar_prefetch = 0 : i64, scratch_operands = 0 : i64, tpu.core_type = #tpu.core_type<tc>, window_params = [{transform_indices = @transform_0, window_bounds = array<i64: 2, 5000, 128>}, {transform_indices = @transform_1, window_bounds = array<i64: 5000, 128>}]} {
    %get3A = arith.constant 0 : index
    %get3A_0 = arith.constant 0 : index
    %get3A_1 = arith.constant 0 : index
    %get3A_2 = vector.load %arg1[%get3A, %get3A_0, %get3A_1] : memref<2x5000x128xf32, #tpu.memory_space<vmem>>, vector<1x5000x128xf32>
    %get3A_3 = vector.shape_cast %get3A_2 : vector<1x5000x128xf32> to vector<5000x128xf32>
    %get3A_4 = arith.constant 1 : index
    %get3A_5 = arith.constant 0 : index
    %get3A_6 = arith.constant 0 : index
    %get3A_7 = vector.load %arg1[%get3A_4, %get3A_5, %get3A_6] : memref<2x5000x128xf32, #tpu.memory_space<vmem>>, vector<1x5000x128xf32>
    %get3A_8 = vector.shape_cast %get3A_7 : vector<1x5000x128xf32> to vector<5000x128xf32>
    %add3A = arith.addf %get3A_3, %get3A_8 : vector<5000x128xf32>
    %swap3A = arith.constant 0 : index
    %swap3A_9 = arith.constant 0 : index
    %swap3A_10 = vector.load %arg2[%swap3A, %swap3A_9] : memref<5000x128xf32, #tpu.memory_space<vmem>>, vector<5000x128xf32>
    tpu.vector_store %arg2[%swap3A, %swap3A_9], %add3A {strides = array<i32>} : memref<5000x128xf32, #tpu.memory_space<vmem>>, vector<5000x128xf32>,
    return
  }
  func.func @transform_0(%arg0: i32) -> (i32, i32, i32) {
    %c0_i32 = arith.constant 0 : i32
    %c0_i32_0 = arith.constant 0 : i32
    %c0_i32_1 = arith.constant 0 : i32
    return %c0_i32, %arg0, %c0_i32_0 : i32, i32, i32
  }
  func.func @transform_1(%arg0: i32) -> (i32, i32) {
    %c0_i32 = arith.constant 0 : i32
    %c0_i32_0 = arith.constant 0 : i32
    return %arg0, %c0_i32 : i32, i32
  }
}

</mosaic_0001>

<sc_bundles>
// kernel: kernel.4.cloned.1.call-start
scs
__scs_entry_jumppad:
0x0: {  	(pc) =	sbr.rel $0x88, $3  }
0x1: {  	(tag) =	ssettag $0x0;
	lr =	simm.s32 $0x1  }
0x2: {  	[smem:$0x3F9F] =	sst lr;
	_ =	strace $0xD0000000  }
0x3: {  	_ = 	snop  }
0x4: {  	_ = 	snop  }
0x5: {  	_ = 	snop  }
0x6: {  	_ = 	snop  }
0x7: {  	_ = 	snop  }
__scs_overlays_trampoline_lowered:
0x8: {  	[smem:$0x3FAE] =	sst s0  }
0x9: {  	[smem:$0x3FAF] =	sst s1  }
0xa: {  	[smem:$0x3FB0] =	sst s2  }
0xb: {  	[smem:$0x3FB1] =	sst s3  }
0xc: {  	[smem:$0x3FB2] =	sst s4  }
0xd: {  	[smem:$0x3FB3] =	sst s5  }
0xe: {  	[smem:$0x3FB4] =	sst s6  }
0xf: {  	[smem:$0x3FB5] =	sst s7  }
0x10: {  	[smem:$0x3FB6] =	sst s8  }
0x11: {  	[smem:$0x3FB7] =	sst s9;
	s0 =	simm.s32 @!p0 $0x0  }
0x12: {  	s1 =	sld [smem:$0x3F9D];
	s0 =	simm.s32 @p0 $0x1  }
0x13: {  	[smem:$0x3FB8] =	sst s0;
	s0 =	simm.s32 @!p1 $0x0  }
0x14: {  	s2 =	sld [smem:$0x3F9C];
	s0 =	simm.s32 @p1 $0x1  }
0x15: {  	[smem:$0x3FB9] =	sst s0;
	s0 =	simm.s32 @!p2 $0x0  }
0x16: {  	s3 =	sld [smem:$0x3FDB];
	s0 =	simm.s32 @p2 $0x1  }
0x17: {  	s4 =	simm.s32 $0x1BF5;
	[smem:$0x3FBB] =	sst s0  }
0x18: {  	s0 =	sld [smem:$0x3F9E];
	_ =	swait.ge [sflag:s4], $0x0  }
0x19: {  	s7 =	sld [smem:$0x3F9F]  }
0x1a: {  	s8 =	sadd.s32 $0xFFFFE003, lr  }
0x1b: {  	s9 =	sadd.s32 $0xFFFFFEF7, lr;
	s5 =	simm.s32 $0xFFFFFFFF;
	p2 =	slt.u32 s8, $0xFFFFF086  }
0x1c: {  	p1 =	slt.u32 s9, $0xF7A;
	s5 =	simm.s32 @!p2 $0x0  }
0x1d: {  	s5 =	simm.s32 @p1 $0x1;
	p0 =	seq.s32 s7, s2  }
0x1e: {  	s7 =	smul.u32 @!p0 $0xF7A, s2;
	p2 =	seq.s32 @!p0 s5, $0x0  }
0x1f: {  	s9 =	smul.u32 $0xF7A, s1;
	s8 =	simm.s32 @!p0 $0x1BF5;
	p2 =	por !p2, p0  }
0x20: {  	[sflag:s8] =	ssyncset.s32 @!p0 $0xFFFFF086;
	s6 =	sadd.s32 @!p0 s3, s7;
	s7 =	simm.s32 @!p0 $0x108  }
0x21: {  	s3 =	sadd.s32 s3, s9;
	s6 =	sadd.s32 @!p0 $0x88, s6;
	s7 =	simm.s32 @p2 $0x1082  }
0x22: {  	[simem:s7], [sflag:s8] =	dma.local @!p0 [hbm:s6], $0xF7A  }
0x23: {  	s9 =	sor.u32 $0xD0000000, s2;
	s6 =	simm.s32 $0x108;
	_ =	swait.ge @!p0 [sflag:s8], $0x0  }
0x24: {  	s3 =	sadd.s32 $0x88, s3;
	s6 =	simm.s32 @!p1 $0x1082;
	[sflag:s4] =	ssyncset.s32 $0xFFFFF086  }
0x25: {  	[simem:s6], [sflag:s4] =	dma.local [hbm:s3], $0xF7A  }
0x26: {  	[smem:$0x3F9F] =	sst s1;
	(tag) =	ssettag s2;
	_ =	strace s9  }
0x27: {  	s1 =	sld [smem:$0x3FAF]  }
0x28: {  	s2 =	sld [smem:$0x3FB0]  }
0x29: {  	s4 =	sld [smem:$0x3FB2]  }
0x2a: {  	p0 =	seq.s32 s5, $0x0;
	s5 =	sld [smem:$0x3FB3]  }
0x2b: {  	s6 =	sld [smem:$0x3FB4]  }
0x2c: {  	s7 =	sld [smem:$0x3FB5]  }
0x2d: {  	s3 =	simm.s32 $0x108;
	s8 =	sld [smem:$0x3FB6]  }
0x2e: {  	s3 =	simm.s32 @!p0 $0x1082;
	s9 =	sld [smem:$0x3FB7]  }
0x2f: {  	lr =	sadd.s32 s0, s3;
	s0 =	sld [smem:$0x3FAE]  }
0x30: {  	s3 =	sld [smem:$0x3FB1]  }
0x31: {  	[smem:$0x3FBA] =	sst s10  }
0x32: {  	s10 =	sld [smem:$0x3FB8];
	_ =	sdelay $0x3  }
0x33: {  	p0 =	seq.s32 s10, $0x1;
	s10 =	sld [smem:$0x3FBA];
	_ =	sdelay $0x3  }
0x34: {  	[smem:$0x3FBA] =	sst s10  }
0x35: {  	s10 =	sld [smem:$0x3FB9];
	_ =	sdelay $0x3  }
0x36: {  	p1 =	seq.s32 s10, $0x1;
	s10 =	sld [smem:$0x3FBA];
	_ =	sdelay $0x3  }
0x37: {  	[smem:$0x3FBA] =	sst s10  }
0x38: {  	s10 =	sld [smem:$0x3FBB]  }
0x39: {  	_ = 	snop;
	(pc) =	sbr.ind lr, $3  }
0x3a: {  	_ = 	snop  }
0x3b: {  	_ = 	snop  }
0x3c: {  	p2 =	seq.s32 s10, $0x1;
	s10 =	sld [smem:$0x3FBA]  }
0x3d: {  	_ =	shalt  }
0x3e: {  	_ =	shalt  }
0x3f: {  	_ =	shalt  }
0x40: {  	_ =	shalt  }
0x41: {  	_ =	shalt  }
0x42: {  	_ =	shalt  }
0x43: {  	_ =	shalt  }
0x44: {  	_ =	shalt  }
0x45: {  	_ =	shalt  }
0x46: {  	_ =	shalt  }
0x47: {  	_ =	shalt  }
0x48: {  	_ =	shalt  }
0x49: {  	_ =	shalt  }
0x4a: {  	_ =	shalt  }
0x4b: {  	_ =	shalt  }
0x4c: {  	_ =	shalt  }
0x4d: {  	_ =	shalt  }
0x4e: {  	_ =	shalt  }
0x4f: {  	_ =	shalt  }
0x50: {  	_ =	shalt  }
0x51: {  	_ =	shalt  }
0x52: {  	_ =	shalt  }
0x53: {  	_ =	shalt  }
0x54: {  	_ =	shalt  }
0x55: {  	_ =	shalt  }
0x56: {  	_ =	shalt  }
0x57: {  	_ =	shalt  }
0x58: {  	_ =	shalt  }
0x59: {  	_ =	shalt  }
0x5a: {  	_ =	shalt  }
0x5b: {  	_ =	shalt  }
0x5c: {  	_ =	shalt  }
0x5d: {  	_ =	shalt  }
0x5e: {  	_ =	shalt  }
0x5f: {  	_ =	shalt  }
0x60: {  	_ =	shalt  }
0x61: {  	_ =	shalt  }
0x62: {  	_ =	shalt  }
0x63: {  	_ =	shalt  }
0x64: {  	_ =	shalt  }
0x65: {  	_ =	shalt  }
0x66: {  	_ =	shalt  }
0x67: {  	_ =	shalt  }
0x68: {  	_ =	shalt  }
0x69: {  	_ =	shalt  }
0x6a: {  	_ =	shalt  }
0x6b: {  	_ =	shalt  }
0x6c: {  	_ =	shalt  }
0x6d: {  	_ =	shalt  }
0x6e: {  	_ =	shalt  }
0x6f: {  	_ =	shalt  }
0x70: {  	_ =	shalt  }
0x71: {  	_ =	shalt  }
0x72: {  	_ =	shalt  }
0x73: {  	_ =	shalt  }
0x74: {  	_ =	shalt  }
0x75: {  	_ =	shalt  }
0x76: {  	_ =	shalt  }
0x77: {  	_ =	shalt  }
0x78: {  	_ =	shalt  }
0x79: {  	_ =	shalt  }
0x7a: {  	_ =	shalt  }
0x7b: {  	_ =	shalt  }
0x7c: {  	_ =	shalt  }
0x7d: {  	_ =	shalt  }
0x7e: {  	_ =	shalt  }
0x7f: {  	_ =	shalt  }
0x80: {  	_ =	shalt  }
0x81: {  	_ =	shalt  }
0x82: {  	_ =	shalt  }
0x83: {  	_ =	shalt  }
0x84: {  	_ =	shalt  }
0x85: {  	_ =	shalt  }
0x86: {  	_ =	shalt  }
0x87: {  	_ =	shalt  }
.Lfunc_end0:
.L_simem_size_0:
called_computation_lowered:
.L_overlay_start_0:
0x88: {  	s2 =	sld [smem:$0x3FD9]  }
0x89: {  	s3 =	sld [smem:$0x3FFE];
	_ =	sdelay $0x1  }
0x8a: {  	s1 =	srdreg.scid  }
0x8b: {  	s0 =	sand.u32 $0x1, s1  }
0x8c: {  	s17 =	sshll.u32 s0, $0xA;
	s2 =	sadd.s32 s3, s2  }
0x8d: {  	s2 =	sadd.s32 s2, s17  }
0x8e: {  	[smem:$0x3FC6] =	sst s2  }
0x8f: {  	_ = 	snop  }
0x90: {  	s2 =	sld [smem:$0x3FC9]  }
0x91: {  	s18 =	sld [smem:$0x3FD0];
	(tm) =	ssettm $0x1  }
0x92: {  	s4 =	sld [smem:$0x3FFB];
	_ =	sdelay $0x3  }
0x93: {  	_ =	strace s4  }
0x94: {  	s4 =	sld [smem:$0x3FFC];
	_ =	sdelay $0x3  }
0x95: {  	_ =	strace s4  }
0x96: {  	s4 =	sld [smem:$0x3FFD];
	_ =	sdelay $0x3  }
0x97: {  	_ =	strace s4  }
0x98: {  	_ =	strace $0x8FFFFFFF  }
0x99: {  	s19 =	sld [smem:$0x3FDB];
	_ =	sdelay $0x1  }
0x9a: {  	s5 =	simm.s32 $_scs_section_size  }
0x9b: {  	s6 =	simm.s32 $_size__tile_overlayer_lowered;
	s7 =	simm.s32 $_tile_overlayer_lowered  }
0x9c: {  	s22 =	simm.s32 $0x1BFF;
	s21 =	sshll.u32 s7, $0x1;
	s4 =	sadd.s32 s5, s19  }
0x9d: {  	s8 =	simm.s32 $0x0;
	s20 =	sshll.u32 s6, $0x1;
	s6 =	sadd.s32 s21, s4  }
0x9e: {  	[timem:s8], [sflag:s22] =	dma.local [hbm:s6], s20  }
0x9f: {  	_ =	swait.ge [sflag:s22], s20  }
0xa0: {  	s5 =	ssub.s32 $0x0, s20;
	[sflag:s22] =	ssyncset.done $0x0  }
0xa1: {  	[sflag:s22] =	ssyncadd.s32 s5;
	_ =	sdelay $0x1  }
0xa2: {  	s23 =	simm.s32 $0x1B8B  }
0xa3: {  	_ =	swait.ge [sflag:s23], $0x1  }
0xa4: {  	[sflag:s23] =	ssyncset.done $0x0  }
0xa5: {  	s25 =	simm.s32 $0x1B8E;
	s24 =	sld [smem:$0x3FFE];
	[sflag:s23] =	ssyncadd.s32 $0xFFFFFFFF  }
0xa6: {  	s26 =	simm.s32 $execute0_lowered;
	[smem:$0x3FD2] =	sst s25  }
0xa7: {  	s6 =	sshll.u32 s26, $0x1;
	_ =	strace $0x80000046;
	[dreg:$0x1] =	wrdreg $0xFFFFFFFF  }
0xa8: {  	s28 =	simm.s32 $_size_execute0_lowered;
	s4 =	sadd.s32 s4, s6;
	[dreg:$0x0] =	wrdreg $0x0  }
0xa9: {  	s6 =	sshll.u32 s28, $0x1;
	[dreg:$0x2] =	wrdreg s4  }
0xaa: {  	[dreg:$0x3] =	wrdreg s6  }
0xab: {  	[dreg:$0x4] =	wrdreg $0xC0  }
0xac: {  	_ =	task [dreg:s8], $0x5FFFF  }
0xad: {  	[dreg:$0x1] =	wrdreg $0xFFFFFFFF  }
0xae: {  	[dreg:$0x0] =	wrdreg $0x60  }
0xaf: {  	[dreg:$0x2] =	wrdreg s2  }
0xb0: {  	[dreg:$0x3] =	wrdreg s18  }
0xb1: {  	[dreg:$0x4] =	wrdreg s24  }
0xb2: {  	[dreg:$0x5] =	wrdreg $0xC0000  }
0xb3: {  	[dreg:$0x6] =	wrdreg $0x9  }
0xb4: {  	_ =	task.clear_ibuf [dreg:s8], $0x7FFFF;
	_ =	strace $0x90000046  }
0xb5: {  	s29 =	simm.s32 $0x9;
	_ =	strace $0x80000048  }
0xb6: {  	_ =	swait.ge [sflag:s29], $0x1  }
0xb7: {  	[sflag:s29] =	ssyncadd.s32 $0xFFFFFFFF  }
0xb8: {  	_ =	strace $0x90000048  }
0xb9: {  	_ =	sfence  }
0xba: {  	s30 =	sld [smem:$0x0];
	_ =	sdelay $0x2  }
0xbb: {  	s31 =	sshll.u32 s1, $0xD;
	s1 =	sshrl.u32 s1, $0x2  }
0xbc: {  	s3 =	sand.u32 $0x4000, s31;
	s1 =	sadd.s32 s1, s30  }
0xbd: {  	s0 =	sor.u32 s3, s0;
	s1 =	sshll.u32 s1, $0x11  }
0xbe: {  	s0 =	sor.u32 s1, s0  }
0xbf: {  	s0 =	sadd.s32 $0x8F2B, s0  }
0xc0: {  	[sflag:s0] =	ssyncadd.remote.s32 $0x1  }
0xc1: {  	_ =	sfence.sel $0xFFFF  }
0xc2: {  	[dreg:$0x0] =	wrdreg $0xFFFFFFFF;
	(pc) =	sbr.abs _section_cstart, $3  }
0xc3: {  	[dreg:$0x1] =	wrdreg $0xFFFFFFFF  }
0xc4: {  	_ =	task.clear_ibuf [dreg:s8], $0x2FFFF;
	_ =	strace $0x9FFFFFFF  }
0xc5: {  	(tm) =	ssettm $0x7FFFFFFF  }
tec
execute0_lowered:
.L_overlay_start_1:
0x0: {  	(tag) =	ssettag $0x1  }
0x1: {  	s0 =	rddreg [dreg:$0x0]  }
0x2: {  	s2 =	srdreg.scid;
	s10 =	stileid.u32  }
0x3: {  	s1 =	rddreg [dreg:$0x1];
	s5 =	sand.u32 $0x1, s2;
	s7 =	smul.u32 $0x14000, s10  }
0x4: {  	s4 =	rddreg [dreg:$0x2];
	s3 =	simm.s32 $0x0;
	s6 =	smul.u32 $0x140000, s5  }
0x5: {  	s2 =	rddreg [dreg:$0x3];
	s18 =	smul.u32 $0x50000, s10;
	s8 =	ssub.s32 $0x2, s5  }
0x6: {  	[smem:$0x7FF] =	sst s3;
	s19 =	sshrl.u32 s8, $0x1;
	s6 =	sadd.s32 s7, s6  }
0x7: {  	s7 =	sshrl.u32 s18, $0x2;
	s8 =	ssub.s32 s8, s19;
	s6 =	sshrl.u32 s6, $0x3  }
0x8: {  	s17 =	smax.u32 s8, $0x1;
	s6 =	sadd.s32 s6, s4;
	s4 =	sadd.s32 s7, s2  }
0x9: {  	_ =	strace $0x80000047;
	[dreg:$0x13] =	wrdreg s17;
	s21 =	sadd.s32 $0x800, s4  }
0xa: {  	s22 =	sadd.s32 $0x1000, s4;
	[dreg:$0x5] =	wrdreg s21  }
0xb: {  	s23 =	sadd.s32 $0x1800, s4;
	[dreg:$0x6] =	wrdreg s22  }
0xc: {  	s24 =	sadd.s32 $0x2000, s4;
	[dreg:$0x7] =	wrdreg s23  }
0xd: {  	s25 =	sadd.s32 $0x2800, s4;
	[dreg:$0x8] =	wrdreg s24  }
0xe: {  	s26 =	sadd.s32 $0x3000, s4;
	[dreg:$0x9] =	wrdreg s25  }
0xf: {  	s29 =	sadd.s32 $0x3800, s4;
	[dreg:$0xa] =	wrdreg s26  }
0x10: {  	s30 =	sadd.s32 $0x4000, s4;
	[dreg:$0xb] =	wrdreg s29  }
0x11: {  	s9 =	sshll.u32 s5, $0x4;
	s11 =	sadd.s32 $0x4800, s4;
	[dreg:$0xc] =	wrdreg s30  }
0x12: {  	s5 =	smul.u32 $0x271000, s5;
	s12 =	sadd.s32 $0x5000, s4;
	[dreg:$0xd] =	wrdreg s11  }
0x13: {  	s20 =	sor.u32 s10, s9;
	s14 =	sadd.s32 $0x6000, s4;
	[dreg:$0xe] =	wrdreg s12  }
0x14: {  	s13 =	smul.u32 $0x27100, s20;
	s15 =	sadd.s32 $0x6800, s4;
	[dreg:$0x10] =	wrdreg s14  }
0x15: {  	s7 =	sshll.u32 s20, $0xB;
	s16 =	sadd.s32 $0x600, s6;
	[dreg:$0x11] =	wrdreg s15  }
0x16: {  	s19 =	sadd.s32 s0, s13;
	s20 =	sadd.s32 $0x7000, s4;
	[dreg:$0x12] =	wrdreg s16  }
0x17: {  	s18 =	sadd.s32 s1, s7;
	s1 =	sadd.s32 $0xA800, s4;
	[dreg:$0x15] =	wrdreg s20  }
0x18: {  	s0 =	sadd.s32 s5, s0;
	s5 =	sadd.s32 $0xB000, s4;
	[dreg:$0x1c] =	wrdreg s1  }
0x19: {  	s6 =	sadd.s32 $0xB800, s4;
	[dreg:$0x1d] =	wrdreg s5  }
0x1a: {  	s7 =	sadd.s32 $0xC000, s4;
	[dreg:$0x1e] =	wrdreg s6  }
0x1b: {  	s10 =	smul.u32 $0x27100, s10;
	s8 =	sadd.s32 $0xC800, s4;
	[dreg:$0x1f] =	wrdreg s7  }
0x1c: {  	s9 =	sadd.s32 $0xD000, s4;
	[smem:$0x7ED] =	sst s8  }
0x1d: {  	s0 =	sadd.s32 s10, s0;
	s10 =	sadd.s32 $0xD800, s4;
	[smem:$0x7EE] =	sst s9  }
0x1e: {  	s13 =	sadd.s32 $0xF000, s4;
	[smem:$0x7EF] =	sst s10  }
0x1f: {  	s17 =	sadd.s32 $0x11000, s4;
	s11 =	sadd.s32 $0x5800, s4;
	[smem:$0x7F2] =	sst s13  }
0x20: {  	s28 =	sadd.s32 $0x2300, s0;
	s23 =	sadd.s32 $0xC300, s0;
	[smem:$0x7F6] =	sst s17  }
0x21: {  	s24 =	sadd.s32 $0x16300, s0;
	s0 =	sadd.s32 $0x1F400, s0;
	[dreg:$0xf] =	wrdreg s11  }
0x22: {  	s21 =	sadd.s32 $0x7800, s4;
	[dreg:$0x14] =	wrdreg s0  }
0x23: {  	s22 =	sadd.s32 $0x8000, s4;
	[dreg:$0x16] =	wrdreg s21  }
0x24: {  	s31 =	simm.s32 $0xA000;
	s25 =	sadd.s32 $0x8800, s4;
	[dreg:$0x17] =	wrdreg s22  }
0x25: {  	s26 =	sadd.s32 $0x9000, s4;
	s29 =	sadd.s32 $0x9800, s4;
	[dreg:$0x18] =	wrdreg s25  }
0x26: {  	s30 =	sadd.s32 $0xA000, s4;
	s12 =	sadd.s32 $0xE800, s4;
	[dreg:$0x19] =	wrdreg s26  }
0x27: {  	s14 =	sadd.s32 $0xF800, s4;
	s15 =	sadd.s32 $0x10000, s4;
	[dreg:$0x1a] =	wrdreg s29  }
0x28: {  	s16 =	sadd.s32 $0x10800, s4;
	s20 =	sadd.s32 $0x11800, s4;
	[dreg:$0x1b] =	wrdreg s30  }
0x29: {  	s5 =	sadd.s32 $0xF00, s19;
	s6 =	sadd.s32 $0x600, s18;
	[smem:$0x7F1] =	sst s12  }
0x2a: {  	s9 =	simm.s32 $0x2800;
	s10 =	simm.s32 $0x5000;
	[smem:$0x7F3] =	sst s14  }
0x2b: {  	s13 =	simm.s32 $0x5;
	s17 =	simm.s32 $0x3;
	[smem:$0x7F4] =	sst s15  }
0x2c: {  	s7 =	simm.s32 $0x4;
	s8 =	simm.s32 $0x0;
	[smem:$0x7F5] =	sst s16  }
0x2d: {  	s11 =	sadd.s32 $0xE000, s4;
	[smem:$0x7F7] =	sst s20;
	s21 =	sadd.s32 $0x12000, s4  }
0x2e: {  	s22 =	sadd.s32 $0x12800, s4;
	s25 =	sadd.s32 $0x13000, s4;
	[smem:$0x7F0] =	sst s11  }
0x2f: {  	s26 =	sadd.s32 $0x13800, s4;
	s29 =	sadd.s32 $0x200, s18;
	[smem:$0x7F8] =	sst s21  }
.Ltmp0:
0x30: {  	s30 =	sadd.s32 $0x500, s19;
	[smem:$0x7F9] =	sst s22;
	(pc) =	sbr.rel .LBB2_1-.Ltmp0, $4  }
0x31: {  	s0 =	sadd.s32 $0xA00, s19;
	s12 =	simm.s32 $0x1;
	[smem:$0x7FA] =	sst s25  }
0x32: {  	s14 =	simm.s32 $0x50;
	s15 =	simm.s32 $0x7;
	[smem:$0x7FB] =	sst s26  }
0x33: {  	s16 =	simm.s32 $0x2;
	s20 =	simm.s32 $0x6;
	[smem:$0x7FC] =	sst s29  }
0x34: {  	v0 =	vimm.f32 $0.0e+00;
	[smem:$0x7FD] =	sst s30;
	s25 =	sadd.s32 $0x400, s18;
	s11 =	simm.s32 $0x7800  }
.LBB2_10:
0x35: {  	_ =	swait.ge [sflag:s12], $0x2800  }
0x36: {  	[sflag:s12] =	ssyncset.done $0x0  }
0x37: {  	s1 =	simm.s32 $0xBE00;
	[sflag:s12] =	ssyncadd.s32 $0xFFFFD800  }
0x38: {  	[spmem:s2] =	stream.indirect.scatter.add.f32 [tilespmem:s3], [sflag:$0x7], $0x80, s1, s14, $0xb8;
	v63 =	vld [tilespmem:$0x0]  }
0x39: {  	_ =	swait.ge [sflag:s15], $0x2800  }
0x3a: {  	[sflag:s15] =	ssyncset.done $0x0  }
0x3b: {  	s29 =	stileid.u32;
	[sflag:s15] =	ssyncadd.s32 $0xFFFFD800  }
0x3c: {  	s1 =	sshll.u32 s29, $0x6;
	[bflag:$0x0] =	sbarrier.arrive $0xFFFF  }
0x3d: {  	s21 =	sshrl.u32 s4, $0x3;
	s1 =	sor.u32 $0x1C07, s1;
	s22 =	rddreg [dreg:$0x12]  }
0x3e: {  	[hbm:s22], [sflag:s1] =	dma.local [spmem:s21], $0x2800  }
0x3f: {  	_ =	swait.ge [sflag:s15], $0x2800  }
0x40: {  	s8 =	sadd.s32 $0x1, s8;
	s30 =	rddreg [dreg:$0x13]  }
0x41: {  	p0 =	sne.s32 s8, s30  }
.Ltmp1:
0x42: {  	_ = 	snop;
	(pc) =	sbr.rel @!p0 .LBB2_11-.Ltmp1, $3  }
0x43: {  	_ =	sdelay $0x1  }
0x44: {  	[sflag:s15] =	ssyncset.done $0x0  }
0x45: {  	s31 =	simm.s32 $0xA000;
	[sflag:s15] =	ssyncadd.s32 $0xFFFFD800  }
.LBB2_1:
0x46: {  	[tilespmem:$0x0] =	vst v0  }
0x47: {  	[tilespmem:$0x10] =	vst v0  }
0x48: {  	[tilespmem:$0x20] =	vst v0  }
0x49: {  	[tilespmem:$0x30] =	vst v0  }
0x4a: {  	[tilespmem:$0x40] =	vst v0  }
0x4b: {  	[tilespmem:$0x50] =	vst v0  }
0x4c: {  	[tilespmem:$0x60] =	vst v0  }
0x4d: {  	[tilespmem:$0x70] =	vst v0  }
0x4e: {  	[tilespmem:$0x80] =	vst v0  }
0x4f: {  	[tilespmem:$0x90] =	vst v0  }
0x50: {  	[tilespmem:$0xA0] =	vst v0  }
0x51: {  	[tilespmem:$0xB0] =	vst v0  }
0x52: {  	[tilespmem:$0xC0] =	vst v0  }
0x53: {  	[tilespmem:$0xD0] =	vst v0  }
0x54: {  	[tilespmem:$0xE0] =	vst v0  }
0x55: {  	[tilespmem:$0xF0] =	vst v0  }
0x56: {  	[tilespmem:$0x100] =	vst v0  }
0x57: {  	[tilespmem:$0x110] =	vst v0  }
0x58: {  	[tilespmem:$0x120] =	vst v0  }
0x59: {  	[tilespmem:$0x130] =	vst v0  }
0x5a: {  	[tilespmem:$0x140] =	vst v0  }
0x5b: {  	[tilespmem:$0x150] =	vst v0  }
0x5c: {  	[tilespmem:$0x160] =	vst v0  }
0x5d: {  	[tilespmem:$0x170] =	vst v0  }
0x5e: {  	[tilespmem:$0x180] =	vst v0  }
0x5f: {  	[tilespmem:$0x190] =	vst v0  }
0x60: {  	[tilespmem:$0x1A0] =	vst v0  }
0x61: {  	[tilespmem:$0x1B0] =	vst v0  }
0x62: {  	[tilespmem:$0x1C0] =	vst v0  }
0x63: {  	[tilespmem:$0x1D0] =	vst v0  }
0x64: {  	[tilespmem:$0x1E0] =	vst v0  }
0x65: {  	[tilespmem:$0x1F0] =	vst v0  }
0x66: {  	[tilespmem:$0x200] =	vst v0  }
0x67: {  	[tilespmem:$0x210] =	vst v0  }
0x68: {  	[tilespmem:$0x220] =	vst v0  }
0x69: {  	[tilespmem:$0x230] =	vst v0  }
0x6a: {  	[tilespmem:$0x240] =	vst v0  }
0x6b: {  	[tilespmem:$0x250] =	vst v0  }
0x6c: {  	[tilespmem:$0x260] =	vst v0  }
0x6d: {  	[tilespmem:$0x270] =	vst v0  }
0x6e: {  	[tilespmem:$0x280] =	vst v0  }
0x6f: {  	[tilespmem:$0x290] =	vst v0  }
0x70: {  	[tilespmem:$0x2A0] =	vst v0  }
0x71: {  	[tilespmem:$0x2B0] =	vst v0  }
0x72: {  	[tilespmem:$0x2C0] =	vst v0  }
0x73: {  	[tilespmem:$0x2D0] =	vst v0  }
0x74: {  	[tilespmem:$0x2E0] =	vst v0  }
0x75: {  	[tilespmem:$0x2F0] =	vst v0  }
0x76: {  	[tilespmem:$0x300] =	vst v0  }
0x77: {  	[tilespmem:$0x310] =	vst v0  }
0x78: {  	[tilespmem:$0x320] =	vst v0  }
0x79: {  	[tilespmem:$0x330] =	vst v0  }
0x7a: {  	[tilespmem:$0x340] =	vst v0  }
0x7b: {  	[tilespmem:$0x350] =	vst v0  }
0x7c: {  	[tilespmem:$0x360] =	vst v0  }
0x7d: {  	[tilespmem:$0x370] =	vst v0  }
0x7e: {  	[tilespmem:$0x380] =	vst v0  }
0x7f: {  	[tilespmem:$0x390] =	vst v0  }
0x80: {  	[tilespmem:$0x3A0] =	vst v0  }
0x81: {  	[tilespmem:$0x3B0] =	vst v0  }
0x82: {  	[tilespmem:$0x3C0] =	vst v0  }
0x83: {  	[tilespmem:$0x3D0] =	vst v0  }
0x84: {  	[tilespmem:$0x3E0] =	vst v0  }
0x85: {  	[tilespmem:$0x3F0] =	vst v0  }
0x86: {  	[tilespmem:$0x400] =	vst v0  }
0x87: {  	[tilespmem:$0x410] =	vst v0  }
0x88: {  	[tilespmem:$0x420] =	vst v0  }
0x89: {  	[tilespmem:$0x430] =	vst v0  }
0x8a: {  	[tilespmem:$0x440] =	vst v0  }
0x8b: {  	[tilespmem:$0x450] =	vst v0  }
0x8c: {  	[tilespmem:$0x460] =	vst v0  }
0x8d: {  	[tilespmem:$0x470] =	vst v0  }
0x8e: {  	[tilespmem:$0x480] =	vst v0  }
0x8f: {  	[tilespmem:$0x490] =	vst v0  }
0x90: {  	[tilespmem:$0x4A0] =	vst v0  }
0x91: {  	[tilespmem:$0x4B0] =	vst v0  }
0x92: {  	[tilespmem:$0x4C0] =	vst v0  }
0x93: {  	[tilespmem:$0x4D0] =	vst v0  }
0x94: {  	[tilespmem:$0x4E0] =	vst v0  }
0x95: {  	[tilespmem:$0x4F0] =	vst v0  }
0x96: {  	[tilespmem:$0x500] =	vst v0  }
0x97: {  	[tilespmem:$0x510] =	vst v0  }
0x98: {  	[tilespmem:$0x520] =	vst v0  }
0x99: {  	[tilespmem:$0x530] =	vst v0  }
0x9a: {  	[tilespmem:$0x540] =	vst v0  }
0x9b: {  	[tilespmem:$0x550] =	vst v0  }
0x9c: {  	[tilespmem:$0x560] =	vst v0  }
0x9d: {  	[tilespmem:$0x570] =	vst v0  }
0x9e: {  	[tilespmem:$0x580] =	vst v0  }
0x9f: {  	[tilespmem:$0x590] =	vst v0  }
0xa0: {  	[tilespmem:$0x5A0] =	vst v0  }
0xa1: {  	[tilespmem:$0x5B0] =	vst v0  }
0xa2: {  	[tilespmem:$0x5C0] =	vst v0  }
0xa3: {  	[tilespmem:$0x5D0] =	vst v0  }
0xa4: {  	[tilespmem:$0x5E0] =	vst v0  }
0xa5: {  	[tilespmem:$0x5F0] =	vst v0  }
0xa6: {  	[tilespmem:$0x600] =	vst v0  }
0xa7: {  	[tilespmem:$0x610] =	vst v0  }
0xa8: {  	[tilespmem:$0x620] =	vst v0  }
0xa9: {  	[tilespmem:$0x630] =	vst v0  }
0xaa: {  	[tilespmem:$0x640] =	vst v0  }
0xab: {  	[tilespmem:$0x650] =	vst v0  }
0xac: {  	[tilespmem:$0x660] =	vst v0  }
0xad: {  	[tilespmem:$0x670] =	vst v0  }
0xae: {  	[tilespmem:$0x680] =	vst v0  }
0xaf: {  	[tilespmem:$0x690] =	vst v0  }
0xb0: {  	[tilespmem:$0x6A0] =	vst v0  }
0xb1: {  	[tilespmem:$0x6B0] =	vst v0  }
0xb2: {  	[tilespmem:$0x6C0] =	vst v0  }
0xb3: {  	[tilespmem:$0x6D0] =	vst v0  }
0xb4: {  	[tilespmem:$0x6E0] =	vst v0  }
0xb5: {  	[tilespmem:$0x6F0] =	vst v0  }
0xb6: {  	[tilespmem:$0x700] =	vst v0  }
0xb7: {  	[tilespmem:$0x710] =	vst v0  }
0xb8: {  	[tilespmem:$0x720] =	vst v0  }
0xb9: {  	[tilespmem:$0x730] =	vst v0  }
0xba: {  	[tilespmem:$0x740] =	vst v0  }
0xbb: {  	[tilespmem:$0x750] =	vst v0  }
0xbc: {  	[tilespmem:$0x760] =	vst v0  }
0xbd: {  	[tilespmem:$0x770] =	vst v0  }
0xbe: {  	[tilespmem:$0x780] =	vst v0  }
0xbf: {  	[tilespmem:$0x790] =	vst v0  }
0xc0: {  	[tilespmem:$0x7A0] =	vst v0  }
0xc1: {  	[tilespmem:$0x7B0] =	vst v0  }
0xc2: {  	[tilespmem:$0x7C0] =	vst v0  }
0xc3: {  	[tilespmem:$0x7D0] =	vst v0  }
0xc4: {  	[tilespmem:$0x7E0] =	vst v0  }
0xc5: {  	[tilespmem:$0x7F0] =	vst v0;
	s1 =	rddreg [dreg:$0x5]  }
0xc6: {  	[spmem:s4] =	stream.linear.scatter [tilespmem:s3], [sflag:$0x1], $0x800, $0x38;
	v63 =	vld [tilespmem:$0x0]  }
0xc7: {  	s29 =	rddreg [dreg:$0x6]  }
0xc8: {  	[spmem:s1] =	stream.linear.scatter [tilespmem:s3], [sflag:$0x1], $0x800, $0x38;
	v63 =	vld [tilespmem:$0x0]  }
0xc9: {  	s30 =	rddreg [dreg:$0x7]  }
0xca: {  	[spmem:s29] =	stream.linear.scatter [tilespmem:s3], [sflag:$0x1], $0x800, $0x38;
	v63 =	vld [tilespmem:$0x0]  }
0xcb: {  	s21 =	rddreg [dreg:$0x8]  }
0xcc: {  	[spmem:s30] =	stream.linear.scatter [tilespmem:s3], [sflag:$0x1], $0x800, $0x38;
	v63 =	vld [tilespmem:$0x0]  }
0xcd: {  	s22 =	rddreg [dreg:$0x9]  }
0xce: {  	[spmem:s21] =	stream.linear.scatter [tilespmem:s3], [sflag:$0x1], $0x800, $0x38;
	v63 =	vld [tilespmem:$0x0]  }
0xcf: {  	s26 =	rddreg [dreg:$0xa]  }
0xd0: {  	[spmem:s22] =	stream.linear.scatter [tilespmem:s3], [sflag:$0x1], $0x800, $0x38;
	v63 =	vld [tilespmem:$0x0]  }
0xd1: {  	s29 =	rddreg [dreg:$0xb]  }
0xd2: {  	[spmem:s26] =	stream.linear.scatter [tilespmem:s3], [sflag:$0x1], $0x800, $0x38;
	v63 =	vld [tilespmem:$0x0]  }
0xd3: {  	s30 =	rddreg [dreg:$0xc]  }
0xd4: {  	[spmem:s29] =	stream.linear.scatter [tilespmem:s3], [sflag:$0x1], $0x800, $0x38;
	v63 =	vld [tilespmem:$0x0]  }
0xd5: {  	s21 =	rddreg [dreg:$0xd]  }
0xd6: {  	[spmem:s30] =	stream.linear.scatter [tilespmem:s3], [sflag:$0x1], $0x800, $0x38;
	v63 =	vld [tilespmem:$0x0]  }
0xd7: {  	s22 =	rddreg [dreg:$0xe]  }
0xd8: {  	[spmem:s21] =	stream.linear.scatter [tilespmem:s3], [sflag:$0x1], $0x800, $0x38;
	v63 =	vld [tilespmem:$0x0]  }
0xd9: {  	s26 =	rddreg [dreg:$0xf]  }
0xda: {  	[spmem:s22] =	stream.linear.scatter [tilespmem:s3], [sflag:$0x1], $0x800, $0x38;
	v63 =	vld [tilespmem:$0x0]  }
0xdb: {  	s29 =	rddreg [dreg:$0x10]  }
0xdc: {  	[spmem:s26] =	stream.linear.scatter [tilespmem:s3], [sflag:$0x1], $0x800, $0x38;
	v63 =	vld [tilespmem:$0x0]  }
0xdd: {  	s30 =	rddreg [dreg:$0x11]  }
0xde: {  	[spmem:s29] =	stream.linear.scatter [tilespmem:s3], [sflag:$0x1], $0x800, $0x38;
	v63 =	vld [tilespmem:$0x0]  }
0xdf: {  	s21 =	rddreg [dreg:$0x15]  }
0xe0: {  	[spmem:s30] =	stream.linear.scatter [tilespmem:s3], [sflag:$0x1], $0x800, $0x38;
	v63 =	vld [tilespmem:$0x0]  }
0xe1: {  	s22 =	rddreg [dreg:$0x16]  }
0xe2: {  	[spmem:s21] =	stream.linear.scatter [tilespmem:s3], [sflag:$0x1], $0x800, $0x38;
	v63 =	vld [tilespmem:$0x0]  }
0xe3: {  	s26 =	rddreg [dreg:$0x17]  }
0xe4: {  	[spmem:s22] =	stream.linear.scatter [tilespmem:s3], [sflag:$0x1], $0x800, $0x38;
	v63 =	vld [tilespmem:$0x0]  }
0xe5: {  	s29 =	rddreg [dreg:$0x18]  }
0xe6: {  	[spmem:s26] =	stream.linear.scatter [tilespmem:s3], [sflag:$0x1], $0x800, $0x38;
	v63 =	vld [tilespmem:$0x0]  }
0xe7: {  	s30 =	rddreg [dreg:$0x19]  }
0xe8: {  	[spmem:s29] =	stream.linear.scatter [tilespmem:s3], [sflag:$0x1], $0x800, $0x38;
	v63 =	vld [tilespmem:$0x0]  }
0xe9: {  	s21 =	rddreg [dreg:$0x1a]  }
0xea: {  	[spmem:s30] =	stream.linear.scatter [tilespmem:s3], [sflag:$0x1], $0x800, $0x38;
	v63 =	vld [tilespmem:$0x0]  }
0xeb: {  	s22 =	rddreg [dreg:$0x1b]  }
0xec: {  	[spmem:s21] =	stream.linear.scatter [tilespmem:s3], [sflag:$0x1], $0x800, $0x38;
	v63 =	vld [tilespmem:$0x0]  }
0xed: {  	s26 =	rddreg [dreg:$0x1c]  }
0xee: {  	[spmem:s22] =	stream.linear.scatter [tilespmem:s3], [sflag:$0x1], $0x800, $0x38;
	v63 =	vld [tilespmem:$0x0]  }
0xef: {  	s29 =	rddreg [dreg:$0x1d]  }
0xf0: {  	[spmem:s26] =	stream.linear.scatter [tilespmem:s3], [sflag:$0x1], $0x800, $0x38;
	v63 =	vld [tilespmem:$0x0]  }
0xf1: {  	s30 =	rddreg [dreg:$0x1e]  }
0xf2: {  	[spmem:s29] =	stream.linear.scatter [tilespmem:s3], [sflag:$0x1], $0x800, $0x38;
	v63 =	vld [tilespmem:$0x0]  }
0xf3: {  	s21 =	rddreg [dreg:$0x1f]  }
0xf4: {  	[spmem:s30] =	stream.linear.scatter [tilespmem:s3], [sflag:$0x1], $0x800, $0x38;
	v63 =	vld [tilespmem:$0x0]  }
0xf5: {  	s22 =	sld [smem:$0x7ED]  }
0xf6: {  	[spmem:s21] =	stream.linear.scatter [tilespmem:s3], [sflag:$0x1], $0x800, $0x38;
	v63 =	vld [tilespmem:$0x0]  }
0xf7: {  	s26 =	sld [smem:$0x7EE]  }
0xf8: {  	[spmem:s22] =	stream.linear.scatter [tilespmem:s3], [sflag:$0x1], $0x800, $0x38;
	v63 =	vld [tilespmem:$0x0]  }
0xf9: {  	s29 =	sld [smem:$0x7EF]  }
0xfa: {  	[spmem:s26] =	stream.linear.scatter [tilespmem:s3], [sflag:$0x1], $0x800, $0x38;
	v63 =	vld [tilespmem:$0x0]  }
0xfb: {  	s30 =	sld [smem:$0x7F0]  }
0xfc: {  	[spmem:s29] =	stream.linear.scatter [tilespmem:s3], [sflag:$0x1], $0x800, $0x38;
	v63 =	vld [tilespmem:$0x0]  }
0xfd: {  	s21 =	sld [smem:$0x7F1]  }
0xfe: {  	[spmem:s30] =	stream.linear.scatter [tilespmem:s3], [sflag:$0x1], $0x800, $0x38;
	v63 =	vld [tilespmem:$0x0]  }
0xff: {  	s22 =	sld [smem:$0x7F2]  }
0x100: {  	[spmem:s21] =	stream.linear.scatter [tilespmem:s3], [sflag:$0x1], $0x800, $0x38;
	v63 =	vld [tilespmem:$0x0]  }
0x101: {  	s26 =	sld [smem:$0x7F3]  }
0x102: {  	[spmem:s22] =	stream.linear.scatter [tilespmem:s3], [sflag:$0x1], $0x800, $0x38;
	v63 =	vld [tilespmem:$0x0]  }
0x103: {  	s29 =	sld [smem:$0x7F4]  }
0x104: {  	[spmem:s26] =	stream.linear.scatter [tilespmem:s3], [sflag:$0x1], $0x800, $0x38;
	v63 =	vld [tilespmem:$0x0]  }
0x105: {  	s30 =	sld [smem:$0x7F5]  }
0x106: {  	[spmem:s29] =	stream.linear.scatter [tilespmem:s3], [sflag:$0x1], $0x800, $0x38;
	v63 =	vld [tilespmem:$0x0]  }
0x107: {  	s21 =	sld [smem:$0x7F6]  }
0x108: {  	[spmem:s30] =	stream.linear.scatter [tilespmem:s3], [sflag:$0x1], $0x800, $0x38;
	v63 =	vld [tilespmem:$0x0]  }
0x109: {  	s22 =	sld [smem:$0x7F7]  }
0x10a: {  	[spmem:s21] =	stream.linear.scatter [tilespmem:s3], [sflag:$0x1], $0x800, $0x38;
	v63 =	vld [tilespmem:$0x0]  }
0x10b: {  	s26 =	sld [smem:$0x7F8]  }
0x10c: {  	[spmem:s22] =	stream.linear.scatter [tilespmem:s3], [sflag:$0x1], $0x800, $0x38;
	v63 =	vld [tilespmem:$0x0]  }
0x10d: {  	s29 =	sld [smem:$0x7F9]  }
0x10e: {  	[spmem:s26] =	stream.linear.scatter [tilespmem:s3], [sflag:$0x1], $0x800, $0x38;
	v63 =	vld [tilespmem:$0x0]  }
0x10f: {  	s30 =	sld [smem:$0x7FA]  }
0x110: {  	[spmem:s29] =	stream.linear.scatter [tilespmem:s3], [sflag:$0x1], $0x800, $0x38;
	v63 =	vld [tilespmem:$0x0]  }
0x111: {  	s21 =	sld [smem:$0x7FB]  }
0x112: {  	[spmem:s30] =	stream.linear.scatter [tilespmem:s3], [sflag:$0x1], $0x800, $0x38;
	v63 =	vld [tilespmem:$0x0]  }
0x113: {  	_ = 	snop  }
0x114: {  	[spmem:s21] =	stream.linear.scatter [tilespmem:s3], [sflag:$0x1], $0x800, $0x38;
	v63 =	vld [tilespmem:$0x0]  }
0x115: {  	s22 =	sld [smem:$0x7FC]  }
0x116: {  	[tilespmem:s31], [sflag:$0x5] =	stream.linear.gather [hbm4b:s18+s3], $0x1000, $0x38;
	v63 =	vld [tilespmem:$0x0]  }
0x117: {  	s26 =	sld [smem:$0x7FD];
	s21 =	simm.s32 $0xB000  }
0x118: {  	[tilespmem:s21], [sflag:$0x6] =	stream.linear.gather [hbm4b:s22+s3], $0x1000, $0x38;
	v63 =	vld [tilespmem:$0x0]  }
0x119: {  	_ = 	snop  }
0x11a: {  	[tilespmem:s9], [sflag:$0x2] =	stream.linear.gather [hbm4b:s26+s3], $0x2800, $0x38;
	v63 =	vld [tilespmem:$0x0]  }
0x11b: {  	_ = 	snop  }
0x11c: {  	[tilespmem:s10], [sflag:$0x3] =	stream.linear.gather [hbm4b:s0+s3], $0x2800, $0x38;
	v63 =	vld [tilespmem:$0x0]  }
0x11d: {  	_ = 	snop  }
0x11e: {  	[tilespmem:s11], [sflag:$0x4] =	stream.linear.gather [hbm4b:s5+s3], $0x2800, $0x38;
	v63 =	vld [tilespmem:$0x0]  }
0x11f: {  	_ =	swait.ge [sflag:s12], $0x800  }
0x120: {  	[sflag:s12] =	ssyncset.done $0x0  }
0x121: {  	[sflag:s12] =	ssyncadd.s32 $0xFFFFF800  }
0x122: {  	_ =	swait.ge [sflag:s12], $0x800  }
0x123: {  	[sflag:s12] =	ssyncset.done $0x0  }
0x124: {  	[sflag:s12] =	ssyncadd.s32 $0xFFFFF800  }
0x125: {  	_ =	swait.ge [sflag:s12], $0x800  }
0x126: {  	[sflag:s12] =	ssyncset.done $0x0  }
0x127: {  	[sflag:s12] =	ssyncadd.s32 $0xFFFFF800  }
0x128: {  	_ =	swait.ge [sflag:s12], $0x800  }
0x129: {  	[sflag:s12] =	ssyncset.done $0x0  }
0x12a: {  	[sflag:s12] =	ssyncadd.s32 $0xFFFFF800  }
0x12b: {  	_ =	swait.ge [sflag:s12], $0x800  }
0x12c: {  	[sflag:s12] =	ssyncset.done $0x0  }
0x12d: {  	[sflag:s12] =	ssyncadd.s32 $0xFFFFF800  }
0x12e: {  	_ =	swait.ge [sflag:s12], $0x800  }
0x12f: {  	[sflag:s12] =	ssyncset.done $0x0  }
0x130: {  	[sflag:s12] =	ssyncadd.s32 $0xFFFFF800  }
0x131: {  	_ =	swait.ge [sflag:s12], $0x800  }
0x132: {  	[sflag:s12] =	ssyncset.done $0x0  }
0x133: {  	[sflag:s12] =	ssyncadd.s32 $0xFFFFF800  }
0x134: {  	_ =	swait.ge [sflag:s12], $0x800  }
0x135: {  	[sflag:s12] =	ssyncset.done $0x0  }
0x136: {  	[sflag:s12] =	ssyncadd.s32 $0xFFFFF800  }
0x137: {  	_ =	swait.ge [sflag:s12], $0x800  }
0x138: {  	[sflag:s12] =	ssyncset.done $0x0  }
0x139: {  	[sflag:s12] =	ssyncadd.s32 $0xFFFFF800  }
0x13a: {  	_ =	swait.ge [sflag:s12], $0x800  }
0x13b: {  	[sflag:s12] =	ssyncset.done $0x0  }
0x13c: {  	[sflag:s12] =	ssyncadd.s32 $0xFFFFF800  }
0x13d: {  	_ =	swait.ge [sflag:s12], $0x800  }
0x13e: {  	[sflag:s12] =	ssyncset.done $0x0  }
0x13f: {  	[sflag:s12] =	ssyncadd.s32 $0xFFFFF800  }
0x140: {  	_ =	swait.ge [sflag:s12], $0x800  }
0x141: {  	[sflag:s12] =	ssyncset.done $0x0  }
0x142: {  	[sflag:s12] =	ssyncadd.s32 $0xFFFFF800  }
0x143: {  	_ =	swait.ge [sflag:s12], $0x800  }
0x144: {  	[sflag:s12] =	ssyncset.done $0x0  }
0x145: {  	[sflag:s12] =	ssyncadd.s32 $0xFFFFF800  }
0x146: {  	_ =	swait.ge [sflag:s12], $0x800  }
0x147: {  	[sflag:s12] =	ssyncset.done $0x0  }
0x148: {  	[sflag:s12] =	ssyncadd.s32 $0xFFFFF800  }
0x149: {  	_ =	swait.ge [sflag:s12], $0x800  }
0x14a: {  	[sflag:s12] =	ssyncset.done $0x0  }
0x14b: {  	[sflag:s12] =	ssyncadd.s32 $0xFFFFF800  }
0x14c: {  	_ =	swait.ge [sflag:s12], $0x800  }
0x14d: {  	[sflag:s12] =	ssyncset.done $0x0  }
0x14e: {  	[sflag:s12] =	ssyncadd.s32 $0xFFFFF800  }
0x14f: {  	_ =	swait.ge [sflag:s12], $0x800  }
0x150: {  	[sflag:s12] =	ssyncset.done $0x0  }
0x151: {  	[sflag:s12] =	ssyncadd.s32 $0xFFFFF800  }
0x152: {  	_ =	swait.ge [sflag:s12], $0x800  }
0x153: {  	[sflag:s12] =	ssyncset.done $0x0  }
0x154: {  	[sflag:s12] =	ssyncadd.s32 $0xFFFFF800  }
0x155: {  	_ =	swait.ge [sflag:s12], $0x800  }
0x156: {  	[sflag:s12] =	ssyncset.done $0x0  }
0x157: {  	[sflag:s12] =	ssyncadd.s32 $0xFFFFF800  }
0x158: {  	_ =	swait.ge [sflag:s12], $0x800  }
0x159: {  	[sflag:s12] =	ssyncset.done $0x0  }
0x15a: {  	[sflag:s12] =	ssyncadd.s32 $0xFFFFF800  }
0x15b: {  	_ =	swait.ge [sflag:s12], $0x800  }
0x15c: {  	[sflag:s12] =	ssyncset.done $0x0  }
0x15d: {  	[sflag:s12] =	ssyncadd.s32 $0xFFFFF800  }
0x15e: {  	_ =	swait.ge [sflag:s12], $0x800  }
0x15f: {  	[sflag:s12] =	ssyncset.done $0x0  }
0x160: {  	[sflag:s12] =	ssyncadd.s32 $0xFFFFF800  }
0x161: {  	_ =	swait.ge [sflag:s12], $0x800  }
0x162: {  	[sflag:s12] =	ssyncset.done $0x0  }
0x163: {  	[sflag:s12] =	ssyncadd.s32 $0xFFFFF800  }
0x164: {  	_ =	swait.ge [sflag:s12], $0x800  }
0x165: {  	[sflag:s12] =	ssyncset.done $0x0  }
0x166: {  	[sflag:s12] =	ssyncadd.s32 $0xFFFFF800  }
0x167: {  	_ =	swait.ge [sflag:s12], $0x800  }
0x168: {  	[sflag:s12] =	ssyncset.done $0x0  }
0x169: {  	[sflag:s12] =	ssyncadd.s32 $0xFFFFF800  }
0x16a: {  	_ =	swait.ge [sflag:s12], $0x800  }
0x16b: {  	[sflag:s12] =	ssyncset.done $0x0  }
0x16c: {  	[sflag:s12] =	ssyncadd.s32 $0xFFFFF800  }
0x16d: {  	_ =	swait.ge [sflag:s12], $0x800  }
0x16e: {  	[sflag:s12] =	ssyncset.done $0x0  }
0x16f: {  	[sflag:s12] =	ssyncadd.s32 $0xFFFFF800  }
0x170: {  	_ =	swait.ge [sflag:s12], $0x800  }
0x171: {  	[sflag:s12] =	ssyncset.done $0x0  }
0x172: {  	[sflag:s12] =	ssyncadd.s32 $0xFFFFF800  }
0x173: {  	_ =	swait.ge [sflag:s12], $0x800  }
0x174: {  	[sflag:s12] =	ssyncset.done $0x0  }
0x175: {  	[sflag:s12] =	ssyncadd.s32 $0xFFFFF800  }
0x176: {  	_ =	swait.ge [sflag:s12], $0x800  }
0x177: {  	[sflag:s12] =	ssyncset.done $0x0  }
0x178: {  	[sflag:s12] =	ssyncadd.s32 $0xFFFFF800  }
0x179: {  	_ =	swait.ge [sflag:s12], $0x800  }
0x17a: {  	[sflag:s12] =	ssyncset.done $0x0  }
0x17b: {  	[sflag:s12] =	ssyncadd.s32 $0xFFFFF800  }
0x17c: {  	_ =	swait.ge [sflag:s12], $0x800  }
0x17d: {  	[sflag:s12] =	ssyncset.done $0x0  }
0x17e: {  	[sflag:s12] =	ssyncadd.s32 $0xFFFFF800  }
0x17f: {  	_ =	swait.ge [sflag:s12], $0x800  }
0x180: {  	[sflag:s12] =	ssyncset.done $0x0  }
0x181: {  	[sflag:s12] =	ssyncadd.s32 $0xFFFFF800  }
0x182: {  	_ =	swait.ge [sflag:s12], $0x800  }
0x183: {  	[sflag:s12] =	ssyncset.done $0x0  }
0x184: {  	[sflag:s12] =	ssyncadd.s32 $0xFFFFF800  }
0x185: {  	_ =	swait.ge [sflag:s12], $0x800  }
0x186: {  	[sflag:s12] =	ssyncset.done $0x0  }
0x187: {  	[sflag:s12] =	ssyncadd.s32 $0xFFFFF800  }
0x188: {  	_ =	swait.ge [sflag:s12], $0x800  }
0x189: {  	[sflag:s12] =	ssyncset.done $0x0  }
0x18a: {  	[sflag:s12] =	ssyncadd.s32 $0xFFFFF800  }
0x18b: {  	_ =	swait.ge [sflag:s12], $0x800  }
0x18c: {  	[sflag:s12] =	ssyncset.done $0x0  }
0x18d: {  	[sflag:s12] =	ssyncadd.s32 $0xFFFFF800  }
0x18e: {  	_ =	swait.ge [sflag:s12], $0x800  }
0x18f: {  	[sflag:s12] =	ssyncset.done $0x0  }
0x190: {  	[sflag:s12] =	ssyncadd.s32 $0xFFFFF800  }
0x191: {  	_ =	swait.ge [sflag:s12], $0x800  }
0x192: {  	[sflag:s12] =	ssyncset.done $0x0  }
0x193: {  	[sflag:s12] =	ssyncadd.s32 $0xFFFFF800  }
0x194: {  	_ =	swait.ge [sflag:s12], $0x800  }
0x195: {  	[sflag:s12] =	ssyncset.done $0x0  }
0x196: {  	[sflag:s12] =	ssyncadd.s32 $0xFFFFF800  }
0x197: {  	[tilespmem:s3], [sflag:$0x1] =	stream.linear.gather [hbm4b:s19+s3], $0x2800, $0x38;
	v63 =	vld [tilespmem:$0x0]  }
0x198: {  	[bflag:$0x0] =	sbarrier.arrive $0xFFFF  }
0x199: {  	_ =	swait.ge [sflag:s13], $0x1000  }
0x19a: {  	[sflag:s13] =	ssyncset.done $0x0  }
0x19b: {  	[sflag:s13] =	ssyncadd.s32 $0xFFFFF000  }
0x19c: {  	_ =	swait.ge [sflag:s12], $0x2800  }
0x19d: {  	[sflag:s12] =	ssyncset.done $0x0  }
0x19e: {  	s29 =	simm.s32 $0xA000;
	[sflag:s12] =	ssyncadd.s32 $0xFFFFD800  }
0x19f: {  	[spmem:s2] =	stream.indirect.scatter.add.f32 [tilespmem:s3], [sflag:$0x7], $0x80, s29, s14, $0xb8;
	v63 =	vld [tilespmem:$0x0]  }
0x1a0: {  	_ =	swait.ge [sflag:s15], $0x2800  }
0x1a1: {  	[sflag:s15] =	ssyncset.done $0x0  }
0x1a2: {  	s30 =	sadd.s32 $0xFFFFF100, s28;
	[sflag:s15] =	ssyncadd.s32 $0xFFFFD800  }
0x1a3: {  	[tilespmem:s3], [sflag:$0x1] =	stream.linear.gather [hbm4b:s30+s3], $0x2800, $0x38;
	v63 =	vld [tilespmem:$0x0]  }
0x1a4: {  	_ =	swait.ge [sflag:s16], $0x2800  }
0x1a5: {  	[sflag:s16] =	ssyncset.done $0x0  }
0x1a6: {  	s1 =	simm.s32 $0xA080;
	[sflag:s16] =	ssyncadd.s32 $0xFFFFD800  }
0x1a7: {  	[spmem:s2] =	stream.indirect.scatter.add.f32 [tilespmem:s9], [sflag:$0x7], $0x80, s1, s14, $0xb8;
	v63 =	vld [tilespmem:$0x0]  }
0x1a8: {  	_ =	swait.ge [sflag:s15], $0x2800  }
0x1a9: {  	[sflag:s15] =	ssyncset.done $0x0  }
0x1aa: {  	s22 =	sadd.s32 $0xFFFFF600, s28;
	[sflag:s15] =	ssyncadd.s32 $0xFFFFD800  }
0x1ab: {  	[tilespmem:s9], [sflag:$0x2] =	stream.linear.gather [hbm4b:s22+s3], $0x2800, $0x38;
	v63 =	vld [tilespmem:$0x0]  }
0x1ac: {  	_ =	swait.ge [sflag:s17], $0x2800  }
0x1ad: {  	[sflag:s17] =	ssyncset.done $0x0  }
0x1ae: {  	s26 =	simm.s32 $0xA100;
	[sflag:s17] =	ssyncadd.s32 $0xFFFFD800  }
0x1af: {  	[spmem:s2] =	stream.indirect.scatter.add.f32 [tilespmem:s10], [sflag:$0x7], $0x80, s26, s14, $0xb8;
	v63 =	vld [tilespmem:$0x0]  }
0x1b0: {  	_ =	swait.ge [sflag:s15], $0x2800  }
0x1b1: {  	[sflag:s15] =	ssyncset.done $0x0  }
0x1b2: {  	s29 =	sadd.s32 $0xFFFFFB00, s28;
	[sflag:s15] =	ssyncadd.s32 $0xFFFFD800  }
0x1b3: {  	[tilespmem:s10], [sflag:$0x3] =	stream.linear.gather [hbm4b:s29+s3], $0x2800, $0x38;
	v63 =	vld [tilespmem:$0x0]  }
0x1b4: {  	_ =	swait.ge [sflag:s7], $0x2800  }
0x1b5: {  	[sflag:s7] =	ssyncset.done $0x0  }
0x1b6: {  	s30 =	simm.s32 $0xA180;
	[sflag:s7] =	ssyncadd.s32 $0xFFFFD800  }
0x1b7: {  	[spmem:s2] =	stream.indirect.scatter.add.f32 [tilespmem:s11], [sflag:$0x7], $0x80, s30, s14, $0xb8;
	v63 =	vld [tilespmem:$0x0]  }
0x1b8: {  	_ =	swait.ge [sflag:s15], $0x2800  }
0x1b9: {  	s21 =	simm.s32 $0x800;
	[sflag:s15] =	ssyncset.done $0x0  }
0x1ba: {  	s22 =	smov.u32 s28;
	s26 =	sadd.s32 $0x1400, s28;
	[sflag:s15] =	ssyncadd.s32 $0xFFFFD800  }
.LBB2_2:
0x1bb: {  	[tilespmem:s11], [sflag:$0x4] =	stream.linear.gather [hbm4b:s22+s3], $0x2800, $0x38;
	v63 =	vld [tilespmem:$0x0]  }
0x1bc: {  	s29 =	smov.u32 s21;
	s22 =	smov.u32 s26  }
0x1bd: {  	p0 =	sne.s32 s21, $0x3800;
	s21 =	sadd.s32 $0x800, s21;
	_ =	swait.ge [sflag:s12], $0x2800  }
0x1be: {  	s29 =	sshra.s32 s29, $0x2;
	[sflag:s12] =	ssyncset.done $0x0  }
0x1bf: {  	s30 =	sadd.s32 $0xA000, s29;
	[sflag:s12] =	ssyncadd.s32 $0xFFFFD800  }
0x1c0: {  	[spmem:s2] =	stream.indirect.scatter.add.f32 [tilespmem:s3], [sflag:$0x7], $0x80, s30, s14, $0xb8;
	v63 =	vld [tilespmem:$0x0]  }
0x1c1: {  	_ =	swait.ge [sflag:s15], $0x2800  }
0x1c2: {  	[sflag:s15] =	ssyncset.done $0x0  }
0x1c3: {  	s30 =	sadd.s32 $0xFFFFF100, s26;
	[sflag:s15] =	ssyncadd.s32 $0xFFFFD800  }
0x1c4: {  	[tilespmem:s3], [sflag:$0x1] =	stream.linear.gather [hbm4b:s30+s3], $0x2800, $0x38;
	v63 =	vld [tilespmem:$0x0]  }
0x1c5: {  	_ =	swait.ge [sflag:s16], $0x2800  }
0x1c6: {  	[sflag:s16] =	ssyncset.done $0x0  }
0x1c7: {  	s30 =	sadd.s32 $0xA080, s29;
	[sflag:s16] =	ssyncadd.s32 $0xFFFFD800  }
0x1c8: {  	[spmem:s2] =	stream.indirect.scatter.add.f32 [tilespmem:s9], [sflag:$0x7], $0x80, s30, s14, $0xb8;
	v63 =	vld [tilespmem:$0x0]  }
0x1c9: {  	_ =	swait.ge [sflag:s15], $0x2800  }
0x1ca: {  	[sflag:s15] =	ssyncset.done $0x0  }
0x1cb: {  	s30 =	sadd.s32 $0xFFFFF600, s26;
	[sflag:s15] =	ssyncadd.s32 $0xFFFFD800  }
0x1cc: {  	[tilespmem:s9], [sflag:$0x2] =	stream.linear.gather [hbm4b:s30+s3], $0x2800, $0x38;
	v63 =	vld [tilespmem:$0x0]  }
0x1cd: {  	_ =	swait.ge [sflag:s17], $0x2800  }
0x1ce: {  	[sflag:s17] =	ssyncset.done $0x0  }
0x1cf: {  	s30 =	sadd.s32 $0xA100, s29;
	[sflag:s17] =	ssyncadd.s32 $0xFFFFD800  }
0x1d0: {  	[spmem:s2] =	stream.indirect.scatter.add.f32 [tilespmem:s10], [sflag:$0x7], $0x80, s30, s14, $0xb8;
	v63 =	vld [tilespmem:$0x0]  }
0x1d1: {  	_ =	swait.ge [sflag:s15], $0x2800  }
0x1d2: {  	[sflag:s15] =	ssyncset.done $0x0  }
0x1d3: {  	s30 =	sadd.s32 $0xFFFFFB00, s26;
	[sflag:s15] =	ssyncadd.s32 $0xFFFFD800  }
0x1d4: {  	[tilespmem:s10], [sflag:$0x3] =	stream.linear.gather [hbm4b:s30+s3], $0x2800, $0x38;
	v63 =	vld [tilespmem:$0x0]  }
0x1d5: {  	_ =	swait.ge [sflag:s7], $0x2800  }
0x1d6: {  	[sflag:s7] =	ssyncset.done $0x0  }
.Ltmp2:
0x1d7: {  	s29 =	sadd.s32 $0xA180, s29;
	[sflag:s7] =	ssyncadd.s32 $0xFFFFD800;
	(pc) =	sbr.rel @p0 .LBB2_2-.Ltmp2, $4  }
0x1d8: {  	[spmem:s2] =	stream.indirect.scatter.add.f32 [tilespmem:s11], [sflag:$0x7], $0x80, s29, s14, $0xb8;
	v63 =	vld [tilespmem:$0x0]  }
0x1d9: {  	_ =	swait.ge [sflag:s15], $0x2800  }
0x1da: {  	[sflag:s15] =	ssyncset.done $0x0  }
0x1db: {  	s26 =	sadd.s32 $0x1400, s26;
	[sflag:s15] =	ssyncadd.s32 $0xFFFFD800  }
0x1dc: {  	[tilespmem:s11], [sflag:$0x4] =	stream.linear.gather [hbm4b:s22+s3], $0x2800, $0x38;
	v63 =	vld [tilespmem:$0x0]  }
0x1dd: {  	s21 =	simm.s32 $0x0  }
0x1de: {  	[tilespmem:s31], [sflag:$0x5] =	stream.linear.gather [hbm4b:s25+s21], $0x1000, $0x38;
	v63 =	vld [tilespmem:$0x0]  }
0x1df: {  	_ =	swait.ge [sflag:s20], $0x1000  }
0x1e0: {  	[sflag:s20] =	ssyncset.done $0x0  }
0x1e1: {  	[sflag:s20] =	ssyncadd.s32 $0xFFFFF000  }
0x1e2: {  	_ =	swait.ge [sflag:s12], $0x2800  }
0x1e3: {  	[sflag:s12] =	ssyncset.done $0x0  }
0x1e4: {  	s31 =	simm.s32 $0xB000;
	[sflag:s12] =	ssyncadd.s32 $0xFFFFD800  }
0x1e5: {  	[spmem:s2] =	stream.indirect.scatter.add.f32 [tilespmem:s3], [sflag:$0x7], $0x80, s31, s14, $0xb8;
	v63 =	vld [tilespmem:$0x0]  }
0x1e6: {  	_ =	swait.ge [sflag:s15], $0x2800  }
0x1e7: {  	[sflag:s15] =	ssyncset.done $0x0  }
0x1e8: {  	s1 =	sadd.s32 $0xFFFFF100, s23;
	[sflag:s15] =	ssyncadd.s32 $0xFFFFD800  }
0x1e9: {  	[tilespmem:s3], [sflag:$0x1] =	stream.linear.gather [hbm4b:s1+s3], $0x2800, $0x38;
	v63 =	vld [tilespmem:$0x0]  }
0x1ea: {  	_ =	swait.ge [sflag:s16], $0x2800  }
0x1eb: {  	[sflag:s16] =	ssyncset.done $0x0  }
0x1ec: {  	s22 =	simm.s32 $0xB080;
	[sflag:s16] =	ssyncadd.s32 $0xFFFFD800  }
0x1ed: {  	[spmem:s2] =	stream.indirect.scatter.add.f32 [tilespmem:s9], [sflag:$0x7], $0x80, s22, s14, $0xb8;
	v63 =	vld [tilespmem:$0x0]  }
0x1ee: {  	_ =	swait.ge [sflag:s15], $0x2800  }
0x1ef: {  	[sflag:s15] =	ssyncset.done $0x0  }
0x1f0: {  	s26 =	sadd.s32 $0xFFFFF600, s23;
	[sflag:s15] =	ssyncadd.s32 $0xFFFFD800  }
0x1f1: {  	[tilespmem:s9], [sflag:$0x2] =	stream.linear.gather [hbm4b:s26+s3], $0x2800, $0x38;
	v63 =	vld [tilespmem:$0x0]  }
0x1f2: {  	_ =	swait.ge [sflag:s17], $0x2800  }
0x1f3: {  	[sflag:s17] =	ssyncset.done $0x0  }
0x1f4: {  	s29 =	simm.s32 $0xB100;
	[sflag:s17] =	ssyncadd.s32 $0xFFFFD800  }
0x1f5: {  	[spmem:s2] =	stream.indirect.scatter.add.f32 [tilespmem:s10], [sflag:$0x7], $0x80, s29, s14, $0xb8;
	v63 =	vld [tilespmem:$0x0]  }
0x1f6: {  	_ =	swait.ge [sflag:s15], $0x2800  }
0x1f7: {  	[sflag:s15] =	ssyncset.done $0x0  }
0x1f8: {  	s30 =	sadd.s32 $0xFFFFFB00, s23;
	[sflag:s15] =	ssyncadd.s32 $0xFFFFD800  }
0x1f9: {  	[tilespmem:s10], [sflag:$0x3] =	stream.linear.gather [hbm4b:s30+s3], $0x2800, $0x38;
	v63 =	vld [tilespmem:$0x0]  }
0x1fa: {  	_ =	swait.ge [sflag:s7], $0x2800  }
0x1fb: {  	[sflag:s7] =	ssyncset.done $0x0  }
0x1fc: {  	s31 =	simm.s32 $0xB180;
	[sflag:s7] =	ssyncadd.s32 $0xFFFFD800  }
0x1fd: {  	[spmem:s2] =	stream.indirect.scatter.add.f32 [tilespmem:s11], [sflag:$0x7], $0x80, s31, s14, $0xb8;
	v63 =	vld [tilespmem:$0x0]  }
0x1fe: {  	_ =	swait.ge [sflag:s15], $0x2800  }
0x1ff: {  	s21 =	simm.s32 $0x800;
	[sflag:s15] =	ssyncset.done $0x0  }
0x200: {  	s22 =	smov.u32 s23;
	s26 =	sadd.s32 $0x1400, s23;
	[sflag:s15] =	ssyncadd.s32 $0xFFFFD800  }
.LBB2_4:
0x201: {  	[tilespmem:s11], [sflag:$0x4] =	stream.linear.gather [hbm4b:s22+s3], $0x2800, $0x38;
	v63 =	vld [tilespmem:$0x0]  }
0x202: {  	s29 =	smov.u32 s21;
	s22 =	smov.u32 s26  }
0x203: {  	p0 =	sne.s32 s21, $0x3800;
	s21 =	sadd.s32 $0x800, s21;
	_ =	swait.ge [sflag:s12], $0x2800  }
0x204: {  	s29 =	sshra.s32 s29, $0x2;
	[sflag:s12] =	ssyncset.done $0x0  }
0x205: {  	s30 =	sadd.s32 $0xB000, s29;
	[sflag:s12] =	ssyncadd.s32 $0xFFFFD800  }
0x206: {  	[spmem:s2] =	stream.indirect.scatter.add.f32 [tilespmem:s3], [sflag:$0x7], $0x80, s30, s14, $0xb8;
	v63 =	vld [tilespmem:$0x0]  }
0x207: {  	_ =	swait.ge [sflag:s15], $0x2800  }
0x208: {  	[sflag:s15] =	ssyncset.done $0x0  }
0x209: {  	s30 =	sadd.s32 $0xFFFFF100, s26;
	[sflag:s15] =	ssyncadd.s32 $0xFFFFD800  }
0x20a: {  	[tilespmem:s3], [sflag:$0x1] =	stream.linear.gather [hbm4b:s30+s3], $0x2800, $0x38;
	v63 =	vld [tilespmem:$0x0]  }
0x20b: {  	_ =	swait.ge [sflag:s16], $0x2800  }
0x20c: {  	[sflag:s16] =	ssyncset.done $0x0  }
0x20d: {  	s30 =	sadd.s32 $0xB080, s29;
	[sflag:s16] =	ssyncadd.s32 $0xFFFFD800  }
0x20e: {  	[spmem:s2] =	stream.indirect.scatter.add.f32 [tilespmem:s9], [sflag:$0x7], $0x80, s30, s14, $0xb8;
	v63 =	vld [tilespmem:$0x0]  }
0x20f: {  	_ =	swait.ge [sflag:s15], $0x2800  }
0x210: {  	[sflag:s15] =	ssyncset.done $0x0  }
0x211: {  	s30 =	sadd.s32 $0xFFFFF600, s26;
	[sflag:s15] =	ssyncadd.s32 $0xFFFFD800  }
0x212: {  	[tilespmem:s9], [sflag:$0x2] =	stream.linear.gather [hbm4b:s30+s3], $0x2800, $0x38;
	v63 =	vld [tilespmem:$0x0]  }
0x213: {  	_ =	swait.ge [sflag:s17], $0x2800  }
0x214: {  	[sflag:s17] =	ssyncset.done $0x0  }
0x215: {  	s30 =	sadd.s32 $0xB100, s29;
	[sflag:s17] =	ssyncadd.s32 $0xFFFFD800  }
0x216: {  	[spmem:s2] =	stream.indirect.scatter.add.f32 [tilespmem:s10], [sflag:$0x7], $0x80, s30, s14, $0xb8;
	v63 =	vld [tilespmem:$0x0]  }
0x217: {  	_ =	swait.ge [sflag:s15], $0x2800  }
0x218: {  	[sflag:s15] =	ssyncset.done $0x0  }
0x219: {  	s30 =	sadd.s32 $0xFFFFFB00, s26;
	[sflag:s15] =	ssyncadd.s32 $0xFFFFD800  }
0x21a: {  	[tilespmem:s10], [sflag:$0x3] =	stream.linear.gather [hbm4b:s30+s3], $0x2800, $0x38;
	v63 =	vld [tilespmem:$0x0]  }
0x21b: {  	_ =	swait.ge [sflag:s7], $0x2800  }
0x21c: {  	[sflag:s7] =	ssyncset.done $0x0  }
.Ltmp3:
0x21d: {  	s29 =	sadd.s32 $0xB180, s29;
	[sflag:s7] =	ssyncadd.s32 $0xFFFFD800;
	(pc) =	sbr.rel @p0 .LBB2_4-.Ltmp3, $4  }
0x21e: {  	[spmem:s2] =	stream.indirect.scatter.add.f32 [tilespmem:s11], [sflag:$0x7], $0x80, s29, s14, $0xb8;
	v63 =	vld [tilespmem:$0x0]  }
0x21f: {  	_ =	swait.ge [sflag:s15], $0x2800  }
0x220: {  	[sflag:s15] =	ssyncset.done $0x0  }
0x221: {  	s26 =	sadd.s32 $0x1400, s26;
	[sflag:s15] =	ssyncadd.s32 $0xFFFFD800  }
0x222: {  	[tilespmem:s11], [sflag:$0x4] =	stream.linear.gather [hbm4b:s22+s3], $0x2800, $0x38;
	v63 =	vld [tilespmem:$0x0]  }
0x223: {  	s21 =	simm.s32 $0x0;
	s1 =	simm.s32 $0xB000  }
0x224: {  	[tilespmem:s1], [sflag:$0x6] =	stream.linear.gather [hbm4b:s6+s21], $0x1000, $0x38;
	v63 =	vld [tilespmem:$0x0]  }
0x225: {  	_ =	swait.ge [sflag:s13], $0x1000  }
0x226: {  	[sflag:s13] =	ssyncset.done $0x0  }
0x227: {  	[sflag:s13] =	ssyncadd.s32 $0xFFFFF000  }
0x228: {  	_ =	swait.ge [sflag:s12], $0x2800  }
0x229: {  	[sflag:s12] =	ssyncset.done $0x0  }
0x22a: {  	s31 =	simm.s32 $0xA000;
	[sflag:s12] =	ssyncadd.s32 $0xFFFFD800  }
0x22b: {  	[spmem:s2] =	stream.indirect.scatter.add.f32 [tilespmem:s3], [sflag:$0x7], $0x80, s31, s14, $0xb8;
	v63 =	vld [tilespmem:$0x0]  }
0x22c: {  	_ =	swait.ge [sflag:s15], $0x2800  }
0x22d: {  	[sflag:s15] =	ssyncset.done $0x0  }
0x22e: {  	s1 =	sadd.s32 $0xFFFFF100, s24;
	[sflag:s15] =	ssyncadd.s32 $0xFFFFD800  }
0x22f: {  	[tilespmem:s3], [sflag:$0x1] =	stream.linear.gather [hbm4b:s1+s3], $0x2800, $0x38;
	v63 =	vld [tilespmem:$0x0]  }
0x230: {  	_ =	swait.ge [sflag:s16], $0x2800  }
0x231: {  	[sflag:s16] =	ssyncset.done $0x0  }
0x232: {  	s22 =	simm.s32 $0xA080;
	[sflag:s16] =	ssyncadd.s32 $0xFFFFD800  }
0x233: {  	[spmem:s2] =	stream.indirect.scatter.add.f32 [tilespmem:s9], [sflag:$0x7], $0x80, s22, s14, $0xb8;
	v63 =	vld [tilespmem:$0x0]  }
0x234: {  	_ =	swait.ge [sflag:s15], $0x2800  }
0x235: {  	[sflag:s15] =	ssyncset.done $0x0  }
0x236: {  	s26 =	sadd.s32 $0xFFFFF600, s24;
	[sflag:s15] =	ssyncadd.s32 $0xFFFFD800  }
0x237: {  	[tilespmem:s9], [sflag:$0x2] =	stream.linear.gather [hbm4b:s26+s3], $0x2800, $0x38;
	v63 =	vld [tilespmem:$0x0]  }
0x238: {  	_ =	swait.ge [sflag:s17], $0x2800  }
0x239: {  	[sflag:s17] =	ssyncset.done $0x0  }
0x23a: {  	s29 =	simm.s32 $0xA100;
	[sflag:s17] =	ssyncadd.s32 $0xFFFFD800  }
0x23b: {  	[spmem:s2] =	stream.indirect.scatter.add.f32 [tilespmem:s10], [sflag:$0x7], $0x80, s29, s14, $0xb8;
	v63 =	vld [tilespmem:$0x0]  }
0x23c: {  	_ =	swait.ge [sflag:s15], $0x2800  }
0x23d: {  	[sflag:s15] =	ssyncset.done $0x0  }
0x23e: {  	s30 =	sadd.s32 $0xFFFFFB00, s24;
	[sflag:s15] =	ssyncadd.s32 $0xFFFFD800  }
0x23f: {  	[tilespmem:s10], [sflag:$0x3] =	stream.linear.gather [hbm4b:s30+s3], $0x2800, $0x38;
	v63 =	vld [tilespmem:$0x0]  }
0x240: {  	_ =	swait.ge [sflag:s7], $0x2800  }
0x241: {  	[sflag:s7] =	ssyncset.done $0x0  }
0x242: {  	s31 =	simm.s32 $0xA180;
	[sflag:s7] =	ssyncadd.s32 $0xFFFFD800  }
0x243: {  	[spmem:s2] =	stream.indirect.scatter.add.f32 [tilespmem:s11], [sflag:$0x7], $0x80, s31, s14, $0xb8;
	v63 =	vld [tilespmem:$0x0]  }
0x244: {  	_ =	swait.ge [sflag:s15], $0x2800  }
0x245: {  	s21 =	simm.s32 $0x800;
	[sflag:s15] =	ssyncset.done $0x0  }
0x246: {  	s22 =	smov.u32 s24;
	s26 =	sadd.s32 $0x1400, s24;
	[sflag:s15] =	ssyncadd.s32 $0xFFFFD800  }
.LBB2_6:
0x247: {  	[tilespmem:s11], [sflag:$0x4] =	stream.linear.gather [hbm4b:s22+s3], $0x2800, $0x38;
	v63 =	vld [tilespmem:$0x0]  }
0x248: {  	s29 =	smov.u32 s21;
	s22 =	smov.u32 s26  }
0x249: {  	p0 =	sne.s32 s21, $0x3800;
	s21 =	sadd.s32 $0x800, s21;
	_ =	swait.ge [sflag:s12], $0x2800  }
0x24a: {  	s29 =	sshra.s32 s29, $0x2;
	[sflag:s12] =	ssyncset.done $0x0  }
0x24b: {  	s30 =	sadd.s32 $0xA000, s29;
	[sflag:s12] =	ssyncadd.s32 $0xFFFFD800  }
0x24c: {  	[spmem:s2] =	stream.indirect.scatter.add.f32 [tilespmem:s3], [sflag:$0x7], $0x80, s30, s14, $0xb8;
	v63 =	vld [tilespmem:$0x0]  }
0x24d: {  	_ =	swait.ge [sflag:s15], $0x2800  }
0x24e: {  	[sflag:s15] =	ssyncset.done $0x0  }
0x24f: {  	s30 =	sadd.s32 $0xFFFFF100, s26;
	[sflag:s15] =	ssyncadd.s32 $0xFFFFD800  }
0x250: {  	[tilespmem:s3], [sflag:$0x1] =	stream.linear.gather [hbm4b:s30+s3], $0x2800, $0x38;
	v63 =	vld [tilespmem:$0x0]  }
0x251: {  	_ =	swait.ge [sflag:s16], $0x2800  }
0x252: {  	[sflag:s16] =	ssyncset.done $0x0  }
0x253: {  	s30 =	sadd.s32 $0xA080, s29;
	[sflag:s16] =	ssyncadd.s32 $0xFFFFD800  }
0x254: {  	[spmem:s2] =	stream.indirect.scatter.add.f32 [tilespmem:s9], [sflag:$0x7], $0x80, s30, s14, $0xb8;
	v63 =	vld [tilespmem:$0x0]  }
0x255: {  	_ =	swait.ge [sflag:s15], $0x2800  }
0x256: {  	[sflag:s15] =	ssyncset.done $0x0  }
0x257: {  	s30 =	sadd.s32 $0xFFFFF600, s26;
	[sflag:s15] =	ssyncadd.s32 $0xFFFFD800  }
0x258: {  	[tilespmem:s9], [sflag:$0x2] =	stream.linear.gather [hbm4b:s30+s3], $0x2800, $0x38;
	v63 =	vld [tilespmem:$0x0]  }
0x259: {  	_ =	swait.ge [sflag:s17], $0x2800  }
0x25a: {  	[sflag:s17] =	ssyncset.done $0x0  }
0x25b: {  	s30 =	sadd.s32 $0xA100, s29;
	[sflag:s17] =	ssyncadd.s32 $0xFFFFD800  }
0x25c: {  	[spmem:s2] =	stream.indirect.scatter.add.f32 [tilespmem:s10], [sflag:$0x7], $0x80, s30, s14, $0xb8;
	v63 =	vld [tilespmem:$0x0]  }
0x25d: {  	_ =	swait.ge [sflag:s15], $0x2800  }
0x25e: {  	[sflag:s15] =	ssyncset.done $0x0  }
0x25f: {  	s30 =	sadd.s32 $0xFFFFFB00, s26;
	[sflag:s15] =	ssyncadd.s32 $0xFFFFD800  }
0x260: {  	[tilespmem:s10], [sflag:$0x3] =	stream.linear.gather [hbm4b:s30+s3], $0x2800, $0x38;
	v63 =	vld [tilespmem:$0x0]  }
0x261: {  	_ =	swait.ge [sflag:s7], $0x2800  }
0x262: {  	[sflag:s7] =	ssyncset.done $0x0  }
.Ltmp4:
0x263: {  	s29 =	sadd.s32 $0xA180, s29;
	[sflag:s7] =	ssyncadd.s32 $0xFFFFD800;
	(pc) =	sbr.rel @p0 .LBB2_6-.Ltmp4, $4  }
0x264: {  	[spmem:s2] =	stream.indirect.scatter.add.f32 [tilespmem:s11], [sflag:$0x7], $0x80, s29, s14, $0xb8;
	v63 =	vld [tilespmem:$0x0]  }
0x265: {  	_ =	swait.ge [sflag:s15], $0x2800  }
0x266: {  	[sflag:s15] =	ssyncset.done $0x0  }
0x267: {  	s26 =	sadd.s32 $0x1400, s26;
	[sflag:s15] =	ssyncadd.s32 $0xFFFFD800  }
0x268: {  	[tilespmem:s11], [sflag:$0x4] =	stream.linear.gather [hbm4b:s22+s3], $0x2800, $0x38;
	v63 =	vld [tilespmem:$0x0]  }
0x269: {  	_ =	swait.ge [sflag:s20], $0x1000  }
0x26a: {  	[sflag:s20] =	ssyncset.done $0x0  }
0x26b: {  	s21 =	simm.s32 $0x0;
	s22 =	rddreg [dreg:$0x14];
	[sflag:s20] =	ssyncadd.s32 $0xFFFFF000  }
.LBB2_8:
0x26c: {  	_ =	swait.ge [sflag:s12], $0x2800  }
0x26d: {  	s26 =	sshra.s32 s21, $0x2;
	[sflag:s12] =	ssyncset.done $0x0  }
0x26e: {  	s29 =	sadd.s32 $0xB000, s26;
	[sflag:s12] =	ssyncadd.s32 $0xFFFFD800  }
0x26f: {  	[spmem:s2] =	stream.indirect.scatter.add.f32 [tilespmem:s3], [sflag:$0x7], $0x80, s29, s14, $0xb8;
	v63 =	vld [tilespmem:$0x0]  }
0x270: {  	_ =	swait.ge [sflag:s15], $0x2800  }
0x271: {  	[sflag:s15] =	ssyncset.done $0x0  }
0x272: {  	[sflag:s15] =	ssyncadd.s32 $0xFFFFD800  }
0x273: {  	[tilespmem:s3], [sflag:$0x1] =	stream.linear.gather [hbm4b:s22+s3], $0x2800, $0x38;
	v63 =	vld [tilespmem:$0x0]  }
0x274: {  	_ =	swait.ge [sflag:s16], $0x2800  }
0x275: {  	[sflag:s16] =	ssyncset.done $0x0  }
0x276: {  	s30 =	sadd.s32 $0xB080, s26;
	[sflag:s16] =	ssyncadd.s32 $0xFFFFD800  }
0x277: {  	[spmem:s2] =	stream.indirect.scatter.add.f32 [tilespmem:s9], [sflag:$0x7], $0x80, s30, s14, $0xb8;
	v63 =	vld [tilespmem:$0x0]  }
0x278: {  	_ =	swait.ge [sflag:s15], $0x2800  }
0x279: {  	p0 =	seq.s32 s21, $0x3000;
	[sflag:s15] =	ssyncset.done $0x0  }
0x27a: {  	s29 =	simm.s32 @p0 $0x3;
	[sflag:s15] =	ssyncadd.s32 $0xFFFFD800  }
0x27b: {  	_ =	swait.ge @p0 [sflag:s29], $0x2800  }
0x27c: {  	[sflag:s29] =	ssyncset.done @p0 $0x0  }
0x27d: {  	[sflag:s29] =	ssyncadd.s32 @p0 $0xFFFFD800;
	s29 =	sshra.s32 @p0 s21, $0x2  }
0x27e: {  	s31 =	simm.s32 @p0 $0x5000;
	s30 =	simm.s32 @p0 $0x50;
	s29 =	sadd.s32 @p0 $0xB100, s29  }
0x27f: {  	[spmem:s2] =	stream.indirect.scatter.add.f32 @p0 [tilespmem:s31], [sflag:$0x7], $0x80, s29, s30, $0xb8;
	v63 =	vld [tilespmem:$0x0]  }
0x280: {  	s29 =	simm.s32 @p0 $0x7  }
0x281: {  	_ =	swait.ge @p0 [sflag:s29], $0x2800  }
0x282: {  	s30 =	simm.s32 @!p0 $0x0;
	[sflag:s29] =	ssyncset.done @p0 $0x0  }
0x283: {  	s31 =	simm.s32 @!p0 $0x2800;
	[sflag:s29] =	ssyncadd.s32 @p0 $0xFFFFD800;
	s29 =	sadd.s32 @!p0 $0x500, s22  }
0x284: {  	[tilespmem:s31], [sflag:$0x2] =	stream.linear.gather @!p0 [hbm4b:s29+s30], $0x2800, $0x38;
	v63 =	vld [tilespmem:$0x0]  }
0x285: {  	s29 =	simm.s32 @!p0 $0x3  }
0x286: {  	_ =	swait.ge @!p0 [sflag:s29], $0x2800  }
0x287: {  	[sflag:s29] =	ssyncset.done @!p0 $0x0  }
0x288: {  	[sflag:s29] =	ssyncadd.s32 @!p0 $0xFFFFD800;
	s29 =	sshra.s32 @!p0 s21, $0x2  }
0x289: {  	s1 =	simm.s32 @!p0 $0x5000;
	s31 =	simm.s32 @!p0 $0x50;
	s29 =	sadd.s32 @!p0 $0xB100, s29  }
0x28a: {  	[spmem:s2] =	stream.indirect.scatter.add.f32 @!p0 [tilespmem:s1], [sflag:$0x7], $0x80, s29, s31, $0xb8;
	v63 =	vld [tilespmem:$0x0]  }
0x28b: {  	s29 =	simm.s32 @!p0 $0x7  }
0x28c: {  	_ =	swait.ge @!p0 [sflag:s29], $0x2800  }
0x28d: {  	[sflag:s29] =	ssyncset.done @!p0 $0x0  }
0x28e: {  	[sflag:s29] =	ssyncadd.s32 @!p0 $0xFFFFD800;
	s29 =	sadd.s32 @!p0 $0xA00, s22  }
0x28f: {  	[tilespmem:s1], [sflag:$0x3] =	stream.linear.gather @!p0 [hbm4b:s29+s30], $0x2800, $0x38;
	v63 =	vld [tilespmem:$0x0]  }
0x290: {  	_ =	swait.ge [sflag:s7], $0x2800  }
0x291: {  	[sflag:s7] =	ssyncset.done $0x0  }
.Ltmp5:
0x292: {  	s31 =	sadd.s32 $0xB180, s26;
	[sflag:s7] =	ssyncadd.s32 $0xFFFFD800;
	(pc) =	sbr.rel @p0 .LBB2_10-.Ltmp5, $4  }
0x293: {  	[spmem:s2] =	stream.indirect.scatter.add.f32 [tilespmem:s11], [sflag:$0x7], $0x80, s31, s14, $0xb8;
	v63 =	vld [tilespmem:$0x0]  }
0x294: {  	_ =	swait.ge [sflag:s15], $0x2800  }
0x295: {  	[sflag:s15] =	ssyncset.done $0x0  }
0x296: {  	[sflag:s15] =	ssyncadd.s32 $0xFFFFD800  }
.Ltmp6:
0x297: {  	(pc) =	sbr.rel .LBB2_8-.Ltmp6, $3  }
0x298: {  	_ =	sdelay $0x1  }
0x299: {  	s1 =	sadd.s32 $0xF00, s22;
	s21 =	sadd.s32 $0x800, s21;
	s22 =	sadd.s32 $0x1400, s22  }
0x29a: {  	[tilespmem:s11], [sflag:$0x4] =	stream.linear.gather [hbm4b:s1+s3], $0x2800, $0x38;
	v63 =	vld [tilespmem:$0x0]  }
.LBB2_11:
0x29b: {  	_ =	sfence.sel $0x180000  }
0x29c: {  	[bflag:$0x0] =	sbarrier.arrive $0xFFFF  }
0x29d: {  	_ =	strace $0x90000047  }
0x29e: {  	s0 =	stileid.u32;
	[bflag:$0x2] =	sbarrier.arrive $0xFFFF  }
0x29f: {  	p0 =	sne.s32 s0, $0x0;
	s0 =	rddreg [dreg:$0x4]  }
0x2a0: {  	s0 =	sadd.s32 @!p0 $0x100000, s0  }
0x2a1: {  	[sflag:s0] =	ssyncadd.tile.s32 @!p0 $0x1;
	_ =	shalt  }
.Lfunc_end2:
_tile_overlayer_lowered:
.L_overlay_start_2:
0x2a2: {  	(tag) =	ssettag $0x2  }
0x2a3: {  	s0 =	rddreg [dreg:$0x0];
	s2 =	stileid.u32  }
0x2a4: {  	s1 =	rddreg [dreg:$0x1];
	p0 =	sne.s32 s2, $0x0  }
0x2a5: {  	s3 =	rddreg [dreg:$0x2];
	[bflag:$0x3] =	sbarrier.arrive $0xFFFF;
	s2 =	simm.s32 @!p0 $0x1C07  }
0x2a6: {  	[timem:s3], [sflag:s2] =	dma.local @!p0 [hbm:s0], s1  }
0x2a7: {  	s0 =	simm.s32 @!p0 $0x7  }
0x2a8: {  	_ =	swait.ge @!p0 [sflag:s0], s1  }
0x2a9: {  	s1 =	ssub.s32 @!p0 $0x0, s1;
	[sflag:s0] =	ssyncset.done @!p0 $0x0  }
0x2aa: {  	[sflag:s0] =	ssyncadd.s32 @!p0 s1  }
0x2ab: {  	[bflag:$0x3] =	sbarrier.arrive $0xFFFF  }
0x2ac: {  	_ =	shalt  }

</sc_bundles>
